<compile_context>
chip_gen: v7x
topology: tpu7x:2x2x1
jax: 0.10.2.dev20260603
libtpu: 0.0.44.dev20260713+nightly
codegen_flags: <defaults>
</compile_context>

<pallas_src>
import functools

import jax
import jax.numpy as jnp
from jax import lax
from jax.experimental import pallas as pl
from jax.experimental.pallas import tpu as pltpu
from jax.experimental.pallas import tpu_sc as plsc

_B, _F, _T = 128, 128, 1024
_NW = 32
_SPW = _B // _NW
_CH = 16
_NCH = _F // _CH
_NBUF = 6
_LANES = 16
_MAXW = 7


def _sc_body(lo_hbm, hi_hbm, x_hbm, o_hbm, lo_v, hi_v, zrow,
             b0, b1, b2, b3, b4, b5, gsems, ssems, zsem):
    cid = lax.axis_index("c")
    sid = lax.axis_index("s")
    wid = cid * 16 + sid
    bufs = (b0, b1, b2, b3, b4, b5)

    pltpu.sync_copy(lo_hbm, lo_v.at[pl.ds(0, _B)])
    pltpu.sync_copy(hi_hbm, hi_v.at[pl.ds(0, _B)])
    lo_vec = lo_v[pl.ds(wid * _SPW, _LANES)]
    hi_vec = hi_v[pl.ds(wid * _SPW, _LANES)]

    zvec = jnp.zeros((_LANES,), jnp.float32)
    for seg in range(_T // _LANES):
        zrow[0, pl.ds(seg * _LANES, _LANES)] = zvec

    def gather(k):
        b = wid * _SPW + k // _NCH
        c = k % _NCH
        slot = k % _NBUF
        return pltpu.make_async_copy(
            x_hbm.at[b, pl.ds(c * _CH, _CH)], bufs[slot], gsems.at[slot]
        )

    def scatter(k):
        b = wid * _SPW + k // _NCH
        c = k % _NCH
        slot = k % _NBUF
        return pltpu.make_async_copy(
            bufs[slot], o_hbm.at[b, pl.ds(c * _CH, _CH)], ssems.at[slot]
        )

    def zero_band(i):
        b = wid * _SPW + i
        lo = lo_vec[i]
        last = hi_vec[i] - 1
        for j in range(_MAXW):
            row = jnp.minimum(lo + j, last)
            pltpu.make_async_copy(
                zrow, o_hbm.at[b, pl.ds(row, 1)], zsem
            ).start()

    nk = _SPW * _NCH
    for k in range(min(3, nk)):
        gather(k).start()

    for k in range(nk):
        gather(k).wait()
        scatter(k).start()
        if k >= 2:
            scatter(k - 2).wait()
        if k >= 2 and (k - 2) % _NCH == _NCH - 1:
            zero_band((k - 2) // _NCH)
        if k + 3 < nk:
            gather(k + 3).start()
    scatter(nk - 2).wait()
    scatter(nk - 1).wait()
    zero_band(_SPW - 1)

    dummy = pltpu.make_async_copy(x_hbm.at[0, pl.ds(0, 1)], zrow, zsem)
    for _ in range(_SPW * _MAXW):
        dummy.wait()


def kernel(x):
    mask_ratio = 16
    xs = jnp.squeeze(x, axis=1)
    B, F, T = xs.shape
    max_mask = F // mask_ratio
    k = jax.random.key(42)
    k1, k2 = jax.random.split(k)
    if max_mask == 1:
        f_widths = jnp.ones((B,), dtype=jnp.int32)
    else:
        f_widths = jax.random.randint(k1, (B,), 1, max_mask).astype(jnp.int32)
    u = jax.random.uniform(k2, (B,))
    f_low = jnp.floor(u * (F - f_widths).astype(jnp.float32)).astype(jnp.int32)
    f_hi = f_low + f_widths

    run = functools.partial(
        pl.kernel,
        out_type=jax.ShapeDtypeStruct((B, F, T), jnp.float32),
        mesh=plsc.VectorSubcoreMesh(core_axis_name="c", subcore_axis_name="s"),
        compiler_params=pltpu.CompilerParams(use_tc_tiling_on_sc=True),
        scratch_types=[
            pltpu.VMEM((_B + _LANES,), jnp.int32),
            pltpu.VMEM((_B + _LANES,), jnp.int32),
            pltpu.VMEM((1, _T), jnp.float32),
            pltpu.VMEM((_CH, _T), jnp.float32),
            pltpu.VMEM((_CH, _T), jnp.float32),
            pltpu.VMEM((_CH, _T), jnp.float32),
            pltpu.VMEM((_CH, _T), jnp.float32),
            pltpu.VMEM((_CH, _T), jnp.float32),
            pltpu.VMEM((_CH, _T), jnp.float32),
            pltpu.SemaphoreType.DMA((_NBUF,)),
            pltpu.SemaphoreType.DMA((_NBUF,)),
            pltpu.SemaphoreType.DMA,
        ],
    )(_sc_body)
    out = run(f_low, f_hi, xs)
    return out[:, None, :, :]

# --- scband reference (transcript-rebuilt; emitter-appended) ---
"""Pipeline reference for scband-frequency-mask-augmentation-52776558133360 (READ-ONLY COPY).

The authoritative reference and input builder live on the scoring server;
editing this copy changes nothing except your own understanding.
"""

import jax, jax.numpy as jnp
import numpy as np


def setup_inputs(seed: int = 0) -> dict:
    key = jax.random.key(seed)
    x = jax.random.normal(key, (128, 1, 128, 1024), dtype=jnp.float32)
    return {"x": x}


def reference(x):
    mask_ratio = 16
    xs = jnp.squeeze(x, axis=1)  # [B, F, T]
    B, F, T = xs.shape
    max_mask = F // mask_ratio
    k = jax.random.key(42)
    k1, k2 = jax.random.split(k)
    if max_mask == 1:
        f_widths = jnp.ones((B,), dtype=jnp.int32)
    else:
        f_widths = jax.random.randint(k1, (B,), 1, max_mask).astype(jnp.int32)
    # f_low ~ Uniform{0, ..., F - f_width - 1}, per-sample dependent high bound
    u = jax.random.uniform(k2, (B,))
    f_low = jnp.floor(u * (F - f_widths).astype(jnp.float32)).astype(jnp.int32)
    freq_idx = jnp.arange(F)[None, :]  # [1, F]
    band = (freq_idx >= f_low[:, None]) & (freq_idx < (f_low + f_widths)[:, None])  # [B, F]
    xs = jnp.where(band[:, :, None], jnp.float32(0.0), xs)
    return xs[:, None, :, :]

if __name__ == "__main__":
    import jax
    _d = setup_inputs()
    print(jax.jit(kernel)(*tuple(_d.values())))

</pallas_src>

<mosaic_0001>
#map = affine_map<(d0, d1) -> (0)>
#map1 = affine_map<(d0, d1) -> (0, 0, 0)>
module attributes {stable_mosaic.version = 14 : i64} {
  func.func @_sc_body(%arg0: i32, %arg1: i32, %arg2: memref<128xi32, #tpu.memory_space<hbm>>, %arg3: memref<128xi32, #tpu.memory_space<hbm>>, %arg4: memref<128x128x1024xf32, #tpu.memory_space<hbm>>, %arg5: memref<128x128x1024xf32, #tpu.memory_space<hbm>>, %arg6: memref<144xi32, #tpu.memory_space<vmem>>, %arg7: memref<144xi32, #tpu.memory_space<vmem>>, %arg8: memref<1x1024xf32, #tpu.memory_space<vmem>>, %arg9: memref<16x1024xf32, #tpu.memory_space<vmem>>, %arg10: memref<16x1024xf32, #tpu.memory_space<vmem>>, %arg11: memref<16x1024xf32, #tpu.memory_space<vmem>>, %arg12: memref<16x1024xf32, #tpu.memory_space<vmem>>, %arg13: memref<16x1024xf32, #tpu.memory_space<vmem>>, %arg14: memref<16x1024xf32, #tpu.memory_space<vmem>>, %arg15: memref<6x!tpu.dma_semaphore, #tpu.memory_space<semaphore_mem>>, %arg16: memref<6x!tpu.dma_semaphore, #tpu.memory_space<semaphore_mem>>, %arg17: memref<!tpu.dma_semaphore, #tpu.memory_space<semaphore_mem>>) attributes {dimension_semantics = [#tpu.dimension_semantics<core_parallel>, #tpu.dimension_semantics<subcore_parallel>], iteration_bounds = array<i64: 2, 16>, scalar_prefetch = 0 : i64, scratch_operands = 12 : i64, tpu.core_type = #tpu.core_type<sc_vector_subcore>, window_params = [{transform_indices = #map}, {transform_indices = #map}, {transform_indices = #map1}, {transform_indices = #map1}]} {
    %mul3A = arith.constant 16 : i32
    %mul3A_0 = arith.muli %arg0, %mul3A : i32
    %add3A = arith.addi %mul3A_0, %arg1 : i32
    "tpu.region"() ({
      %run_scoped3A = tpu.sem_alloc : memref<!tpu.dma_semaphore, #tpu.memory_space<semaphore_mem>>
      %dma_start3A_2852 = arith.constant 0 : i32
      %dma_start3A_2853 = tpu.memref_slice %arg6[%dma_start3A_2852] : memref<144xi32, #tpu.memory_space<vmem>> -> memref<128xi32, #tpu.memory_space<vmem>>
      %dma_start3A_2854 = arith.constant 0 : i32
      %dma_start3A_2855 = tpu.memref_slice %arg6[%dma_start3A_2854] : memref<144xi32, #tpu.memory_space<vmem>> -> memref<128xi32, #tpu.memory_space<vmem>>
      tpu.enqueue_dma source(%arg2 : memref<128xi32, #tpu.memory_space<hbm>>) target(%dma_start3A_2855 : memref<128xi32, #tpu.memory_space<vmem>>) target_semaphore(%run_scoped3A : memref<!tpu.dma_semaphore, #tpu.memory_space<semaphore_mem>>)
      %dma_wait3A_2856 = arith.constant 0 : i32
      %dma_wait3A_2857 = tpu.memref_slice %arg6[%dma_wait3A_2856] : memref<144xi32, #tpu.memory_space<vmem>> -> memref<128xi32, #tpu.memory_space<vmem>>
      %dma_wait3A_2858 = arith.constant 0 : i32
      %dma_wait3A_2859 = tpu.memref_slice %arg6[%dma_wait3A_2858] : memref<144xi32, #tpu.memory_space<vmem>> -> memref<128xi32, #tpu.memory_space<vmem>>
      tpu.wait_dma2 semaphore(%run_scoped3A : memref<!tpu.dma_semaphore, #tpu.memory_space<semaphore_mem>>) src(%arg2 : memref<128xi32, #tpu.memory_space<hbm>>) dst(%dma_wait3A_2859 : memref<128xi32, #tpu.memory_space<vmem>>)
      tpu.yield
    }) : () -> ()
    "tpu.region"() ({
      %run_scoped3A = tpu.sem_alloc : memref<!tpu.dma_semaphore, #tpu.memory_space<semaphore_mem>>
      %dma_start3A_2852 = arith.constant 0 : i32
      %dma_start3A_2853 = tpu.memref_slice %arg7[%dma_start3A_2852] : memref<144xi32, #tpu.memory_space<vmem>> -> memref<128xi32, #tpu.memory_space<vmem>>
      %dma_start3A_2854 = arith.constant 0 : i32
      %dma_start3A_2855 = tpu.memref_slice %arg7[%dma_start3A_2854] : memref<144xi32, #tpu.memory_space<vmem>> -> memref<128xi32, #tpu.memory_space<vmem>>
      tpu.enqueue_dma source(%arg3 : memref<128xi32, #tpu.memory_space<hbm>>) target(%dma_start3A_2855 : memref<128xi32, #tpu.memory_space<vmem>>) target_semaphore(%run_scoped3A : memref<!tpu.dma_semaphore, #tpu.memory_space<semaphore_mem>>)
      %dma_wait3A_2856 = arith.constant 0 : i32
      %dma_wait3A_2857 = tpu.memref_slice %arg7[%dma_wait3A_2856] : memref<144xi32, #tpu.memory_space<vmem>> -> memref<128xi32, #tpu.memory_space<vmem>>
      %dma_wait3A_2858 = arith.constant 0 : i32
      %dma_wait3A_2859 = tpu.memref_slice %arg7[%dma_wait3A_2858] : memref<144xi32, #tpu.memory_space<vmem>> -> memref<128xi32, #tpu.memory_space<vmem>>
      tpu.wait_dma2 semaphore(%run_scoped3A : memref<!tpu.dma_semaphore, #tpu.memory_space<semaphore_mem>>) src(%arg3 : memref<128xi32, #tpu.memory_space<hbm>>) dst(%dma_wait3A_2859 : memref<128xi32, #tpu.memory_space<vmem>>)
      tpu.yield
    }) : () -> ()
    %mul3A_1 = arith.constant 4 : i32
    %mul3A_2 = arith.muli %add3A, %mul3A_1 : i32
    %get3A = arith.index_cast %mul3A_2 : i32 to index
    %get3A_3 = tpu.vector_load %arg6[%get3A] {strides = array<i32>} : memref<144xi32, #tpu.memory_space<vmem>>, vector<16xi32>,
    %get3A_4 = vector.shape_cast %get3A_3 : vector<16xi32> to vector<16xi32>
    %mul3A_5 = arith.constant 4 : i32
    %mul3A_6 = arith.muli %add3A, %mul3A_5 : i32
    %get3A_7 = arith.index_cast %mul3A_6 : i32 to index
    %get3A_8 = tpu.vector_load %arg7[%get3A_7] {strides = array<i32>} : memref<144xi32, #tpu.memory_space<vmem>>, vector<16xi32>,
    %get3A_9 = vector.shape_cast %get3A_8 : vector<16xi32> to vector<16xi32>
    %broadcast_in_dim3A = arith.constant 0.000000e+00 : f32
    %broadcast_in_dim3A_10 = vector.broadcast %broadcast_in_dim3A : f32 to vector<16xf32>
    %swap3A = arith.constant 0 : i32
    %swap3A_11 = arith.index_cast %swap3A : i32 to index
    %swap3A_12 = arith.constant 0 : index
    %swap3A_13 = tpu.vector_load %arg8[%swap3A_11, %swap3A_12] {strides = array<i32>} : memref<1x1024xf32, #tpu.memory_space<vmem>>, vector<1x16xf32>,
    %swap3A_14 = vector.shape_cast %swap3A_13 : vector<1x16xf32> to vector<16xf32>
    %swap3A_15 = vector.shape_cast %broadcast_in_dim3A_10 : vector<16xf32> to vector<1x16xf32>
    tpu.vector_store %arg8[%swap3A_11, %swap3A_12], %swap3A_15 {strides = array<i32>} : memref<1x1024xf32, #tpu.memory_space<vmem>>, vector<1x16xf32>,
    %swap3A_16 = arith.constant 0 : i32
    %swap3A_17 = arith.index_cast %swap3A_16 : i32 to index
    %swap3A_18 = arith.constant 16 : index
    %swap3A_19 = tpu.vector_load %arg8[%swap3A_17, %swap3A_18] {strides = array<i32>} : memref<1x1024xf32, #tpu.memory_space<vmem>>, vector<1x16xf32>,
    %swap3A_20 = vector.shape_cast %swap3A_19 : vector<1x16xf32> to vector<16xf32>
    %swap3A_21 = vector.shape_cast %broadcast_in_dim3A_10 : vector<16xf32> to vector<1x16xf32>
    tpu.vector_store %arg8[%swap3A_17, %swap3A_18], %swap3A_21 {strides = array<i32>} : memref<1x1024xf32, #tpu.memory_space<vmem>>, vector<1x16xf32>,
    %swap3A_22 = arith.constant 0 : i32
    %swap3A_23 = arith.index_cast %swap3A_22 : i32 to index
    %swap3A_24 = arith.constant 32 : index
    %swap3A_25 = tpu.vector_load %arg8[%swap3A_23, %swap3A_24] {strides = array<i32>} : memref<1x1024xf32, #tpu.memory_space<vmem>>, vector<1x16xf32>,
    %swap3A_26 = vector.shape_cast %swap3A_25 : vector<1x16xf32> to vector<16xf32>
    %swap3A_27 = vector.shape_cast %broadcast_in_dim3A_10 : vector<16xf32> to vector<1x16xf32>
    tpu.vector_store %arg8[%swap3A_23, %swap3A_24], %swap3A_27 {strides = array<i32>} : memref<1x1024xf32, #tpu.memory_space<vmem>>, vector<1x16xf32>,
    %swap3A_28 = arith.constant 0 : i32
    %swap3A_29 = arith.index_cast %swap3A_28 : i32 to index
    %swap3A_30 = arith.constant 48 : index
    %swap3A_31 = tpu.vector_load %arg8[%swap3A_29, %swap3A_30] {strides = array<i32>} : memref<1x1024xf32, #tpu.memory_space<vmem>>, vector<1x16xf32>,
    %swap3A_32 = vector.shape_cast %swap3A_31 : vector<1x16xf32> to vector<16xf32>
    %swap3A_33 = vector.shape_cast %broadcast_in_dim3A_10 : vector<16xf32> to vector<1x16xf32>
    tpu.vector_store %arg8[%swap3A_29, %swap3A_30], %swap3A_33 {strides = array<i32>} : memref<1x1024xf32, #tpu.memory_space<vmem>>, vector<1x16xf32>,
    %swap3A_34 = arith.constant 0 : i32
    %swap3A_35 = arith.index_cast %swap3A_34 : i32 to index
    %swap3A_36 = arith.constant 64 : index
    %swap3A_37 = tpu.vector_load %arg8[%swap3A_35, %swap3A_36] {strides = array<i32>} : memref<1x1024xf32, #tpu.memory_space<vmem>>, vector<1x16xf32>,
    %swap3A_38 = vector.shape_cast %swap3A_37 : vector<1x16xf32> to vector<16xf32>
    %swap3A_39 = vector.shape_cast %broadcast_in_dim3A_10 : vector<16xf32> to vector<1x16xf32>
    tpu.vector_store %arg8[%swap3A_35, %swap3A_36], %swap3A_39 {strides = array<i32>} : memref<1x1024xf32, #tpu.memory_space<vmem>>, vector<1x16xf32>,
    %swap3A_40 = arith.constant 0 : i32
    %swap3A_41 = arith.index_cast %swap3A_40 : i32 to index
    %swap3A_42 = arith.constant 80 : index
    %swap3A_43 = tpu.vector_load %arg8[%swap3A_41, %swap3A_42] {strides = array<i32>} : memref<1x1024xf32, #tpu.memory_space<vmem>>, vector<1x16xf32>,
    %swap3A_44 = vector.shape_cast %swap3A_43 : vector<1x16xf32> to vector<16xf32>
    %swap3A_45 = vector.shape_cast %broadcast_in_dim3A_10 : vector<16xf32> to vector<1x16xf32>
    tpu.vector_store %arg8[%swap3A_41, %swap3A_42], %swap3A_45 {strides = array<i32>} : memref<1x1024xf32, #tpu.memory_space<vmem>>, vector<1x16xf32>,
    %swap3A_46 = arith.constant 0 : i32
    %swap3A_47 = arith.index_cast %swap3A_46 : i32 to index
    %swap3A_48 = arith.constant 96 : index
    %swap3A_49 = tpu.vector_load %arg8[%swap3A_47, %swap3A_48] {strides = array<i32>} : memref<1x1024xf32, #tpu.memory_space<vmem>>, vector<1x16xf32>,
    %swap3A_50 = vector.shape_cast %swap3A_49 : vector<1x16xf32> to vector<16xf32>
    %swap3A_51 = vector.shape_cast %broadcast_in_dim3A_10 : vector<16xf32> to vector<1x16xf32>
    tpu.vector_store %arg8[%swap3A_47, %swap3A_48], %swap3A_51 {strides = array<i32>} : memref<1x1024xf32, #tpu.memory_space<vmem>>, vector<1x16xf32>,
    %swap3A_52 = arith.constant 0 : i32
    %swap3A_53 = arith.index_cast %swap3A_52 : i32 to index
    %swap3A_54 = arith.constant 112 : index
    %swap3A_55 = tpu.vector_load %arg8[%swap3A_53, %swap3A_54] {strides = array<i32>} : memref<1x1024xf32, #tpu.memory_space<vmem>>, vector<1x16xf32>,
    %swap3A_56 = vector.shape_cast %swap3A_55 : vector<1x16xf32> to vector<16xf32>
    %swap3A_57 = vector.shape_cast %broadcast_in_dim3A_10 : vector<16xf32> to vector<1x16xf32>
    tpu.vector_store %arg8[%swap3A_53, %swap3A_54], %swap3A_57 {strides = array<i32>} : memref<1x1024xf32, #tpu.memory_space<vmem>>, vector<1x16xf32>,
    %swap3A_58 = arith.constant 0 : i32
    %swap3A_59 = arith.index_cast %swap3A_58 : i32 to index
    %swap3A_60 = arith.constant 128 : index
    %swap3A_61 = tpu.vector_load %arg8[%swap3A_59, %swap3A_60] {strides = array<i32>} : memref<1x1024xf32, #tpu.memory_space<vmem>>, vector<1x16xf32>,
    %swap3A_62 = vector.shape_cast %swap3A_61 : vector<1x16xf32> to vector<16xf32>
    %swap3A_63 = vector.shape_cast %broadcast_in_dim3A_10 : vector<16xf32> to vector<1x16xf32>
    tpu.vector_store %arg8[%swap3A_59, %swap3A_60], %swap3A_63 {strides = array<i32>} : memref<1x1024xf32, #tpu.memory_space<vmem>>, vector<1x16xf32>,
    %swap3A_64 = arith.constant 0 : i32
    %swap3A_65 = arith.index_cast %swap3A_64 : i32 to index
    %swap3A_66 = arith.constant 144 : index
    %swap3A_67 = tpu.vector_load %arg8[%swap3A_65, %swap3A_66] {strides = array<i32>} : memref<1x1024xf32, #tpu.memory_space<vmem>>, vector<1x16xf32>,
    %swap3A_68 = vector.shape_cast %swap3A_67 : vector<1x16xf32> to vector<16xf32>
    %swap3A_69 = vector.shape_cast %broadcast_in_dim3A_10 : vector<16xf32> to vector<1x16xf32>
    tpu.vector_store %arg8[%swap3A_65, %swap3A_66], %swap3A_69 {strides = array<i32>} : memref<1x1024xf32, #tpu.memory_space<vmem>>, vector<1x16xf32>,
    %swap3A_70 = arith.constant 0 : i32
    %swap3A_71 = arith.index_cast %swap3A_70 : i32 to index
    %swap3A_72 = arith.constant 160 : index
    %swap3A_73 = tpu.vector_load %arg8[%swap3A_71, %swap3A_72] {strides = array<i32>} : memref<1x1024xf32, #tpu.memory_space<vmem>>, vector<1x16xf32>,
    %swap3A_74 = vector.shape_cast %swap3A_73 : vector<1x16xf32> to vector<16xf32>
    %swap3A_75 = vector.shape_cast %broadcast_in_dim3A_10 : vector<16xf32> to vector<1x16xf32>
    tpu.vector_store %arg8[%swap3A_71, %swap3A_72], %swap3A_75 {strides = array<i32>} : memref<1x1024xf32, #tpu.memory_space<vmem>>, vector<1x16xf32>,
    %swap3A_76 = arith.constant 0 : i32
    %swap3A_77 = arith.index_cast %swap3A_76 : i32 to index
    %swap3A_78 = arith.constant 176 : index
    %swap3A_79 = tpu.vector_load %arg8[%swap3A_77, %swap3A_78] {strides = array<i32>} : memref<1x1024xf32, #tpu.memory_space<vmem>>, vector<1x16xf32>,
    %swap3A_80 = vector.shape_cast %swap3A_79 : vector<1x16xf32> to vector<16xf32>
    %swap3A_81 = vector.shape_cast %broadcast_in_dim3A_10 : vector<16xf32> to vector<1x16xf32>
    tpu.vector_store %arg8[%swap3A_77, %swap3A_78], %swap3A_81 {strides = array<i32>} : memref<1x1024xf32, #tpu.memory_space<vmem>>, vector<1x16xf32>,
    %swap3A_82 = arith.constant 0 : i32
    %swap3A_83 = arith.index_cast %swap3A_82 : i32 to index
    %swap3A_84 = arith.constant 192 : index
    %swap3A_85 = tpu.vector_load %arg8[%swap3A_83, %swap3A_84] {strides = array<i32>} : memref<1x1024xf32, #tpu.memory_space<vmem>>, vector<1x16xf32>,
    %swap3A_86 = vector.shape_cast %swap3A_85 : vector<1x16xf32> to vector<16xf32>
    %swap3A_87 = vector.shape_cast %broadcast_in_dim3A_10 : vector<16xf32> to vector<1x16xf32>
    tpu.vector_store %arg8[%swap3A_83, %swap3A_84], %swap3A_87 {strides = array<i32>} : memref<1x1024xf32, #tpu.memory_space<vmem>>, vector<1x16xf32>,
    %swap3A_88 = arith.constant 0 : i32
    %swap3A_89 = arith.index_cast %swap3A_88 : i32 to index
    %swap3A_90 = arith.constant 208 : index
    %swap3A_91 = tpu.vector_load %arg8[%swap3A_89, %swap3A_90] {strides = array<i32>} : memref<1x1024xf32, #tpu.memory_space<vmem>>, vector<1x16xf32>,
    %swap3A_92 = vector.shape_cast %swap3A_91 : vector<1x16xf32> to vector<16xf32>
    %swap3A_93 = vector.shape_cast %broadcast_in_dim3A_10 : vector<16xf32> to vector<1x16xf32>
    tpu.vector_store %arg8[%swap3A_89, %swap3A_90], %swap3A_93 {strides = array<i32>} : memref<1x1024xf32, #tpu.memory_space<vmem>>, vector<1x16xf32>,
    %swap3A_94 = arith.constant 0 : i32
    %swap3A_95 = arith.index_cast %swap3A_94 : i32 to index
    %swap3A_96 = arith.constant 224 : index
    %swap3A_97 = tpu.vector_load %arg8[%swap3A_95, %swap3A_96] {strides = array<i32>} : memref<1x1024xf32, #tpu.memory_space<vmem>>, vector<1x16xf32>,
    %swap3A_98 = vector.shape_cast %swap3A_97 : vector<1x16xf32> to vector<16xf32>
    %swap3A_99 = vector.shape_cast %broadcast_in_dim3A_10 : vector<16xf32> to vector<1x16xf32>
    tpu.vector_store %arg8[%swap3A_95, %swap3A_96], %swap3A_99 {strides = array<i32>} : memref<1x1024xf32, #tpu.memory_space<vmem>>, vector<1x16xf32>,
    %swap3A_100 = arith.constant 0 : i32
    %swap3A_101 = arith.index_cast %swap3A_100 : i32 to index
    %swap3A_102 = arith.constant 240 : index
    %swap3A_103 = tpu.vector_load %arg8[%swap3A_101, %swap3A_102] {strides = array<i32>} : memref<1x1024xf32, #tpu.memory_space<vmem>>, vector<1x16xf32>,
    %swap3A_104 = vector.shape_cast %swap3A_103 : vector<1x16xf32> to vector<16xf32>
    %swap3A_105 = vector.shape_cast %broadcast_in_dim3A_10 : vector<16xf32> to vector<1x16xf32>
    tpu.vector_store %arg8[%swap3A_101, %swap3A_102], %swap3A_105 {strides = array<i32>} : memref<1x1024xf32, #tpu.memory_space<vmem>>, vector<1x16xf32>,
    %swap3A_106 = arith.constant 0 : i32
    %swap3A_107 = arith.index_cast %swap3A_106 : i32 to index
    %swap3A_108 = arith.constant 256 : index
    %swap3A_109 = tpu.vector_load %arg8[%swap3A_107, %swap3A_108] {strides = array<i32>} : memref<1x1024xf32, #tpu.memory_space<vmem>>, vector<1x16xf32>,
    %swap3A_110 = vector.shape_cast %swap3A_109 : vector<1x16xf32> to vector<16xf32>
    %swap3A_111 = vector.shape_cast %broadcast_in_dim3A_10 : vector<16xf32> to vector<1x16xf32>
    tpu.vector_store %arg8[%swap3A_107, %swap3A_108], %swap3A_111 {strides = array<i32>} : memref<1x1024xf32, #tpu.memory_space<vmem>>, vector<1x16xf32>,
    %swap3A_112 = arith.constant 0 : i32
    %swap3A_113 = arith.index_cast %swap3A_112 : i32 to index
    %swap3A_114 = arith.constant 272 : index
    %swap3A_115 = tpu.vector_load %arg8[%swap3A_113, %swap3A_114] {strides = array<i32>} : memref<1x1024xf32, #tpu.memory_space<vmem>>, vector<1x16xf32>,
    %swap3A_116 = vector.shape_cast %swap3A_115 : vector<1x16xf32> to vector<16xf32>
    %swap3A_117 = vector.shape_cast %broadcast_in_dim3A_10 : vector<16xf32> to vector<1x16xf32>
    tpu.vector_store %arg8[%swap3A_113, %swap3A_114], %swap3A_117 {strides = array<i32>} : memref<1x1024xf32, #tpu.memory_space<vmem>>, vector<1x16xf32>,
    %swap3A_118 = arith.constant 0 : i32
    %swap3A_119 = arith.index_cast %swap3A_118 : i32 to index
    %swap3A_120 = arith.constant 288 : index
    %swap3A_121 = tpu.vector_load %arg8[%swap3A_119, %swap3A_120] {strides = array<i32>} : memref<1x1024xf32, #tpu.memory_space<vmem>>, vector<1x16xf32>,
    %swap3A_122 = vector.shape_cast %swap3A_121 : vector<1x16xf32> to vector<16xf32>
    %swap3A_123 = vector.shape_cast %broadcast_in_dim3A_10 : vector<16xf32> to vector<1x16xf32>
    tpu.vector_store %arg8[%swap3A_119, %swap3A_120], %swap3A_123 {strides = array<i32>} : memref<1x1024xf32, #tpu.memory_space<vmem>>, vector<1x16xf32>,
    %swap3A_124 = arith.constant 0 : i32
    %swap3A_125 = arith.index_cast %swap3A_124 : i32 to index
    %swap3A_126 = arith.constant 304 : index
    %swap3A_127 = tpu.vector_load %arg8[%swap3A_125, %swap3A_126] {strides = array<i32>} : memref<1x1024xf32, #tpu.memory_space<vmem>>, vector<1x16xf32>,
    %swap3A_128 = vector.shape_cast %swap3A_127 : vector<1x16xf32> to vector<16xf32>
    %swap3A_129 = vector.shape_cast %broadcast_in_dim3A_10 : vector<16xf32> to vector<1x16xf32>
    tpu.vector_store %arg8[%swap3A_125, %swap3A_126], %swap3A_129 {strides = array<i32>} : memref<1x1024xf32, #tpu.memory_space<vmem>>, vector<1x16xf32>,
    %swap3A_130 = arith.constant 0 : i32
    %swap3A_131 = arith.index_cast %swap3A_130 : i32 to index
    %swap3A_132 = arith.constant 320 : index
    %swap3A_133 = tpu.vector_load %arg8[%swap3A_131, %swap3A_132] {strides = array<i32>} : memref<1x1024xf32, #tpu.memory_space<vmem>>, vector<1x16xf32>,
    %swap3A_134 = vector.shape_cast %swap3A_133 : vector<1x16xf32> to vector<16xf32>
    %swap3A_135 = vector.shape_cast %broadcast_in_dim3A_10 : vector<16xf32> to vector<1x16xf32>
    tpu.vector_store %arg8[%swap3A_131, %swap3A_132], %swap3A_135 {strides = array<i32>} : memref<1x1024xf32, #tpu.memory_space<vmem>>, vector<1x16xf32>,
    %swap3A_136 = arith.constant 0 : i32
    %swap3A_137 = arith.index_cast %swap3A_136 : i32 to index
    %swap3A_138 = arith.constant 336 : index
    %swap3A_139 = tpu.vector_load %arg8[%swap3A_137, %swap3A_138] {strides = array<i32>} : memref<1x1024xf32, #tpu.memory_space<vmem>>, vector<1x16xf32>,
    %swap3A_140 = vector.shape_cast %swap3A_139 : vector<1x16xf32> to vector<16xf32>
    %swap3A_141 = vector.shape_cast %broadcast_in_dim3A_10 : vector<16xf32> to vector<1x16xf32>
    tpu.vector_store %arg8[%swap3A_137, %swap3A_138], %swap3A_141 {strides = array<i32>} : memref<1x1024xf32, #tpu.memory_space<vmem>>, vector<1x16xf32>,
    %swap3A_142 = arith.constant 0 : i32
    %swap3A_143 = arith.index_cast %swap3A_142 : i32 to index
    %swap3A_144 = arith.constant 352 : index
    %swap3A_145 = tpu.vector_load %arg8[%swap3A_143, %swap3A_144] {strides = array<i32>} : memref<1x1024xf32, #tpu.memory_space<vmem>>, vector<1x16xf32>,
    %swap3A_146 = vector.shape_cast %swap3A_145 : vector<1x16xf32> to vector<16xf32>
    %swap3A_147 = vector.shape_cast %broadcast_in_dim3A_10 : vector<16xf32> to vector<1x16xf32>
    tpu.vector_store %arg8[%swap3A_143, %swap3A_144], %swap3A_147 {strides = array<i32>} : memref<1x1024xf32, #tpu.memory_space<vmem>>, vector<1x16xf32>,
    %swap3A_148 = arith.constant 0 : i32
    %swap3A_149 = arith.index_cast %swap3A_148 : i32 to index
    %swap3A_150 = arith.constant 368 : index
    %swap3A_151 = tpu.vector_load %arg8[%swap3A_149, %swap3A_150] {strides = array<i32>} : memref<1x1024xf32, #tpu.memory_space<vmem>>, vector<1x16xf32>,
    %swap3A_152 = vector.shape_cast %swap3A_151 : vector<1x16xf32> to vector<16xf32>
    %swap3A_153 = vector.shape_cast %broadcast_in_dim3A_10 : vector<16xf32> to vector<1x16xf32>
    tpu.vector_store %arg8[%swap3A_149, %swap3A_150], %swap3A_153 {strides = array<i32>} : memref<1x1024xf32, #tpu.memory_space<vmem>>, vector<1x16xf32>,
    %swap3A_154 = arith.constant 0 : i32
    %swap3A_155 = arith.index_cast %swap3A_154 : i32 to index
    %swap3A_156 = arith.constant 384 : index
    %swap3A_157 = tpu.vector_load %arg8[%swap3A_155, %swap3A_156] {strides = array<i32>} : memref<1x1024xf32, #tpu.memory_space<vmem>>, vector<1x16xf32>,
    %swap3A_158 = vector.shape_cast %swap3A_157 : vector<1x16xf32> to vector<16xf32>
    %swap3A_159 = vector.shape_cast %broadcast_in_dim3A_10 : vector<16xf32> to vector<1x16xf32>
    tpu.vector_store %arg8[%swap3A_155, %swap3A_156], %swap3A_159 {strides = array<i32>} : memref<1x1024xf32, #tpu.memory_space<vmem>>, vector<1x16xf32>,
    %swap3A_160 = arith.constant 0 : i32
    %swap3A_161 = arith.index_cast %swap3A_160 : i32 to index
    %swap3A_162 = arith.constant 400 : index
    %swap3A_163 = tpu.vector_load %arg8[%swap3A_161, %swap3A_162] {strides = array<i32>} : memref<1x1024xf32, #tpu.memory_space<vmem>>, vector<1x16xf32>,
    %swap3A_164 = vector.shape_cast %swap3A_163 : vector<1x16xf32> to vector<16xf32>
    %swap3A_165 = vector.shape_cast %broadcast_in_dim3A_10 : vector<16xf32> to vector<1x16xf32>
    tpu.vector_store %arg8[%swap3A_161, %swap3A_162], %swap3A_165 {strides = array<i32>} : memref<1x1024xf32, #tpu.memory_space<vmem>>, vector<1x16xf32>,
    %swap3A_166 = arith.constant 0 : i32
    %swap3A_167 = arith.index_cast %swap3A_166 : i32 to index
    %swap3A_168 = arith.constant 416 : index
    %swap3A_169 = tpu.vector_load %arg8[%swap3A_167, %swap3A_168] {strides = array<i32>} : memref<1x1024xf32, #tpu.memory_space<vmem>>, vector<1x16xf32>,
    %swap3A_170 = vector.shape_cast %swap3A_169 : vector<1x16xf32> to vector<16xf32>
    %swap3A_171 = vector.shape_cast %broadcast_in_dim3A_10 : vector<16xf32> to vector<1x16xf32>
    tpu.vector_store %arg8[%swap3A_167, %swap3A_168], %swap3A_171 {strides = array<i32>} : memref<1x1024xf32, #tpu.memory_space<vmem>>, vector<1x16xf32>,
    %swap3A_172 = arith.constant 0 : i32
    %swap3A_173 = arith.index_cast %swap3A_172 : i32 to index
    %swap3A_174 = arith.constant 432 : index
    %swap3A_175 = tpu.vector_load %arg8[%swap3A_173, %swap3A_174] {strides = array<i32>} : memref<1x1024xf32, #tpu.memory_space<vmem>>, vector<1x16xf32>,
    %swap3A_176 = vector.shape_cast %swap3A_175 : vector<1x16xf32> to vector<16xf32>
    %swap3A_177 = vector.shape_cast %broadcast_in_dim3A_10 : vector<16xf32> to vector<1x16xf32>
    tpu.vector_store %arg8[%swap3A_173, %swap3A_174], %swap3A_177 {strides = array<i32>} : memref<1x1024xf32, #tpu.memory_space<vmem>>, vector<1x16xf32>,
    %swap3A_178 = arith.constant 0 : i32
    %swap3A_179 = arith.index_cast %swap3A_178 : i32 to index
    %swap3A_180 = arith.constant 448 : index
    %swap3A_181 = tpu.vector_load %arg8[%swap3A_179, %swap3A_180] {strides = array<i32>} : memref<1x1024xf32, #tpu.memory_space<vmem>>, vector<1x16xf32>,
    %swap3A_182 = vector.shape_cast %swap3A_181 : vector<1x16xf32> to vector<16xf32>
    %swap3A_183 = vector.shape_cast %broadcast_in_dim3A_10 : vector<16xf32> to vector<1x16xf32>
    tpu.vector_store %arg8[%swap3A_179, %swap3A_180], %swap3A_183 {strides = array<i32>} : memref<1x1024xf32, #tpu.memory_space<vmem>>, vector<1x16xf32>,
    %swap3A_184 = arith.constant 0 : i32
    %swap3A_185 = arith.index_cast %swap3A_184 : i32 to index
    %swap3A_186 = arith.constant 464 : index
    %swap3A_187 = tpu.vector_load %arg8[%swap3A_185, %swap3A_186] {strides = array<i32>} : memref<1x1024xf32, #tpu.memory_space<vmem>>, vector<1x16xf32>,
    %swap3A_188 = vector.shape_cast %swap3A_187 : vector<1x16xf32> to vector<16xf32>
    %swap3A_189 = vector.shape_cast %broadcast_in_dim3A_10 : vector<16xf32> to vector<1x16xf32>
    tpu.vector_store %arg8[%swap3A_185, %swap3A_186], %swap3A_189 {strides = array<i32>} : memref<1x1024xf32, #tpu.memory_space<vmem>>, vector<1x16xf32>,
    %swap3A_190 = arith.constant 0 : i32
    %swap3A_191 = arith.index_cast %swap3A_190 : i32 to index
    %swap3A_192 = arith.constant 480 : index
    %swap3A_193 = tpu.vector_load %arg8[%swap3A_191, %swap3A_192] {strides = array<i32>} : memref<1x1024xf32, #tpu.memory_space<vmem>>, vector<1x16xf32>,
    %swap3A_194 = vector.shape_cast %swap3A_193 : vector<1x16xf32> to vector<16xf32>
    %swap3A_195 = vector.shape_cast %broadcast_in_dim3A_10 : vector<16xf32> to vector<1x16xf32>
    tpu.vector_store %arg8[%swap3A_191, %swap3A_192], %swap3A_195 {strides = array<i32>} : memref<1x1024xf32, #tpu.memory_space<vmem>>, vector<1x16xf32>,
    %swap3A_196 = arith.constant 0 : i32
    %swap3A_197 = arith.index_cast %swap3A_196 : i32 to index
    %swap3A_198 = arith.constant 496 : index
    %swap3A_199 = tpu.vector_load %arg8[%swap3A_197, %swap3A_198] {strides = array<i32>} : memref<1x1024xf32, #tpu.memory_space<vmem>>, vector<1x16xf32>,
    %swap3A_200 = vector.shape_cast %swap3A_199 : vector<1x16xf32> to vector<16xf32>
    %swap3A_201 = vector.shape_cast %broadcast_in_dim3A_10 : vector<16xf32> to vector<1x16xf32>
    tpu.vector_store %arg8[%swap3A_197, %swap3A_198], %swap3A_201 {strides = array<i32>} : memref<1x1024xf32, #tpu.memory_space<vmem>>, vector<1x16xf32>,
    %swap3A_202 = arith.constant 0 : i32
    %swap3A_203 = arith.index_cast %swap3A_202 : i32 to index
    %swap3A_204 = arith.constant 512 : index
    %swap3A_205 = tpu.vector_load %arg8[%swap3A_203, %swap3A_204] {strides = array<i32>} : memref<1x1024xf32, #tpu.memory_space<vmem>>, vector<1x16xf32>,
    %swap3A_206 = vector.shape_cast %swap3A_205 : vector<1x16xf32> to vector<16xf32>
    %swap3A_207 = vector.shape_cast %broadcast_in_dim3A_10 : vector<16xf32> to vector<1x16xf32>
    tpu.vector_store %arg8[%swap3A_203, %swap3A_204], %swap3A_207 {strides = array<i32>} : memref<1x1024xf32, #tpu.memory_space<vmem>>, vector<1x16xf32>,
    %swap3A_208 = arith.constant 0 : i32
    %swap3A_209 = arith.index_cast %swap3A_208 : i32 to index
    %swap3A_210 = arith.constant 528 : index
    %swap3A_211 = tpu.vector_load %arg8[%swap3A_209, %swap3A_210] {strides = array<i32>} : memref<1x1024xf32, #tpu.memory_space<vmem>>, vector<1x16xf32>,
    %swap3A_212 = vector.shape_cast %swap3A_211 : vector<1x16xf32> to vector<16xf32>
    %swap3A_213 = vector.shape_cast %broadcast_in_dim3A_10 : vector<16xf32> to vector<1x16xf32>
    tpu.vector_store %arg8[%swap3A_209, %swap3A_210], %swap3A_213 {strides = array<i32>} : memref<1x1024xf32, #tpu.memory_space<vmem>>, vector<1x16xf32>,
    %swap3A_214 = arith.constant 0 : i32
    %swap3A_215 = arith.index_cast %swap3A_214 : i32 to index
    %swap3A_216 = arith.constant 544 : index
    %swap3A_217 = tpu.vector_load %arg8[%swap3A_215, %swap3A_216] {strides = array<i32>} : memref<1x1024xf32, #tpu.memory_space<vmem>>, vector<1x16xf32>,
    %swap3A_218 = vector.shape_cast %swap3A_217 : vector<1x16xf32> to vector<16xf32>
    %swap3A_219 = vector.shape_cast %broadcast_in_dim3A_10 : vector<16xf32> to vector<1x16xf32>
    tpu.vector_store %arg8[%swap3A_215, %swap3A_216], %swap3A_219 {strides = array<i32>} : memref<1x1024xf32, #tpu.memory_space<vmem>>, vector<1x16xf32>,
    %swap3A_220 = arith.constant 0 : i32
    %swap3A_221 = arith.index_cast %swap3A_220 : i32 to index
    %swap3A_222 = arith.constant 560 : index
    %swap3A_223 = tpu.vector_load %arg8[%swap3A_221, %swap3A_222] {strides = array<i32>} : memref<1x1024xf32, #tpu.memory_space<vmem>>, vector<1x16xf32>,
    %swap3A_224 = vector.shape_cast %swap3A_223 : vector<1x16xf32> to vector<16xf32>
    %swap3A_225 = vector.shape_cast %broadcast_in_dim3A_10 : vector<16xf32> to vector<1x16xf32>
    tpu.vector_store %arg8[%swap3A_221, %swap3A_222], %swap3A_225 {strides = array<i32>} : memref<1x1024xf32, #tpu.memory_space<vmem>>, vector<1x16xf32>,
    %swap3A_226 = arith.constant 0 : i32
    %swap3A_227 = arith.index_cast %swap3A_226 : i32 to index
    %swap3A_228 = arith.constant 576 : index
    %swap3A_229 = tpu.vector_load %arg8[%swap3A_227, %swap3A_228] {strides = array<i32>} : memref<1x1024xf32, #tpu.memory_space<vmem>>, vector<1x16xf32>,
    %swap3A_230 = vector.shape_cast %swap3A_229 : vector<1x16xf32> to vector<16xf32>
    %swap3A_231 = vector.shape_cast %broadcast_in_dim3A_10 : vector<16xf32> to vector<1x16xf32>
    tpu.vector_store %arg8[%swap3A_227, %swap3A_228], %swap3A_231 {strides = array<i32>} : memref<1x1024xf32, #tpu.memory_space<vmem>>, vector<1x16xf32>,
    %swap3A_232 = arith.constant 0 : i32
    %swap3A_233 = arith.index_cast %swap3A_232 : i32 to index
    %swap3A_234 = arith.constant 592 : index
    %swap3A_235 = tpu.vector_load %arg8[%swap3A_233, %swap3A_234] {strides = array<i32>} : memref<1x1024xf32, #tpu.memory_space<vmem>>, vector<1x16xf32>,
    %swap3A_236 = vector.shape_cast %swap3A_235 : vector<1x16xf32> to vector<16xf32>
    %swap3A_237 = vector.shape_cast %broadcast_in_dim3A_10 : vector<16xf32> to vector<1x16xf32>
    tpu.vector_store %arg8[%swap3A_233, %swap3A_234], %swap3A_237 {strides = array<i32>} : memref<1x1024xf32, #tpu.memory_space<vmem>>, vector<1x16xf32>,
    %swap3A_238 = arith.constant 0 : i32
    %swap3A_239 = arith.index_cast %swap3A_238 : i32 to index
    %swap3A_240 = arith.constant 608 : index
    %swap3A_241 = tpu.vector_load %arg8[%swap3A_239, %swap3A_240] {strides = array<i32>} : memref<1x1024xf32, #tpu.memory_space<vmem>>, vector<1x16xf32>,
    %swap3A_242 = vector.shape_cast %swap3A_241 : vector<1x16xf32> to vector<16xf32>
    %swap3A_243 = vector.shape_cast %broadcast_in_dim3A_10 : vector<16xf32> to vector<1x16xf32>
    tpu.vector_store %arg8[%swap3A_239, %swap3A_240], %swap3A_243 {strides = array<i32>} : memref<1x1024xf32, #tpu.memory_space<vmem>>, vector<1x16xf32>,
    %swap3A_244 = arith.constant 0 : i32
    %swap3A_245 = arith.index_cast %swap3A_244 : i32 to index
    %swap3A_246 = arith.constant 624 : index
    %swap3A_247 = tpu.vector_load %arg8[%swap3A_245, %swap3A_246] {strides = array<i32>} : memref<1x1024xf32, #tpu.memory_space<vmem>>, vector<1x16xf32>,
    %swap3A_248 = vector.shape_cast %swap3A_247 : vector<1x16xf32> to vector<16xf32>
    %swap3A_249 = vector.shape_cast %broadcast_in_dim3A_10 : vector<16xf32> to vector<1x16xf32>
    tpu.vector_store %arg8[%swap3A_245, %swap3A_246], %swap3A_249 {strides = array<i32>} : memref<1x1024xf32, #tpu.memory_space<vmem>>, vector<1x16xf32>,
    %swap3A_250 = arith.constant 0 : i32
    %swap3A_251 = arith.index_cast %swap3A_250 : i32 to index
    %swap3A_252 = arith.constant 640 : index
    %swap3A_253 = tpu.vector_load %arg8[%swap3A_251, %swap3A_252] {strides = array<i32>} : memref<1x1024xf32, #tpu.memory_space<vmem>>, vector<1x16xf32>,
    %swap3A_254 = vector.shape_cast %swap3A_253 : vector<1x16xf32> to vector<16xf32>
    %swap3A_255 = vector.shape_cast %broadcast_in_dim3A_10 : vector<16xf32> to vector<1x16xf32>
    tpu.vector_store %arg8[%swap3A_251, %swap3A_252], %swap3A_255 {strides = array<i32>} : memref<1x1024xf32, #tpu.memory_space<vmem>>, vector<1x16xf32>,
    %swap3A_256 = arith.constant 0 : i32
    %swap3A_257 = arith.index_cast %swap3A_256 : i32 to index
    %swap3A_258 = arith.constant 656 : index
    %swap3A_259 = tpu.vector_load %arg8[%swap3A_257, %swap3A_258] {strides = array<i32>} : memref<1x1024xf32, #tpu.memory_space<vmem>>, vector<1x16xf32>,
    %swap3A_260 = vector.shape_cast %swap3A_259 : vector<1x16xf32> to vector<16xf32>
    %swap3A_261 = vector.shape_cast %broadcast_in_dim3A_10 : vector<16xf32> to vector<1x16xf32>
    tpu.vector_store %arg8[%swap3A_257, %swap3A_258], %swap3A_261 {strides = array<i32>} : memref<1x1024xf32, #tpu.memory_space<vmem>>, vector<1x16xf32>,
    %swap3A_262 = arith.constant 0 : i32
    %swap3A_263 = arith.index_cast %swap3A_262 : i32 to index
    %swap3A_264 = arith.constant 672 : index
    %swap3A_265 = tpu.vector_load %arg8[%swap3A_263, %swap3A_264] {strides = array<i32>} : memref<1x1024xf32, #tpu.memory_space<vmem>>, vector<1x16xf32>,
    %swap3A_266 = vector.shape_cast %swap3A_265 : vector<1x16xf32> to vector<16xf32>
    %swap3A_267 = vector.shape_cast %broadcast_in_dim3A_10 : vector<16xf32> to vector<1x16xf32>
    tpu.vector_store %arg8[%swap3A_263, %swap3A_264], %swap3A_267 {strides = array<i32>} : memref<1x1024xf32, #tpu.memory_space<vmem>>, vector<1x16xf32>,
    %swap3A_268 = arith.constant 0 : i32
    %swap3A_269 = arith.index_cast %swap3A_268 : i32 to index
    %swap3A_270 = arith.constant 688 : index
    %swap3A_271 = tpu.vector_load %arg8[%swap3A_269, %swap3A_270] {strides = array<i32>} : memref<1x1024xf32, #tpu.memory_space<vmem>>, vector<1x16xf32>,
    %swap3A_272 = vector.shape_cast %swap3A_271 : vector<1x16xf32> to vector<16xf32>
    %swap3A_273 = vector.shape_cast %broadcast_in_dim3A_10 : vector<16xf32> to vector<1x16xf32>
    tpu.vector_store %arg8[%swap3A_269, %swap3A_270], %swap3A_273 {strides = array<i32>} : memref<1x1024xf32, #tpu.memory_space<vmem>>, vector<1x16xf32>,
    %swap3A_274 = arith.constant 0 : i32
    %swap3A_275 = arith.index_cast %swap3A_274 : i32 to index
    %swap3A_276 = arith.constant 704 : index
    %swap3A_277 = tpu.vector_load %arg8[%swap3A_275, %swap3A_276] {strides = array<i32>} : memref<1x1024xf32, #tpu.memory_space<vmem>>, vector<1x16xf32>,
    %swap3A_278 = vector.shape_cast %swap3A_277 : vector<1x16xf32> to vector<16xf32>
    %swap3A_279 = vector.shape_cast %broadcast_in_dim3A_10 : vector<16xf32> to vector<1x16xf32>
    tpu.vector_store %arg8[%swap3A_275, %swap3A_276], %swap3A_279 {strides = array<i32>} : memref<1x1024xf32, #tpu.memory_space<vmem>>, vector<1x16xf32>,
    %swap3A_280 = arith.constant 0 : i32
    %swap3A_281 = arith.index_cast %swap3A_280 : i32 to index
    %swap3A_282 = arith.constant 720 : index
    %swap3A_283 = tpu.vector_load %arg8[%swap3A_281, %swap3A_282] {strides = array<i32>} : memref<1x1024xf32, #tpu.memory_space<vmem>>, vector<1x16xf32>,
    %swap3A_284 = vector.shape_cast %swap3A_283 : vector<1x16xf32> to vector<16xf32>
    %swap3A_285 = vector.shape_cast %broadcast_in_dim3A_10 : vector<16xf32> to vector<1x16xf32>
    tpu.vector_store %arg8[%swap3A_281, %swap3A_282], %swap3A_285 {strides = array<i32>} : memref<1x1024xf32, #tpu.memory_space<vmem>>, vector<1x16xf32>,
    %swap3A_286 = arith.constant 0 : i32
    %swap3A_287 = arith.index_cast %swap3A_286 : i32 to index
    %swap3A_288 = arith.constant 736 : index
    %swap3A_289 = tpu.vector_load %arg8[%swap3A_287, %swap3A_288] {strides = array<i32>} : memref<1x1024xf32, #tpu.memory_space<vmem>>, vector<1x16xf32>,
    %swap3A_290 = vector.shape_cast %swap3A_289 : vector<1x16xf32> to vector<16xf32>
    %swap3A_291 = vector.shape_cast %broadcast_in_dim3A_10 : vector<16xf32> to vector<1x16xf32>
    tpu.vector_store %arg8[%swap3A_287, %swap3A_288], %swap3A_291 {strides = array<i32>} : memref<1x1024xf32, #tpu.memory_space<vmem>>, vector<1x16xf32>,
    %swap3A_292 = arith.constant 0 : i32
    %swap3A_293 = arith.index_cast %swap3A_292 : i32 to index
    %swap3A_294 = arith.constant 752 : index
    %swap3A_295 = tpu.vector_load %arg8[%swap3A_293, %swap3A_294] {strides = array<i32>} : memref<1x1024xf32, #tpu.memory_space<vmem>>, vector<1x16xf32>,
    %swap3A_296 = vector.shape_cast %swap3A_295 : vector<1x16xf32> to vector<16xf32>
    %swap3A_297 = vector.shape_cast %broadcast_in_dim3A_10 : vector<16xf32> to vector<1x16xf32>
    tpu.vector_store %arg8[%swap3A_293, %swap3A_294], %swap3A_297 {strides = array<i32>} : memref<1x1024xf32, #tpu.memory_space<vmem>>, vector<1x16xf32>,
    %swap3A_298 = arith.constant 0 : i32
    %swap3A_299 = arith.index_cast %swap3A_298 : i32 to index
    %swap3A_300 = arith.constant 768 : index
    %swap3A_301 = tpu.vector_load %arg8[%swap3A_299, %swap3A_300] {strides = array<i32>} : memref<1x1024xf32, #tpu.memory_space<vmem>>, vector<1x16xf32>,
    %swap3A_302 = vector.shape_cast %swap3A_301 : vector<1x16xf32> to vector<16xf32>
    %swap3A_303 = vector.shape_cast %broadcast_in_dim3A_10 : vector<16xf32> to vector<1x16xf32>
    tpu.vector_store %arg8[%swap3A_299, %swap3A_300], %swap3A_303 {strides = array<i32>} : memref<1x1024xf32, #tpu.memory_space<vmem>>, vector<1x16xf32>,
    %swap3A_304 = arith.constant 0 : i32
    %swap3A_305 = arith.index_cast %swap3A_304 : i32 to index
    %swap3A_306 = arith.constant 784 : index
    %swap3A_307 = tpu.vector_load %arg8[%swap3A_305, %swap3A_306] {strides = array<i32>} : memref<1x1024xf32, #tpu.memory_space<vmem>>, vector<1x16xf32>,
    %swap3A_308 = vector.shape_cast %swap3A_307 : vector<1x16xf32> to vector<16xf32>
    %swap3A_309 = vector.shape_cast %broadcast_in_dim3A_10 : vector<16xf32> to vector<1x16xf32>
    tpu.vector_store %arg8[%swap3A_305, %swap3A_306], %swap3A_309 {strides = array<i32>} : memref<1x1024xf32, #tpu.memory_space<vmem>>, vector<1x16xf32>,
    %swap3A_310 = arith.constant 0 : i32
    %swap3A_311 = arith.index_cast %swap3A_310 : i32 to index
    %swap3A_312 = arith.constant 800 : index
    %swap3A_313 = tpu.vector_load %arg8[%swap3A_311, %swap3A_312] {strides = array<i32>} : memref<1x1024xf32, #tpu.memory_space<vmem>>, vector<1x16xf32>,
    %swap3A_314 = vector.shape_cast %swap3A_313 : vector<1x16xf32> to vector<16xf32>
    %swap3A_315 = vector.shape_cast %broadcast_in_dim3A_10 : vector<16xf32> to vector<1x16xf32>
    tpu.vector_store %arg8[%swap3A_311, %swap3A_312], %swap3A_315 {strides = array<i32>} : memref<1x1024xf32, #tpu.memory_space<vmem>>, vector<1x16xf32>,
    %swap3A_316 = arith.constant 0 : i32
    %swap3A_317 = arith.index_cast %swap3A_316 : i32 to index
    %swap3A_318 = arith.constant 816 : index
    %swap3A_319 = tpu.vector_load %arg8[%swap3A_317, %swap3A_318] {strides = array<i32>} : memref<1x1024xf32, #tpu.memory_space<vmem>>, vector<1x16xf32>,
    %swap3A_320 = vector.shape_cast %swap3A_319 : vector<1x16xf32> to vector<16xf32>
    %swap3A_321 = vector.shape_cast %broadcast_in_dim3A_10 : vector<16xf32> to vector<1x16xf32>
    tpu.vector_store %arg8[%swap3A_317, %swap3A_318], %swap3A_321 {strides = array<i32>} : memref<1x1024xf32, #tpu.memory_space<vmem>>, vector<1x16xf32>,
    %swap3A_322 = arith.constant 0 : i32
    %swap3A_323 = arith.index_cast %swap3A_322 : i32 to index
    %swap3A_324 = arith.constant 832 : index
    %swap3A_325 = tpu.vector_load %arg8[%swap3A_323, %swap3A_324] {strides = array<i32>} : memref<1x1024xf32, #tpu.memory_space<vmem>>, vector<1x16xf32>,
    %swap3A_326 = vector.shape_cast %swap3A_325 : vector<1x16xf32> to vector<16xf32>
    %swap3A_327 = vector.shape_cast %broadcast_in_dim3A_10 : vector<16xf32> to vector<1x16xf32>
    tpu.vector_store %arg8[%swap3A_323, %swap3A_324], %swap3A_327 {strides = array<i32>} : memref<1x1024xf32, #tpu.memory_space<vmem>>, vector<1x16xf32>,
    %swap3A_328 = arith.constant 0 : i32
    %swap3A_329 = arith.index_cast %swap3A_328 : i32 to index
    %swap3A_330 = arith.constant 848 : index
    %swap3A_331 = tpu.vector_load %arg8[%swap3A_329, %swap3A_330] {strides = array<i32>} : memref<1x1024xf32, #tpu.memory_space<vmem>>, vector<1x16xf32>,
    %swap3A_332 = vector.shape_cast %swap3A_331 : vector<1x16xf32> to vector<16xf32>
    %swap3A_333 = vector.shape_cast %broadcast_in_dim3A_10 : vector<16xf32> to vector<1x16xf32>
    tpu.vector_store %arg8[%swap3A_329, %swap3A_330], %swap3A_333 {strides = array<i32>} : memref<1x1024xf32, #tpu.memory_space<vmem>>, vector<1x16xf32>,
    %swap3A_334 = arith.constant 0 : i32
    %swap3A_335 = arith.index_cast %swap3A_334 : i32 to index
    %swap3A_336 = arith.constant 864 : index
    %swap3A_337 = tpu.vector_load %arg8[%swap3A_335, %swap3A_336] {strides = array<i32>} : memref<1x1024xf32, #tpu.memory_space<vmem>>, vector<1x16xf32>,
    %swap3A_338 = vector.shape_cast %swap3A_337 : vector<1x16xf32> to vector<16xf32>
    %swap3A_339 = vector.shape_cast %broadcast_in_dim3A_10 : vector<16xf32> to vector<1x16xf32>
    tpu.vector_store %arg8[%swap3A_335, %swap3A_336], %swap3A_339 {strides = array<i32>} : memref<1x1024xf32, #tpu.memory_space<vmem>>, vector<1x16xf32>,
    %swap3A_340 = arith.constant 0 : i32
    %swap3A_341 = arith.index_cast %swap3A_340 : i32 to index
    %swap3A_342 = arith.constant 880 : index
    %swap3A_343 = tpu.vector_load %arg8[%swap3A_341, %swap3A_342] {strides = array<i32>} : memref<1x1024xf32, #tpu.memory_space<vmem>>, vector<1x16xf32>,
    %swap3A_344 = vector.shape_cast %swap3A_343 : vector<1x16xf32> to vector<16xf32>
    %swap3A_345 = vector.shape_cast %broadcast_in_dim3A_10 : vector<16xf32> to vector<1x16xf32>
    tpu.vector_store %arg8[%swap3A_341, %swap3A_342], %swap3A_345 {strides = array<i32>} : memref<1x1024xf32, #tpu.memory_space<vmem>>, vector<1x16xf32>,
    %swap3A_346 = arith.constant 0 : i32
    %swap3A_347 = arith.index_cast %swap3A_346 : i32 to index
    %swap3A_348 = arith.constant 896 : index
    %swap3A_349 = tpu.vector_load %arg8[%swap3A_347, %swap3A_348] {strides = array<i32>} : memref<1x1024xf32, #tpu.memory_space<vmem>>, vector<1x16xf32>,
    %swap3A_350 = vector.shape_cast %swap3A_349 : vector<1x16xf32> to vector<16xf32>
    %swap3A_351 = vector.shape_cast %broadcast_in_dim3A_10 : vector<16xf32> to vector<1x16xf32>
    tpu.vector_store %arg8[%swap3A_347, %swap3A_348], %swap3A_351 {strides = array<i32>} : memref<1x1024xf32, #tpu.memory_space<vmem>>, vector<1x16xf32>,
    %swap3A_352 = arith.constant 0 : i32
    %swap3A_353 = arith.index_cast %swap3A_352 : i32 to index
    %swap3A_354 = arith.constant 912 : index
    %swap3A_355 = tpu.vector_load %arg8[%swap3A_353, %swap3A_354] {strides = array<i32>} : memref<1x1024xf32, #tpu.memory_space<vmem>>, vector<1x16xf32>,
    %swap3A_356 = vector.shape_cast %swap3A_355 : vector<1x16xf32> to vector<16xf32>
    %swap3A_357 = vector.shape_cast %broadcast_in_dim3A_10 : vector<16xf32> to vector<1x16xf32>
    tpu.vector_store %arg8[%swap3A_353, %swap3A_354], %swap3A_357 {strides = array<i32>} : memref<1x1024xf32, #tpu.memory_space<vmem>>, vector<1x16xf32>,
    %swap3A_358 = arith.constant 0 : i32
    %swap3A_359 = arith.index_cast %swap3A_358 : i32 to index
    %swap3A_360 = arith.constant 928 : index
    %swap3A_361 = tpu.vector_load %arg8[%swap3A_359, %swap3A_360] {strides = array<i32>} : memref<1x1024xf32, #tpu.memory_space<vmem>>, vector<1x16xf32>,
    %swap3A_362 = vector.shape_cast %swap3A_361 : vector<1x16xf32> to vector<16xf32>
    %swap3A_363 = vector.shape_cast %broadcast_in_dim3A_10 : vector<16xf32> to vector<1x16xf32>
    tpu.vector_store %arg8[%swap3A_359, %swap3A_360], %swap3A_363 {strides = array<i32>} : memref<1x1024xf32, #tpu.memory_space<vmem>>, vector<1x16xf32>,
    %swap3A_364 = arith.constant 0 : i32
    %swap3A_365 = arith.index_cast %swap3A_364 : i32 to index
    %swap3A_366 = arith.constant 944 : index
    %swap3A_367 = tpu.vector_load %arg8[%swap3A_365, %swap3A_366] {strides = array<i32>} : memref<1x1024xf32, #tpu.memory_space<vmem>>, vector<1x16xf32>,
    %swap3A_368 = vector.shape_cast %swap3A_367 : vector<1x16xf32> to vector<16xf32>
    %swap3A_369 = vector.shape_cast %broadcast_in_dim3A_10 : vector<16xf32> to vector<1x16xf32>
    tpu.vector_store %arg8[%swap3A_365, %swap3A_366], %swap3A_369 {strides = array<i32>} : memref<1x1024xf32, #tpu.memory_space<vmem>>, vector<1x16xf32>,
    %swap3A_370 = arith.constant 0 : i32
    %swap3A_371 = arith.index_cast %swap3A_370 : i32 to index
    %swap3A_372 = arith.constant 960 : index
    %swap3A_373 = tpu.vector_load %arg8[%swap3A_371, %swap3A_372] {strides = array<i32>} : memref<1x1024xf32, #tpu.memory_space<vmem>>, vector<1x16xf32>,
    %swap3A_374 = vector.shape_cast %swap3A_373 : vector<1x16xf32> to vector<16xf32>
    %swap3A_375 = vector.shape_cast %broadcast_in_dim3A_10 : vector<16xf32> to vector<1x16xf32>
    tpu.vector_store %arg8[%swap3A_371, %swap3A_372], %swap3A_375 {strides = array<i32>} : memref<1x1024xf32, #tpu.memory_space<vmem>>, vector<1x16xf32>,
    %swap3A_376 = arith.constant 0 : i32
    %swap3A_377 = arith.index_cast %swap3A_376 : i32 to index
    %swap3A_378 = arith.constant 976 : index
    %swap3A_379 = tpu.vector_load %arg8[%swap3A_377, %swap3A_378] {strides = array<i32>} : memref<1x1024xf32, #tpu.memory_space<vmem>>, vector<1x16xf32>,
    %swap3A_380 = vector.shape_cast %swap3A_379 : vector<1x16xf32> to vector<16xf32>
    %swap3A_381 = vector.shape_cast %broadcast_in_dim3A_10 : vector<16xf32> to vector<1x16xf32>
    tpu.vector_store %arg8[%swap3A_377, %swap3A_378], %swap3A_381 {strides = array<i32>} : memref<1x1024xf32, #tpu.memory_space<vmem>>, vector<1x16xf32>,
    %swap3A_382 = arith.constant 0 : i32
    %swap3A_383 = arith.index_cast %swap3A_382 : i32 to index
    %swap3A_384 = arith.constant 992 : index
    %swap3A_385 = tpu.vector_load %arg8[%swap3A_383, %swap3A_384] {strides = array<i32>} : memref<1x1024xf32, #tpu.memory_space<vmem>>, vector<1x16xf32>,
    %swap3A_386 = vector.shape_cast %swap3A_385 : vector<1x16xf32> to vector<16xf32>
    %swap3A_387 = vector.shape_cast %broadcast_in_dim3A_10 : vector<16xf32> to vector<1x16xf32>
    tpu.vector_store %arg8[%swap3A_383, %swap3A_384], %swap3A_387 {strides = array<i32>} : memref<1x1024xf32, #tpu.memory_space<vmem>>, vector<1x16xf32>,
    %swap3A_388 = arith.constant 0 : i32
    %swap3A_389 = arith.index_cast %swap3A_388 : i32 to index
    %swap3A_390 = arith.constant 1008 : index
    %swap3A_391 = tpu.vector_load %arg8[%swap3A_389, %swap3A_390] {strides = array<i32>} : memref<1x1024xf32, #tpu.memory_space<vmem>>, vector<1x16xf32>,
    %swap3A_392 = vector.shape_cast %swap3A_391 : vector<1x16xf32> to vector<16xf32>
    %swap3A_393 = vector.shape_cast %broadcast_in_dim3A_10 : vector<16xf32> to vector<1x16xf32>
    tpu.vector_store %arg8[%swap3A_389, %swap3A_390], %swap3A_393 {strides = array<i32>} : memref<1x1024xf32, #tpu.memory_space<vmem>>, vector<1x16xf32>,
    %mul3A_394 = arith.constant 4 : i32
    %mul3A_395 = arith.muli %add3A, %mul3A_394 : i32
    %add3A_396 = arith.constant 0 : i32
    %add3A_397 = arith.addi %mul3A_395, %add3A_396 : i32
    %dma_start3A = arith.constant 0 : i32
    %dma_start3A_398 = arith.constant 0 : i32
    %dma_start3A_399 = arith.constant 0 : i32
    %dma_start3A_400 = tpu.memref_slice %arg4[%add3A_397, %dma_start3A_398, %dma_start3A_399] : memref<128x128x1024xf32, #tpu.memory_space<hbm>> -> memref<1x16x1024xf32, #tpu.memory_space<hbm>>
    %dma_start3A_401 = tpu.memref_squeeze %dma_start3A_400 : memref<1x16x1024xf32, #tpu.memory_space<hbm>> -> memref<16x1024xf32, #tpu.memory_space<hbm>>
    %dma_start3A_402 = tpu.memref_slice %arg15[%dma_start3A] : memref<6x!tpu.dma_semaphore, #tpu.memory_space<semaphore_mem>> -> memref<1x!tpu.dma_semaphore, #tpu.memory_space<semaphore_mem>>
    %dma_start3A_403 = tpu.memref_squeeze %dma_start3A_402 : memref<1x!tpu.dma_semaphore, #tpu.memory_space<semaphore_mem>> -> memref<!tpu.dma_semaphore, #tpu.memory_space<semaphore_mem>>
    %dma_start3A_404 = arith.constant 0 : i32
    %dma_start3A_405 = arith.constant 0 : i32
    %dma_start3A_406 = tpu.memref_slice %arg4[%add3A_397, %dma_start3A_404, %dma_start3A_405] : memref<128x128x1024xf32, #tpu.memory_space<hbm>> -> memref<1x16x1024xf32, #tpu.memory_space<hbm>>
    %dma_start3A_407 = tpu.memref_squeeze %dma_start3A_406 : memref<1x16x1024xf32, #tpu.memory_space<hbm>> -> memref<16x1024xf32, #tpu.memory_space<hbm>>
    tpu.enqueue_dma source(%dma_start3A_407 : memref<16x1024xf32, #tpu.memory_space<hbm>>) target(%arg9 : memref<16x1024xf32, #tpu.memory_space<vmem>>) target_semaphore(%dma_start3A_403 : memref<!tpu.dma_semaphore, #tpu.memory_space<semaphore_mem>>)
    %mul3A_408 = arith.constant 4 : i32
    %mul3A_409 = arith.muli %add3A, %mul3A_408 : i32
    %add3A_410 = arith.constant 0 : i32
    %add3A_411 = arith.addi %mul3A_409, %add3A_410 : i32
    %dma_start3A_412 = arith.constant 1 : i32
    %dma_start3A_413 = arith.constant 16 : i32
    %dma_start3A_414 = arith.constant 0 : i32
    %dma_start3A_415 = tpu.memref_slice %arg4[%add3A_411, %dma_start3A_413, %dma_start3A_414] : memref<128x128x1024xf32, #tpu.memory_space<hbm>> -> memref<1x16x1024xf32, #tpu.memory_space<hbm>>
    %dma_start3A_416 = tpu.memref_squeeze %dma_start3A_415 : memref<1x16x1024xf32, #tpu.memory_space<hbm>> -> memref<16x1024xf32, #tpu.memory_space<hbm>>
    %dma_start3A_417 = tpu.memref_slice %arg15[%dma_start3A_412] : memref<6x!tpu.dma_semaphore, #tpu.memory_space<semaphore_mem>> -> memref<1x!tpu.dma_semaphore, #tpu.memory_space<semaphore_mem>>
    %dma_start3A_418 = tpu.memref_squeeze %dma_start3A_417 : memref<1x!tpu.dma_semaphore, #tpu.memory_space<semaphore_mem>> -> memref<!tpu.dma_semaphore, #tpu.memory_space<semaphore_mem>>
    %dma_start3A_419 = arith.constant 16 : i32
    %dma_start3A_420 = arith.constant 0 : i32
    %dma_start3A_421 = tpu.memref_slice %arg4[%add3A_411, %dma_start3A_419, %dma_start3A_420] : memref<128x128x1024xf32, #tpu.memory_space<hbm>> -> memref<1x16x1024xf32, #tpu.memory_space<hbm>>
    %dma_start3A_422 = tpu.memref_squeeze %dma_start3A_421 : memref<1x16x1024xf32, #tpu.memory_space<hbm>> -> memref<16x1024xf32, #tpu.memory_space<hbm>>
    tpu.enqueue_dma source(%dma_start3A_422 : memref<16x1024xf32, #tpu.memory_space<hbm>>) target(%arg10 : memref<16x1024xf32, #tpu.memory_space<vmem>>) target_semaphore(%dma_start3A_418 : memref<!tpu.dma_semaphore, #tpu.memory_space<semaphore_mem>>)
    %mul3A_423 = arith.constant 4 : i32
    %mul3A_424 = arith.muli %add3A, %mul3A_423 : i32
    %add3A_425 = arith.constant 0 : i32
    %add3A_426 = arith.addi %mul3A_424, %add3A_425 : i32
    %dma_start3A_427 = arith.constant 2 : i32
    %dma_start3A_428 = arith.constant 32 : i32
    %dma_start3A_429 = arith.constant 0 : i32
    %dma_start3A_430 = tpu.memref_slice %arg4[%add3A_426, %dma_start3A_428, %dma_start3A_429] : memref<128x128x1024xf32, #tpu.memory_space<hbm>> -> memref<1x16x1024xf32, #tpu.memory_space<hbm>>
    %dma_start3A_431 = tpu.memref_squeeze %dma_start3A_430 : memref<1x16x1024xf32, #tpu.memory_space<hbm>> -> memref<16x1024xf32, #tpu.memory_space<hbm>>
    %dma_start3A_432 = tpu.memref_slice %arg15[%dma_start3A_427] : memref<6x!tpu.dma_semaphore, #tpu.memory_space<semaphore_mem>> -> memref<1x!tpu.dma_semaphore, #tpu.memory_space<semaphore_mem>>
    %dma_start3A_433 = tpu.memref_squeeze %dma_start3A_432 : memref<1x!tpu.dma_semaphore, #tpu.memory_space<semaphore_mem>> -> memref<!tpu.dma_semaphore, #tpu.memory_space<semaphore_mem>>
    %dma_start3A_434 = arith.constant 32 : i32
    %dma_start3A_435 = arith.constant 0 : i32
    %dma_start3A_436 = tpu.memref_slice %arg4[%add3A_426, %dma_start3A_434, %dma_start3A_435] : memref<128x128x1024xf32, #tpu.memory_space<hbm>> -> memref<1x16x1024xf32, #tpu.memory_space<hbm>>
    %dma_start3A_437 = tpu.memref_squeeze %dma_start3A_436 : memref<1x16x1024xf32, #tpu.memory_space<hbm>> -> memref<16x1024xf32, #tpu.memory_space<hbm>>
    tpu.enqueue_dma source(%dma_start3A_437 : memref<16x1024xf32, #tpu.memory_space<hbm>>) target(%arg11 : memref<16x1024xf32, #tpu.memory_space<vmem>>) target_semaphore(%dma_start3A_433 : memref<!tpu.dma_semaphore, #tpu.memory_space<semaphore_mem>>)
    %mul3A_438 = arith.constant 4 : i32
    %mul3A_439 = arith.muli %add3A, %mul3A_438 : i32
    %add3A_440 = arith.constant 0 : i32
    %add3A_441 = arith.addi %mul3A_439, %add3A_440 : i32
    %dma_wait3A = arith.constant 0 : i32
    %dma_wait3A_442 = arith.constant 0 : i32
    %dma_wait3A_443 = arith.constant 0 : i32
    %dma_wait3A_444 = tpu.memref_slice %arg4[%add3A_441, %dma_wait3A_442, %dma_wait3A_443] : memref<128x128x1024xf32, #tpu.memory_space<hbm>> -> memref<1x16x1024xf32, #tpu.memory_space<hbm>>
    %dma_wait3A_445 = tpu.memref_squeeze %dma_wait3A_444 : memref<1x16x1024xf32, #tpu.memory_space<hbm>> -> memref<16x1024xf32, #tpu.memory_space<hbm>>
    %dma_wait3A_446 = tpu.memref_slice %arg15[%dma_wait3A] : memref<6x!tpu.dma_semaphore, #tpu.memory_space<semaphore_mem>> -> memref<1x!tpu.dma_semaphore, #tpu.memory_space<semaphore_mem>>
    %dma_wait3A_447 = tpu.memref_squeeze %dma_wait3A_446 : memref<1x!tpu.dma_semaphore, #tpu.memory_space<semaphore_mem>> -> memref<!tpu.dma_semaphore, #tpu.memory_space<semaphore_mem>>
    %dma_wait3A_448 = arith.constant 0 : i32
    %dma_wait3A_449 = arith.constant 0 : i32
    %dma_wait3A_450 = tpu.memref_slice %arg4[%add3A_441, %dma_wait3A_448, %dma_wait3A_449] : memref<128x128x1024xf32, #tpu.memory_space<hbm>> -> memref<1x16x1024xf32, #tpu.memory_space<hbm>>
    %dma_wait3A_451 = tpu.memref_squeeze %dma_wait3A_450 : memref<1x16x1024xf32, #tpu.memory_space<hbm>> -> memref<16x1024xf32, #tpu.memory_space<hbm>>
    tpu.wait_dma2 semaphore(%dma_wait3A_447 : memref<!tpu.dma_semaphore, #tpu.memory_space<semaphore_mem>>) src(%dma_wait3A_451 : memref<16x1024xf32, #tpu.memory_space<hbm>>) dst(%arg9 : memref<16x1024xf32, #tpu.memory_space<vmem>>)
    %mul3A_452 = arith.constant 4 : i32
    %mul3A_453 = arith.muli %add3A, %mul3A_452 : i32
    %add3A_454 = arith.constant 0 : i32
    %add3A_455 = arith.addi %mul3A_453, %add3A_454 : i32
    %dma_start3A_456 = arith.constant 0 : i32
    %dma_start3A_457 = arith.constant 0 : i32
    %dma_start3A_458 = arith.constant 0 : i32
    %dma_start3A_459 = tpu.memref_slice %arg5[%add3A_455, %dma_start3A_457, %dma_start3A_458] : memref<128x128x1024xf32, #tpu.memory_space<hbm>> -> memref<1x16x1024xf32, #tpu.memory_space<hbm>>
    %dma_start3A_460 = tpu.memref_squeeze %dma_start3A_459 : memref<1x16x1024xf32, #tpu.memory_space<hbm>> -> memref<16x1024xf32, #tpu.memory_space<hbm>>
    %dma_start3A_461 = tpu.memref_slice %arg16[%dma_start3A_456] : memref<6x!tpu.dma_semaphore, #tpu.memory_space<semaphore_mem>> -> memref<1x!tpu.dma_semaphore, #tpu.memory_space<semaphore_mem>>
    %dma_start3A_462 = tpu.memref_squeeze %dma_start3A_461 : memref<1x!tpu.dma_semaphore, #tpu.memory_space<semaphore_mem>> -> memref<!tpu.dma_semaphore, #tpu.memory_space<semaphore_mem>>
    %dma_start3A_463 = arith.constant 0 : i32
    %dma_start3A_464 = arith.constant 0 : i32
    %dma_start3A_465 = tpu.memref_slice %arg5[%add3A_455, %dma_start3A_463, %dma_start3A_464] : memref<128x128x1024xf32, #tpu.memory_space<hbm>> -> memref<1x16x1024xf32, #tpu.memory_space<hbm>>
    %dma_start3A_466 = tpu.memref_squeeze %dma_start3A_465 : memref<1x16x1024xf32, #tpu.memory_space<hbm>> -> memref<16x1024xf32, #tpu.memory_space<hbm>>
    tpu.enqueue_dma source(%arg9 : memref<16x1024xf32, #tpu.memory_space<vmem>>) target(%dma_start3A_466 : memref<16x1024xf32, #tpu.memory_space<hbm>>) target_semaphore(%dma_start3A_462 : memref<!tpu.dma_semaphore, #tpu.memory_space<semaphore_mem>>)
    %mul3A_467 = arith.constant 4 : i32
    %mul3A_468 = arith.muli %add3A, %mul3A_467 : i32
    %add3A_469 = arith.constant 0 : i32
    %add3A_470 = arith.addi %mul3A_468, %add3A_469 : i32
    %dma_start3A_471 = arith.constant 3 : i32
    %dma_start3A_472 = arith.constant 48 : i32
    %dma_start3A_473 = arith.constant 0 : i32
    %dma_start3A_474 = tpu.memref_slice %arg4[%add3A_470, %dma_start3A_472, %dma_start3A_473] : memref<128x128x1024xf32, #tpu.memory_space<hbm>> -> memref<1x16x1024xf32, #tpu.memory_space<hbm>>
    %dma_start3A_475 = tpu.memref_squeeze %dma_start3A_474 : memref<1x16x1024xf32, #tpu.memory_space<hbm>> -> memref<16x1024xf32, #tpu.memory_space<hbm>>
    %dma_start3A_476 = tpu.memref_slice %arg15[%dma_start3A_471] : memref<6x!tpu.dma_semaphore, #tpu.memory_space<semaphore_mem>> -> memref<1x!tpu.dma_semaphore, #tpu.memory_space<semaphore_mem>>
    %dma_start3A_477 = tpu.memref_squeeze %dma_start3A_476 : memref<1x!tpu.dma_semaphore, #tpu.memory_space<semaphore_mem>> -> memref<!tpu.dma_semaphore, #tpu.memory_space<semaphore_mem>>
    %dma_start3A_478 = arith.constant 48 : i32
    %dma_start3A_479 = arith.constant 0 : i32
    %dma_start3A_480 = tpu.memref_slice %arg4[%add3A_470, %dma_start3A_478, %dma_start3A_479] : memref<128x128x1024xf32, #tpu.memory_space<hbm>> -> memref<1x16x1024xf32, #tpu.memory_space<hbm>>
    %dma_start3A_481 = tpu.memref_squeeze %dma_start3A_480 : memref<1x16x1024xf32, #tpu.memory_space<hbm>> -> memref<16x1024xf32, #tpu.memory_space<hbm>>
    tpu.enqueue_dma source(%dma_start3A_481 : memref<16x1024xf32, #tpu.memory_space<hbm>>) target(%arg12 : memref<16x1024xf32, #tpu.memory_space<vmem>>) target_semaphore(%dma_start3A_477 : memref<!tpu.dma_semaphore, #tpu.memory_space<semaphore_mem>>)
    %mul3A_482 = arith.constant 4 : i32
    %mul3A_483 = arith.muli %add3A, %mul3A_482 : i32
    %add3A_484 = arith.constant 0 : i32
    %add3A_485 = arith.addi %mul3A_483, %add3A_484 : i32
    %dma_wait3A_486 = arith.constant 1 : i32
    %dma_wait3A_487 = arith.constant 16 : i32
    %dma_wait3A_488 = arith.constant 0 : i32
    %dma_wait3A_489 = tpu.memref_slice %arg4[%add3A_485, %dma_wait3A_487, %dma_wait3A_488] : memref<128x128x1024xf32, #tpu.memory_space<hbm>> -> memref<1x16x1024xf32, #tpu.memory_space<hbm>>
    %dma_wait3A_490 = tpu.memref_squeeze %dma_wait3A_489 : memref<1x16x1024xf32, #tpu.memory_space<hbm>> -> memref<16x1024xf32, #tpu.memory_space<hbm>>
    %dma_wait3A_491 = tpu.memref_slice %arg15[%dma_wait3A_486] : memref<6x!tpu.dma_semaphore, #tpu.memory_space<semaphore_mem>> -> memref<1x!tpu.dma_semaphore, #tpu.memory_space<semaphore_mem>>
    %dma_wait3A_492 = tpu.memref_squeeze %dma_wait3A_491 : memref<1x!tpu.dma_semaphore, #tpu.memory_space<semaphore_mem>> -> memref<!tpu.dma_semaphore, #tpu.memory_space<semaphore_mem>>
    %dma_wait3A_493 = arith.constant 16 : i32
    %dma_wait3A_494 = arith.constant 0 : i32
    %dma_wait3A_495 = tpu.memref_slice %arg4[%add3A_485, %dma_wait3A_493, %dma_wait3A_494] : memref<128x128x1024xf32, #tpu.memory_space<hbm>> -> memref<1x16x1024xf32, #tpu.memory_space<hbm>>
    %dma_wait3A_496 = tpu.memref_squeeze %dma_wait3A_495 : memref<1x16x1024xf32, #tpu.memory_space<hbm>> -> memref<16x1024xf32, #tpu.memory_space<hbm>>
    tpu.wait_dma2 semaphore(%dma_wait3A_492 : memref<!tpu.dma_semaphore, #tpu.memory_space<semaphore_mem>>) src(%dma_wait3A_496 : memref<16x1024xf32, #tpu.memory_space<hbm>>) dst(%arg10 : memref<16x1024xf32, #tpu.memory_space<vmem>>)
    %mul3A_497 = arith.constant 4 : i32
    %mul3A_498 = arith.muli %add3A, %mul3A_497 : i32
    %add3A_499 = arith.constant 0 : i32
    %add3A_500 = arith.addi %mul3A_498, %add3A_499 : i32
    %dma_start3A_501 = arith.constant 1 : i32
    %dma_start3A_502 = arith.constant 16 : i32
    %dma_start3A_503 = arith.constant 0 : i32
    %dma_start3A_504 = tpu.memref_slice %arg5[%add3A_500, %dma_start3A_502, %dma_start3A_503] : memref<128x128x1024xf32, #tpu.memory_space<hbm>> -> memref<1x16x1024xf32, #tpu.memory_space<hbm>>
    %dma_start3A_505 = tpu.memref_squeeze %dma_start3A_504 : memref<1x16x1024xf32, #tpu.memory_space<hbm>> -> memref<16x1024xf32, #tpu.memory_space<hbm>>
    %dma_start3A_506 = tpu.memref_slice %arg16[%dma_start3A_501] : memref<6x!tpu.dma_semaphore, #tpu.memory_space<semaphore_mem>> -> memref<1x!tpu.dma_semaphore, #tpu.memory_space<semaphore_mem>>
    %dma_start3A_507 = tpu.memref_squeeze %dma_start3A_506 : memref<1x!tpu.dma_semaphore, #tpu.memory_space<semaphore_mem>> -> memref<!tpu.dma_semaphore, #tpu.memory_space<semaphore_mem>>
    %dma_start3A_508 = arith.constant 16 : i32
    %dma_start3A_509 = arith.constant 0 : i32
    %dma_start3A_510 = tpu.memref_slice %arg5[%add3A_500, %dma_start3A_508, %dma_start3A_509] : memref<128x128x1024xf32, #tpu.memory_space<hbm>> -> memref<1x16x1024xf32, #tpu.memory_space<hbm>>
    %dma_start3A_511 = tpu.memref_squeeze %dma_start3A_510 : memref<1x16x1024xf32, #tpu.memory_space<hbm>> -> memref<16x1024xf32, #tpu.memory_space<hbm>>
    tpu.enqueue_dma source(%arg10 : memref<16x1024xf32, #tpu.memory_space<vmem>>) target(%dma_start3A_511 : memref<16x1024xf32, #tpu.memory_space<hbm>>) target_semaphore(%dma_start3A_507 : memref<!tpu.dma_semaphore, #tpu.memory_space<semaphore_mem>>)
    %mul3A_512 = arith.constant 4 : i32
    %mul3A_513 = arith.muli %add3A, %mul3A_512 : i32
    %add3A_514 = arith.constant 0 : i32
    %add3A_515 = arith.addi %mul3A_513, %add3A_514 : i32
    %dma_start3A_516 = arith.constant 4 : i32
    %dma_start3A_517 = arith.constant 64 : i32
    %dma_start3A_518 = arith.constant 0 : i32
    %dma_start3A_519 = tpu.memref_slice %arg4[%add3A_515, %dma_start3A_517, %dma_start3A_518] : memref<128x128x1024xf32, #tpu.memory_space<hbm>> -> memref<1x16x1024xf32, #tpu.memory_space<hbm>>
    %dma_start3A_520 = tpu.memref_squeeze %dma_start3A_519 : memref<1x16x1024xf32, #tpu.memory_space<hbm>> -> memref<16x1024xf32, #tpu.memory_space<hbm>>
    %dma_start3A_521 = tpu.memref_slice %arg15[%dma_start3A_516] : memref<6x!tpu.dma_semaphore, #tpu.memory_space<semaphore_mem>> -> memref<1x!tpu.dma_semaphore, #tpu.memory_space<semaphore_mem>>
    %dma_start3A_522 = tpu.memref_squeeze %dma_start3A_521 : memref<1x!tpu.dma_semaphore, #tpu.memory_space<semaphore_mem>> -> memref<!tpu.dma_semaphore, #tpu.memory_space<semaphore_mem>>
    %dma_start3A_523 = arith.constant 64 : i32
    %dma_start3A_524 = arith.constant 0 : i32
    %dma_start3A_525 = tpu.memref_slice %arg4[%add3A_515, %dma_start3A_523, %dma_start3A_524] : memref<128x128x1024xf32, #tpu.memory_space<hbm>> -> memref<1x16x1024xf32, #tpu.memory_space<hbm>>
    %dma_start3A_526 = tpu.memref_squeeze %dma_start3A_525 : memref<1x16x1024xf32, #tpu.memory_space<hbm>> -> memref<16x1024xf32, #tpu.memory_space<hbm>>
    tpu.enqueue_dma source(%dma_start3A_526 : memref<16x1024xf32, #tpu.memory_space<hbm>>) target(%arg13 : memref<16x1024xf32, #tpu.memory_space<vmem>>) target_semaphore(%dma_start3A_522 : memref<!tpu.dma_semaphore, #tpu.memory_space<semaphore_mem>>)
    %mul3A_527 = arith.constant 4 : i32
    %mul3A_528 = arith.muli %add3A, %mul3A_527 : i32
    %add3A_529 = arith.constant 0 : i32
    %add3A_530 = arith.addi %mul3A_528, %add3A_529 : i32
    %dma_wait3A_531 = arith.constant 2 : i32
    %dma_wait3A_532 = arith.constant 32 : i32
    %dma_wait3A_533 = arith.constant 0 : i32
    %dma_wait3A_534 = tpu.memref_slice %arg4[%add3A_530, %dma_wait3A_532, %dma_wait3A_533] : memref<128x128x1024xf32, #tpu.memory_space<hbm>> -> memref<1x16x1024xf32, #tpu.memory_space<hbm>>
    %dma_wait3A_535 = tpu.memref_squeeze %dma_wait3A_534 : memref<1x16x1024xf32, #tpu.memory_space<hbm>> -> memref<16x1024xf32, #tpu.memory_space<hbm>>
    %dma_wait3A_536 = tpu.memref_slice %arg15[%dma_wait3A_531] : memref<6x!tpu.dma_semaphore, #tpu.memory_space<semaphore_mem>> -> memref<1x!tpu.dma_semaphore, #tpu.memory_space<semaphore_mem>>
    %dma_wait3A_537 = tpu.memref_squeeze %dma_wait3A_536 : memref<1x!tpu.dma_semaphore, #tpu.memory_space<semaphore_mem>> -> memref<!tpu.dma_semaphore, #tpu.memory_space<semaphore_mem>>
    %dma_wait3A_538 = arith.constant 32 : i32
    %dma_wait3A_539 = arith.constant 0 : i32
    %dma_wait3A_540 = tpu.memref_slice %arg4[%add3A_530, %dma_wait3A_538, %dma_wait3A_539] : memref<128x128x1024xf32, #tpu.memory_space<hbm>> -> memref<1x16x1024xf32, #tpu.memory_space<hbm>>
    %dma_wait3A_541 = tpu.memref_squeeze %dma_wait3A_540 : memref<1x16x1024xf32, #tpu.memory_space<hbm>> -> memref<16x1024xf32, #tpu.memory_space<hbm>>
    tpu.wait_dma2 semaphore(%dma_wait3A_537 : memref<!tpu.dma_semaphore, #tpu.memory_space<semaphore_mem>>) src(%dma_wait3A_541 : memref<16x1024xf32, #tpu.memory_space<hbm>>) dst(%arg11 : memref<16x1024xf32, #tpu.memory_space<vmem>>)
    %mul3A_542 = arith.constant 4 : i32
    %mul3A_543 = arith.muli %add3A, %mul3A_542 : i32
    %add3A_544 = arith.constant 0 : i32
    %add3A_545 = arith.addi %mul3A_543, %add3A_544 : i32
    %dma_start3A_546 = arith.constant 2 : i32
    %dma_start3A_547 = arith.constant 32 : i32
    %dma_start3A_548 = arith.constant 0 : i32
    %dma_start3A_549 = tpu.memref_slice %arg5[%add3A_545, %dma_start3A_547, %dma_start3A_548] : memref<128x128x1024xf32, #tpu.memory_space<hbm>> -> memref<1x16x1024xf32, #tpu.memory_space<hbm>>
    %dma_start3A_550 = tpu.memref_squeeze %dma_start3A_549 : memref<1x16x1024xf32, #tpu.memory_space<hbm>> -> memref<16x1024xf32, #tpu.memory_space<hbm>>
    %dma_start3A_551 = tpu.memref_slice %arg16[%dma_start3A_546] : memref<6x!tpu.dma_semaphore, #tpu.memory_space<semaphore_mem>> -> memref<1x!tpu.dma_semaphore, #tpu.memory_space<semaphore_mem>>
    %dma_start3A_552 = tpu.memref_squeeze %dma_start3A_551 : memref<1x!tpu.dma_semaphore, #tpu.memory_space<semaphore_mem>> -> memref<!tpu.dma_semaphore, #tpu.memory_space<semaphore_mem>>
    %dma_start3A_553 = arith.constant 32 : i32
    %dma_start3A_554 = arith.constant 0 : i32
    %dma_start3A_555 = tpu.memref_slice %arg5[%add3A_545, %dma_start3A_553, %dma_start3A_554] : memref<128x128x1024xf32, #tpu.memory_space<hbm>> -> memref<1x16x1024xf32, #tpu.memory_space<hbm>>
    %dma_start3A_556 = tpu.memref_squeeze %dma_start3A_555 : memref<1x16x1024xf32, #tpu.memory_space<hbm>> -> memref<16x1024xf32, #tpu.memory_space<hbm>>
    tpu.enqueue_dma source(%arg11 : memref<16x1024xf32, #tpu.memory_space<vmem>>) target(%dma_start3A_556 : memref<16x1024xf32, #tpu.memory_space<hbm>>) target_semaphore(%dma_start3A_552 : memref<!tpu.dma_semaphore, #tpu.memory_space<semaphore_mem>>)
    %mul3A_557 = arith.constant 4 : i32
    %mul3A_558 = arith.muli %add3A, %mul3A_557 : i32
    %add3A_559 = arith.constant 0 : i32
    %add3A_560 = arith.addi %mul3A_558, %add3A_559 : i32
    %dma_wait3A_561 = arith.constant 0 : i32
    %dma_wait3A_562 = arith.constant 0 : i32
    %dma_wait3A_563 = arith.constant 0 : i32
    %dma_wait3A_564 = tpu.memref_slice %arg5[%add3A_560, %dma_wait3A_562, %dma_wait3A_563] : memref<128x128x1024xf32, #tpu.memory_space<hbm>> -> memref<1x16x1024xf32, #tpu.memory_space<hbm>>
    %dma_wait3A_565 = tpu.memref_squeeze %dma_wait3A_564 : memref<1x16x1024xf32, #tpu.memory_space<hbm>> -> memref<16x1024xf32, #tpu.memory_space<hbm>>
    %dma_wait3A_566 = tpu.memref_slice %arg16[%dma_wait3A_561] : memref<6x!tpu.dma_semaphore, #tpu.memory_space<semaphore_mem>> -> memref<1x!tpu.dma_semaphore, #tpu.memory_space<semaphore_mem>>
    %dma_wait3A_567 = tpu.memref_squeeze %dma_wait3A_566 : memref<1x!tpu.dma_semaphore, #tpu.memory_space<semaphore_mem>> -> memref<!tpu.dma_semaphore, #tpu.memory_space<semaphore_mem>>
    %dma_wait3A_568 = arith.constant 0 : i32
    %dma_wait3A_569 = arith.constant 0 : i32
    %dma_wait3A_570 = tpu.memref_slice %arg5[%add3A_560, %dma_wait3A_568, %dma_wait3A_569] : memref<128x128x1024xf32, #tpu.memory_space<hbm>> -> memref<1x16x1024xf32, #tpu.memory_space<hbm>>
    %dma_wait3A_571 = tpu.memref_squeeze %dma_wait3A_570 : memref<1x16x1024xf32, #tpu.memory_space<hbm>> -> memref<16x1024xf32, #tpu.memory_space<hbm>>
    tpu.wait_dma2 semaphore(%dma_wait3A_567 : memref<!tpu.dma_semaphore, #tpu.memory_space<semaphore_mem>>) src(%arg9 : memref<16x1024xf32, #tpu.memory_space<vmem>>) dst(%dma_wait3A_571 : memref<16x1024xf32, #tpu.memory_space<hbm>>)
    %mul3A_572 = arith.constant 4 : i32
    %mul3A_573 = arith.muli %add3A, %mul3A_572 : i32
    %add3A_574 = arith.constant 0 : i32
    %add3A_575 = arith.addi %mul3A_573, %add3A_574 : i32
    %dma_start3A_576 = arith.constant 5 : i32
    %dma_start3A_577 = arith.constant 80 : i32
    %dma_start3A_578 = arith.constant 0 : i32
    %dma_start3A_579 = tpu.memref_slice %arg4[%add3A_575, %dma_start3A_577, %dma_start3A_578] : memref<128x128x1024xf32, #tpu.memory_space<hbm>> -> memref<1x16x1024xf32, #tpu.memory_space<hbm>>
    %dma_start3A_580 = tpu.memref_squeeze %dma_start3A_579 : memref<1x16x1024xf32, #tpu.memory_space<hbm>> -> memref<16x1024xf32, #tpu.memory_space<hbm>>
    %dma_start3A_581 = tpu.memref_slice %arg15[%dma_start3A_576] : memref<6x!tpu.dma_semaphore, #tpu.memory_space<semaphore_mem>> -> memref<1x!tpu.dma_semaphore, #tpu.memory_space<semaphore_mem>>
    %dma_start3A_582 = tpu.memref_squeeze %dma_start3A_581 : memref<1x!tpu.dma_semaphore, #tpu.memory_space<semaphore_mem>> -> memref<!tpu.dma_semaphore, #tpu.memory_space<semaphore_mem>>
    %dma_start3A_583 = arith.constant 80 : i32
    %dma_start3A_584 = arith.constant 0 : i32
    %dma_start3A_585 = tpu.memref_slice %arg4[%add3A_575, %dma_start3A_583, %dma_start3A_584] : memref<128x128x1024xf32, #tpu.memory_space<hbm>> -> memref<1x16x1024xf32, #tpu.memory_space<hbm>>
    %dma_start3A_586 = tpu.memref_squeeze %dma_start3A_585 : memref<1x16x1024xf32, #tpu.memory_space<hbm>> -> memref<16x1024xf32, #tpu.memory_space<hbm>>
    tpu.enqueue_dma source(%dma_start3A_586 : memref<16x1024xf32, #tpu.memory_space<hbm>>) target(%arg14 : memref<16x1024xf32, #tpu.memory_space<vmem>>) target_semaphore(%dma_start3A_582 : memref<!tpu.dma_semaphore, #tpu.memory_space<semaphore_mem>>)
    %mul3A_587 = arith.constant 4 : i32
    %mul3A_588 = arith.muli %add3A, %mul3A_587 : i32
    %add3A_589 = arith.constant 0 : i32
    %add3A_590 = arith.addi %mul3A_588, %add3A_589 : i32
    %dma_wait3A_591 = arith.constant 3 : i32
    %dma_wait3A_592 = arith.constant 48 : i32
    %dma_wait3A_593 = arith.constant 0 : i32
    %dma_wait3A_594 = tpu.memref_slice %arg4[%add3A_590, %dma_wait3A_592, %dma_wait3A_593] : memref<128x128x1024xf32, #tpu.memory_space<hbm>> -> memref<1x16x1024xf32, #tpu.memory_space<hbm>>
    %dma_wait3A_595 = tpu.memref_squeeze %dma_wait3A_594 : memref<1x16x1024xf32, #tpu.memory_space<hbm>> -> memref<16x1024xf32, #tpu.memory_space<hbm>>
    %dma_wait3A_596 = tpu.memref_slice %arg15[%dma_wait3A_591] : memref<6x!tpu.dma_semaphore, #tpu.memory_space<semaphore_mem>> -> memref<1x!tpu.dma_semaphore, #tpu.memory_space<semaphore_mem>>
    %dma_wait3A_597 = tpu.memref_squeeze %dma_wait3A_596 : memref<1x!tpu.dma_semaphore, #tpu.memory_space<semaphore_mem>> -> memref<!tpu.dma_semaphore, #tpu.memory_space<semaphore_mem>>
    %dma_wait3A_598 = arith.constant 48 : i32
    %dma_wait3A_599 = arith.constant 0 : i32
    %dma_wait3A_600 = tpu.memref_slice %arg4[%add3A_590, %dma_wait3A_598, %dma_wait3A_599] : memref<128x128x1024xf32, #tpu.memory_space<hbm>> -> memref<1x16x1024xf32, #tpu.memory_space<hbm>>
    %dma_wait3A_601 = tpu.memref_squeeze %dma_wait3A_600 : memref<1x16x1024xf32, #tpu.memory_space<hbm>> -> memref<16x1024xf32, #tpu.memory_space<hbm>>
    tpu.wait_dma2 semaphore(%dma_wait3A_597 : memref<!tpu.dma_semaphore, #tpu.memory_space<semaphore_mem>>) src(%dma_wait3A_601 : memref<16x1024xf32, #tpu.memory_space<hbm>>) dst(%arg12 : memref<16x1024xf32, #tpu.memory_space<vmem>>)
    %mul3A_602 = arith.constant 4 : i32
    %mul3A_603 = arith.muli %add3A, %mul3A_602 : i32
    %add3A_604 = arith.constant 0 : i32
    %add3A_605 = arith.addi %mul3A_603, %add3A_604 : i32
    %dma_start3A_606 = arith.constant 3 : i32
    %dma_start3A_607 = arith.constant 48 : i32
    %dma_start3A_608 = arith.constant 0 : i32
    %dma_start3A_609 = tpu.memref_slice %arg5[%add3A_605, %dma_start3A_607, %dma_start3A_608] : memref<128x128x1024xf32, #tpu.memory_space<hbm>> -> memref<1x16x1024xf32, #tpu.memory_space<hbm>>
    %dma_start3A_610 = tpu.memref_squeeze %dma_start3A_609 : memref<1x16x1024xf32, #tpu.memory_space<hbm>> -> memref<16x1024xf32, #tpu.memory_space<hbm>>
    %dma_start3A_611 = tpu.memref_slice %arg16[%dma_start3A_606] : memref<6x!tpu.dma_semaphore, #tpu.memory_space<semaphore_mem>> -> memref<1x!tpu.dma_semaphore, #tpu.memory_space<semaphore_mem>>
    %dma_start3A_612 = tpu.memref_squeeze %dma_start3A_611 : memref<1x!tpu.dma_semaphore, #tpu.memory_space<semaphore_mem>> -> memref<!tpu.dma_semaphore, #tpu.memory_space<semaphore_mem>>
    %dma_start3A_613 = arith.constant 48 : i32
    %dma_start3A_614 = arith.constant 0 : i32
    %dma_start3A_615 = tpu.memref_slice %arg5[%add3A_605, %dma_start3A_613, %dma_start3A_614] : memref<128x128x1024xf32, #tpu.memory_space<hbm>> -> memref<1x16x1024xf32, #tpu.memory_space<hbm>>
    %dma_start3A_616 = tpu.memref_squeeze %dma_start3A_615 : memref<1x16x1024xf32, #tpu.memory_space<hbm>> -> memref<16x1024xf32, #tpu.memory_space<hbm>>
    tpu.enqueue_dma source(%arg12 : memref<16x1024xf32, #tpu.memory_space<vmem>>) target(%dma_start3A_616 : memref<16x1024xf32, #tpu.memory_space<hbm>>) target_semaphore(%dma_start3A_612 : memref<!tpu.dma_semaphore, #tpu.memory_space<semaphore_mem>>)
    %mul3A_617 = arith.constant 4 : i32
    %mul3A_618 = arith.muli %add3A, %mul3A_617 : i32
    %add3A_619 = arith.constant 0 : i32
    %add3A_620 = arith.addi %mul3A_618, %add3A_619 : i32
    %dma_wait3A_621 = arith.constant 1 : i32
    %dma_wait3A_622 = arith.constant 16 : i32
    %dma_wait3A_623 = arith.constant 0 : i32
    %dma_wait3A_624 = tpu.memref_slice %arg5[%add3A_620, %dma_wait3A_622, %dma_wait3A_623] : memref<128x128x1024xf32, #tpu.memory_space<hbm>> -> memref<1x16x1024xf32, #tpu.memory_space<hbm>>
    %dma_wait3A_625 = tpu.memref_squeeze %dma_wait3A_624 : memref<1x16x1024xf32, #tpu.memory_space<hbm>> -> memref<16x1024xf32, #tpu.memory_space<hbm>>
    %dma_wait3A_626 = tpu.memref_slice %arg16[%dma_wait3A_621] : memref<6x!tpu.dma_semaphore, #tpu.memory_space<semaphore_mem>> -> memref<1x!tpu.dma_semaphore, #tpu.memory_space<semaphore_mem>>
    %dma_wait3A_627 = tpu.memref_squeeze %dma_wait3A_626 : memref<1x!tpu.dma_semaphore, #tpu.memory_space<semaphore_mem>> -> memref<!tpu.dma_semaphore, #tpu.memory_space<semaphore_mem>>
    %dma_wait3A_628 = arith.constant 16 : i32
    %dma_wait3A_629 = arith.constant 0 : i32
    %dma_wait3A_630 = tpu.memref_slice %arg5[%add3A_620, %dma_wait3A_628, %dma_wait3A_629] : memref<128x128x1024xf32, #tpu.memory_space<hbm>> -> memref<1x16x1024xf32, #tpu.memory_space<hbm>>
    %dma_wait3A_631 = tpu.memref_squeeze %dma_wait3A_630 : memref<1x16x1024xf32, #tpu.memory_space<hbm>> -> memref<16x1024xf32, #tpu.memory_space<hbm>>
    tpu.wait_dma2 semaphore(%dma_wait3A_627 : memref<!tpu.dma_semaphore, #tpu.memory_space<semaphore_mem>>) src(%arg10 : memref<16x1024xf32, #tpu.memory_space<vmem>>) dst(%dma_wait3A_631 : memref<16x1024xf32, #tpu.memory_space<hbm>>)
    %mul3A_632 = arith.constant 4 : i32
    %mul3A_633 = arith.muli %add3A, %mul3A_632 : i32
    %add3A_634 = arith.constant 0 : i32
    %add3A_635 = arith.addi %mul3A_633, %add3A_634 : i32
    %dma_start3A_636 = arith.constant 0 : i32
    %dma_start3A_637 = arith.constant 96 : i32
    %dma_start3A_638 = arith.constant 0 : i32
    %dma_start3A_639 = tpu.memref_slice %arg4[%add3A_635, %dma_start3A_637, %dma_start3A_638] : memref<128x128x1024xf32, #tpu.memory_space<hbm>> -> memref<1x16x1024xf32, #tpu.memory_space<hbm>>
    %dma_start3A_640 = tpu.memref_squeeze %dma_start3A_639 : memref<1x16x1024xf32, #tpu.memory_space<hbm>> -> memref<16x1024xf32, #tpu.memory_space<hbm>>
    %dma_start3A_641 = tpu.memref_slice %arg15[%dma_start3A_636] : memref<6x!tpu.dma_semaphore, #tpu.memory_space<semaphore_mem>> -> memref<1x!tpu.dma_semaphore, #tpu.memory_space<semaphore_mem>>
    %dma_start3A_642 = tpu.memref_squeeze %dma_start3A_641 : memref<1x!tpu.dma_semaphore, #tpu.memory_space<semaphore_mem>> -> memref<!tpu.dma_semaphore, #tpu.memory_space<semaphore_mem>>
    %dma_start3A_643 = arith.constant 96 : i32
    %dma_start3A_644 = arith.constant 0 : i32
    %dma_start3A_645 = tpu.memref_slice %arg4[%add3A_635, %dma_start3A_643, %dma_start3A_644] : memref<128x128x1024xf32, #tpu.memory_space<hbm>> -> memref<1x16x1024xf32, #tpu.memory_space<hbm>>
    %dma_start3A_646 = tpu.memref_squeeze %dma_start3A_645 : memref<1x16x1024xf32, #tpu.memory_space<hbm>> -> memref<16x1024xf32, #tpu.memory_space<hbm>>
    tpu.enqueue_dma source(%dma_start3A_646 : memref<16x1024xf32, #tpu.memory_space<hbm>>) target(%arg9 : memref<16x1024xf32, #tpu.memory_space<vmem>>) target_semaphore(%dma_start3A_642 : memref<!tpu.dma_semaphore, #tpu.memory_space<semaphore_mem>>)
    %mul3A_647 = arith.constant 4 : i32
    %mul3A_648 = arith.muli %add3A, %mul3A_647 : i32
    %add3A_649 = arith.constant 0 : i32
    %add3A_650 = arith.addi %mul3A_648, %add3A_649 : i32
    %dma_wait3A_651 = arith.constant 4 : i32
    %dma_wait3A_652 = arith.constant 64 : i32
    %dma_wait3A_653 = arith.constant 0 : i32
    %dma_wait3A_654 = tpu.memref_slice %arg4[%add3A_650, %dma_wait3A_652, %dma_wait3A_653] : memref<128x128x1024xf32, #tpu.memory_space<hbm>> -> memref<1x16x1024xf32, #tpu.memory_space<hbm>>
    %dma_wait3A_655 = tpu.memref_squeeze %dma_wait3A_654 : memref<1x16x1024xf32, #tpu.memory_space<hbm>> -> memref<16x1024xf32, #tpu.memory_space<hbm>>
    %dma_wait3A_656 = tpu.memref_slice %arg15[%dma_wait3A_651] : memref<6x!tpu.dma_semaphore, #tpu.memory_space<semaphore_mem>> -> memref<1x!tpu.dma_semaphore, #tpu.memory_space<semaphore_mem>>
    %dma_wait3A_657 = tpu.memref_squeeze %dma_wait3A_656 : memref<1x!tpu.dma_semaphore, #tpu.memory_space<semaphore_mem>> -> memref<!tpu.dma_semaphore, #tpu.memory_space<semaphore_mem>>
    %dma_wait3A_658 = arith.constant 64 : i32
    %dma_wait3A_659 = arith.constant 0 : i32
    %dma_wait3A_660 = tpu.memref_slice %arg4[%add3A_650, %dma_wait3A_658, %dma_wait3A_659] : memref<128x128x1024xf32, #tpu.memory_space<hbm>> -> memref<1x16x1024xf32, #tpu.memory_space<hbm>>
    %dma_wait3A_661 = tpu.memref_squeeze %dma_wait3A_660 : memref<1x16x1024xf32, #tpu.memory_space<hbm>> -> memref<16x1024xf32, #tpu.memory_space<hbm>>
    tpu.wait_dma2 semaphore(%dma_wait3A_657 : memref<!tpu.dma_semaphore, #tpu.memory_space<semaphore_mem>>) src(%dma_wait3A_661 : memref<16x1024xf32, #tpu.memory_space<hbm>>) dst(%arg13 : memref<16x1024xf32, #tpu.memory_space<vmem>>)
    %mul3A_662 = arith.constant 4 : i32
    %mul3A_663 = arith.muli %add3A, %mul3A_662 : i32
    %add3A_664 = arith.constant 0 : i32
    %add3A_665 = arith.addi %mul3A_663, %add3A_664 : i32
    %dma_start3A_666 = arith.constant 4 : i32
    %dma_start3A_667 = arith.constant 64 : i32
    %dma_start3A_668 = arith.constant 0 : i32
    %dma_start3A_669 = tpu.memref_slice %arg5[%add3A_665, %dma_start3A_667, %dma_start3A_668] : memref<128x128x1024xf32, #tpu.memory_space<hbm>> -> memref<1x16x1024xf32, #tpu.memory_space<hbm>>
    %dma_start3A_670 = tpu.memref_squeeze %dma_start3A_669 : memref<1x16x1024xf32, #tpu.memory_space<hbm>> -> memref<16x1024xf32, #tpu.memory_space<hbm>>
    %dma_start3A_671 = tpu.memref_slice %arg16[%dma_start3A_666] : memref<6x!tpu.dma_semaphore, #tpu.memory_space<semaphore_mem>> -> memref<1x!tpu.dma_semaphore, #tpu.memory_space<semaphore_mem>>
    %dma_start3A_672 = tpu.memref_squeeze %dma_start3A_671 : memref<1x!tpu.dma_semaphore, #tpu.memory_space<semaphore_mem>> -> memref<!tpu.dma_semaphore, #tpu.memory_space<semaphore_mem>>
    %dma_start3A_673 = arith.constant 64 : i32
    %dma_start3A_674 = arith.constant 0 : i32
    %dma_start3A_675 = tpu.memref_slice %arg5[%add3A_665, %dma_start3A_673, %dma_start3A_674] : memref<128x128x1024xf32, #tpu.memory_space<hbm>> -> memref<1x16x1024xf32, #tpu.memory_space<hbm>>
    %dma_start3A_676 = tpu.memref_squeeze %dma_start3A_675 : memref<1x16x1024xf32, #tpu.memory_space<hbm>> -> memref<16x1024xf32, #tpu.memory_space<hbm>>
    tpu.enqueue_dma source(%arg13 : memref<16x1024xf32, #tpu.memory_space<vmem>>) target(%dma_start3A_676 : memref<16x1024xf32, #tpu.memory_space<hbm>>) target_semaphore(%dma_start3A_672 : memref<!tpu.dma_semaphore, #tpu.memory_space<semaphore_mem>>)
    %mul3A_677 = arith.constant 4 : i32
    %mul3A_678 = arith.muli %add3A, %mul3A_677 : i32
    %add3A_679 = arith.constant 0 : i32
    %add3A_680 = arith.addi %mul3A_678, %add3A_679 : i32
    %dma_wait3A_681 = arith.constant 2 : i32
    %dma_wait3A_682 = arith.constant 32 : i32
    %dma_wait3A_683 = arith.constant 0 : i32
    %dma_wait3A_684 = tpu.memref_slice %arg5[%add3A_680, %dma_wait3A_682, %dma_wait3A_683] : memref<128x128x1024xf32, #tpu.memory_space<hbm>> -> memref<1x16x1024xf32, #tpu.memory_space<hbm>>
    %dma_wait3A_685 = tpu.memref_squeeze %dma_wait3A_684 : memref<1x16x1024xf32, #tpu.memory_space<hbm>> -> memref<16x1024xf32, #tpu.memory_space<hbm>>
    %dma_wait3A_686 = tpu.memref_slice %arg16[%dma_wait3A_681] : memref<6x!tpu.dma_semaphore, #tpu.memory_space<semaphore_mem>> -> memref<1x!tpu.dma_semaphore, #tpu.memory_space<semaphore_mem>>
    %dma_wait3A_687 = tpu.memref_squeeze %dma_wait3A_686 : memref<1x!tpu.dma_semaphore, #tpu.memory_space<semaphore_mem>> -> memref<!tpu.dma_semaphore, #tpu.memory_space<semaphore_mem>>
    %dma_wait3A_688 = arith.constant 32 : i32
    %dma_wait3A_689 = arith.constant 0 : i32
    %dma_wait3A_690 = tpu.memref_slice %arg5[%add3A_680, %dma_wait3A_688, %dma_wait3A_689] : memref<128x128x1024xf32, #tpu.memory_space<hbm>> -> memref<1x16x1024xf32, #tpu.memory_space<hbm>>
    %dma_wait3A_691 = tpu.memref_squeeze %dma_wait3A_690 : memref<1x16x1024xf32, #tpu.memory_space<hbm>> -> memref<16x1024xf32, #tpu.memory_space<hbm>>
    tpu.wait_dma2 semaphore(%dma_wait3A_687 : memref<!tpu.dma_semaphore, #tpu.memory_space<semaphore_mem>>) src(%arg11 : memref<16x1024xf32, #tpu.memory_space<vmem>>) dst(%dma_wait3A_691 : memref<16x1024xf32, #tpu.memory_space<hbm>>)
    %mul3A_692 = arith.constant 4 : i32
    %mul3A_693 = arith.muli %add3A, %mul3A_692 : i32
    %add3A_694 = arith.constant 0 : i32
    %add3A_695 = arith.addi %mul3A_693, %add3A_694 : i32
    %dma_start3A_696 = arith.constant 1 : i32
    %dma_start3A_697 = arith.constant 112 : i32
    %dma_start3A_698 = arith.constant 0 : i32
    %dma_start3A_699 = tpu.memref_slice %arg4[%add3A_695, %dma_start3A_697, %dma_start3A_698] : memref<128x128x1024xf32, #tpu.memory_space<hbm>> -> memref<1x16x1024xf32, #tpu.memory_space<hbm>>
    %dma_start3A_700 = tpu.memref_squeeze %dma_start3A_699 : memref<1x16x1024xf32, #tpu.memory_space<hbm>> -> memref<16x1024xf32, #tpu.memory_space<hbm>>
    %dma_start3A_701 = tpu.memref_slice %arg15[%dma_start3A_696] : memref<6x!tpu.dma_semaphore, #tpu.memory_space<semaphore_mem>> -> memref<1x!tpu.dma_semaphore, #tpu.memory_space<semaphore_mem>>
    %dma_start3A_702 = tpu.memref_squeeze %dma_start3A_701 : memref<1x!tpu.dma_semaphore, #tpu.memory_space<semaphore_mem>> -> memref<!tpu.dma_semaphore, #tpu.memory_space<semaphore_mem>>
    %dma_start3A_703 = arith.constant 112 : i32
    %dma_start3A_704 = arith.constant 0 : i32
    %dma_start3A_705 = tpu.memref_slice %arg4[%add3A_695, %dma_start3A_703, %dma_start3A_704] : memref<128x128x1024xf32, #tpu.memory_space<hbm>> -> memref<1x16x1024xf32, #tpu.memory_space<hbm>>
    %dma_start3A_706 = tpu.memref_squeeze %dma_start3A_705 : memref<1x16x1024xf32, #tpu.memory_space<hbm>> -> memref<16x1024xf32, #tpu.memory_space<hbm>>
    tpu.enqueue_dma source(%dma_start3A_706 : memref<16x1024xf32, #tpu.memory_space<hbm>>) target(%arg10 : memref<16x1024xf32, #tpu.memory_space<vmem>>) target_semaphore(%dma_start3A_702 : memref<!tpu.dma_semaphore, #tpu.memory_space<semaphore_mem>>)
    %mul3A_707 = arith.constant 4 : i32
    %mul3A_708 = arith.muli %add3A, %mul3A_707 : i32
    %add3A_709 = arith.constant 0 : i32
    %add3A_710 = arith.addi %mul3A_708, %add3A_709 : i32
    %dma_wait3A_711 = arith.constant 5 : i32
    %dma_wait3A_712 = arith.constant 80 : i32
    %dma_wait3A_713 = arith.constant 0 : i32
    %dma_wait3A_714 = tpu.memref_slice %arg4[%add3A_710, %dma_wait3A_712, %dma_wait3A_713] : memref<128x128x1024xf32, #tpu.memory_space<hbm>> -> memref<1x16x1024xf32, #tpu.memory_space<hbm>>
    %dma_wait3A_715 = tpu.memref_squeeze %dma_wait3A_714 : memref<1x16x1024xf32, #tpu.memory_space<hbm>> -> memref<16x1024xf32, #tpu.memory_space<hbm>>
    %dma_wait3A_716 = tpu.memref_slice %arg15[%dma_wait3A_711] : memref<6x!tpu.dma_semaphore, #tpu.memory_space<semaphore_mem>> -> memref<1x!tpu.dma_semaphore, #tpu.memory_space<semaphore_mem>>
    %dma_wait3A_717 = tpu.memref_squeeze %dma_wait3A_716 : memref<1x!tpu.dma_semaphore, #tpu.memory_space<semaphore_mem>> -> memref<!tpu.dma_semaphore, #tpu.memory_space<semaphore_mem>>
    %dma_wait3A_718 = arith.constant 80 : i32
    %dma_wait3A_719 = arith.constant 0 : i32
    %dma_wait3A_720 = tpu.memref_slice %arg4[%add3A_710, %dma_wait3A_718, %dma_wait3A_719] : memref<128x128x1024xf32, #tpu.memory_space<hbm>> -> memref<1x16x1024xf32, #tpu.memory_space<hbm>>
    %dma_wait3A_721 = tpu.memref_squeeze %dma_wait3A_720 : memref<1x16x1024xf32, #tpu.memory_space<hbm>> -> memref<16x1024xf32, #tpu.memory_space<hbm>>
    tpu.wait_dma2 semaphore(%dma_wait3A_717 : memref<!tpu.dma_semaphore, #tpu.memory_space<semaphore_mem>>) src(%dma_wait3A_721 : memref<16x1024xf32, #tpu.memory_space<hbm>>) dst(%arg14 : memref<16x1024xf32, #tpu.memory_space<vmem>>)
    %mul3A_722 = arith.constant 4 : i32
    %mul3A_723 = arith.muli %add3A, %mul3A_722 : i32
    %add3A_724 = arith.constant 0 : i32
    %add3A_725 = arith.addi %mul3A_723, %add3A_724 : i32
    %dma_start3A_726 = arith.constant 5 : i32
    %dma_start3A_727 = arith.constant 80 : i32
    %dma_start3A_728 = arith.constant 0 : i32
    %dma_start3A_729 = tpu.memref_slice %arg5[%add3A_725, %dma_start3A_727, %dma_start3A_728] : memref<128x128x1024xf32, #tpu.memory_space<hbm>> -> memref<1x16x1024xf32, #tpu.memory_space<hbm>>
    %dma_start3A_730 = tpu.memref_squeeze %dma_start3A_729 : memref<1x16x1024xf32, #tpu.memory_space<hbm>> -> memref<16x1024xf32, #tpu.memory_space<hbm>>
    %dma_start3A_731 = tpu.memref_slice %arg16[%dma_start3A_726] : memref<6x!tpu.dma_semaphore, #tpu.memory_space<semaphore_mem>> -> memref<1x!tpu.dma_semaphore, #tpu.memory_space<semaphore_mem>>
    %dma_start3A_732 = tpu.memref_squeeze %dma_start3A_731 : memref<1x!tpu.dma_semaphore, #tpu.memory_space<semaphore_mem>> -> memref<!tpu.dma_semaphore, #tpu.memory_space<semaphore_mem>>
    %dma_start3A_733 = arith.constant 80 : i32
    %dma_start3A_734 = arith.constant 0 : i32
    %dma_start3A_735 = tpu.memref_slice %arg5[%add3A_725, %dma_start3A_733, %dma_start3A_734] : memref<128x128x1024xf32, #tpu.memory_space<hbm>> -> memref<1x16x1024xf32, #tpu.memory_space<hbm>>
    %dma_start3A_736 = tpu.memref_squeeze %dma_start3A_735 : memref<1x16x1024xf32, #tpu.memory_space<hbm>> -> memref<16x1024xf32, #tpu.memory_space<hbm>>
    tpu.enqueue_dma source(%arg14 : memref<16x1024xf32, #tpu.memory_space<vmem>>) target(%dma_start3A_736 : memref<16x1024xf32, #tpu.memory_space<hbm>>) target_semaphore(%dma_start3A_732 : memref<!tpu.dma_semaphore, #tpu.memory_space<semaphore_mem>>)
    %mul3A_737 = arith.constant 4 : i32
    %mul3A_738 = arith.muli %add3A, %mul3A_737 : i32
    %add3A_739 = arith.constant 0 : i32
    %add3A_740 = arith.addi %mul3A_738, %add3A_739 : i32
    %dma_wait3A_741 = arith.constant 3 : i32
    %dma_wait3A_742 = arith.constant 48 : i32
    %dma_wait3A_743 = arith.constant 0 : i32
    %dma_wait3A_744 = tpu.memref_slice %arg5[%add3A_740, %dma_wait3A_742, %dma_wait3A_743] : memref<128x128x1024xf32, #tpu.memory_space<hbm>> -> memref<1x16x1024xf32, #tpu.memory_space<hbm>>
    %dma_wait3A_745 = tpu.memref_squeeze %dma_wait3A_744 : memref<1x16x1024xf32, #tpu.memory_space<hbm>> -> memref<16x1024xf32, #tpu.memory_space<hbm>>
    %dma_wait3A_746 = tpu.memref_slice %arg16[%dma_wait3A_741] : memref<6x!tpu.dma_semaphore, #tpu.memory_space<semaphore_mem>> -> memref<1x!tpu.dma_semaphore, #tpu.memory_space<semaphore_mem>>
    %dma_wait3A_747 = tpu.memref_squeeze %dma_wait3A_746 : memref<1x!tpu.dma_semaphore, #tpu.memory_space<semaphore_mem>> -> memref<!tpu.dma_semaphore, #tpu.memory_space<semaphore_mem>>
    %dma_wait3A_748 = arith.constant 48 : i32
    %dma_wait3A_749 = arith.constant 0 : i32
    %dma_wait3A_750 = tpu.memref_slice %arg5[%add3A_740, %dma_wait3A_748, %dma_wait3A_749] : memref<128x128x1024xf32, #tpu.memory_space<hbm>> -> memref<1x16x1024xf32, #tpu.memory_space<hbm>>
    %dma_wait3A_751 = tpu.memref_squeeze %dma_wait3A_750 : memref<1x16x1024xf32, #tpu.memory_space<hbm>> -> memref<16x1024xf32, #tpu.memory_space<hbm>>
    tpu.wait_dma2 semaphore(%dma_wait3A_747 : memref<!tpu.dma_semaphore, #tpu.memory_space<semaphore_mem>>) src(%arg12 : memref<16x1024xf32, #tpu.memory_space<vmem>>) dst(%dma_wait3A_751 : memref<16x1024xf32, #tpu.memory_space<hbm>>)
    %mul3A_752 = arith.constant 4 : i32
    %mul3A_753 = arith.muli %add3A, %mul3A_752 : i32
    %add3A_754 = arith.constant 1 : i32
    %add3A_755 = arith.addi %mul3A_753, %add3A_754 : i32
    %dma_start3A_756 = arith.constant 2 : i32
    %dma_start3A_757 = arith.constant 0 : i32
    %dma_start3A_758 = arith.constant 0 : i32
    %dma_start3A_759 = tpu.memref_slice %arg4[%add3A_755, %dma_start3A_757, %dma_start3A_758] : memref<128x128x1024xf32, #tpu.memory_space<hbm>> -> memref<1x16x1024xf32, #tpu.memory_space<hbm>>
    %dma_start3A_760 = tpu.memref_squeeze %dma_start3A_759 : memref<1x16x1024xf32, #tpu.memory_space<hbm>> -> memref<16x1024xf32, #tpu.memory_space<hbm>>
    %dma_start3A_761 = tpu.memref_slice %arg15[%dma_start3A_756] : memref<6x!tpu.dma_semaphore, #tpu.memory_space<semaphore_mem>> -> memref<1x!tpu.dma_semaphore, #tpu.memory_space<semaphore_mem>>
    %dma_start3A_762 = tpu.memref_squeeze %dma_start3A_761 : memref<1x!tpu.dma_semaphore, #tpu.memory_space<semaphore_mem>> -> memref<!tpu.dma_semaphore, #tpu.memory_space<semaphore_mem>>
    %dma_start3A_763 = arith.constant 0 : i32
    %dma_start3A_764 = arith.constant 0 : i32
    %dma_start3A_765 = tpu.memref_slice %arg4[%add3A_755, %dma_start3A_763, %dma_start3A_764] : memref<128x128x1024xf32, #tpu.memory_space<hbm>> -> memref<1x16x1024xf32, #tpu.memory_space<hbm>>
    %dma_start3A_766 = tpu.memref_squeeze %dma_start3A_765 : memref<1x16x1024xf32, #tpu.memory_space<hbm>> -> memref<16x1024xf32, #tpu.memory_space<hbm>>
    tpu.enqueue_dma source(%dma_start3A_766 : memref<16x1024xf32, #tpu.memory_space<hbm>>) target(%arg11 : memref<16x1024xf32, #tpu.memory_space<vmem>>) target_semaphore(%dma_start3A_762 : memref<!tpu.dma_semaphore, #tpu.memory_space<semaphore_mem>>)
    %mul3A_767 = arith.constant 4 : i32
    %mul3A_768 = arith.muli %add3A, %mul3A_767 : i32
    %add3A_769 = arith.constant 0 : i32
    %add3A_770 = arith.addi %mul3A_768, %add3A_769 : i32
    %dma_wait3A_771 = arith.constant 0 : i32
    %dma_wait3A_772 = arith.constant 96 : i32
    %dma_wait3A_773 = arith.constant 0 : i32
    %dma_wait3A_774 = tpu.memref_slice %arg4[%add3A_770, %dma_wait3A_772, %dma_wait3A_773] : memref<128x128x1024xf32, #tpu.memory_space<hbm>> -> memref<1x16x1024xf32, #tpu.memory_space<hbm>>
    %dma_wait3A_775 = tpu.memref_squeeze %dma_wait3A_774 : memref<1x16x1024xf32, #tpu.memory_space<hbm>> -> memref<16x1024xf32, #tpu.memory_space<hbm>>
    %dma_wait3A_776 = tpu.memref_slice %arg15[%dma_wait3A_771] : memref<6x!tpu.dma_semaphore, #tpu.memory_space<semaphore_mem>> -> memref<1x!tpu.dma_semaphore, #tpu.memory_space<semaphore_mem>>
    %dma_wait3A_777 = tpu.memref_squeeze %dma_wait3A_776 : memref<1x!tpu.dma_semaphore, #tpu.memory_space<semaphore_mem>> -> memref<!tpu.dma_semaphore, #tpu.memory_space<semaphore_mem>>
    %dma_wait3A_778 = arith.constant 96 : i32
    %dma_wait3A_779 = arith.constant 0 : i32
    %dma_wait3A_780 = tpu.memref_slice %arg4[%add3A_770, %dma_wait3A_778, %dma_wait3A_779] : memref<128x128x1024xf32, #tpu.memory_space<hbm>> -> memref<1x16x1024xf32, #tpu.memory_space<hbm>>
    %dma_wait3A_781 = tpu.memref_squeeze %dma_wait3A_780 : memref<1x16x1024xf32, #tpu.memory_space<hbm>> -> memref<16x1024xf32, #tpu.memory_space<hbm>>
    tpu.wait_dma2 semaphore(%dma_wait3A_777 : memref<!tpu.dma_semaphore, #tpu.memory_space<semaphore_mem>>) src(%dma_wait3A_781 : memref<16x1024xf32, #tpu.memory_space<hbm>>) dst(%arg9 : memref<16x1024xf32, #tpu.memory_space<vmem>>)
    %mul3A_782 = arith.constant 4 : i32
    %mul3A_783 = arith.muli %add3A, %mul3A_782 : i32
    %add3A_784 = arith.constant 0 : i32
    %add3A_785 = arith.addi %mul3A_783, %add3A_784 : i32
    %dma_start3A_786 = arith.constant 0 : i32
    %dma_start3A_787 = arith.constant 96 : i32
    %dma_start3A_788 = arith.constant 0 : i32
    %dma_start3A_789 = tpu.memref_slice %arg5[%add3A_785, %dma_start3A_787, %dma_start3A_788] : memref<128x128x1024xf32, #tpu.memory_space<hbm>> -> memref<1x16x1024xf32, #tpu.memory_space<hbm>>
    %dma_start3A_790 = tpu.memref_squeeze %dma_start3A_789 : memref<1x16x1024xf32, #tpu.memory_space<hbm>> -> memref<16x1024xf32, #tpu.memory_space<hbm>>
    %dma_start3A_791 = tpu.memref_slice %arg16[%dma_start3A_786] : memref<6x!tpu.dma_semaphore, #tpu.memory_space<semaphore_mem>> -> memref<1x!tpu.dma_semaphore, #tpu.memory_space<semaphore_mem>>
    %dma_start3A_792 = tpu.memref_squeeze %dma_start3A_791 : memref<1x!tpu.dma_semaphore, #tpu.memory_space<semaphore_mem>> -> memref<!tpu.dma_semaphore, #tpu.memory_space<semaphore_mem>>
    %dma_start3A_793 = arith.constant 96 : i32
    %dma_start3A_794 = arith.constant 0 : i32
    %dma_start3A_795 = tpu.memref_slice %arg5[%add3A_785, %dma_start3A_793, %dma_start3A_794] : memref<128x128x1024xf32, #tpu.memory_space<hbm>> -> memref<1x16x1024xf32, #tpu.memory_space<hbm>>
    %dma_start3A_796 = tpu.memref_squeeze %dma_start3A_795 : memref<1x16x1024xf32, #tpu.memory_space<hbm>> -> memref<16x1024xf32, #tpu.memory_space<hbm>>
    tpu.enqueue_dma source(%arg9 : memref<16x1024xf32, #tpu.memory_space<vmem>>) target(%dma_start3A_796 : memref<16x1024xf32, #tpu.memory_space<hbm>>) target_semaphore(%dma_start3A_792 : memref<!tpu.dma_semaphore, #tpu.memory_space<semaphore_mem>>)
    %mul3A_797 = arith.constant 4 : i32
    %mul3A_798 = arith.muli %add3A, %mul3A_797 : i32
    %add3A_799 = arith.constant 0 : i32
    %add3A_800 = arith.addi %mul3A_798, %add3A_799 : i32
    %dma_wait3A_801 = arith.constant 4 : i32
    %dma_wait3A_802 = arith.constant 64 : i32
    %dma_wait3A_803 = arith.constant 0 : i32
    %dma_wait3A_804 = tpu.memref_slice %arg5[%add3A_800, %dma_wait3A_802, %dma_wait3A_803] : memref<128x128x1024xf32, #tpu.memory_space<hbm>> -> memref<1x16x1024xf32, #tpu.memory_space<hbm>>
    %dma_wait3A_805 = tpu.memref_squeeze %dma_wait3A_804 : memref<1x16x1024xf32, #tpu.memory_space<hbm>> -> memref<16x1024xf32, #tpu.memory_space<hbm>>
    %dma_wait3A_806 = tpu.memref_slice %arg16[%dma_wait3A_801] : memref<6x!tpu.dma_semaphore, #tpu.memory_space<semaphore_mem>> -> memref<1x!tpu.dma_semaphore, #tpu.memory_space<semaphore_mem>>
    %dma_wait3A_807 = tpu.memref_squeeze %dma_wait3A_806 : memref<1x!tpu.dma_semaphore, #tpu.memory_space<semaphore_mem>> -> memref<!tpu.dma_semaphore, #tpu.memory_space<semaphore_mem>>
    %dma_wait3A_808 = arith.constant 64 : i32
    %dma_wait3A_809 = arith.constant 0 : i32
    %dma_wait3A_810 = tpu.memref_slice %arg5[%add3A_800, %dma_wait3A_808, %dma_wait3A_809] : memref<128x128x1024xf32, #tpu.memory_space<hbm>> -> memref<1x16x1024xf32, #tpu.memory_space<hbm>>
    %dma_wait3A_811 = tpu.memref_squeeze %dma_wait3A_810 : memref<1x16x1024xf32, #tpu.memory_space<hbm>> -> memref<16x1024xf32, #tpu.memory_space<hbm>>
    tpu.wait_dma2 semaphore(%dma_wait3A_807 : memref<!tpu.dma_semaphore, #tpu.memory_space<semaphore_mem>>) src(%arg13 : memref<16x1024xf32, #tpu.memory_space<vmem>>) dst(%dma_wait3A_811 : memref<16x1024xf32, #tpu.memory_space<hbm>>)
    %mul3A_812 = arith.constant 4 : i32
    %mul3A_813 = arith.muli %add3A, %mul3A_812 : i32
    %add3A_814 = arith.constant 1 : i32
    %add3A_815 = arith.addi %mul3A_813, %add3A_814 : i32
    %dma_start3A_816 = arith.constant 3 : i32
    %dma_start3A_817 = arith.constant 16 : i32
    %dma_start3A_818 = arith.constant 0 : i32
    %dma_start3A_819 = tpu.memref_slice %arg4[%add3A_815, %dma_start3A_817, %dma_start3A_818] : memref<128x128x1024xf32, #tpu.memory_space<hbm>> -> memref<1x16x1024xf32, #tpu.memory_space<hbm>>
    %dma_start3A_820 = tpu.memref_squeeze %dma_start3A_819 : memref<1x16x1024xf32, #tpu.memory_space<hbm>> -> memref<16x1024xf32, #tpu.memory_space<hbm>>
    %dma_start3A_821 = tpu.memref_slice %arg15[%dma_start3A_816] : memref<6x!tpu.dma_semaphore, #tpu.memory_space<semaphore_mem>> -> memref<1x!tpu.dma_semaphore, #tpu.memory_space<semaphore_mem>>
    %dma_start3A_822 = tpu.memref_squeeze %dma_start3A_821 : memref<1x!tpu.dma_semaphore, #tpu.memory_space<semaphore_mem>> -> memref<!tpu.dma_semaphore, #tpu.memory_space<semaphore_mem>>
    %dma_start3A_823 = arith.constant 16 : i32
    %dma_start3A_824 = arith.constant 0 : i32
    %dma_start3A_825 = tpu.memref_slice %arg4[%add3A_815, %dma_start3A_823, %dma_start3A_824] : memref<128x128x1024xf32, #tpu.memory_space<hbm>> -> memref<1x16x1024xf32, #tpu.memory_space<hbm>>
    %dma_start3A_826 = tpu.memref_squeeze %dma_start3A_825 : memref<1x16x1024xf32, #tpu.memory_space<hbm>> -> memref<16x1024xf32, #tpu.memory_space<hbm>>
    tpu.enqueue_dma source(%dma_start3A_826 : memref<16x1024xf32, #tpu.memory_space<hbm>>) target(%arg12 : memref<16x1024xf32, #tpu.memory_space<vmem>>) target_semaphore(%dma_start3A_822 : memref<!tpu.dma_semaphore, #tpu.memory_space<semaphore_mem>>)
    %mul3A_827 = arith.constant 4 : i32
    %mul3A_828 = arith.muli %add3A, %mul3A_827 : i32
    %add3A_829 = arith.constant 0 : i32
    %add3A_830 = arith.addi %mul3A_828, %add3A_829 : i32
    %dma_wait3A_831 = arith.constant 1 : i32
    %dma_wait3A_832 = arith.constant 112 : i32
    %dma_wait3A_833 = arith.constant 0 : i32
    %dma_wait3A_834 = tpu.memref_slice %arg4[%add3A_830, %dma_wait3A_832, %dma_wait3A_833] : memref<128x128x1024xf32, #tpu.memory_space<hbm>> -> memref<1x16x1024xf32, #tpu.memory_space<hbm>>
    %dma_wait3A_835 = tpu.memref_squeeze %dma_wait3A_834 : memref<1x16x1024xf32, #tpu.memory_space<hbm>> -> memref<16x1024xf32, #tpu.memory_space<hbm>>
    %dma_wait3A_836 = tpu.memref_slice %arg15[%dma_wait3A_831] : memref<6x!tpu.dma_semaphore, #tpu.memory_space<semaphore_mem>> -> memref<1x!tpu.dma_semaphore, #tpu.memory_space<semaphore_mem>>
    %dma_wait3A_837 = tpu.memref_squeeze %dma_wait3A_836 : memref<1x!tpu.dma_semaphore, #tpu.memory_space<semaphore_mem>> -> memref<!tpu.dma_semaphore, #tpu.memory_space<semaphore_mem>>
    %dma_wait3A_838 = arith.constant 112 : i32
    %dma_wait3A_839 = arith.constant 0 : i32
    %dma_wait3A_840 = tpu.memref_slice %arg4[%add3A_830, %dma_wait3A_838, %dma_wait3A_839] : memref<128x128x1024xf32, #tpu.memory_space<hbm>> -> memref<1x16x1024xf32, #tpu.memory_space<hbm>>
    %dma_wait3A_841 = tpu.memref_squeeze %dma_wait3A_840 : memref<1x16x1024xf32, #tpu.memory_space<hbm>> -> memref<16x1024xf32, #tpu.memory_space<hbm>>
    tpu.wait_dma2 semaphore(%dma_wait3A_837 : memref<!tpu.dma_semaphore, #tpu.memory_space<semaphore_mem>>) src(%dma_wait3A_841 : memref<16x1024xf32, #tpu.memory_space<hbm>>) dst(%arg10 : memref<16x1024xf32, #tpu.memory_space<vmem>>)
    %mul3A_842 = arith.constant 4 : i32
    %mul3A_843 = arith.muli %add3A, %mul3A_842 : i32
    %add3A_844 = arith.constant 0 : i32
    %add3A_845 = arith.addi %mul3A_843, %add3A_844 : i32
    %dma_start3A_846 = arith.constant 1 : i32
    %dma_start3A_847 = arith.constant 112 : i32
    %dma_start3A_848 = arith.constant 0 : i32
    %dma_start3A_849 = tpu.memref_slice %arg5[%add3A_845, %dma_start3A_847, %dma_start3A_848] : memref<128x128x1024xf32, #tpu.memory_space<hbm>> -> memref<1x16x1024xf32, #tpu.memory_space<hbm>>
    %dma_start3A_850 = tpu.memref_squeeze %dma_start3A_849 : memref<1x16x1024xf32, #tpu.memory_space<hbm>> -> memref<16x1024xf32, #tpu.memory_space<hbm>>
    %dma_start3A_851 = tpu.memref_slice %arg16[%dma_start3A_846] : memref<6x!tpu.dma_semaphore, #tpu.memory_space<semaphore_mem>> -> memref<1x!tpu.dma_semaphore, #tpu.memory_space<semaphore_mem>>
    %dma_start3A_852 = tpu.memref_squeeze %dma_start3A_851 : memref<1x!tpu.dma_semaphore, #tpu.memory_space<semaphore_mem>> -> memref<!tpu.dma_semaphore, #tpu.memory_space<semaphore_mem>>
    %dma_start3A_853 = arith.constant 112 : i32
    %dma_start3A_854 = arith.constant 0 : i32
    %dma_start3A_855 = tpu.memref_slice %arg5[%add3A_845, %dma_start3A_853, %dma_start3A_854] : memref<128x128x1024xf32, #tpu.memory_space<hbm>> -> memref<1x16x1024xf32, #tpu.memory_space<hbm>>
    %dma_start3A_856 = tpu.memref_squeeze %dma_start3A_855 : memref<1x16x1024xf32, #tpu.memory_space<hbm>> -> memref<16x1024xf32, #tpu.memory_space<hbm>>
    tpu.enqueue_dma source(%arg10 : memref<16x1024xf32, #tpu.memory_space<vmem>>) target(%dma_start3A_856 : memref<16x1024xf32, #tpu.memory_space<hbm>>) target_semaphore(%dma_start3A_852 : memref<!tpu.dma_semaphore, #tpu.memory_space<semaphore_mem>>)
    %mul3A_857 = arith.constant 4 : i32
    %mul3A_858 = arith.muli %add3A, %mul3A_857 : i32
    %add3A_859 = arith.constant 0 : i32
    %add3A_860 = arith.addi %mul3A_858, %add3A_859 : i32
    %dma_wait3A_861 = arith.constant 5 : i32
    %dma_wait3A_862 = arith.constant 80 : i32
    %dma_wait3A_863 = arith.constant 0 : i32
    %dma_wait3A_864 = tpu.memref_slice %arg5[%add3A_860, %dma_wait3A_862, %dma_wait3A_863] : memref<128x128x1024xf32, #tpu.memory_space<hbm>> -> memref<1x16x1024xf32, #tpu.memory_space<hbm>>
    %dma_wait3A_865 = tpu.memref_squeeze %dma_wait3A_864 : memref<1x16x1024xf32, #tpu.memory_space<hbm>> -> memref<16x1024xf32, #tpu.memory_space<hbm>>
    %dma_wait3A_866 = tpu.memref_slice %arg16[%dma_wait3A_861] : memref<6x!tpu.dma_semaphore, #tpu.memory_space<semaphore_mem>> -> memref<1x!tpu.dma_semaphore, #tpu.memory_space<semaphore_mem>>
    %dma_wait3A_867 = tpu.memref_squeeze %dma_wait3A_866 : memref<1x!tpu.dma_semaphore, #tpu.memory_space<semaphore_mem>> -> memref<!tpu.dma_semaphore, #tpu.memory_space<semaphore_mem>>
    %dma_wait3A_868 = arith.constant 80 : i32
    %dma_wait3A_869 = arith.constant 0 : i32
    %dma_wait3A_870 = tpu.memref_slice %arg5[%add3A_860, %dma_wait3A_868, %dma_wait3A_869] : memref<128x128x1024xf32, #tpu.memory_space<hbm>> -> memref<1x16x1024xf32, #tpu.memory_space<hbm>>
    %dma_wait3A_871 = tpu.memref_squeeze %dma_wait3A_870 : memref<1x16x1024xf32, #tpu.memory_space<hbm>> -> memref<16x1024xf32, #tpu.memory_space<hbm>>
    tpu.wait_dma2 semaphore(%dma_wait3A_867 : memref<!tpu.dma_semaphore, #tpu.memory_space<semaphore_mem>>) src(%arg14 : memref<16x1024xf32, #tpu.memory_space<vmem>>) dst(%dma_wait3A_871 : memref<16x1024xf32, #tpu.memory_space<hbm>>)
    %mul3A_872 = arith.constant 4 : i32
    %mul3A_873 = arith.muli %add3A, %mul3A_872 : i32
    %add3A_874 = arith.constant 1 : i32
    %add3A_875 = arith.addi %mul3A_873, %add3A_874 : i32
    %dma_start3A_876 = arith.constant 4 : i32
    %dma_start3A_877 = arith.constant 32 : i32
    %dma_start3A_878 = arith.constant 0 : i32
    %dma_start3A_879 = tpu.memref_slice %arg4[%add3A_875, %dma_start3A_877, %dma_start3A_878] : memref<128x128x1024xf32, #tpu.memory_space<hbm>> -> memref<1x16x1024xf32, #tpu.memory_space<hbm>>
    %dma_start3A_880 = tpu.memref_squeeze %dma_start3A_879 : memref<1x16x1024xf32, #tpu.memory_space<hbm>> -> memref<16x1024xf32, #tpu.memory_space<hbm>>
    %dma_start3A_881 = tpu.memref_slice %arg15[%dma_start3A_876] : memref<6x!tpu.dma_semaphore, #tpu.memory_space<semaphore_mem>> -> memref<1x!tpu.dma_semaphore, #tpu.memory_space<semaphore_mem>>
    %dma_start3A_882 = tpu.memref_squeeze %dma_start3A_881 : memref<1x!tpu.dma_semaphore, #tpu.memory_space<semaphore_mem>> -> memref<!tpu.dma_semaphore, #tpu.memory_space<semaphore_mem>>
    %dma_start3A_883 = arith.constant 32 : i32
    %dma_start3A_884 = arith.constant 0 : i32
    %dma_start3A_885 = tpu.memref_slice %arg4[%add3A_875, %dma_start3A_883, %dma_start3A_884] : memref<128x128x1024xf32, #tpu.memory_space<hbm>> -> memref<1x16x1024xf32, #tpu.memory_space<hbm>>
    %dma_start3A_886 = tpu.memref_squeeze %dma_start3A_885 : memref<1x16x1024xf32, #tpu.memory_space<hbm>> -> memref<16x1024xf32, #tpu.memory_space<hbm>>
    tpu.enqueue_dma source(%dma_start3A_886 : memref<16x1024xf32, #tpu.memory_space<hbm>>) target(%arg13 : memref<16x1024xf32, #tpu.memory_space<vmem>>) target_semaphore(%dma_start3A_882 : memref<!tpu.dma_semaphore, #tpu.memory_space<semaphore_mem>>)
    %mul3A_887 = arith.constant 4 : i32
    %mul3A_888 = arith.muli %add3A, %mul3A_887 : i32
    %add3A_889 = arith.constant 1 : i32
    %add3A_890 = arith.addi %mul3A_888, %add3A_889 : i32
    %dma_wait3A_891 = arith.constant 2 : i32
    %dma_wait3A_892 = arith.constant 0 : i32
    %dma_wait3A_893 = arith.constant 0 : i32
    %dma_wait3A_894 = tpu.memref_slice %arg4[%add3A_890, %dma_wait3A_892, %dma_wait3A_893] : memref<128x128x1024xf32, #tpu.memory_space<hbm>> -> memref<1x16x1024xf32, #tpu.memory_space<hbm>>
    %dma_wait3A_895 = tpu.memref_squeeze %dma_wait3A_894 : memref<1x16x1024xf32, #tpu.memory_space<hbm>> -> memref<16x1024xf32, #tpu.memory_space<hbm>>
    %dma_wait3A_896 = tpu.memref_slice %arg15[%dma_wait3A_891] : memref<6x!tpu.dma_semaphore, #tpu.memory_space<semaphore_mem>> -> memref<1x!tpu.dma_semaphore, #tpu.memory_space<semaphore_mem>>
    %dma_wait3A_897 = tpu.memref_squeeze %dma_wait3A_896 : memref<1x!tpu.dma_semaphore, #tpu.memory_space<semaphore_mem>> -> memref<!tpu.dma_semaphore, #tpu.memory_space<semaphore_mem>>
    %dma_wait3A_898 = arith.constant 0 : i32
    %dma_wait3A_899 = arith.constant 0 : i32
    %dma_wait3A_900 = tpu.memref_slice %arg4[%add3A_890, %dma_wait3A_898, %dma_wait3A_899] : memref<128x128x1024xf32, #tpu.memory_space<hbm>> -> memref<1x16x1024xf32, #tpu.memory_space<hbm>>
    %dma_wait3A_901 = tpu.memref_squeeze %dma_wait3A_900 : memref<1x16x1024xf32, #tpu.memory_space<hbm>> -> memref<16x1024xf32, #tpu.memory_space<hbm>>
    tpu.wait_dma2 semaphore(%dma_wait3A_897 : memref<!tpu.dma_semaphore, #tpu.memory_space<semaphore_mem>>) src(%dma_wait3A_901 : memref<16x1024xf32, #tpu.memory_space<hbm>>) dst(%arg11 : memref<16x1024xf32, #tpu.memory_space<vmem>>)
    %mul3A_902 = arith.constant 4 : i32
    %mul3A_903 = arith.muli %add3A, %mul3A_902 : i32
    %add3A_904 = arith.constant 1 : i32
    %add3A_905 = arith.addi %mul3A_903, %add3A_904 : i32
    %dma_start3A_906 = arith.constant 2 : i32
    %dma_start3A_907 = arith.constant 0 : i32
    %dma_start3A_908 = arith.constant 0 : i32
    %dma_start3A_909 = tpu.memref_slice %arg5[%add3A_905, %dma_start3A_907, %dma_start3A_908] : memref<128x128x1024xf32, #tpu.memory_space<hbm>> -> memref<1x16x1024xf32, #tpu.memory_space<hbm>>
    %dma_start3A_910 = tpu.memref_squeeze %dma_start3A_909 : memref<1x16x1024xf32, #tpu.memory_space<hbm>> -> memref<16x1024xf32, #tpu.memory_space<hbm>>
    %dma_start3A_911 = tpu.memref_slice %arg16[%dma_start3A_906] : memref<6x!tpu.dma_semaphore, #tpu.memory_space<semaphore_mem>> -> memref<1x!tpu.dma_semaphore, #tpu.memory_space<semaphore_mem>>
    %dma_start3A_912 = tpu.memref_squeeze %dma_start3A_911 : memref<1x!tpu.dma_semaphore, #tpu.memory_space<semaphore_mem>> -> memref<!tpu.dma_semaphore, #tpu.memory_space<semaphore_mem>>
    %dma_start3A_913 = arith.constant 0 : i32
    %dma_start3A_914 = arith.constant 0 : i32
    %dma_start3A_915 = tpu.memref_slice %arg5[%add3A_905, %dma_start3A_913, %dma_start3A_914] : memref<128x128x1024xf32, #tpu.memory_space<hbm>> -> memref<1x16x1024xf32, #tpu.memory_space<hbm>>
    %dma_start3A_916 = tpu.memref_squeeze %dma_start3A_915 : memref<1x16x1024xf32, #tpu.memory_space<hbm>> -> memref<16x1024xf32, #tpu.memory_space<hbm>>
    tpu.enqueue_dma source(%arg11 : memref<16x1024xf32, #tpu.memory_space<vmem>>) target(%dma_start3A_916 : memref<16x1024xf32, #tpu.memory_space<hbm>>) target_semaphore(%dma_start3A_912 : memref<!tpu.dma_semaphore, #tpu.memory_space<semaphore_mem>>)
    %mul3A_917 = arith.constant 4 : i32
    %mul3A_918 = arith.muli %add3A, %mul3A_917 : i32
    %add3A_919 = arith.constant 0 : i32
    %add3A_920 = arith.addi %mul3A_918, %add3A_919 : i32
    %dma_wait3A_921 = arith.constant 0 : i32
    %dma_wait3A_922 = arith.constant 96 : i32
    %dma_wait3A_923 = arith.constant 0 : i32
    %dma_wait3A_924 = tpu.memref_slice %arg5[%add3A_920, %dma_wait3A_922, %dma_wait3A_923] : memref<128x128x1024xf32, #tpu.memory_space<hbm>> -> memref<1x16x1024xf32, #tpu.memory_space<hbm>>
    %dma_wait3A_925 = tpu.memref_squeeze %dma_wait3A_924 : memref<1x16x1024xf32, #tpu.memory_space<hbm>> -> memref<16x1024xf32, #tpu.memory_space<hbm>>
    %dma_wait3A_926 = tpu.memref_slice %arg16[%dma_wait3A_921] : memref<6x!tpu.dma_semaphore, #tpu.memory_space<semaphore_mem>> -> memref<1x!tpu.dma_semaphore, #tpu.memory_space<semaphore_mem>>
    %dma_wait3A_927 = tpu.memref_squeeze %dma_wait3A_926 : memref<1x!tpu.dma_semaphore, #tpu.memory_space<semaphore_mem>> -> memref<!tpu.dma_semaphore, #tpu.memory_space<semaphore_mem>>
    %dma_wait3A_928 = arith.constant 96 : i32
    %dma_wait3A_929 = arith.constant 0 : i32
    %dma_wait3A_930 = tpu.memref_slice %arg5[%add3A_920, %dma_wait3A_928, %dma_wait3A_929] : memref<128x128x1024xf32, #tpu.memory_space<hbm>> -> memref<1x16x1024xf32, #tpu.memory_space<hbm>>
    %dma_wait3A_931 = tpu.memref_squeeze %dma_wait3A_930 : memref<1x16x1024xf32, #tpu.memory_space<hbm>> -> memref<16x1024xf32, #tpu.memory_space<hbm>>
    tpu.wait_dma2 semaphore(%dma_wait3A_927 : memref<!tpu.dma_semaphore, #tpu.memory_space<semaphore_mem>>) src(%arg9 : memref<16x1024xf32, #tpu.memory_space<vmem>>) dst(%dma_wait3A_931 : memref<16x1024xf32, #tpu.memory_space<hbm>>)
    %mul3A_932 = arith.constant 4 : i32
    %mul3A_933 = arith.muli %add3A, %mul3A_932 : i32
    %add3A_934 = arith.constant 1 : i32
    %add3A_935 = arith.addi %mul3A_933, %add3A_934 : i32
    %dma_start3A_936 = arith.constant 5 : i32
    %dma_start3A_937 = arith.constant 48 : i32
    %dma_start3A_938 = arith.constant 0 : i32
    %dma_start3A_939 = tpu.memref_slice %arg4[%add3A_935, %dma_start3A_937, %dma_start3A_938] : memref<128x128x1024xf32, #tpu.memory_space<hbm>> -> memref<1x16x1024xf32, #tpu.memory_space<hbm>>
    %dma_start3A_940 = tpu.memref_squeeze %dma_start3A_939 : memref<1x16x1024xf32, #tpu.memory_space<hbm>> -> memref<16x1024xf32, #tpu.memory_space<hbm>>
    %dma_start3A_941 = tpu.memref_slice %arg15[%dma_start3A_936] : memref<6x!tpu.dma_semaphore, #tpu.memory_space<semaphore_mem>> -> memref<1x!tpu.dma_semaphore, #tpu.memory_space<semaphore_mem>>
    %dma_start3A_942 = tpu.memref_squeeze %dma_start3A_941 : memref<1x!tpu.dma_semaphore, #tpu.memory_space<semaphore_mem>> -> memref<!tpu.dma_semaphore, #tpu.memory_space<semaphore_mem>>
    %dma_start3A_943 = arith.constant 48 : i32
    %dma_start3A_944 = arith.constant 0 : i32
    %dma_start3A_945 = tpu.memref_slice %arg4[%add3A_935, %dma_start3A_943, %dma_start3A_944] : memref<128x128x1024xf32, #tpu.memory_space<hbm>> -> memref<1x16x1024xf32, #tpu.memory_space<hbm>>
    %dma_start3A_946 = tpu.memref_squeeze %dma_start3A_945 : memref<1x16x1024xf32, #tpu.memory_space<hbm>> -> memref<16x1024xf32, #tpu.memory_space<hbm>>
    tpu.enqueue_dma source(%dma_start3A_946 : memref<16x1024xf32, #tpu.memory_space<hbm>>) target(%arg14 : memref<16x1024xf32, #tpu.memory_space<vmem>>) target_semaphore(%dma_start3A_942 : memref<!tpu.dma_semaphore, #tpu.memory_space<semaphore_mem>>)
    %mul3A_947 = arith.constant 4 : i32
    %mul3A_948 = arith.muli %add3A, %mul3A_947 : i32
    %add3A_949 = arith.constant 1 : i32
    %add3A_950 = arith.addi %mul3A_948, %add3A_949 : i32
    %dma_wait3A_951 = arith.constant 3 : i32
    %dma_wait3A_952 = arith.constant 16 : i32
    %dma_wait3A_953 = arith.constant 0 : i32
    %dma_wait3A_954 = tpu.memref_slice %arg4[%add3A_950, %dma_wait3A_952, %dma_wait3A_953] : memref<128x128x1024xf32, #tpu.memory_space<hbm>> -> memref<1x16x1024xf32, #tpu.memory_space<hbm>>
    %dma_wait3A_955 = tpu.memref_squeeze %dma_wait3A_954 : memref<1x16x1024xf32, #tpu.memory_space<hbm>> -> memref<16x1024xf32, #tpu.memory_space<hbm>>
    %dma_wait3A_956 = tpu.memref_slice %arg15[%dma_wait3A_951] : memref<6x!tpu.dma_semaphore, #tpu.memory_space<semaphore_mem>> -> memref<1x!tpu.dma_semaphore, #tpu.memory_space<semaphore_mem>>
    %dma_wait3A_957 = tpu.memref_squeeze %dma_wait3A_956 : memref<1x!tpu.dma_semaphore, #tpu.memory_space<semaphore_mem>> -> memref<!tpu.dma_semaphore, #tpu.memory_space<semaphore_mem>>
    %dma_wait3A_958 = arith.constant 16 : i32
    %dma_wait3A_959 = arith.constant 0 : i32
    %dma_wait3A_960 = tpu.memref_slice %arg4[%add3A_950, %dma_wait3A_958, %dma_wait3A_959] : memref<128x128x1024xf32, #tpu.memory_space<hbm>> -> memref<1x16x1024xf32, #tpu.memory_space<hbm>>
    %dma_wait3A_961 = tpu.memref_squeeze %dma_wait3A_960 : memref<1x16x1024xf32, #tpu.memory_space<hbm>> -> memref<16x1024xf32, #tpu.memory_space<hbm>>
    tpu.wait_dma2 semaphore(%dma_wait3A_957 : memref<!tpu.dma_semaphore, #tpu.memory_space<semaphore_mem>>) src(%dma_wait3A_961 : memref<16x1024xf32, #tpu.memory_space<hbm>>) dst(%arg12 : memref<16x1024xf32, #tpu.memory_space<vmem>>)
    %mul3A_962 = arith.constant 4 : i32
    %mul3A_963 = arith.muli %add3A, %mul3A_962 : i32
    %add3A_964 = arith.constant 1 : i32
    %add3A_965 = arith.addi %mul3A_963, %add3A_964 : i32
    %dma_start3A_966 = arith.constant 3 : i32
    %dma_start3A_967 = arith.constant 16 : i32
    %dma_start3A_968 = arith.constant 0 : i32
    %dma_start3A_969 = tpu.memref_slice %arg5[%add3A_965, %dma_start3A_967, %dma_start3A_968] : memref<128x128x1024xf32, #tpu.memory_space<hbm>> -> memref<1x16x1024xf32, #tpu.memory_space<hbm>>
    %dma_start3A_970 = tpu.memref_squeeze %dma_start3A_969 : memref<1x16x1024xf32, #tpu.memory_space<hbm>> -> memref<16x1024xf32, #tpu.memory_space<hbm>>
    %dma_start3A_971 = tpu.memref_slice %arg16[%dma_start3A_966] : memref<6x!tpu.dma_semaphore, #tpu.memory_space<semaphore_mem>> -> memref<1x!tpu.dma_semaphore, #tpu.memory_space<semaphore_mem>>
    %dma_start3A_972 = tpu.memref_squeeze %dma_start3A_971 : memref<1x!tpu.dma_semaphore, #tpu.memory_space<semaphore_mem>> -> memref<!tpu.dma_semaphore, #tpu.memory_space<semaphore_mem>>
    %dma_start3A_973 = arith.constant 16 : i32
    %dma_start3A_974 = arith.constant 0 : i32
    %dma_start3A_975 = tpu.memref_slice %arg5[%add3A_965, %dma_start3A_973, %dma_start3A_974] : memref<128x128x1024xf32, #tpu.memory_space<hbm>> -> memref<1x16x1024xf32, #tpu.memory_space<hbm>>
    %dma_start3A_976 = tpu.memref_squeeze %dma_start3A_975 : memref<1x16x1024xf32, #tpu.memory_space<hbm>> -> memref<16x1024xf32, #tpu.memory_space<hbm>>
    tpu.enqueue_dma source(%arg12 : memref<16x1024xf32, #tpu.memory_space<vmem>>) target(%dma_start3A_976 : memref<16x1024xf32, #tpu.memory_space<hbm>>) target_semaphore(%dma_start3A_972 : memref<!tpu.dma_semaphore, #tpu.memory_space<semaphore_mem>>)
    %mul3A_977 = arith.constant 4 : i32
    %mul3A_978 = arith.muli %add3A, %mul3A_977 : i32
    %add3A_979 = arith.constant 0 : i32
    %add3A_980 = arith.addi %mul3A_978, %add3A_979 : i32
    %dma_wait3A_981 = arith.constant 1 : i32
    %dma_wait3A_982 = arith.constant 112 : i32
    %dma_wait3A_983 = arith.constant 0 : i32
    %dma_wait3A_984 = tpu.memref_slice %arg5[%add3A_980, %dma_wait3A_982, %dma_wait3A_983] : memref<128x128x1024xf32, #tpu.memory_space<hbm>> -> memref<1x16x1024xf32, #tpu.memory_space<hbm>>
    %dma_wait3A_985 = tpu.memref_squeeze %dma_wait3A_984 : memref<1x16x1024xf32, #tpu.memory_space<hbm>> -> memref<16x1024xf32, #tpu.memory_space<hbm>>
    %dma_wait3A_986 = tpu.memref_slice %arg16[%dma_wait3A_981] : memref<6x!tpu.dma_semaphore, #tpu.memory_space<semaphore_mem>> -> memref<1x!tpu.dma_semaphore, #tpu.memory_space<semaphore_mem>>
    %dma_wait3A_987 = tpu.memref_squeeze %dma_wait3A_986 : memref<1x!tpu.dma_semaphore, #tpu.memory_space<semaphore_mem>> -> memref<!tpu.dma_semaphore, #tpu.memory_space<semaphore_mem>>
    %dma_wait3A_988 = arith.constant 112 : i32
    %dma_wait3A_989 = arith.constant 0 : i32
    %dma_wait3A_990 = tpu.memref_slice %arg5[%add3A_980, %dma_wait3A_988, %dma_wait3A_989] : memref<128x128x1024xf32, #tpu.memory_space<hbm>> -> memref<1x16x1024xf32, #tpu.memory_space<hbm>>
    %dma_wait3A_991 = tpu.memref_squeeze %dma_wait3A_990 : memref<1x16x1024xf32, #tpu.memory_space<hbm>> -> memref<16x1024xf32, #tpu.memory_space<hbm>>
    tpu.wait_dma2 semaphore(%dma_wait3A_987 : memref<!tpu.dma_semaphore, #tpu.memory_space<semaphore_mem>>) src(%arg10 : memref<16x1024xf32, #tpu.memory_space<vmem>>) dst(%dma_wait3A_991 : memref<16x1024xf32, #tpu.memory_space<hbm>>)
    %mul3A_992 = arith.constant 4 : i32
    %mul3A_993 = arith.muli %add3A, %mul3A_992 : i32
    %add3A_994 = arith.constant 0 : i32
    %add3A_995 = arith.addi %mul3A_993, %add3A_994 : i32
    %slice3A = vector.extract_strided_slice %get3A_4 {offsets = [0], sizes = [1], strides = [1]} : vector<16xi32> to vector<1xi32>
    %squeeze3A = vector.extract %slice3A[0] : i32 from vector<1xi32>
    %slice3A_996 = vector.extract_strided_slice %get3A_9 {offsets = [0], sizes = [1], strides = [1]} : vector<16xi32> to vector<1xi32>
    %squeeze3A_997 = vector.extract %slice3A_996[0] : i32 from vector<1xi32>
    %sub3A = arith.constant 1 : i32
    %sub3A_998 = arith.subi %squeeze3A_997, %sub3A : i32
    %add3A_999 = arith.constant 0 : i32
    %add3A_1000 = arith.addi %squeeze3A, %add3A_999 : i32
    %min3A = arith.minsi %add3A_1000, %sub3A_998 : i32
    %dma_start3A_1001 = arith.constant 0 : i32
    %dma_start3A_1002 = tpu.memref_slice %arg5[%add3A_995, %min3A, %dma_start3A_1001] : memref<128x128x1024xf32, #tpu.memory_space<hbm>> -> memref<1x1x1024xf32, #tpu.memory_space<hbm>>
    %dma_start3A_1003 = tpu.memref_squeeze %dma_start3A_1002 : memref<1x1x1024xf32, #tpu.memory_space<hbm>> -> memref<1x1024xf32, #tpu.memory_space<hbm>>
    %dma_start3A_1004 = arith.constant 0 : i32
    %dma_start3A_1005 = tpu.memref_slice %arg5[%add3A_995, %min3A, %dma_start3A_1004] : memref<128x128x1024xf32, #tpu.memory_space<hbm>> -> memref<1x1x1024xf32, #tpu.memory_space<hbm>>
    %dma_start3A_1006 = tpu.memref_squeeze %dma_start3A_1005 : memref<1x1x1024xf32, #tpu.memory_space<hbm>> -> memref<1x1024xf32, #tpu.memory_space<hbm>>
    tpu.enqueue_dma source(%arg8 : memref<1x1024xf32, #tpu.memory_space<vmem>>) target(%dma_start3A_1006 : memref<1x1024xf32, #tpu.memory_space<hbm>>) target_semaphore(%arg17 : memref<!tpu.dma_semaphore, #tpu.memory_space<semaphore_mem>>)
    %add3A_1007 = arith.constant 1 : i32
    %add3A_1008 = arith.addi %squeeze3A, %add3A_1007 : i32
    %min3A_1009 = arith.minsi %add3A_1008, %sub3A_998 : i32
    %dma_start3A_1010 = arith.constant 0 : i32
    %dma_start3A_1011 = tpu.memref_slice %arg5[%add3A_995, %min3A_1009, %dma_start3A_1010] : memref<128x128x1024xf32, #tpu.memory_space<hbm>> -> memref<1x1x1024xf32, #tpu.memory_space<hbm>>
    %dma_start3A_1012 = tpu.memref_squeeze %dma_start3A_1011 : memref<1x1x1024xf32, #tpu.memory_space<hbm>> -> memref<1x1024xf32, #tpu.memory_space<hbm>>
    %dma_start3A_1013 = arith.constant 0 : i32
    %dma_start3A_1014 = tpu.memref_slice %arg5[%add3A_995, %min3A_1009, %dma_start3A_1013] : memref<128x128x1024xf32, #tpu.memory_space<hbm>> -> memref<1x1x1024xf32, #tpu.memory_space<hbm>>
    %dma_start3A_1015 = tpu.memref_squeeze %dma_start3A_1014 : memref<1x1x1024xf32, #tpu.memory_space<hbm>> -> memref<1x1024xf32, #tpu.memory_space<hbm>>
    tpu.enqueue_dma source(%arg8 : memref<1x1024xf32, #tpu.memory_space<vmem>>) target(%dma_start3A_1015 : memref<1x1024xf32, #tpu.memory_space<hbm>>) target_semaphore(%arg17 : memref<!tpu.dma_semaphore, #tpu.memory_space<semaphore_mem>>)
    %add3A_1016 = arith.constant 2 : i32
    %add3A_1017 = arith.addi %squeeze3A, %add3A_1016 : i32
    %min3A_1018 = arith.minsi %add3A_1017, %sub3A_998 : i32
    %dma_start3A_1019 = arith.constant 0 : i32
    %dma_start3A_1020 = tpu.memref_slice %arg5[%add3A_995, %min3A_1018, %dma_start3A_1019] : memref<128x128x1024xf32, #tpu.memory_space<hbm>> -> memref<1x1x1024xf32, #tpu.memory_space<hbm>>
    %dma_start3A_1021 = tpu.memref_squeeze %dma_start3A_1020 : memref<1x1x1024xf32, #tpu.memory_space<hbm>> -> memref<1x1024xf32, #tpu.memory_space<hbm>>
    %dma_start3A_1022 = arith.constant 0 : i32
    %dma_start3A_1023 = tpu.memref_slice %arg5[%add3A_995, %min3A_1018, %dma_start3A_1022] : memref<128x128x1024xf32, #tpu.memory_space<hbm>> -> memref<1x1x1024xf32, #tpu.memory_space<hbm>>
    %dma_start3A_1024 = tpu.memref_squeeze %dma_start3A_1023 : memref<1x1x1024xf32, #tpu.memory_space<hbm>> -> memref<1x1024xf32, #tpu.memory_space<hbm>>
    tpu.enqueue_dma source(%arg8 : memref<1x1024xf32, #tpu.memory_space<vmem>>) target(%dma_start3A_1024 : memref<1x1024xf32, #tpu.memory_space<hbm>>) target_semaphore(%arg17 : memref<!tpu.dma_semaphore, #tpu.memory_space<semaphore_mem>>)
    %add3A_1025 = arith.constant 3 : i32
    %add3A_1026 = arith.addi %squeeze3A, %add3A_1025 : i32
    %min3A_1027 = arith.minsi %add3A_1026, %sub3A_998 : i32
    %dma_start3A_1028 = arith.constant 0 : i32
    %dma_start3A_1029 = tpu.memref_slice %arg5[%add3A_995, %min3A_1027, %dma_start3A_1028] : memref<128x128x1024xf32, #tpu.memory_space<hbm>> -> memref<1x1x1024xf32, #tpu.memory_space<hbm>>
    %dma_start3A_1030 = tpu.memref_squeeze %dma_start3A_1029 : memref<1x1x1024xf32, #tpu.memory_space<hbm>> -> memref<1x1024xf32, #tpu.memory_space<hbm>>
    %dma_start3A_1031 = arith.constant 0 : i32
    %dma_start3A_1032 = tpu.memref_slice %arg5[%add3A_995, %min3A_1027, %dma_start3A_1031] : memref<128x128x1024xf32, #tpu.memory_space<hbm>> -> memref<1x1x1024xf32, #tpu.memory_space<hbm>>
    %dma_start3A_1033 = tpu.memref_squeeze %dma_start3A_1032 : memref<1x1x1024xf32, #tpu.memory_space<hbm>> -> memref<1x1024xf32, #tpu.memory_space<hbm>>
    tpu.enqueue_dma source(%arg8 : memref<1x1024xf32, #tpu.memory_space<vmem>>) target(%dma_start3A_1033 : memref<1x1024xf32, #tpu.memory_space<hbm>>) target_semaphore(%arg17 : memref<!tpu.dma_semaphore, #tpu.memory_space<semaphore_mem>>)
    %add3A_1034 = arith.constant 4 : i32
    %add3A_1035 = arith.addi %squeeze3A, %add3A_1034 : i32
    %min3A_1036 = arith.minsi %add3A_1035, %sub3A_998 : i32
    %dma_start3A_1037 = arith.constant 0 : i32
    %dma_start3A_1038 = tpu.memref_slice %arg5[%add3A_995, %min3A_1036, %dma_start3A_1037] : memref<128x128x1024xf32, #tpu.memory_space<hbm>> -> memref<1x1x1024xf32, #tpu.memory_space<hbm>>
    %dma_start3A_1039 = tpu.memref_squeeze %dma_start3A_1038 : memref<1x1x1024xf32, #tpu.memory_space<hbm>> -> memref<1x1024xf32, #tpu.memory_space<hbm>>
    %dma_start3A_1040 = arith.constant 0 : i32
    %dma_start3A_1041 = tpu.memref_slice %arg5[%add3A_995, %min3A_1036, %dma_start3A_1040] : memref<128x128x1024xf32, #tpu.memory_space<hbm>> -> memref<1x1x1024xf32, #tpu.memory_space<hbm>>
    %dma_start3A_1042 = tpu.memref_squeeze %dma_start3A_1041 : memref<1x1x1024xf32, #tpu.memory_space<hbm>> -> memref<1x1024xf32, #tpu.memory_space<hbm>>
    tpu.enqueue_dma source(%arg8 : memref<1x1024xf32, #tpu.memory_space<vmem>>) target(%dma_start3A_1042 : memref<1x1024xf32, #tpu.memory_space<hbm>>) target_semaphore(%arg17 : memref<!tpu.dma_semaphore, #tpu.memory_space<semaphore_mem>>)
    %add3A_1043 = arith.constant 5 : i32
    %add3A_1044 = arith.addi %squeeze3A, %add3A_1043 : i32
    %min3A_1045 = arith.minsi %add3A_1044, %sub3A_998 : i32
    %dma_start3A_1046 = arith.constant 0 : i32
    %dma_start3A_1047 = tpu.memref_slice %arg5[%add3A_995, %min3A_1045, %dma_start3A_1046] : memref<128x128x1024xf32, #tpu.memory_space<hbm>> -> memref<1x1x1024xf32, #tpu.memory_space<hbm>>
    %dma_start3A_1048 = tpu.memref_squeeze %dma_start3A_1047 : memref<1x1x1024xf32, #tpu.memory_space<hbm>> -> memref<1x1024xf32, #tpu.memory_space<hbm>>
    %dma_start3A_1049 = arith.constant 0 : i32
    %dma_start3A_1050 = tpu.memref_slice %arg5[%add3A_995, %min3A_1045, %dma_start3A_1049] : memref<128x128x1024xf32, #tpu.memory_space<hbm>> -> memref<1x1x1024xf32, #tpu.memory_space<hbm>>
    %dma_start3A_1051 = tpu.memref_squeeze %dma_start3A_1050 : memref<1x1x1024xf32, #tpu.memory_space<hbm>> -> memref<1x1024xf32, #tpu.memory_space<hbm>>
    tpu.enqueue_dma source(%arg8 : memref<1x1024xf32, #tpu.memory_space<vmem>>) target(%dma_start3A_1051 : memref<1x1024xf32, #tpu.memory_space<hbm>>) target_semaphore(%arg17 : memref<!tpu.dma_semaphore, #tpu.memory_space<semaphore_mem>>)
    %add3A_1052 = arith.constant 6 : i32
    %add3A_1053 = arith.addi %squeeze3A, %add3A_1052 : i32
    %min3A_1054 = arith.minsi %add3A_1053, %sub3A_998 : i32
    %dma_start3A_1055 = arith.constant 0 : i32
    %dma_start3A_1056 = tpu.memref_slice %arg5[%add3A_995, %min3A_1054, %dma_start3A_1055] : memref<128x128x1024xf32, #tpu.memory_space<hbm>> -> memref<1x1x1024xf32, #tpu.memory_space<hbm>>
    %dma_start3A_1057 = tpu.memref_squeeze %dma_start3A_1056 : memref<1x1x1024xf32, #tpu.memory_space<hbm>> -> memref<1x1024xf32, #tpu.memory_space<hbm>>
    %dma_start3A_1058 = arith.constant 0 : i32
    %dma_start3A_1059 = tpu.memref_slice %arg5[%add3A_995, %min3A_1054, %dma_start3A_1058] : memref<128x128x1024xf32, #tpu.memory_space<hbm>> -> memref<1x1x1024xf32, #tpu.memory_space<hbm>>
    %dma_start3A_1060 = tpu.memref_squeeze %dma_start3A_1059 : memref<1x1x1024xf32, #tpu.memory_space<hbm>> -> memref<1x1024xf32, #tpu.memory_space<hbm>>
    tpu.enqueue_dma source(%arg8 : memref<1x1024xf32, #tpu.memory_space<vmem>>) target(%dma_start3A_1060 : memref<1x1024xf32, #tpu.memory_space<hbm>>) target_semaphore(%arg17 : memref<!tpu.dma_semaphore, #tpu.memory_space<semaphore_mem>>)
    %mul3A_1061 = arith.constant 4 : i32
    %mul3A_1062 = arith.muli %add3A, %mul3A_1061 : i32
    %add3A_1063 = arith.constant 1 : i32
    %add3A_1064 = arith.addi %mul3A_1062, %add3A_1063 : i32
    %dma_start3A_1065 = arith.constant 0 : i32
    %dma_start3A_1066 = arith.constant 64 : i32
    %dma_start3A_1067 = arith.constant 0 : i32
    %dma_start3A_1068 = tpu.memref_slice %arg4[%add3A_1064, %dma_start3A_1066, %dma_start3A_1067] : memref<128x128x1024xf32, #tpu.memory_space<hbm>> -> memref<1x16x1024xf32, #tpu.memory_space<hbm>>
    %dma_start3A_1069 = tpu.memref_squeeze %dma_start3A_1068 : memref<1x16x1024xf32, #tpu.memory_space<hbm>> -> memref<16x1024xf32, #tpu.memory_space<hbm>>
    %dma_start3A_1070 = tpu.memref_slice %arg15[%dma_start3A_1065] : memref<6x!tpu.dma_semaphore, #tpu.memory_space<semaphore_mem>> -> memref<1x!tpu.dma_semaphore, #tpu.memory_space<semaphore_mem>>
    %dma_start3A_1071 = tpu.memref_squeeze %dma_start3A_1070 : memref<1x!tpu.dma_semaphore, #tpu.memory_space<semaphore_mem>> -> memref<!tpu.dma_semaphore, #tpu.memory_space<semaphore_mem>>
    %dma_start3A_1072 = arith.constant 64 : i32
    %dma_start3A_1073 = arith.constant 0 : i32
    %dma_start3A_1074 = tpu.memref_slice %arg4[%add3A_1064, %dma_start3A_1072, %dma_start3A_1073] : memref<128x128x1024xf32, #tpu.memory_space<hbm>> -> memref<1x16x1024xf32, #tpu.memory_space<hbm>>
    %dma_start3A_1075 = tpu.memref_squeeze %dma_start3A_1074 : memref<1x16x1024xf32, #tpu.memory_space<hbm>> -> memref<16x1024xf32, #tpu.memory_space<hbm>>
    tpu.enqueue_dma source(%dma_start3A_1075 : memref<16x1024xf32, #tpu.memory_space<hbm>>) target(%arg9 : memref<16x1024xf32, #tpu.memory_space<vmem>>) target_semaphore(%dma_start3A_1071 : memref<!tpu.dma_semaphore, #tpu.memory_space<semaphore_mem>>)
    %mul3A_1076 = arith.constant 4 : i32
    %mul3A_1077 = arith.muli %add3A, %mul3A_1076 : i32
    %add3A_1078 = arith.constant 1 : i32
    %add3A_1079 = arith.addi %mul3A_1077, %add3A_1078 : i32
    %dma_wait3A_1080 = arith.constant 4 : i32
    %dma_wait3A_1081 = arith.constant 32 : i32
    %dma_wait3A_1082 = arith.constant 0 : i32
    %dma_wait3A_1083 = tpu.memref_slice %arg4[%add3A_1079, %dma_wait3A_1081, %dma_wait3A_1082] : memref<128x128x1024xf32, #tpu.memory_space<hbm>> -> memref<1x16x1024xf32, #tpu.memory_space<hbm>>
    %dma_wait3A_1084 = tpu.memref_squeeze %dma_wait3A_1083 : memref<1x16x1024xf32, #tpu.memory_space<hbm>> -> memref<16x1024xf32, #tpu.memory_space<hbm>>
    %dma_wait3A_1085 = tpu.memref_slice %arg15[%dma_wait3A_1080] : memref<6x!tpu.dma_semaphore, #tpu.memory_space<semaphore_mem>> -> memref<1x!tpu.dma_semaphore, #tpu.memory_space<semaphore_mem>>
    %dma_wait3A_1086 = tpu.memref_squeeze %dma_wait3A_1085 : memref<1x!tpu.dma_semaphore, #tpu.memory_space<semaphore_mem>> -> memref<!tpu.dma_semaphore, #tpu.memory_space<semaphore_mem>>
    %dma_wait3A_1087 = arith.constant 32 : i32
    %dma_wait3A_1088 = arith.constant 0 : i32
    %dma_wait3A_1089 = tpu.memref_slice %arg4[%add3A_1079, %dma_wait3A_1087, %dma_wait3A_1088] : memref<128x128x1024xf32, #tpu.memory_space<hbm>> -> memref<1x16x1024xf32, #tpu.memory_space<hbm>>
    %dma_wait3A_1090 = tpu.memref_squeeze %dma_wait3A_1089 : memref<1x16x1024xf32, #tpu.memory_space<hbm>> -> memref<16x1024xf32, #tpu.memory_space<hbm>>
    tpu.wait_dma2 semaphore(%dma_wait3A_1086 : memref<!tpu.dma_semaphore, #tpu.memory_space<semaphore_mem>>) src(%dma_wait3A_1090 : memref<16x1024xf32, #tpu.memory_space<hbm>>) dst(%arg13 : memref<16x1024xf32, #tpu.memory_space<vmem>>)
    %mul3A_1091 = arith.constant 4 : i32
    %mul3A_1092 = arith.muli %add3A, %mul3A_1091 : i32
    %add3A_1093 = arith.constant 1 : i32
    %add3A_1094 = arith.addi %mul3A_1092, %add3A_1093 : i32
    %dma_start3A_1095 = arith.constant 4 : i32
    %dma_start3A_1096 = arith.constant 32 : i32
    %dma_start3A_1097 = arith.constant 0 : i32
    %dma_start3A_1098 = tpu.memref_slice %arg5[%add3A_1094, %dma_start3A_1096, %dma_start3A_1097] : memref<128x128x1024xf32, #tpu.memory_space<hbm>> -> memref<1x16x1024xf32, #tpu.memory_space<hbm>>
    %dma_start3A_1099 = tpu.memref_squeeze %dma_start3A_1098 : memref<1x16x1024xf32, #tpu.memory_space<hbm>> -> memref<16x1024xf32, #tpu.memory_space<hbm>>
    %dma_start3A_1100 = tpu.memref_slice %arg16[%dma_start3A_1095] : memref<6x!tpu.dma_semaphore, #tpu.memory_space<semaphore_mem>> -> memref<1x!tpu.dma_semaphore, #tpu.memory_space<semaphore_mem>>
    %dma_start3A_1101 = tpu.memref_squeeze %dma_start3A_1100 : memref<1x!tpu.dma_semaphore, #tpu.memory_space<semaphore_mem>> -> memref<!tpu.dma_semaphore, #tpu.memory_space<semaphore_mem>>
    %dma_start3A_1102 = arith.constant 32 : i32
    %dma_start3A_1103 = arith.constant 0 : i32
    %dma_start3A_1104 = tpu.memref_slice %arg5[%add3A_1094, %dma_start3A_1102, %dma_start3A_1103] : memref<128x128x1024xf32, #tpu.memory_space<hbm>> -> memref<1x16x1024xf32, #tpu.memory_space<hbm>>
    %dma_start3A_1105 = tpu.memref_squeeze %dma_start3A_1104 : memref<1x16x1024xf32, #tpu.memory_space<hbm>> -> memref<16x1024xf32, #tpu.memory_space<hbm>>
    tpu.enqueue_dma source(%arg13 : memref<16x1024xf32, #tpu.memory_space<vmem>>) target(%dma_start3A_1105 : memref<16x1024xf32, #tpu.memory_space<hbm>>) target_semaphore(%dma_start3A_1101 : memref<!tpu.dma_semaphore, #tpu.memory_space<semaphore_mem>>)
    %mul3A_1106 = arith.constant 4 : i32
    %mul3A_1107 = arith.muli %add3A, %mul3A_1106 : i32
    %add3A_1108 = arith.constant 1 : i32
    %add3A_1109 = arith.addi %mul3A_1107, %add3A_1108 : i32
    %dma_wait3A_1110 = arith.constant 2 : i32
    %dma_wait3A_1111 = arith.constant 0 : i32
    %dma_wait3A_1112 = arith.constant 0 : i32
    %dma_wait3A_1113 = tpu.memref_slice %arg5[%add3A_1109, %dma_wait3A_1111, %dma_wait3A_1112] : memref<128x128x1024xf32, #tpu.memory_space<hbm>> -> memref<1x16x1024xf32, #tpu.memory_space<hbm>>
    %dma_wait3A_1114 = tpu.memref_squeeze %dma_wait3A_1113 : memref<1x16x1024xf32, #tpu.memory_space<hbm>> -> memref<16x1024xf32, #tpu.memory_space<hbm>>
    %dma_wait3A_1115 = tpu.memref_slice %arg16[%dma_wait3A_1110] : memref<6x!tpu.dma_semaphore, #tpu.memory_space<semaphore_mem>> -> memref<1x!tpu.dma_semaphore, #tpu.memory_space<semaphore_mem>>
    %dma_wait3A_1116 = tpu.memref_squeeze %dma_wait3A_1115 : memref<1x!tpu.dma_semaphore, #tpu.memory_space<semaphore_mem>> -> memref<!tpu.dma_semaphore, #tpu.memory_space<semaphore_mem>>
    %dma_wait3A_1117 = arith.constant 0 : i32
    %dma_wait3A_1118 = arith.constant 0 : i32
    %dma_wait3A_1119 = tpu.memref_slice %arg5[%add3A_1109, %dma_wait3A_1117, %dma_wait3A_1118] : memref<128x128x1024xf32, #tpu.memory_space<hbm>> -> memref<1x16x1024xf32, #tpu.memory_space<hbm>>
    %dma_wait3A_1120 = tpu.memref_squeeze %dma_wait3A_1119 : memref<1x16x1024xf32, #tpu.memory_space<hbm>> -> memref<16x1024xf32, #tpu.memory_space<hbm>>
    tpu.wait_dma2 semaphore(%dma_wait3A_1116 : memref<!tpu.dma_semaphore, #tpu.memory_space<semaphore_mem>>) src(%arg11 : memref<16x1024xf32, #tpu.memory_space<vmem>>) dst(%dma_wait3A_1120 : memref<16x1024xf32, #tpu.memory_space<hbm>>)
    %mul3A_1121 = arith.constant 4 : i32
    %mul3A_1122 = arith.muli %add3A, %mul3A_1121 : i32
    %add3A_1123 = arith.constant 1 : i32
    %add3A_1124 = arith.addi %mul3A_1122, %add3A_1123 : i32
    %dma_start3A_1125 = arith.constant 1 : i32
    %dma_start3A_1126 = arith.constant 80 : i32
    %dma_start3A_1127 = arith.constant 0 : i32
    %dma_start3A_1128 = tpu.memref_slice %arg4[%add3A_1124, %dma_start3A_1126, %dma_start3A_1127] : memref<128x128x1024xf32, #tpu.memory_space<hbm>> -> memref<1x16x1024xf32, #tpu.memory_space<hbm>>
    %dma_start3A_1129 = tpu.memref_squeeze %dma_start3A_1128 : memref<1x16x1024xf32, #tpu.memory_space<hbm>> -> memref<16x1024xf32, #tpu.memory_space<hbm>>
    %dma_start3A_1130 = tpu.memref_slice %arg15[%dma_start3A_1125] : memref<6x!tpu.dma_semaphore, #tpu.memory_space<semaphore_mem>> -> memref<1x!tpu.dma_semaphore, #tpu.memory_space<semaphore_mem>>
    %dma_start3A_1131 = tpu.memref_squeeze %dma_start3A_1130 : memref<1x!tpu.dma_semaphore, #tpu.memory_space<semaphore_mem>> -> memref<!tpu.dma_semaphore, #tpu.memory_space<semaphore_mem>>
    %dma_start3A_1132 = arith.constant 80 : i32
    %dma_start3A_1133 = arith.constant 0 : i32
    %dma_start3A_1134 = tpu.memref_slice %arg4[%add3A_1124, %dma_start3A_1132, %dma_start3A_1133] : memref<128x128x1024xf32, #tpu.memory_space<hbm>> -> memref<1x16x1024xf32, #tpu.memory_space<hbm>>
    %dma_start3A_1135 = tpu.memref_squeeze %dma_start3A_1134 : memref<1x16x1024xf32, #tpu.memory_space<hbm>> -> memref<16x1024xf32, #tpu.memory_space<hbm>>
    tpu.enqueue_dma source(%dma_start3A_1135 : memref<16x1024xf32, #tpu.memory_space<hbm>>) target(%arg10 : memref<16x1024xf32, #tpu.memory_space<vmem>>) target_semaphore(%dma_start3A_1131 : memref<!tpu.dma_semaphore, #tpu.memory_space<semaphore_mem>>)
    %mul3A_1136 = arith.constant 4 : i32
    %mul3A_1137 = arith.muli %add3A, %mul3A_1136 : i32
    %add3A_1138 = arith.constant 1 : i32
    %add3A_1139 = arith.addi %mul3A_1137, %add3A_1138 : i32
    %dma_wait3A_1140 = arith.constant 5 : i32
    %dma_wait3A_1141 = arith.constant 48 : i32
    %dma_wait3A_1142 = arith.constant 0 : i32
    %dma_wait3A_1143 = tpu.memref_slice %arg4[%add3A_1139, %dma_wait3A_1141, %dma_wait3A_1142] : memref<128x128x1024xf32, #tpu.memory_space<hbm>> -> memref<1x16x1024xf32, #tpu.memory_space<hbm>>
    %dma_wait3A_1144 = tpu.memref_squeeze %dma_wait3A_1143 : memref<1x16x1024xf32, #tpu.memory_space<hbm>> -> memref<16x1024xf32, #tpu.memory_space<hbm>>
    %dma_wait3A_1145 = tpu.memref_slice %arg15[%dma_wait3A_1140] : memref<6x!tpu.dma_semaphore, #tpu.memory_space<semaphore_mem>> -> memref<1x!tpu.dma_semaphore, #tpu.memory_space<semaphore_mem>>
    %dma_wait3A_1146 = tpu.memref_squeeze %dma_wait3A_1145 : memref<1x!tpu.dma_semaphore, #tpu.memory_space<semaphore_mem>> -> memref<!tpu.dma_semaphore, #tpu.memory_space<semaphore_mem>>
    %dma_wait3A_1147 = arith.constant 48 : i32
    %dma_wait3A_1148 = arith.constant 0 : i32
    %dma_wait3A_1149 = tpu.memref_slice %arg4[%add3A_1139, %dma_wait3A_1147, %dma_wait3A_1148] : memref<128x128x1024xf32, #tpu.memory_space<hbm>> -> memref<1x16x1024xf32, #tpu.memory_space<hbm>>
    %dma_wait3A_1150 = tpu.memref_squeeze %dma_wait3A_1149 : memref<1x16x1024xf32, #tpu.memory_space<hbm>> -> memref<16x1024xf32, #tpu.memory_space<hbm>>
    tpu.wait_dma2 semaphore(%dma_wait3A_1146 : memref<!tpu.dma_semaphore, #tpu.memory_space<semaphore_mem>>) src(%dma_wait3A_1150 : memref<16x1024xf32, #tpu.memory_space<hbm>>) dst(%arg14 : memref<16x1024xf32, #tpu.memory_space<vmem>>)
    %mul3A_1151 = arith.constant 4 : i32
    %mul3A_1152 = arith.muli %add3A, %mul3A_1151 : i32
    %add3A_1153 = arith.constant 1 : i32
    %add3A_1154 = arith.addi %mul3A_1152, %add3A_1153 : i32
    %dma_start3A_1155 = arith.constant 5 : i32
    %dma_start3A_1156 = arith.constant 48 : i32
    %dma_start3A_1157 = arith.constant 0 : i32
    %dma_start3A_1158 = tpu.memref_slice %arg5[%add3A_1154, %dma_start3A_1156, %dma_start3A_1157] : memref<128x128x1024xf32, #tpu.memory_space<hbm>> -> memref<1x16x1024xf32, #tpu.memory_space<hbm>>
    %dma_start3A_1159 = tpu.memref_squeeze %dma_start3A_1158 : memref<1x16x1024xf32, #tpu.memory_space<hbm>> -> memref<16x1024xf32, #tpu.memory_space<hbm>>
    %dma_start3A_1160 = tpu.memref_slice %arg16[%dma_start3A_1155] : memref<6x!tpu.dma_semaphore, #tpu.memory_space<semaphore_mem>> -> memref<1x!tpu.dma_semaphore, #tpu.memory_space<semaphore_mem>>
    %dma_start3A_1161 = tpu.memref_squeeze %dma_start3A_1160 : memref<1x!tpu.dma_semaphore, #tpu.memory_space<semaphore_mem>> -> memref<!tpu.dma_semaphore, #tpu.memory_space<semaphore_mem>>
    %dma_start3A_1162 = arith.constant 48 : i32
    %dma_start3A_1163 = arith.constant 0 : i32
    %dma_start3A_1164 = tpu.memref_slice %arg5[%add3A_1154, %dma_start3A_1162, %dma_start3A_1163] : memref<128x128x1024xf32, #tpu.memory_space<hbm>> -> memref<1x16x1024xf32, #tpu.memory_space<hbm>>
    %dma_start3A_1165 = tpu.memref_squeeze %dma_start3A_1164 : memref<1x16x1024xf32, #tpu.memory_space<hbm>> -> memref<16x1024xf32, #tpu.memory_space<hbm>>
    tpu.enqueue_dma source(%arg14 : memref<16x1024xf32, #tpu.memory_space<vmem>>) target(%dma_start3A_1165 : memref<16x1024xf32, #tpu.memory_space<hbm>>) target_semaphore(%dma_start3A_1161 : memref<!tpu.dma_semaphore, #tpu.memory_space<semaphore_mem>>)
    %mul3A_1166 = arith.constant 4 : i32
    %mul3A_1167 = arith.muli %add3A, %mul3A_1166 : i32
    %add3A_1168 = arith.constant 1 : i32
    %add3A_1169 = arith.addi %mul3A_1167, %add3A_1168 : i32
    %dma_wait3A_1170 = arith.constant 3 : i32
    %dma_wait3A_1171 = arith.constant 16 : i32
    %dma_wait3A_1172 = arith.constant 0 : i32
    %dma_wait3A_1173 = tpu.memref_slice %arg5[%add3A_1169, %dma_wait3A_1171, %dma_wait3A_1172] : memref<128x128x1024xf32, #tpu.memory_space<hbm>> -> memref<1x16x1024xf32, #tpu.memory_space<hbm>>
    %dma_wait3A_1174 = tpu.memref_squeeze %dma_wait3A_1173 : memref<1x16x1024xf32, #tpu.memory_space<hbm>> -> memref<16x1024xf32, #tpu.memory_space<hbm>>
    %dma_wait3A_1175 = tpu.memref_slice %arg16[%dma_wait3A_1170] : memref<6x!tpu.dma_semaphore, #tpu.memory_space<semaphore_mem>> -> memref<1x!tpu.dma_semaphore, #tpu.memory_space<semaphore_mem>>
    %dma_wait3A_1176 = tpu.memref_squeeze %dma_wait3A_1175 : memref<1x!tpu.dma_semaphore, #tpu.memory_space<semaphore_mem>> -> memref<!tpu.dma_semaphore, #tpu.memory_space<semaphore_mem>>
    %dma_wait3A_1177 = arith.constant 16 : i32
    %dma_wait3A_1178 = arith.constant 0 : i32
    %dma_wait3A_1179 = tpu.memref_slice %arg5[%add3A_1169, %dma_wait3A_1177, %dma_wait3A_1178] : memref<128x128x1024xf32, #tpu.memory_space<hbm>> -> memref<1x16x1024xf32, #tpu.memory_space<hbm>>
    %dma_wait3A_1180 = tpu.memref_squeeze %dma_wait3A_1179 : memref<1x16x1024xf32, #tpu.memory_space<hbm>> -> memref<16x1024xf32, #tpu.memory_space<hbm>>
    tpu.wait_dma2 semaphore(%dma_wait3A_1176 : memref<!tpu.dma_semaphore, #tpu.memory_space<semaphore_mem>>) src(%arg12 : memref<16x1024xf32, #tpu.memory_space<vmem>>) dst(%dma_wait3A_1180 : memref<16x1024xf32, #tpu.memory_space<hbm>>)
    %mul3A_1181 = arith.constant 4 : i32
    %mul3A_1182 = arith.muli %add3A, %mul3A_1181 : i32
    %add3A_1183 = arith.constant 1 : i32
    %add3A_1184 = arith.addi %mul3A_1182, %add3A_1183 : i32
    %dma_start3A_1185 = arith.constant 2 : i32
    %dma_start3A_1186 = arith.constant 96 : i32
    %dma_start3A_1187 = arith.constant 0 : i32
    %dma_start3A_1188 = tpu.memref_slice %arg4[%add3A_1184, %dma_start3A_1186, %dma_start3A_1187] : memref<128x128x1024xf32, #tpu.memory_space<hbm>> -> memref<1x16x1024xf32, #tpu.memory_space<hbm>>
    %dma_start3A_1189 = tpu.memref_squeeze %dma_start3A_1188 : memref<1x16x1024xf32, #tpu.memory_space<hbm>> -> memref<16x1024xf32, #tpu.memory_space<hbm>>
    %dma_start3A_1190 = tpu.memref_slice %arg15[%dma_start3A_1185] : memref<6x!tpu.dma_semaphore, #tpu.memory_space<semaphore_mem>> -> memref<1x!tpu.dma_semaphore, #tpu.memory_space<semaphore_mem>>
    %dma_start3A_1191 = tpu.memref_squeeze %dma_start3A_1190 : memref<1x!tpu.dma_semaphore, #tpu.memory_space<semaphore_mem>> -> memref<!tpu.dma_semaphore, #tpu.memory_space<semaphore_mem>>
    %dma_start3A_1192 = arith.constant 96 : i32
    %dma_start3A_1193 = arith.constant 0 : i32
    %dma_start3A_1194 = tpu.memref_slice %arg4[%add3A_1184, %dma_start3A_1192, %dma_start3A_1193] : memref<128x128x1024xf32, #tpu.memory_space<hbm>> -> memref<1x16x1024xf32, #tpu.memory_space<hbm>>
    %dma_start3A_1195 = tpu.memref_squeeze %dma_start3A_1194 : memref<1x16x1024xf32, #tpu.memory_space<hbm>> -> memref<16x1024xf32, #tpu.memory_space<hbm>>
    tpu.enqueue_dma source(%dma_start3A_1195 : memref<16x1024xf32, #tpu.memory_space<hbm>>) target(%arg11 : memref<16x1024xf32, #tpu.memory_space<vmem>>) target_semaphore(%dma_start3A_1191 : memref<!tpu.dma_semaphore, #tpu.memory_space<semaphore_mem>>)
    %mul3A_1196 = arith.constant 4 : i32
    %mul3A_1197 = arith.muli %add3A, %mul3A_1196 : i32
    %add3A_1198 = arith.constant 1 : i32
    %add3A_1199 = arith.addi %mul3A_1197, %add3A_1198 : i32
    %dma_wait3A_1200 = arith.constant 0 : i32
    %dma_wait3A_1201 = arith.constant 64 : i32
    %dma_wait3A_1202 = arith.constant 0 : i32
    %dma_wait3A_1203 = tpu.memref_slice %arg4[%add3A_1199, %dma_wait3A_1201, %dma_wait3A_1202] : memref<128x128x1024xf32, #tpu.memory_space<hbm>> -> memref<1x16x1024xf32, #tpu.memory_space<hbm>>
    %dma_wait3A_1204 = tpu.memref_squeeze %dma_wait3A_1203 : memref<1x16x1024xf32, #tpu.memory_space<hbm>> -> memref<16x1024xf32, #tpu.memory_space<hbm>>
    %dma_wait3A_1205 = tpu.memref_slice %arg15[%dma_wait3A_1200] : memref<6x!tpu.dma_semaphore, #tpu.memory_space<semaphore_mem>> -> memref<1x!tpu.dma_semaphore, #tpu.memory_space<semaphore_mem>>
    %dma_wait3A_1206 = tpu.memref_squeeze %dma_wait3A_1205 : memref<1x!tpu.dma_semaphore, #tpu.memory_space<semaphore_mem>> -> memref<!tpu.dma_semaphore, #tpu.memory_space<semaphore_mem>>
    %dma_wait3A_1207 = arith.constant 64 : i32
    %dma_wait3A_1208 = arith.constant 0 : i32
    %dma_wait3A_1209 = tpu.memref_slice %arg4[%add3A_1199, %dma_wait3A_1207, %dma_wait3A_1208] : memref<128x128x1024xf32, #tpu.memory_space<hbm>> -> memref<1x16x1024xf32, #tpu.memory_space<hbm>>
    %dma_wait3A_1210 = tpu.memref_squeeze %dma_wait3A_1209 : memref<1x16x1024xf32, #tpu.memory_space<hbm>> -> memref<16x1024xf32, #tpu.memory_space<hbm>>
    tpu.wait_dma2 semaphore(%dma_wait3A_1206 : memref<!tpu.dma_semaphore, #tpu.memory_space<semaphore_mem>>) src(%dma_wait3A_1210 : memref<16x1024xf32, #tpu.memory_space<hbm>>) dst(%arg9 : memref<16x1024xf32, #tpu.memory_space<vmem>>)
    %mul3A_1211 = arith.constant 4 : i32
    %mul3A_1212 = arith.muli %add3A, %mul3A_1211 : i32
    %add3A_1213 = arith.constant 1 : i32
    %add3A_1214 = arith.addi %mul3A_1212, %add3A_1213 : i32
    %dma_start3A_1215 = arith.constant 0 : i32
    %dma_start3A_1216 = arith.constant 64 : i32
    %dma_start3A_1217 = arith.constant 0 : i32
    %dma_start3A_1218 = tpu.memref_slice %arg5[%add3A_1214, %dma_start3A_1216, %dma_start3A_1217] : memref<128x128x1024xf32, #tpu.memory_space<hbm>> -> memref<1x16x1024xf32, #tpu.memory_space<hbm>>
    %dma_start3A_1219 = tpu.memref_squeeze %dma_start3A_1218 : memref<1x16x1024xf32, #tpu.memory_space<hbm>> -> memref<16x1024xf32, #tpu.memory_space<hbm>>
    %dma_start3A_1220 = tpu.memref_slice %arg16[%dma_start3A_1215] : memref<6x!tpu.dma_semaphore, #tpu.memory_space<semaphore_mem>> -> memref<1x!tpu.dma_semaphore, #tpu.memory_space<semaphore_mem>>
    %dma_start3A_1221 = tpu.memref_squeeze %dma_start3A_1220 : memref<1x!tpu.dma_semaphore, #tpu.memory_space<semaphore_mem>> -> memref<!tpu.dma_semaphore, #tpu.memory_space<semaphore_mem>>
    %dma_start3A_1222 = arith.constant 64 : i32
    %dma_start3A_1223 = arith.constant 0 : i32
    %dma_start3A_1224 = tpu.memref_slice %arg5[%add3A_1214, %dma_start3A_1222, %dma_start3A_1223] : memref<128x128x1024xf32, #tpu.memory_space<hbm>> -> memref<1x16x1024xf32, #tpu.memory_space<hbm>>
    %dma_start3A_1225 = tpu.memref_squeeze %dma_start3A_1224 : memref<1x16x1024xf32, #tpu.memory_space<hbm>> -> memref<16x1024xf32, #tpu.memory_space<hbm>>
    tpu.enqueue_dma source(%arg9 : memref<16x1024xf32, #tpu.memory_space<vmem>>) target(%dma_start3A_1225 : memref<16x1024xf32, #tpu.memory_space<hbm>>) target_semaphore(%dma_start3A_1221 : memref<!tpu.dma_semaphore, #tpu.memory_space<semaphore_mem>>)
    %mul3A_1226 = arith.constant 4 : i32
    %mul3A_1227 = arith.muli %add3A, %mul3A_1226 : i32
    %add3A_1228 = arith.constant 1 : i32
    %add3A_1229 = arith.addi %mul3A_1227, %add3A_1228 : i32
    %dma_wait3A_1230 = arith.constant 4 : i32
    %dma_wait3A_1231 = arith.constant 32 : i32
    %dma_wait3A_1232 = arith.constant 0 : i32
    %dma_wait3A_1233 = tpu.memref_slice %arg5[%add3A_1229, %dma_wait3A_1231, %dma_wait3A_1232] : memref<128x128x1024xf32, #tpu.memory_space<hbm>> -> memref<1x16x1024xf32, #tpu.memory_space<hbm>>
    %dma_wait3A_1234 = tpu.memref_squeeze %dma_wait3A_1233 : memref<1x16x1024xf32, #tpu.memory_space<hbm>> -> memref<16x1024xf32, #tpu.memory_space<hbm>>
    %dma_wait3A_1235 = tpu.memref_slice %arg16[%dma_wait3A_1230] : memref<6x!tpu.dma_semaphore, #tpu.memory_space<semaphore_mem>> -> memref<1x!tpu.dma_semaphore, #tpu.memory_space<semaphore_mem>>
    %dma_wait3A_1236 = tpu.memref_squeeze %dma_wait3A_1235 : memref<1x!tpu.dma_semaphore, #tpu.memory_space<semaphore_mem>> -> memref<!tpu.dma_semaphore, #tpu.memory_space<semaphore_mem>>
    %dma_wait3A_1237 = arith.constant 32 : i32
    %dma_wait3A_1238 = arith.constant 0 : i32
    %dma_wait3A_1239 = tpu.memref_slice %arg5[%add3A_1229, %dma_wait3A_1237, %dma_wait3A_1238] : memref<128x128x1024xf32, #tpu.memory_space<hbm>> -> memref<1x16x1024xf32, #tpu.memory_space<hbm>>
    %dma_wait3A_1240 = tpu.memref_squeeze %dma_wait3A_1239 : memref<1x16x1024xf32, #tpu.memory_space<hbm>> -> memref<16x1024xf32, #tpu.memory_space<hbm>>
    tpu.wait_dma2 semaphore(%dma_wait3A_1236 : memref<!tpu.dma_semaphore, #tpu.memory_space<semaphore_mem>>) src(%arg13 : memref<16x1024xf32, #tpu.memory_space<vmem>>) dst(%dma_wait3A_1240 : memref<16x1024xf32, #tpu.memory_space<hbm>>)
    %mul3A_1241 = arith.constant 4 : i32
    %mul3A_1242 = arith.muli %add3A, %mul3A_1241 : i32
    %add3A_1243 = arith.constant 1 : i32
    %add3A_1244 = arith.addi %mul3A_1242, %add3A_1243 : i32
    %dma_start3A_1245 = arith.constant 3 : i32
    %dma_start3A_1246 = arith.constant 112 : i32
    %dma_start3A_1247 = arith.constant 0 : i32
    %dma_start3A_1248 = tpu.memref_slice %arg4[%add3A_1244, %dma_start3A_1246, %dma_start3A_1247] : memref<128x128x1024xf32, #tpu.memory_space<hbm>> -> memref<1x16x1024xf32, #tpu.memory_space<hbm>>
    %dma_start3A_1249 = tpu.memref_squeeze %dma_start3A_1248 : memref<1x16x1024xf32, #tpu.memory_space<hbm>> -> memref<16x1024xf32, #tpu.memory_space<hbm>>
    %dma_start3A_1250 = tpu.memref_slice %arg15[%dma_start3A_1245] : memref<6x!tpu.dma_semaphore, #tpu.memory_space<semaphore_mem>> -> memref<1x!tpu.dma_semaphore, #tpu.memory_space<semaphore_mem>>
    %dma_start3A_1251 = tpu.memref_squeeze %dma_start3A_1250 : memref<1x!tpu.dma_semaphore, #tpu.memory_space<semaphore_mem>> -> memref<!tpu.dma_semaphore, #tpu.memory_space<semaphore_mem>>
    %dma_start3A_1252 = arith.constant 112 : i32
    %dma_start3A_1253 = arith.constant 0 : i32
    %dma_start3A_1254 = tpu.memref_slice %arg4[%add3A_1244, %dma_start3A_1252, %dma_start3A_1253] : memref<128x128x1024xf32, #tpu.memory_space<hbm>> -> memref<1x16x1024xf32, #tpu.memory_space<hbm>>
    %dma_start3A_1255 = tpu.memref_squeeze %dma_start3A_1254 : memref<1x16x1024xf32, #tpu.memory_space<hbm>> -> memref<16x1024xf32, #tpu.memory_space<hbm>>
    tpu.enqueue_dma source(%dma_start3A_1255 : memref<16x1024xf32, #tpu.memory_space<hbm>>) target(%arg12 : memref<16x1024xf32, #tpu.memory_space<vmem>>) target_semaphore(%dma_start3A_1251 : memref<!tpu.dma_semaphore, #tpu.memory_space<semaphore_mem>>)
    %mul3A_1256 = arith.constant 4 : i32
    %mul3A_1257 = arith.muli %add3A, %mul3A_1256 : i32
    %add3A_1258 = arith.constant 1 : i32
    %add3A_1259 = arith.addi %mul3A_1257, %add3A_1258 : i32
    %dma_wait3A_1260 = arith.constant 1 : i32
    %dma_wait3A_1261 = arith.constant 80 : i32
    %dma_wait3A_1262 = arith.constant 0 : i32
    %dma_wait3A_1263 = tpu.memref_slice %arg4[%add3A_1259, %dma_wait3A_1261, %dma_wait3A_1262] : memref<128x128x1024xf32, #tpu.memory_space<hbm>> -> memref<1x16x1024xf32, #tpu.memory_space<hbm>>
    %dma_wait3A_1264 = tpu.memref_squeeze %dma_wait3A_1263 : memref<1x16x1024xf32, #tpu.memory_space<hbm>> -> memref<16x1024xf32, #tpu.memory_space<hbm>>
    %dma_wait3A_1265 = tpu.memref_slice %arg15[%dma_wait3A_1260] : memref<6x!tpu.dma_semaphore, #tpu.memory_space<semaphore_mem>> -> memref<1x!tpu.dma_semaphore, #tpu.memory_space<semaphore_mem>>
    %dma_wait3A_1266 = tpu.memref_squeeze %dma_wait3A_1265 : memref<1x!tpu.dma_semaphore, #tpu.memory_space<semaphore_mem>> -> memref<!tpu.dma_semaphore, #tpu.memory_space<semaphore_mem>>
    %dma_wait3A_1267 = arith.constant 80 : i32
    %dma_wait3A_1268 = arith.constant 0 : i32
    %dma_wait3A_1269 = tpu.memref_slice %arg4[%add3A_1259, %dma_wait3A_1267, %dma_wait3A_1268] : memref<128x128x1024xf32, #tpu.memory_space<hbm>> -> memref<1x16x1024xf32, #tpu.memory_space<hbm>>
    %dma_wait3A_1270 = tpu.memref_squeeze %dma_wait3A_1269 : memref<1x16x1024xf32, #tpu.memory_space<hbm>> -> memref<16x1024xf32, #tpu.memory_space<hbm>>
    tpu.wait_dma2 semaphore(%dma_wait3A_1266 : memref<!tpu.dma_semaphore, #tpu.memory_space<semaphore_mem>>) src(%dma_wait3A_1270 : memref<16x1024xf32, #tpu.memory_space<hbm>>) dst(%arg10 : memref<16x1024xf32, #tpu.memory_space<vmem>>)
    %mul3A_1271 = arith.constant 4 : i32
    %mul3A_1272 = arith.muli %add3A, %mul3A_1271 : i32
    %add3A_1273 = arith.constant 1 : i32
    %add3A_1274 = arith.addi %mul3A_1272, %add3A_1273 : i32
    %dma_start3A_1275 = arith.constant 1 : i32
    %dma_start3A_1276 = arith.constant 80 : i32
    %dma_start3A_1277 = arith.constant 0 : i32
    %dma_start3A_1278 = tpu.memref_slice %arg5[%add3A_1274, %dma_start3A_1276, %dma_start3A_1277] : memref<128x128x1024xf32, #tpu.memory_space<hbm>> -> memref<1x16x1024xf32, #tpu.memory_space<hbm>>
    %dma_start3A_1279 = tpu.memref_squeeze %dma_start3A_1278 : memref<1x16x1024xf32, #tpu.memory_space<hbm>> -> memref<16x1024xf32, #tpu.memory_space<hbm>>
    %dma_start3A_1280 = tpu.memref_slice %arg16[%dma_start3A_1275] : memref<6x!tpu.dma_semaphore, #tpu.memory_space<semaphore_mem>> -> memref<1x!tpu.dma_semaphore, #tpu.memory_space<semaphore_mem>>
    %dma_start3A_1281 = tpu.memref_squeeze %dma_start3A_1280 : memref<1x!tpu.dma_semaphore, #tpu.memory_space<semaphore_mem>> -> memref<!tpu.dma_semaphore, #tpu.memory_space<semaphore_mem>>
    %dma_start3A_1282 = arith.constant 80 : i32
    %dma_start3A_1283 = arith.constant 0 : i32
    %dma_start3A_1284 = tpu.memref_slice %arg5[%add3A_1274, %dma_start3A_1282, %dma_start3A_1283] : memref<128x128x1024xf32, #tpu.memory_space<hbm>> -> memref<1x16x1024xf32, #tpu.memory_space<hbm>>
    %dma_start3A_1285 = tpu.memref_squeeze %dma_start3A_1284 : memref<1x16x1024xf32, #tpu.memory_space<hbm>> -> memref<16x1024xf32, #tpu.memory_space<hbm>>
    tpu.enqueue_dma source(%arg10 : memref<16x1024xf32, #tpu.memory_space<vmem>>) target(%dma_start3A_1285 : memref<16x1024xf32, #tpu.memory_space<hbm>>) target_semaphore(%dma_start3A_1281 : memref<!tpu.dma_semaphore, #tpu.memory_space<semaphore_mem>>)
    %mul3A_1286 = arith.constant 4 : i32
    %mul3A_1287 = arith.muli %add3A, %mul3A_1286 : i32
    %add3A_1288 = arith.constant 1 : i32
    %add3A_1289 = arith.addi %mul3A_1287, %add3A_1288 : i32
    %dma_wait3A_1290 = arith.constant 5 : i32
    %dma_wait3A_1291 = arith.constant 48 : i32
    %dma_wait3A_1292 = arith.constant 0 : i32
    %dma_wait3A_1293 = tpu.memref_slice %arg5[%add3A_1289, %dma_wait3A_1291, %dma_wait3A_1292] : memref<128x128x1024xf32, #tpu.memory_space<hbm>> -> memref<1x16x1024xf32, #tpu.memory_space<hbm>>
    %dma_wait3A_1294 = tpu.memref_squeeze %dma_wait3A_1293 : memref<1x16x1024xf32, #tpu.memory_space<hbm>> -> memref<16x1024xf32, #tpu.memory_space<hbm>>
    %dma_wait3A_1295 = tpu.memref_slice %arg16[%dma_wait3A_1290] : memref<6x!tpu.dma_semaphore, #tpu.memory_space<semaphore_mem>> -> memref<1x!tpu.dma_semaphore, #tpu.memory_space<semaphore_mem>>
    %dma_wait3A_1296 = tpu.memref_squeeze %dma_wait3A_1295 : memref<1x!tpu.dma_semaphore, #tpu.memory_space<semaphore_mem>> -> memref<!tpu.dma_semaphore, #tpu.memory_space<semaphore_mem>>
    %dma_wait3A_1297 = arith.constant 48 : i32
    %dma_wait3A_1298 = arith.constant 0 : i32
    %dma_wait3A_1299 = tpu.memref_slice %arg5[%add3A_1289, %dma_wait3A_1297, %dma_wait3A_1298] : memref<128x128x1024xf32, #tpu.memory_space<hbm>> -> memref<1x16x1024xf32, #tpu.memory_space<hbm>>
    %dma_wait3A_1300 = tpu.memref_squeeze %dma_wait3A_1299 : memref<1x16x1024xf32, #tpu.memory_space<hbm>> -> memref<16x1024xf32, #tpu.memory_space<hbm>>
    tpu.wait_dma2 semaphore(%dma_wait3A_1296 : memref<!tpu.dma_semaphore, #tpu.memory_space<semaphore_mem>>) src(%arg14 : memref<16x1024xf32, #tpu.memory_space<vmem>>) dst(%dma_wait3A_1300 : memref<16x1024xf32, #tpu.memory_space<hbm>>)
    %mul3A_1301 = arith.constant 4 : i32
    %mul3A_1302 = arith.muli %add3A, %mul3A_1301 : i32
    %add3A_1303 = arith.constant 2 : i32
    %add3A_1304 = arith.addi %mul3A_1302, %add3A_1303 : i32
    %dma_start3A_1305 = arith.constant 4 : i32
    %dma_start3A_1306 = arith.constant 0 : i32
    %dma_start3A_1307 = arith.constant 0 : i32
    %dma_start3A_1308 = tpu.memref_slice %arg4[%add3A_1304, %dma_start3A_1306, %dma_start3A_1307] : memref<128x128x1024xf32, #tpu.memory_space<hbm>> -> memref<1x16x1024xf32, #tpu.memory_space<hbm>>
    %dma_start3A_1309 = tpu.memref_squeeze %dma_start3A_1308 : memref<1x16x1024xf32, #tpu.memory_space<hbm>> -> memref<16x1024xf32, #tpu.memory_space<hbm>>
    %dma_start3A_1310 = tpu.memref_slice %arg15[%dma_start3A_1305] : memref<6x!tpu.dma_semaphore, #tpu.memory_space<semaphore_mem>> -> memref<1x!tpu.dma_semaphore, #tpu.memory_space<semaphore_mem>>
    %dma_start3A_1311 = tpu.memref_squeeze %dma_start3A_1310 : memref<1x!tpu.dma_semaphore, #tpu.memory_space<semaphore_mem>> -> memref<!tpu.dma_semaphore, #tpu.memory_space<semaphore_mem>>
    %dma_start3A_1312 = arith.constant 0 : i32
    %dma_start3A_1313 = arith.constant 0 : i32
    %dma_start3A_1314 = tpu.memref_slice %arg4[%add3A_1304, %dma_start3A_1312, %dma_start3A_1313] : memref<128x128x1024xf32, #tpu.memory_space<hbm>> -> memref<1x16x1024xf32, #tpu.memory_space<hbm>>
    %dma_start3A_1315 = tpu.memref_squeeze %dma_start3A_1314 : memref<1x16x1024xf32, #tpu.memory_space<hbm>> -> memref<16x1024xf32, #tpu.memory_space<hbm>>
    tpu.enqueue_dma source(%dma_start3A_1315 : memref<16x1024xf32, #tpu.memory_space<hbm>>) target(%arg13 : memref<16x1024xf32, #tpu.memory_space<vmem>>) target_semaphore(%dma_start3A_1311 : memref<!tpu.dma_semaphore, #tpu.memory_space<semaphore_mem>>)
    %mul3A_1316 = arith.constant 4 : i32
    %mul3A_1317 = arith.muli %add3A, %mul3A_1316 : i32
    %add3A_1318 = arith.constant 1 : i32
    %add3A_1319 = arith.addi %mul3A_1317, %add3A_1318 : i32
    %dma_wait3A_1320 = arith.constant 2 : i32
    %dma_wait3A_1321 = arith.constant 96 : i32
    %dma_wait3A_1322 = arith.constant 0 : i32
    %dma_wait3A_1323 = tpu.memref_slice %arg4[%add3A_1319, %dma_wait3A_1321, %dma_wait3A_1322] : memref<128x128x1024xf32, #tpu.memory_space<hbm>> -> memref<1x16x1024xf32, #tpu.memory_space<hbm>>
    %dma_wait3A_1324 = tpu.memref_squeeze %dma_wait3A_1323 : memref<1x16x1024xf32, #tpu.memory_space<hbm>> -> memref<16x1024xf32, #tpu.memory_space<hbm>>
    %dma_wait3A_1325 = tpu.memref_slice %arg15[%dma_wait3A_1320] : memref<6x!tpu.dma_semaphore, #tpu.memory_space<semaphore_mem>> -> memref<1x!tpu.dma_semaphore, #tpu.memory_space<semaphore_mem>>
    %dma_wait3A_1326 = tpu.memref_squeeze %dma_wait3A_1325 : memref<1x!tpu.dma_semaphore, #tpu.memory_space<semaphore_mem>> -> memref<!tpu.dma_semaphore, #tpu.memory_space<semaphore_mem>>
    %dma_wait3A_1327 = arith.constant 96 : i32
    %dma_wait3A_1328 = arith.constant 0 : i32
    %dma_wait3A_1329 = tpu.memref_slice %arg4[%add3A_1319, %dma_wait3A_1327, %dma_wait3A_1328] : memref<128x128x1024xf32, #tpu.memory_space<hbm>> -> memref<1x16x1024xf32, #tpu.memory_space<hbm>>
    %dma_wait3A_1330 = tpu.memref_squeeze %dma_wait3A_1329 : memref<1x16x1024xf32, #tpu.memory_space<hbm>> -> memref<16x1024xf32, #tpu.memory_space<hbm>>
    tpu.wait_dma2 semaphore(%dma_wait3A_1326 : memref<!tpu.dma_semaphore, #tpu.memory_space<semaphore_mem>>) src(%dma_wait3A_1330 : memref<16x1024xf32, #tpu.memory_space<hbm>>) dst(%arg11 : memref<16x1024xf32, #tpu.memory_space<vmem>>)
    %mul3A_1331 = arith.constant 4 : i32
    %mul3A_1332 = arith.muli %add3A, %mul3A_1331 : i32
    %add3A_1333 = arith.constant 1 : i32
    %add3A_1334 = arith.addi %mul3A_1332, %add3A_1333 : i32
    %dma_start3A_1335 = arith.constant 2 : i32
    %dma_start3A_1336 = arith.constant 96 : i32
    %dma_start3A_1337 = arith.constant 0 : i32
    %dma_start3A_1338 = tpu.memref_slice %arg5[%add3A_1334, %dma_start3A_1336, %dma_start3A_1337] : memref<128x128x1024xf32, #tpu.memory_space<hbm>> -> memref<1x16x1024xf32, #tpu.memory_space<hbm>>
    %dma_start3A_1339 = tpu.memref_squeeze %dma_start3A_1338 : memref<1x16x1024xf32, #tpu.memory_space<hbm>> -> memref<16x1024xf32, #tpu.memory_space<hbm>>
    %dma_start3A_1340 = tpu.memref_slice %arg16[%dma_start3A_1335] : memref<6x!tpu.dma_semaphore, #tpu.memory_space<semaphore_mem>> -> memref<1x!tpu.dma_semaphore, #tpu.memory_space<semaphore_mem>>
    %dma_start3A_1341 = tpu.memref_squeeze %dma_start3A_1340 : memref<1x!tpu.dma_semaphore, #tpu.memory_space<semaphore_mem>> -> memref<!tpu.dma_semaphore, #tpu.memory_space<semaphore_mem>>
    %dma_start3A_1342 = arith.constant 96 : i32
    %dma_start3A_1343 = arith.constant 0 : i32
    %dma_start3A_1344 = tpu.memref_slice %arg5[%add3A_1334, %dma_start3A_1342, %dma_start3A_1343] : memref<128x128x1024xf32, #tpu.memory_space<hbm>> -> memref<1x16x1024xf32, #tpu.memory_space<hbm>>
    %dma_start3A_1345 = tpu.memref_squeeze %dma_start3A_1344 : memref<1x16x1024xf32, #tpu.memory_space<hbm>> -> memref<16x1024xf32, #tpu.memory_space<hbm>>
    tpu.enqueue_dma source(%arg11 : memref<16x1024xf32, #tpu.memory_space<vmem>>) target(%dma_start3A_1345 : memref<16x1024xf32, #tpu.memory_space<hbm>>) target_semaphore(%dma_start3A_1341 : memref<!tpu.dma_semaphore, #tpu.memory_space<semaphore_mem>>)
    %mul3A_1346 = arith.constant 4 : i32
    %mul3A_1347 = arith.muli %add3A, %mul3A_1346 : i32
    %add3A_1348 = arith.constant 1 : i32
    %add3A_1349 = arith.addi %mul3A_1347, %add3A_1348 : i32
    %dma_wait3A_1350 = arith.constant 0 : i32
    %dma_wait3A_1351 = arith.constant 64 : i32
    %dma_wait3A_1352 = arith.constant 0 : i32
    %dma_wait3A_1353 = tpu.memref_slice %arg5[%add3A_1349, %dma_wait3A_1351, %dma_wait3A_1352] : memref<128x128x1024xf32, #tpu.memory_space<hbm>> -> memref<1x16x1024xf32, #tpu.memory_space<hbm>>
    %dma_wait3A_1354 = tpu.memref_squeeze %dma_wait3A_1353 : memref<1x16x1024xf32, #tpu.memory_space<hbm>> -> memref<16x1024xf32, #tpu.memory_space<hbm>>
    %dma_wait3A_1355 = tpu.memref_slice %arg16[%dma_wait3A_1350] : memref<6x!tpu.dma_semaphore, #tpu.memory_space<semaphore_mem>> -> memref<1x!tpu.dma_semaphore, #tpu.memory_space<semaphore_mem>>
    %dma_wait3A_1356 = tpu.memref_squeeze %dma_wait3A_1355 : memref<1x!tpu.dma_semaphore, #tpu.memory_space<semaphore_mem>> -> memref<!tpu.dma_semaphore, #tpu.memory_space<semaphore_mem>>
    %dma_wait3A_1357 = arith.constant 64 : i32
    %dma_wait3A_1358 = arith.constant 0 : i32
    %dma_wait3A_1359 = tpu.memref_slice %arg5[%add3A_1349, %dma_wait3A_1357, %dma_wait3A_1358] : memref<128x128x1024xf32, #tpu.memory_space<hbm>> -> memref<1x16x1024xf32, #tpu.memory_space<hbm>>
    %dma_wait3A_1360 = tpu.memref_squeeze %dma_wait3A_1359 : memref<1x16x1024xf32, #tpu.memory_space<hbm>> -> memref<16x1024xf32, #tpu.memory_space<hbm>>
    tpu.wait_dma2 semaphore(%dma_wait3A_1356 : memref<!tpu.dma_semaphore, #tpu.memory_space<semaphore_mem>>) src(%arg9 : memref<16x1024xf32, #tpu.memory_space<vmem>>) dst(%dma_wait3A_1360 : memref<16x1024xf32, #tpu.memory_space<hbm>>)
    %mul3A_1361 = arith.constant 4 : i32
    %mul3A_1362 = arith.muli %add3A, %mul3A_1361 : i32
    %add3A_1363 = arith.constant 2 : i32
    %add3A_1364 = arith.addi %mul3A_1362, %add3A_1363 : i32
    %dma_start3A_1365 = arith.constant 5 : i32
    %dma_start3A_1366 = arith.constant 16 : i32
    %dma_start3A_1367 = arith.constant 0 : i32
    %dma_start3A_1368 = tpu.memref_slice %arg4[%add3A_1364, %dma_start3A_1366, %dma_start3A_1367] : memref<128x128x1024xf32, #tpu.memory_space<hbm>> -> memref<1x16x1024xf32, #tpu.memory_space<hbm>>
    %dma_start3A_1369 = tpu.memref_squeeze %dma_start3A_1368 : memref<1x16x1024xf32, #tpu.memory_space<hbm>> -> memref<16x1024xf32, #tpu.memory_space<hbm>>
    %dma_start3A_1370 = tpu.memref_slice %arg15[%dma_start3A_1365] : memref<6x!tpu.dma_semaphore, #tpu.memory_space<semaphore_mem>> -> memref<1x!tpu.dma_semaphore, #tpu.memory_space<semaphore_mem>>
    %dma_start3A_1371 = tpu.memref_squeeze %dma_start3A_1370 : memref<1x!tpu.dma_semaphore, #tpu.memory_space<semaphore_mem>> -> memref<!tpu.dma_semaphore, #tpu.memory_space<semaphore_mem>>
    %dma_start3A_1372 = arith.constant 16 : i32
    %dma_start3A_1373 = arith.constant 0 : i32
    %dma_start3A_1374 = tpu.memref_slice %arg4[%add3A_1364, %dma_start3A_1372, %dma_start3A_1373] : memref<128x128x1024xf32, #tpu.memory_space<hbm>> -> memref<1x16x1024xf32, #tpu.memory_space<hbm>>
    %dma_start3A_1375 = tpu.memref_squeeze %dma_start3A_1374 : memref<1x16x1024xf32, #tpu.memory_space<hbm>> -> memref<16x1024xf32, #tpu.memory_space<hbm>>
    tpu.enqueue_dma source(%dma_start3A_1375 : memref<16x1024xf32, #tpu.memory_space<hbm>>) target(%arg14 : memref<16x1024xf32, #tpu.memory_space<vmem>>) target_semaphore(%dma_start3A_1371 : memref<!tpu.dma_semaphore, #tpu.memory_space<semaphore_mem>>)
    %mul3A_1376 = arith.constant 4 : i32
    %mul3A_1377 = arith.muli %add3A, %mul3A_1376 : i32
    %add3A_1378 = arith.constant 1 : i32
    %add3A_1379 = arith.addi %mul3A_1377, %add3A_1378 : i32
    %dma_wait3A_1380 = arith.constant 3 : i32
    %dma_wait3A_1381 = arith.constant 112 : i32
    %dma_wait3A_1382 = arith.constant 0 : i32
    %dma_wait3A_1383 = tpu.memref_slice %arg4[%add3A_1379, %dma_wait3A_1381, %dma_wait3A_1382] : memref<128x128x1024xf32, #tpu.memory_space<hbm>> -> memref<1x16x1024xf32, #tpu.memory_space<hbm>>
    %dma_wait3A_1384 = tpu.memref_squeeze %dma_wait3A_1383 : memref<1x16x1024xf32, #tpu.memory_space<hbm>> -> memref<16x1024xf32, #tpu.memory_space<hbm>>
    %dma_wait3A_1385 = tpu.memref_slice %arg15[%dma_wait3A_1380] : memref<6x!tpu.dma_semaphore, #tpu.memory_space<semaphore_mem>> -> memref<1x!tpu.dma_semaphore, #tpu.memory_space<semaphore_mem>>
    %dma_wait3A_1386 = tpu.memref_squeeze %dma_wait3A_1385 : memref<1x!tpu.dma_semaphore, #tpu.memory_space<semaphore_mem>> -> memref<!tpu.dma_semaphore, #tpu.memory_space<semaphore_mem>>
    %dma_wait3A_1387 = arith.constant 112 : i32
    %dma_wait3A_1388 = arith.constant 0 : i32
    %dma_wait3A_1389 = tpu.memref_slice %arg4[%add3A_1379, %dma_wait3A_1387, %dma_wait3A_1388] : memref<128x128x1024xf32, #tpu.memory_space<hbm>> -> memref<1x16x1024xf32, #tpu.memory_space<hbm>>
    %dma_wait3A_1390 = tpu.memref_squeeze %dma_wait3A_1389 : memref<1x16x1024xf32, #tpu.memory_space<hbm>> -> memref<16x1024xf32, #tpu.memory_space<hbm>>
    tpu.wait_dma2 semaphore(%dma_wait3A_1386 : memref<!tpu.dma_semaphore, #tpu.memory_space<semaphore_mem>>) src(%dma_wait3A_1390 : memref<16x1024xf32, #tpu.memory_space<hbm>>) dst(%arg12 : memref<16x1024xf32, #tpu.memory_space<vmem>>)
    %mul3A_1391 = arith.constant 4 : i32
    %mul3A_1392 = arith.muli %add3A, %mul3A_1391 : i32
    %add3A_1393 = arith.constant 1 : i32
    %add3A_1394 = arith.addi %mul3A_1392, %add3A_1393 : i32
    %dma_start3A_1395 = arith.constant 3 : i32
    %dma_start3A_1396 = arith.constant 112 : i32
    %dma_start3A_1397 = arith.constant 0 : i32
    %dma_start3A_1398 = tpu.memref_slice %arg5[%add3A_1394, %dma_start3A_1396, %dma_start3A_1397] : memref<128x128x1024xf32, #tpu.memory_space<hbm>> -> memref<1x16x1024xf32, #tpu.memory_space<hbm>>
    %dma_start3A_1399 = tpu.memref_squeeze %dma_start3A_1398 : memref<1x16x1024xf32, #tpu.memory_space<hbm>> -> memref<16x1024xf32, #tpu.memory_space<hbm>>
    %dma_start3A_1400 = tpu.memref_slice %arg16[%dma_start3A_1395] : memref<6x!tpu.dma_semaphore, #tpu.memory_space<semaphore_mem>> -> memref<1x!tpu.dma_semaphore, #tpu.memory_space<semaphore_mem>>
    %dma_start3A_1401 = tpu.memref_squeeze %dma_start3A_1400 : memref<1x!tpu.dma_semaphore, #tpu.memory_space<semaphore_mem>> -> memref<!tpu.dma_semaphore, #tpu.memory_space<semaphore_mem>>
    %dma_start3A_1402 = arith.constant 112 : i32
    %dma_start3A_1403 = arith.constant 0 : i32
    %dma_start3A_1404 = tpu.memref_slice %arg5[%add3A_1394, %dma_start3A_1402, %dma_start3A_1403] : memref<128x128x1024xf32, #tpu.memory_space<hbm>> -> memref<1x16x1024xf32, #tpu.memory_space<hbm>>
    %dma_start3A_1405 = tpu.memref_squeeze %dma_start3A_1404 : memref<1x16x1024xf32, #tpu.memory_space<hbm>> -> memref<16x1024xf32, #tpu.memory_space<hbm>>
    tpu.enqueue_dma source(%arg12 : memref<16x1024xf32, #tpu.memory_space<vmem>>) target(%dma_start3A_1405 : memref<16x1024xf32, #tpu.memory_space<hbm>>) target_semaphore(%dma_start3A_1401 : memref<!tpu.dma_semaphore, #tpu.memory_space<semaphore_mem>>)
    %mul3A_1406 = arith.constant 4 : i32
    %mul3A_1407 = arith.muli %add3A, %mul3A_1406 : i32
    %add3A_1408 = arith.constant 1 : i32
    %add3A_1409 = arith.addi %mul3A_1407, %add3A_1408 : i32
    %dma_wait3A_1410 = arith.constant 1 : i32
    %dma_wait3A_1411 = arith.constant 80 : i32
    %dma_wait3A_1412 = arith.constant 0 : i32
    %dma_wait3A_1413 = tpu.memref_slice %arg5[%add3A_1409, %dma_wait3A_1411, %dma_wait3A_1412] : memref<128x128x1024xf32, #tpu.memory_space<hbm>> -> memref<1x16x1024xf32, #tpu.memory_space<hbm>>
    %dma_wait3A_1414 = tpu.memref_squeeze %dma_wait3A_1413 : memref<1x16x1024xf32, #tpu.memory_space<hbm>> -> memref<16x1024xf32, #tpu.memory_space<hbm>>
    %dma_wait3A_1415 = tpu.memref_slice %arg16[%dma_wait3A_1410] : memref<6x!tpu.dma_semaphore, #tpu.memory_space<semaphore_mem>> -> memref<1x!tpu.dma_semaphore, #tpu.memory_space<semaphore_mem>>
    %dma_wait3A_1416 = tpu.memref_squeeze %dma_wait3A_1415 : memref<1x!tpu.dma_semaphore, #tpu.memory_space<semaphore_mem>> -> memref<!tpu.dma_semaphore, #tpu.memory_space<semaphore_mem>>
    %dma_wait3A_1417 = arith.constant 80 : i32
    %dma_wait3A_1418 = arith.constant 0 : i32
    %dma_wait3A_1419 = tpu.memref_slice %arg5[%add3A_1409, %dma_wait3A_1417, %dma_wait3A_1418] : memref<128x128x1024xf32, #tpu.memory_space<hbm>> -> memref<1x16x1024xf32, #tpu.memory_space<hbm>>
    %dma_wait3A_1420 = tpu.memref_squeeze %dma_wait3A_1419 : memref<1x16x1024xf32, #tpu.memory_space<hbm>> -> memref<16x1024xf32, #tpu.memory_space<hbm>>
    tpu.wait_dma2 semaphore(%dma_wait3A_1416 : memref<!tpu.dma_semaphore, #tpu.memory_space<semaphore_mem>>) src(%arg10 : memref<16x1024xf32, #tpu.memory_space<vmem>>) dst(%dma_wait3A_1420 : memref<16x1024xf32, #tpu.memory_space<hbm>>)
    %mul3A_1421 = arith.constant 4 : i32
    %mul3A_1422 = arith.muli %add3A, %mul3A_1421 : i32
    %add3A_1423 = arith.constant 2 : i32
    %add3A_1424 = arith.addi %mul3A_1422, %add3A_1423 : i32
    %dma_start3A_1425 = arith.constant 0 : i32
    %dma_start3A_1426 = arith.constant 32 : i32
    %dma_start3A_1427 = arith.constant 0 : i32
    %dma_start3A_1428 = tpu.memref_slice %arg4[%add3A_1424, %dma_start3A_1426, %dma_start3A_1427] : memref<128x128x1024xf32, #tpu.memory_space<hbm>> -> memref<1x16x1024xf32, #tpu.memory_space<hbm>>
    %dma_start3A_1429 = tpu.memref_squeeze %dma_start3A_1428 : memref<1x16x1024xf32, #tpu.memory_space<hbm>> -> memref<16x1024xf32, #tpu.memory_space<hbm>>
    %dma_start3A_1430 = tpu.memref_slice %arg15[%dma_start3A_1425] : memref<6x!tpu.dma_semaphore, #tpu.memory_space<semaphore_mem>> -> memref<1x!tpu.dma_semaphore, #tpu.memory_space<semaphore_mem>>
    %dma_start3A_1431 = tpu.memref_squeeze %dma_start3A_1430 : memref<1x!tpu.dma_semaphore, #tpu.memory_space<semaphore_mem>> -> memref<!tpu.dma_semaphore, #tpu.memory_space<semaphore_mem>>
    %dma_start3A_1432 = arith.constant 32 : i32
    %dma_start3A_1433 = arith.constant 0 : i32
    %dma_start3A_1434 = tpu.memref_slice %arg4[%add3A_1424, %dma_start3A_1432, %dma_start3A_1433] : memref<128x128x1024xf32, #tpu.memory_space<hbm>> -> memref<1x16x1024xf32, #tpu.memory_space<hbm>>
    %dma_start3A_1435 = tpu.memref_squeeze %dma_start3A_1434 : memref<1x16x1024xf32, #tpu.memory_space<hbm>> -> memref<16x1024xf32, #tpu.memory_space<hbm>>
    tpu.enqueue_dma source(%dma_start3A_1435 : memref<16x1024xf32, #tpu.memory_space<hbm>>) target(%arg9 : memref<16x1024xf32, #tpu.memory_space<vmem>>) target_semaphore(%dma_start3A_1431 : memref<!tpu.dma_semaphore, #tpu.memory_space<semaphore_mem>>)
    %mul3A_1436 = arith.constant 4 : i32
    %mul3A_1437 = arith.muli %add3A, %mul3A_1436 : i32
    %add3A_1438 = arith.constant 2 : i32
    %add3A_1439 = arith.addi %mul3A_1437, %add3A_1438 : i32
    %dma_wait3A_1440 = arith.constant 4 : i32
    %dma_wait3A_1441 = arith.constant 0 : i32
    %dma_wait3A_1442 = arith.constant 0 : i32
    %dma_wait3A_1443 = tpu.memref_slice %arg4[%add3A_1439, %dma_wait3A_1441, %dma_wait3A_1442] : memref<128x128x1024xf32, #tpu.memory_space<hbm>> -> memref<1x16x1024xf32, #tpu.memory_space<hbm>>
    %dma_wait3A_1444 = tpu.memref_squeeze %dma_wait3A_1443 : memref<1x16x1024xf32, #tpu.memory_space<hbm>> -> memref<16x1024xf32, #tpu.memory_space<hbm>>
    %dma_wait3A_1445 = tpu.memref_slice %arg15[%dma_wait3A_1440] : memref<6x!tpu.dma_semaphore, #tpu.memory_space<semaphore_mem>> -> memref<1x!tpu.dma_semaphore, #tpu.memory_space<semaphore_mem>>
    %dma_wait3A_1446 = tpu.memref_squeeze %dma_wait3A_1445 : memref<1x!tpu.dma_semaphore, #tpu.memory_space<semaphore_mem>> -> memref<!tpu.dma_semaphore, #tpu.memory_space<semaphore_mem>>
    %dma_wait3A_1447 = arith.constant 0 : i32
    %dma_wait3A_1448 = arith.constant 0 : i32
    %dma_wait3A_1449 = tpu.memref_slice %arg4[%add3A_1439, %dma_wait3A_1447, %dma_wait3A_1448] : memref<128x128x1024xf32, #tpu.memory_space<hbm>> -> memref<1x16x1024xf32, #tpu.memory_space<hbm>>
    %dma_wait3A_1450 = tpu.memref_squeeze %dma_wait3A_1449 : memref<1x16x1024xf32, #tpu.memory_space<hbm>> -> memref<16x1024xf32, #tpu.memory_space<hbm>>
    tpu.wait_dma2 semaphore(%dma_wait3A_1446 : memref<!tpu.dma_semaphore, #tpu.memory_space<semaphore_mem>>) src(%dma_wait3A_1450 : memref<16x1024xf32, #tpu.memory_space<hbm>>) dst(%arg13 : memref<16x1024xf32, #tpu.memory_space<vmem>>)
    %mul3A_1451 = arith.constant 4 : i32
    %mul3A_1452 = arith.muli %add3A, %mul3A_1451 : i32
    %add3A_1453 = arith.constant 2 : i32
    %add3A_1454 = arith.addi %mul3A_1452, %add3A_1453 : i32
    %dma_start3A_1455 = arith.constant 4 : i32
    %dma_start3A_1456 = arith.constant 0 : i32
    %dma_start3A_1457 = arith.constant 0 : i32
    %dma_start3A_1458 = tpu.memref_slice %arg5[%add3A_1454, %dma_start3A_1456, %dma_start3A_1457] : memref<128x128x1024xf32, #tpu.memory_space<hbm>> -> memref<1x16x1024xf32, #tpu.memory_space<hbm>>
    %dma_start3A_1459 = tpu.memref_squeeze %dma_start3A_1458 : memref<1x16x1024xf32, #tpu.memory_space<hbm>> -> memref<16x1024xf32, #tpu.memory_space<hbm>>
    %dma_start3A_1460 = tpu.memref_slice %arg16[%dma_start3A_1455] : memref<6x!tpu.dma_semaphore, #tpu.memory_space<semaphore_mem>> -> memref<1x!tpu.dma_semaphore, #tpu.memory_space<semaphore_mem>>
    %dma_start3A_1461 = tpu.memref_squeeze %dma_start3A_1460 : memref<1x!tpu.dma_semaphore, #tpu.memory_space<semaphore_mem>> -> memref<!tpu.dma_semaphore, #tpu.memory_space<semaphore_mem>>
    %dma_start3A_1462 = arith.constant 0 : i32
    %dma_start3A_1463 = arith.constant 0 : i32
    %dma_start3A_1464 = tpu.memref_slice %arg5[%add3A_1454, %dma_start3A_1462, %dma_start3A_1463] : memref<128x128x1024xf32, #tpu.memory_space<hbm>> -> memref<1x16x1024xf32, #tpu.memory_space<hbm>>
    %dma_start3A_1465 = tpu.memref_squeeze %dma_start3A_1464 : memref<1x16x1024xf32, #tpu.memory_space<hbm>> -> memref<16x1024xf32, #tpu.memory_space<hbm>>
    tpu.enqueue_dma source(%arg13 : memref<16x1024xf32, #tpu.memory_space<vmem>>) target(%dma_start3A_1465 : memref<16x1024xf32, #tpu.memory_space<hbm>>) target_semaphore(%dma_start3A_1461 : memref<!tpu.dma_semaphore, #tpu.memory_space<semaphore_mem>>)
    %mul3A_1466 = arith.constant 4 : i32
    %mul3A_1467 = arith.muli %add3A, %mul3A_1466 : i32
    %add3A_1468 = arith.constant 1 : i32
    %add3A_1469 = arith.addi %mul3A_1467, %add3A_1468 : i32
    %dma_wait3A_1470 = arith.constant 2 : i32
    %dma_wait3A_1471 = arith.constant 96 : i32
    %dma_wait3A_1472 = arith.constant 0 : i32
    %dma_wait3A_1473 = tpu.memref_slice %arg5[%add3A_1469, %dma_wait3A_1471, %dma_wait3A_1472] : memref<128x128x1024xf32, #tpu.memory_space<hbm>> -> memref<1x16x1024xf32, #tpu.memory_space<hbm>>
    %dma_wait3A_1474 = tpu.memref_squeeze %dma_wait3A_1473 : memref<1x16x1024xf32, #tpu.memory_space<hbm>> -> memref<16x1024xf32, #tpu.memory_space<hbm>>
    %dma_wait3A_1475 = tpu.memref_slice %arg16[%dma_wait3A_1470] : memref<6x!tpu.dma_semaphore, #tpu.memory_space<semaphore_mem>> -> memref<1x!tpu.dma_semaphore, #tpu.memory_space<semaphore_mem>>
    %dma_wait3A_1476 = tpu.memref_squeeze %dma_wait3A_1475 : memref<1x!tpu.dma_semaphore, #tpu.memory_space<semaphore_mem>> -> memref<!tpu.dma_semaphore, #tpu.memory_space<semaphore_mem>>
    %dma_wait3A_1477 = arith.constant 96 : i32
    %dma_wait3A_1478 = arith.constant 0 : i32
    %dma_wait3A_1479 = tpu.memref_slice %arg5[%add3A_1469, %dma_wait3A_1477, %dma_wait3A_1478] : memref<128x128x1024xf32, #tpu.memory_space<hbm>> -> memref<1x16x1024xf32, #tpu.memory_space<hbm>>
    %dma_wait3A_1480 = tpu.memref_squeeze %dma_wait3A_1479 : memref<1x16x1024xf32, #tpu.memory_space<hbm>> -> memref<16x1024xf32, #tpu.memory_space<hbm>>
    tpu.wait_dma2 semaphore(%dma_wait3A_1476 : memref<!tpu.dma_semaphore, #tpu.memory_space<semaphore_mem>>) src(%arg11 : memref<16x1024xf32, #tpu.memory_space<vmem>>) dst(%dma_wait3A_1480 : memref<16x1024xf32, #tpu.memory_space<hbm>>)
    %mul3A_1481 = arith.constant 4 : i32
    %mul3A_1482 = arith.muli %add3A, %mul3A_1481 : i32
    %add3A_1483 = arith.constant 2 : i32
    %add3A_1484 = arith.addi %mul3A_1482, %add3A_1483 : i32
    %dma_start3A_1485 = arith.constant 1 : i32
    %dma_start3A_1486 = arith.constant 48 : i32
    %dma_start3A_1487 = arith.constant 0 : i32
    %dma_start3A_1488 = tpu.memref_slice %arg4[%add3A_1484, %dma_start3A_1486, %dma_start3A_1487] : memref<128x128x1024xf32, #tpu.memory_space<hbm>> -> memref<1x16x1024xf32, #tpu.memory_space<hbm>>
    %dma_start3A_1489 = tpu.memref_squeeze %dma_start3A_1488 : memref<1x16x1024xf32, #tpu.memory_space<hbm>> -> memref<16x1024xf32, #tpu.memory_space<hbm>>
    %dma_start3A_1490 = tpu.memref_slice %arg15[%dma_start3A_1485] : memref<6x!tpu.dma_semaphore, #tpu.memory_space<semaphore_mem>> -> memref<1x!tpu.dma_semaphore, #tpu.memory_space<semaphore_mem>>
    %dma_start3A_1491 = tpu.memref_squeeze %dma_start3A_1490 : memref<1x!tpu.dma_semaphore, #tpu.memory_space<semaphore_mem>> -> memref<!tpu.dma_semaphore, #tpu.memory_space<semaphore_mem>>
    %dma_start3A_1492 = arith.constant 48 : i32
    %dma_start3A_1493 = arith.constant 0 : i32
    %dma_start3A_1494 = tpu.memref_slice %arg4[%add3A_1484, %dma_start3A_1492, %dma_start3A_1493] : memref<128x128x1024xf32, #tpu.memory_space<hbm>> -> memref<1x16x1024xf32, #tpu.memory_space<hbm>>
    %dma_start3A_1495 = tpu.memref_squeeze %dma_start3A_1494 : memref<1x16x1024xf32, #tpu.memory_space<hbm>> -> memref<16x1024xf32, #tpu.memory_space<hbm>>
    tpu.enqueue_dma source(%dma_start3A_1495 : memref<16x1024xf32, #tpu.memory_space<hbm>>) target(%arg10 : memref<16x1024xf32, #tpu.memory_space<vmem>>) target_semaphore(%dma_start3A_1491 : memref<!tpu.dma_semaphore, #tpu.memory_space<semaphore_mem>>)
    %mul3A_1496 = arith.constant 4 : i32
    %mul3A_1497 = arith.muli %add3A, %mul3A_1496 : i32
    %add3A_1498 = arith.constant 2 : i32
    %add3A_1499 = arith.addi %mul3A_1497, %add3A_1498 : i32
    %dma_wait3A_1500 = arith.constant 5 : i32
    %dma_wait3A_1501 = arith.constant 16 : i32
    %dma_wait3A_1502 = arith.constant 0 : i32
    %dma_wait3A_1503 = tpu.memref_slice %arg4[%add3A_1499, %dma_wait3A_1501, %dma_wait3A_1502] : memref<128x128x1024xf32, #tpu.memory_space<hbm>> -> memref<1x16x1024xf32, #tpu.memory_space<hbm>>
    %dma_wait3A_1504 = tpu.memref_squeeze %dma_wait3A_1503 : memref<1x16x1024xf32, #tpu.memory_space<hbm>> -> memref<16x1024xf32, #tpu.memory_space<hbm>>
    %dma_wait3A_1505 = tpu.memref_slice %arg15[%dma_wait3A_1500] : memref<6x!tpu.dma_semaphore, #tpu.memory_space<semaphore_mem>> -> memref<1x!tpu.dma_semaphore, #tpu.memory_space<semaphore_mem>>
    %dma_wait3A_1506 = tpu.memref_squeeze %dma_wait3A_1505 : memref<1x!tpu.dma_semaphore, #tpu.memory_space<semaphore_mem>> -> memref<!tpu.dma_semaphore, #tpu.memory_space<semaphore_mem>>
    %dma_wait3A_1507 = arith.constant 16 : i32
    %dma_wait3A_1508 = arith.constant 0 : i32
    %dma_wait3A_1509 = tpu.memref_slice %arg4[%add3A_1499, %dma_wait3A_1507, %dma_wait3A_1508] : memref<128x128x1024xf32, #tpu.memory_space<hbm>> -> memref<1x16x1024xf32, #tpu.memory_space<hbm>>
    %dma_wait3A_1510 = tpu.memref_squeeze %dma_wait3A_1509 : memref<1x16x1024xf32, #tpu.memory_space<hbm>> -> memref<16x1024xf32, #tpu.memory_space<hbm>>
    tpu.wait_dma2 semaphore(%dma_wait3A_1506 : memref<!tpu.dma_semaphore, #tpu.memory_space<semaphore_mem>>) src(%dma_wait3A_1510 : memref<16x1024xf32, #tpu.memory_space<hbm>>) dst(%arg14 : memref<16x1024xf32, #tpu.memory_space<vmem>>)
    %mul3A_1511 = arith.constant 4 : i32
    %mul3A_1512 = arith.muli %add3A, %mul3A_1511 : i32
    %add3A_1513 = arith.constant 2 : i32
    %add3A_1514 = arith.addi %mul3A_1512, %add3A_1513 : i32
    %dma_start3A_1515 = arith.constant 5 : i32
    %dma_start3A_1516 = arith.constant 16 : i32
    %dma_start3A_1517 = arith.constant 0 : i32
    %dma_start3A_1518 = tpu.memref_slice %arg5[%add3A_1514, %dma_start3A_1516, %dma_start3A_1517] : memref<128x128x1024xf32, #tpu.memory_space<hbm>> -> memref<1x16x1024xf32, #tpu.memory_space<hbm>>
    %dma_start3A_1519 = tpu.memref_squeeze %dma_start3A_1518 : memref<1x16x1024xf32, #tpu.memory_space<hbm>> -> memref<16x1024xf32, #tpu.memory_space<hbm>>
    %dma_start3A_1520 = tpu.memref_slice %arg16[%dma_start3A_1515] : memref<6x!tpu.dma_semaphore, #tpu.memory_space<semaphore_mem>> -> memref<1x!tpu.dma_semaphore, #tpu.memory_space<semaphore_mem>>
    %dma_start3A_1521 = tpu.memref_squeeze %dma_start3A_1520 : memref<1x!tpu.dma_semaphore, #tpu.memory_space<semaphore_mem>> -> memref<!tpu.dma_semaphore, #tpu.memory_space<semaphore_mem>>
    %dma_start3A_1522 = arith.constant 16 : i32
    %dma_start3A_1523 = arith.constant 0 : i32
    %dma_start3A_1524 = tpu.memref_slice %arg5[%add3A_1514, %dma_start3A_1522, %dma_start3A_1523] : memref<128x128x1024xf32, #tpu.memory_space<hbm>> -> memref<1x16x1024xf32, #tpu.memory_space<hbm>>
    %dma_start3A_1525 = tpu.memref_squeeze %dma_start3A_1524 : memref<1x16x1024xf32, #tpu.memory_space<hbm>> -> memref<16x1024xf32, #tpu.memory_space<hbm>>
    tpu.enqueue_dma source(%arg14 : memref<16x1024xf32, #tpu.memory_space<vmem>>) target(%dma_start3A_1525 : memref<16x1024xf32, #tpu.memory_space<hbm>>) target_semaphore(%dma_start3A_1521 : memref<!tpu.dma_semaphore, #tpu.memory_space<semaphore_mem>>)
    %mul3A_1526 = arith.constant 4 : i32
    %mul3A_1527 = arith.muli %add3A, %mul3A_1526 : i32
    %add3A_1528 = arith.constant 1 : i32
    %add3A_1529 = arith.addi %mul3A_1527, %add3A_1528 : i32
    %dma_wait3A_1530 = arith.constant 3 : i32
    %dma_wait3A_1531 = arith.constant 112 : i32
    %dma_wait3A_1532 = arith.constant 0 : i32
    %dma_wait3A_1533 = tpu.memref_slice %arg5[%add3A_1529, %dma_wait3A_1531, %dma_wait3A_1532] : memref<128x128x1024xf32, #tpu.memory_space<hbm>> -> memref<1x16x1024xf32, #tpu.memory_space<hbm>>
    %dma_wait3A_1534 = tpu.memref_squeeze %dma_wait3A_1533 : memref<1x16x1024xf32, #tpu.memory_space<hbm>> -> memref<16x1024xf32, #tpu.memory_space<hbm>>
    %dma_wait3A_1535 = tpu.memref_slice %arg16[%dma_wait3A_1530] : memref<6x!tpu.dma_semaphore, #tpu.memory_space<semaphore_mem>> -> memref<1x!tpu.dma_semaphore, #tpu.memory_space<semaphore_mem>>
    %dma_wait3A_1536 = tpu.memref_squeeze %dma_wait3A_1535 : memref<1x!tpu.dma_semaphore, #tpu.memory_space<semaphore_mem>> -> memref<!tpu.dma_semaphore, #tpu.memory_space<semaphore_mem>>
    %dma_wait3A_1537 = arith.constant 112 : i32
    %dma_wait3A_1538 = arith.constant 0 : i32
    %dma_wait3A_1539 = tpu.memref_slice %arg5[%add3A_1529, %dma_wait3A_1537, %dma_wait3A_1538] : memref<128x128x1024xf32, #tpu.memory_space<hbm>> -> memref<1x16x1024xf32, #tpu.memory_space<hbm>>
    %dma_wait3A_1540 = tpu.memref_squeeze %dma_wait3A_1539 : memref<1x16x1024xf32, #tpu.memory_space<hbm>> -> memref<16x1024xf32, #tpu.memory_space<hbm>>
    tpu.wait_dma2 semaphore(%dma_wait3A_1536 : memref<!tpu.dma_semaphore, #tpu.memory_space<semaphore_mem>>) src(%arg12 : memref<16x1024xf32, #tpu.memory_space<vmem>>) dst(%dma_wait3A_1540 : memref<16x1024xf32, #tpu.memory_space<hbm>>)
    %mul3A_1541 = arith.constant 4 : i32
    %mul3A_1542 = arith.muli %add3A, %mul3A_1541 : i32
    %add3A_1543 = arith.constant 1 : i32
    %add3A_1544 = arith.addi %mul3A_1542, %add3A_1543 : i32
    %slice3A_1545 = vector.extract_strided_slice %get3A_4 {offsets = [1], sizes = [1], strides = [1]} : vector<16xi32> to vector<1xi32>
    %squeeze3A_1546 = vector.extract %slice3A_1545[0] : i32 from vector<1xi32>
    %slice3A_1547 = vector.extract_strided_slice %get3A_9 {offsets = [1], sizes = [1], strides = [1]} : vector<16xi32> to vector<1xi32>
    %squeeze3A_1548 = vector.extract %slice3A_1547[0] : i32 from vector<1xi32>
    %sub3A_1549 = arith.constant 1 : i32
    %sub3A_1550 = arith.subi %squeeze3A_1548, %sub3A_1549 : i32
    %add3A_1551 = arith.constant 0 : i32
    %add3A_1552 = arith.addi %squeeze3A_1546, %add3A_1551 : i32
    %min3A_1553 = arith.minsi %add3A_1552, %sub3A_1550 : i32
    %dma_start3A_1554 = arith.constant 0 : i32
    %dma_start3A_1555 = tpu.memref_slice %arg5[%add3A_1544, %min3A_1553, %dma_start3A_1554] : memref<128x128x1024xf32, #tpu.memory_space<hbm>> -> memref<1x1x1024xf32, #tpu.memory_space<hbm>>
    %dma_start3A_1556 = tpu.memref_squeeze %dma_start3A_1555 : memref<1x1x1024xf32, #tpu.memory_space<hbm>> -> memref<1x1024xf32, #tpu.memory_space<hbm>>
    %dma_start3A_1557 = arith.constant 0 : i32
    %dma_start3A_1558 = tpu.memref_slice %arg5[%add3A_1544, %min3A_1553, %dma_start3A_1557] : memref<128x128x1024xf32, #tpu.memory_space<hbm>> -> memref<1x1x1024xf32, #tpu.memory_space<hbm>>
    %dma_start3A_1559 = tpu.memref_squeeze %dma_start3A_1558 : memref<1x1x1024xf32, #tpu.memory_space<hbm>> -> memref<1x1024xf32, #tpu.memory_space<hbm>>
    tpu.enqueue_dma source(%arg8 : memref<1x1024xf32, #tpu.memory_space<vmem>>) target(%dma_start3A_1559 : memref<1x1024xf32, #tpu.memory_space<hbm>>) target_semaphore(%arg17 : memref<!tpu.dma_semaphore, #tpu.memory_space<semaphore_mem>>)
    %add3A_1560 = arith.constant 1 : i32
    %add3A_1561 = arith.addi %squeeze3A_1546, %add3A_1560 : i32
    %min3A_1562 = arith.minsi %add3A_1561, %sub3A_1550 : i32
    %dma_start3A_1563 = arith.constant 0 : i32
    %dma_start3A_1564 = tpu.memref_slice %arg5[%add3A_1544, %min3A_1562, %dma_start3A_1563] : memref<128x128x1024xf32, #tpu.memory_space<hbm>> -> memref<1x1x1024xf32, #tpu.memory_space<hbm>>
    %dma_start3A_1565 = tpu.memref_squeeze %dma_start3A_1564 : memref<1x1x1024xf32, #tpu.memory_space<hbm>> -> memref<1x1024xf32, #tpu.memory_space<hbm>>
    %dma_start3A_1566 = arith.constant 0 : i32
    %dma_start3A_1567 = tpu.memref_slice %arg5[%add3A_1544, %min3A_1562, %dma_start3A_1566] : memref<128x128x1024xf32, #tpu.memory_space<hbm>> -> memref<1x1x1024xf32, #tpu.memory_space<hbm>>
    %dma_start3A_1568 = tpu.memref_squeeze %dma_start3A_1567 : memref<1x1x1024xf32, #tpu.memory_space<hbm>> -> memref<1x1024xf32, #tpu.memory_space<hbm>>
    tpu.enqueue_dma source(%arg8 : memref<1x1024xf32, #tpu.memory_space<vmem>>) target(%dma_start3A_1568 : memref<1x1024xf32, #tpu.memory_space<hbm>>) target_semaphore(%arg17 : memref<!tpu.dma_semaphore, #tpu.memory_space<semaphore_mem>>)
    %add3A_1569 = arith.constant 2 : i32
    %add3A_1570 = arith.addi %squeeze3A_1546, %add3A_1569 : i32
    %min3A_1571 = arith.minsi %add3A_1570, %sub3A_1550 : i32
    %dma_start3A_1572 = arith.constant 0 : i32
    %dma_start3A_1573 = tpu.memref_slice %arg5[%add3A_1544, %min3A_1571, %dma_start3A_1572] : memref<128x128x1024xf32, #tpu.memory_space<hbm>> -> memref<1x1x1024xf32, #tpu.memory_space<hbm>>
    %dma_start3A_1574 = tpu.memref_squeeze %dma_start3A_1573 : memref<1x1x1024xf32, #tpu.memory_space<hbm>> -> memref<1x1024xf32, #tpu.memory_space<hbm>>
    %dma_start3A_1575 = arith.constant 0 : i32
    %dma_start3A_1576 = tpu.memref_slice %arg5[%add3A_1544, %min3A_1571, %dma_start3A_1575] : memref<128x128x1024xf32, #tpu.memory_space<hbm>> -> memref<1x1x1024xf32, #tpu.memory_space<hbm>>
    %dma_start3A_1577 = tpu.memref_squeeze %dma_start3A_1576 : memref<1x1x1024xf32, #tpu.memory_space<hbm>> -> memref<1x1024xf32, #tpu.memory_space<hbm>>
    tpu.enqueue_dma source(%arg8 : memref<1x1024xf32, #tpu.memory_space<vmem>>) target(%dma_start3A_1577 : memref<1x1024xf32, #tpu.memory_space<hbm>>) target_semaphore(%arg17 : memref<!tpu.dma_semaphore, #tpu.memory_space<semaphore_mem>>)
    %add3A_1578 = arith.constant 3 : i32
    %add3A_1579 = arith.addi %squeeze3A_1546, %add3A_1578 : i32
    %min3A_1580 = arith.minsi %add3A_1579, %sub3A_1550 : i32
    %dma_start3A_1581 = arith.constant 0 : i32
    %dma_start3A_1582 = tpu.memref_slice %arg5[%add3A_1544, %min3A_1580, %dma_start3A_1581] : memref<128x128x1024xf32, #tpu.memory_space<hbm>> -> memref<1x1x1024xf32, #tpu.memory_space<hbm>>
    %dma_start3A_1583 = tpu.memref_squeeze %dma_start3A_1582 : memref<1x1x1024xf32, #tpu.memory_space<hbm>> -> memref<1x1024xf32, #tpu.memory_space<hbm>>
    %dma_start3A_1584 = arith.constant 0 : i32
    %dma_start3A_1585 = tpu.memref_slice %arg5[%add3A_1544, %min3A_1580, %dma_start3A_1584] : memref<128x128x1024xf32, #tpu.memory_space<hbm>> -> memref<1x1x1024xf32, #tpu.memory_space<hbm>>
    %dma_start3A_1586 = tpu.memref_squeeze %dma_start3A_1585 : memref<1x1x1024xf32, #tpu.memory_space<hbm>> -> memref<1x1024xf32, #tpu.memory_space<hbm>>
    tpu.enqueue_dma source(%arg8 : memref<1x1024xf32, #tpu.memory_space<vmem>>) target(%dma_start3A_1586 : memref<1x1024xf32, #tpu.memory_space<hbm>>) target_semaphore(%arg17 : memref<!tpu.dma_semaphore, #tpu.memory_space<semaphore_mem>>)
    %add3A_1587 = arith.constant 4 : i32
    %add3A_1588 = arith.addi %squeeze3A_1546, %add3A_1587 : i32
    %min3A_1589 = arith.minsi %add3A_1588, %sub3A_1550 : i32
    %dma_start3A_1590 = arith.constant 0 : i32
    %dma_start3A_1591 = tpu.memref_slice %arg5[%add3A_1544, %min3A_1589, %dma_start3A_1590] : memref<128x128x1024xf32, #tpu.memory_space<hbm>> -> memref<1x1x1024xf32, #tpu.memory_space<hbm>>
    %dma_start3A_1592 = tpu.memref_squeeze %dma_start3A_1591 : memref<1x1x1024xf32, #tpu.memory_space<hbm>> -> memref<1x1024xf32, #tpu.memory_space<hbm>>
    %dma_start3A_1593 = arith.constant 0 : i32
    %dma_start3A_1594 = tpu.memref_slice %arg5[%add3A_1544, %min3A_1589, %dma_start3A_1593] : memref<128x128x1024xf32, #tpu.memory_space<hbm>> -> memref<1x1x1024xf32, #tpu.memory_space<hbm>>
    %dma_start3A_1595 = tpu.memref_squeeze %dma_start3A_1594 : memref<1x1x1024xf32, #tpu.memory_space<hbm>> -> memref<1x1024xf32, #tpu.memory_space<hbm>>
    tpu.enqueue_dma source(%arg8 : memref<1x1024xf32, #tpu.memory_space<vmem>>) target(%dma_start3A_1595 : memref<1x1024xf32, #tpu.memory_space<hbm>>) target_semaphore(%arg17 : memref<!tpu.dma_semaphore, #tpu.memory_space<semaphore_mem>>)
    %add3A_1596 = arith.constant 5 : i32
    %add3A_1597 = arith.addi %squeeze3A_1546, %add3A_1596 : i32
    %min3A_1598 = arith.minsi %add3A_1597, %sub3A_1550 : i32
    %dma_start3A_1599 = arith.constant 0 : i32
    %dma_start3A_1600 = tpu.memref_slice %arg5[%add3A_1544, %min3A_1598, %dma_start3A_1599] : memref<128x128x1024xf32, #tpu.memory_space<hbm>> -> memref<1x1x1024xf32, #tpu.memory_space<hbm>>
    %dma_start3A_1601 = tpu.memref_squeeze %dma_start3A_1600 : memref<1x1x1024xf32, #tpu.memory_space<hbm>> -> memref<1x1024xf32, #tpu.memory_space<hbm>>
    %dma_start3A_1602 = arith.constant 0 : i32
    %dma_start3A_1603 = tpu.memref_slice %arg5[%add3A_1544, %min3A_1598, %dma_start3A_1602] : memref<128x128x1024xf32, #tpu.memory_space<hbm>> -> memref<1x1x1024xf32, #tpu.memory_space<hbm>>
    %dma_start3A_1604 = tpu.memref_squeeze %dma_start3A_1603 : memref<1x1x1024xf32, #tpu.memory_space<hbm>> -> memref<1x1024xf32, #tpu.memory_space<hbm>>
    tpu.enqueue_dma source(%arg8 : memref<1x1024xf32, #tpu.memory_space<vmem>>) target(%dma_start3A_1604 : memref<1x1024xf32, #tpu.memory_space<hbm>>) target_semaphore(%arg17 : memref<!tpu.dma_semaphore, #tpu.memory_space<semaphore_mem>>)
    %add3A_1605 = arith.constant 6 : i32
    %add3A_1606 = arith.addi %squeeze3A_1546, %add3A_1605 : i32
    %min3A_1607 = arith.minsi %add3A_1606, %sub3A_1550 : i32
    %dma_start3A_1608 = arith.constant 0 : i32
    %dma_start3A_1609 = tpu.memref_slice %arg5[%add3A_1544, %min3A_1607, %dma_start3A_1608] : memref<128x128x1024xf32, #tpu.memory_space<hbm>> -> memref<1x1x1024xf32, #tpu.memory_space<hbm>>
    %dma_start3A_1610 = tpu.memref_squeeze %dma_start3A_1609 : memref<1x1x1024xf32, #tpu.memory_space<hbm>> -> memref<1x1024xf32, #tpu.memory_space<hbm>>
    %dma_start3A_1611 = arith.constant 0 : i32
    %dma_start3A_1612 = tpu.memref_slice %arg5[%add3A_1544, %min3A_1607, %dma_start3A_1611] : memref<128x128x1024xf32, #tpu.memory_space<hbm>> -> memref<1x1x1024xf32, #tpu.memory_space<hbm>>
    %dma_start3A_1613 = tpu.memref_squeeze %dma_start3A_1612 : memref<1x1x1024xf32, #tpu.memory_space<hbm>> -> memref<1x1024xf32, #tpu.memory_space<hbm>>
    tpu.enqueue_dma source(%arg8 : memref<1x1024xf32, #tpu.memory_space<vmem>>) target(%dma_start3A_1613 : memref<1x1024xf32, #tpu.memory_space<hbm>>) target_semaphore(%arg17 : memref<!tpu.dma_semaphore, #tpu.memory_space<semaphore_mem>>)
    %mul3A_1614 = arith.constant 4 : i32
    %mul3A_1615 = arith.muli %add3A, %mul3A_1614 : i32
    %add3A_1616 = arith.constant 2 : i32
    %add3A_1617 = arith.addi %mul3A_1615, %add3A_1616 : i32
    %dma_start3A_1618 = arith.constant 2 : i32
    %dma_start3A_1619 = arith.constant 64 : i32
    %dma_start3A_1620 = arith.constant 0 : i32
    %dma_start3A_1621 = tpu.memref_slice %arg4[%add3A_1617, %dma_start3A_1619, %dma_start3A_1620] : memref<128x128x1024xf32, #tpu.memory_space<hbm>> -> memref<1x16x1024xf32, #tpu.memory_space<hbm>>
    %dma_start3A_1622 = tpu.memref_squeeze %dma_start3A_1621 : memref<1x16x1024xf32, #tpu.memory_space<hbm>> -> memref<16x1024xf32, #tpu.memory_space<hbm>>
    %dma_start3A_1623 = tpu.memref_slice %arg15[%dma_start3A_1618] : memref<6x!tpu.dma_semaphore, #tpu.memory_space<semaphore_mem>> -> memref<1x!tpu.dma_semaphore, #tpu.memory_space<semaphore_mem>>
    %dma_start3A_1624 = tpu.memref_squeeze %dma_start3A_1623 : memref<1x!tpu.dma_semaphore, #tpu.memory_space<semaphore_mem>> -> memref<!tpu.dma_semaphore, #tpu.memory_space<semaphore_mem>>
    %dma_start3A_1625 = arith.constant 64 : i32
    %dma_start3A_1626 = arith.constant 0 : i32
    %dma_start3A_1627 = tpu.memref_slice %arg4[%add3A_1617, %dma_start3A_1625, %dma_start3A_1626] : memref<128x128x1024xf32, #tpu.memory_space<hbm>> -> memref<1x16x1024xf32, #tpu.memory_space<hbm>>
    %dma_start3A_1628 = tpu.memref_squeeze %dma_start3A_1627 : memref<1x16x1024xf32, #tpu.memory_space<hbm>> -> memref<16x1024xf32, #tpu.memory_space<hbm>>
    tpu.enqueue_dma source(%dma_start3A_1628 : memref<16x1024xf32, #tpu.memory_space<hbm>>) target(%arg11 : memref<16x1024xf32, #tpu.memory_space<vmem>>) target_semaphore(%dma_start3A_1624 : memref<!tpu.dma_semaphore, #tpu.memory_space<semaphore_mem>>)
    %mul3A_1629 = arith.constant 4 : i32
    %mul3A_1630 = arith.muli %add3A, %mul3A_1629 : i32
    %add3A_1631 = arith.constant 2 : i32
    %add3A_1632 = arith.addi %mul3A_1630, %add3A_1631 : i32
    %dma_wait3A_1633 = arith.constant 0 : i32
    %dma_wait3A_1634 = arith.constant 32 : i32
    %dma_wait3A_1635 = arith.constant 0 : i32
    %dma_wait3A_1636 = tpu.memref_slice %arg4[%add3A_1632, %dma_wait3A_1634, %dma_wait3A_1635] : memref<128x128x1024xf32, #tpu.memory_space<hbm>> -> memref<1x16x1024xf32, #tpu.memory_space<hbm>>
    %dma_wait3A_1637 = tpu.memref_squeeze %dma_wait3A_1636 : memref<1x16x1024xf32, #tpu.memory_space<hbm>> -> memref<16x1024xf32, #tpu.memory_space<hbm>>
    %dma_wait3A_1638 = tpu.memref_slice %arg15[%dma_wait3A_1633] : memref<6x!tpu.dma_semaphore, #tpu.memory_space<semaphore_mem>> -> memref<1x!tpu.dma_semaphore, #tpu.memory_space<semaphore_mem>>
    %dma_wait3A_1639 = tpu.memref_squeeze %dma_wait3A_1638 : memref<1x!tpu.dma_semaphore, #tpu.memory_space<semaphore_mem>> -> memref<!tpu.dma_semaphore, #tpu.memory_space<semaphore_mem>>
    %dma_wait3A_1640 = arith.constant 32 : i32
    %dma_wait3A_1641 = arith.constant 0 : i32
    %dma_wait3A_1642 = tpu.memref_slice %arg4[%add3A_1632, %dma_wait3A_1640, %dma_wait3A_1641] : memref<128x128x1024xf32, #tpu.memory_space<hbm>> -> memref<1x16x1024xf32, #tpu.memory_space<hbm>>
    %dma_wait3A_1643 = tpu.memref_squeeze %dma_wait3A_1642 : memref<1x16x1024xf32, #tpu.memory_space<hbm>> -> memref<16x1024xf32, #tpu.memory_space<hbm>>
    tpu.wait_dma2 semaphore(%dma_wait3A_1639 : memref<!tpu.dma_semaphore, #tpu.memory_space<semaphore_mem>>) src(%dma_wait3A_1643 : memref<16x1024xf32, #tpu.memory_space<hbm>>) dst(%arg9 : memref<16x1024xf32, #tpu.memory_space<vmem>>)
    %mul3A_1644 = arith.constant 4 : i32
    %mul3A_1645 = arith.muli %add3A, %mul3A_1644 : i32
    %add3A_1646 = arith.constant 2 : i32
    %add3A_1647 = arith.addi %mul3A_1645, %add3A_1646 : i32
    %dma_start3A_1648 = arith.constant 0 : i32
    %dma_start3A_1649 = arith.constant 32 : i32
    %dma_start3A_1650 = arith.constant 0 : i32
    %dma_start3A_1651 = tpu.memref_slice %arg5[%add3A_1647, %dma_start3A_1649, %dma_start3A_1650] : memref<128x128x1024xf32, #tpu.memory_space<hbm>> -> memref<1x16x1024xf32, #tpu.memory_space<hbm>>
    %dma_start3A_1652 = tpu.memref_squeeze %dma_start3A_1651 : memref<1x16x1024xf32, #tpu.memory_space<hbm>> -> memref<16x1024xf32, #tpu.memory_space<hbm>>
    %dma_start3A_1653 = tpu.memref_slice %arg16[%dma_start3A_1648] : memref<6x!tpu.dma_semaphore, #tpu.memory_space<semaphore_mem>> -> memref<1x!tpu.dma_semaphore, #tpu.memory_space<semaphore_mem>>
    %dma_start3A_1654 = tpu.memref_squeeze %dma_start3A_1653 : memref<1x!tpu.dma_semaphore, #tpu.memory_space<semaphore_mem>> -> memref<!tpu.dma_semaphore, #tpu.memory_space<semaphore_mem>>
    %dma_start3A_1655 = arith.constant 32 : i32
    %dma_start3A_1656 = arith.constant 0 : i32
    %dma_start3A_1657 = tpu.memref_slice %arg5[%add3A_1647, %dma_start3A_1655, %dma_start3A_1656] : memref<128x128x1024xf32, #tpu.memory_space<hbm>> -> memref<1x16x1024xf32, #tpu.memory_space<hbm>>
    %dma_start3A_1658 = tpu.memref_squeeze %dma_start3A_1657 : memref<1x16x1024xf32, #tpu.memory_space<hbm>> -> memref<16x1024xf32, #tpu.memory_space<hbm>>
    tpu.enqueue_dma source(%arg9 : memref<16x1024xf32, #tpu.memory_space<vmem>>) target(%dma_start3A_1658 : memref<16x1024xf32, #tpu.memory_space<hbm>>) target_semaphore(%dma_start3A_1654 : memref<!tpu.dma_semaphore, #tpu.memory_space<semaphore_mem>>)
    %mul3A_1659 = arith.constant 4 : i32
    %mul3A_1660 = arith.muli %add3A, %mul3A_1659 : i32
    %add3A_1661 = arith.constant 2 : i32
    %add3A_1662 = arith.addi %mul3A_1660, %add3A_1661 : i32
    %dma_wait3A_1663 = arith.constant 4 : i32
    %dma_wait3A_1664 = arith.constant 0 : i32
    %dma_wait3A_1665 = arith.constant 0 : i32
    %dma_wait3A_1666 = tpu.memref_slice %arg5[%add3A_1662, %dma_wait3A_1664, %dma_wait3A_1665] : memref<128x128x1024xf32, #tpu.memory_space<hbm>> -> memref<1x16x1024xf32, #tpu.memory_space<hbm>>
    %dma_wait3A_1667 = tpu.memref_squeeze %dma_wait3A_1666 : memref<1x16x1024xf32, #tpu.memory_space<hbm>> -> memref<16x1024xf32, #tpu.memory_space<hbm>>
    %dma_wait3A_1668 = tpu.memref_slice %arg16[%dma_wait3A_1663] : memref<6x!tpu.dma_semaphore, #tpu.memory_space<semaphore_mem>> -> memref<1x!tpu.dma_semaphore, #tpu.memory_space<semaphore_mem>>
    %dma_wait3A_1669 = tpu.memref_squeeze %dma_wait3A_1668 : memref<1x!tpu.dma_semaphore, #tpu.memory_space<semaphore_mem>> -> memref<!tpu.dma_semaphore, #tpu.memory_space<semaphore_mem>>
    %dma_wait3A_1670 = arith.constant 0 : i32
    %dma_wait3A_1671 = arith.constant 0 : i32
    %dma_wait3A_1672 = tpu.memref_slice %arg5[%add3A_1662, %dma_wait3A_1670, %dma_wait3A_1671] : memref<128x128x1024xf32, #tpu.memory_space<hbm>> -> memref<1x16x1024xf32, #tpu.memory_space<hbm>>
    %dma_wait3A_1673 = tpu.memref_squeeze %dma_wait3A_1672 : memref<1x16x1024xf32, #tpu.memory_space<hbm>> -> memref<16x1024xf32, #tpu.memory_space<hbm>>
    tpu.wait_dma2 semaphore(%dma_wait3A_1669 : memref<!tpu.dma_semaphore, #tpu.memory_space<semaphore_mem>>) src(%arg13 : memref<16x1024xf32, #tpu.memory_space<vmem>>) dst(%dma_wait3A_1673 : memref<16x1024xf32, #tpu.memory_space<hbm>>)
    %mul3A_1674 = arith.constant 4 : i32
    %mul3A_1675 = arith.muli %add3A, %mul3A_1674 : i32
    %add3A_1676 = arith.constant 2 : i32
    %add3A_1677 = arith.addi %mul3A_1675, %add3A_1676 : i32
    %dma_start3A_1678 = arith.constant 3 : i32
    %dma_start3A_1679 = arith.constant 80 : i32
    %dma_start3A_1680 = arith.constant 0 : i32
    %dma_start3A_1681 = tpu.memref_slice %arg4[%add3A_1677, %dma_start3A_1679, %dma_start3A_1680] : memref<128x128x1024xf32, #tpu.memory_space<hbm>> -> memref<1x16x1024xf32, #tpu.memory_space<hbm>>
    %dma_start3A_1682 = tpu.memref_squeeze %dma_start3A_1681 : memref<1x16x1024xf32, #tpu.memory_space<hbm>> -> memref<16x1024xf32, #tpu.memory_space<hbm>>
    %dma_start3A_1683 = tpu.memref_slice %arg15[%dma_start3A_1678] : memref<6x!tpu.dma_semaphore, #tpu.memory_space<semaphore_mem>> -> memref<1x!tpu.dma_semaphore, #tpu.memory_space<semaphore_mem>>
    %dma_start3A_1684 = tpu.memref_squeeze %dma_start3A_1683 : memref<1x!tpu.dma_semaphore, #tpu.memory_space<semaphore_mem>> -> memref<!tpu.dma_semaphore, #tpu.memory_space<semaphore_mem>>
    %dma_start3A_1685 = arith.constant 80 : i32
    %dma_start3A_1686 = arith.constant 0 : i32
    %dma_start3A_1687 = tpu.memref_slice %arg4[%add3A_1677, %dma_start3A_1685, %dma_start3A_1686] : memref<128x128x1024xf32, #tpu.memory_space<hbm>> -> memref<1x16x1024xf32, #tpu.memory_space<hbm>>
    %dma_start3A_1688 = tpu.memref_squeeze %dma_start3A_1687 : memref<1x16x1024xf32, #tpu.memory_space<hbm>> -> memref<16x1024xf32, #tpu.memory_space<hbm>>
    tpu.enqueue_dma source(%dma_start3A_1688 : memref<16x1024xf32, #tpu.memory_space<hbm>>) target(%arg12 : memref<16x1024xf32, #tpu.memory_space<vmem>>) target_semaphore(%dma_start3A_1684 : memref<!tpu.dma_semaphore, #tpu.memory_space<semaphore_mem>>)
    %mul3A_1689 = arith.constant 4 : i32
    %mul3A_1690 = arith.muli %add3A, %mul3A_1689 : i32
    %add3A_1691 = arith.constant 2 : i32
    %add3A_1692 = arith.addi %mul3A_1690, %add3A_1691 : i32
    %dma_wait3A_1693 = arith.constant 1 : i32
    %dma_wait3A_1694 = arith.constant 48 : i32
    %dma_wait3A_1695 = arith.constant 0 : i32
    %dma_wait3A_1696 = tpu.memref_slice %arg4[%add3A_1692, %dma_wait3A_1694, %dma_wait3A_1695] : memref<128x128x1024xf32, #tpu.memory_space<hbm>> -> memref<1x16x1024xf32, #tpu.memory_space<hbm>>
    %dma_wait3A_1697 = tpu.memref_squeeze %dma_wait3A_1696 : memref<1x16x1024xf32, #tpu.memory_space<hbm>> -> memref<16x1024xf32, #tpu.memory_space<hbm>>
    %dma_wait3A_1698 = tpu.memref_slice %arg15[%dma_wait3A_1693] : memref<6x!tpu.dma_semaphore, #tpu.memory_space<semaphore_mem>> -> memref<1x!tpu.dma_semaphore, #tpu.memory_space<semaphore_mem>>
    %dma_wait3A_1699 = tpu.memref_squeeze %dma_wait3A_1698 : memref<1x!tpu.dma_semaphore, #tpu.memory_space<semaphore_mem>> -> memref<!tpu.dma_semaphore, #tpu.memory_space<semaphore_mem>>
    %dma_wait3A_1700 = arith.constant 48 : i32
    %dma_wait3A_1701 = arith.constant 0 : i32
    %dma_wait3A_1702 = tpu.memref_slice %arg4[%add3A_1692, %dma_wait3A_1700, %dma_wait3A_1701] : memref<128x128x1024xf32, #tpu.memory_space<hbm>> -> memref<1x16x1024xf32, #tpu.memory_space<hbm>>
    %dma_wait3A_1703 = tpu.memref_squeeze %dma_wait3A_1702 : memref<1x16x1024xf32, #tpu.memory_space<hbm>> -> memref<16x1024xf32, #tpu.memory_space<hbm>>
    tpu.wait_dma2 semaphore(%dma_wait3A_1699 : memref<!tpu.dma_semaphore, #tpu.memory_space<semaphore_mem>>) src(%dma_wait3A_1703 : memref<16x1024xf32, #tpu.memory_space<hbm>>) dst(%arg10 : memref<16x1024xf32, #tpu.memory_space<vmem>>)
    %mul3A_1704 = arith.constant 4 : i32
    %mul3A_1705 = arith.muli %add3A, %mul3A_1704 : i32
    %add3A_1706 = arith.constant 2 : i32
    %add3A_1707 = arith.addi %mul3A_1705, %add3A_1706 : i32
    %dma_start3A_1708 = arith.constant 1 : i32
    %dma_start3A_1709 = arith.constant 48 : i32
    %dma_start3A_1710 = arith.constant 0 : i32
    %dma_start3A_1711 = tpu.memref_slice %arg5[%add3A_1707, %dma_start3A_1709, %dma_start3A_1710] : memref<128x128x1024xf32, #tpu.memory_space<hbm>> -> memref<1x16x1024xf32, #tpu.memory_space<hbm>>
    %dma_start3A_1712 = tpu.memref_squeeze %dma_start3A_1711 : memref<1x16x1024xf32, #tpu.memory_space<hbm>> -> memref<16x1024xf32, #tpu.memory_space<hbm>>
    %dma_start3A_1713 = tpu.memref_slice %arg16[%dma_start3A_1708] : memref<6x!tpu.dma_semaphore, #tpu.memory_space<semaphore_mem>> -> memref<1x!tpu.dma_semaphore, #tpu.memory_space<semaphore_mem>>
    %dma_start3A_1714 = tpu.memref_squeeze %dma_start3A_1713 : memref<1x!tpu.dma_semaphore, #tpu.memory_space<semaphore_mem>> -> memref<!tpu.dma_semaphore, #tpu.memory_space<semaphore_mem>>
    %dma_start3A_1715 = arith.constant 48 : i32
    %dma_start3A_1716 = arith.constant 0 : i32
    %dma_start3A_1717 = tpu.memref_slice %arg5[%add3A_1707, %dma_start3A_1715, %dma_start3A_1716] : memref<128x128x1024xf32, #tpu.memory_space<hbm>> -> memref<1x16x1024xf32, #tpu.memory_space<hbm>>
    %dma_start3A_1718 = tpu.memref_squeeze %dma_start3A_1717 : memref<1x16x1024xf32, #tpu.memory_space<hbm>> -> memref<16x1024xf32, #tpu.memory_space<hbm>>
    tpu.enqueue_dma source(%arg10 : memref<16x1024xf32, #tpu.memory_space<vmem>>) target(%dma_start3A_1718 : memref<16x1024xf32, #tpu.memory_space<hbm>>) target_semaphore(%dma_start3A_1714 : memref<!tpu.dma_semaphore, #tpu.memory_space<semaphore_mem>>)
    %mul3A_1719 = arith.constant 4 : i32
    %mul3A_1720 = arith.muli %add3A, %mul3A_1719 : i32
    %add3A_1721 = arith.constant 2 : i32
    %add3A_1722 = arith.addi %mul3A_1720, %add3A_1721 : i32
    %dma_wait3A_1723 = arith.constant 5 : i32
    %dma_wait3A_1724 = arith.constant 16 : i32
    %dma_wait3A_1725 = arith.constant 0 : i32
    %dma_wait3A_1726 = tpu.memref_slice %arg5[%add3A_1722, %dma_wait3A_1724, %dma_wait3A_1725] : memref<128x128x1024xf32, #tpu.memory_space<hbm>> -> memref<1x16x1024xf32, #tpu.memory_space<hbm>>
    %dma_wait3A_1727 = tpu.memref_squeeze %dma_wait3A_1726 : memref<1x16x1024xf32, #tpu.memory_space<hbm>> -> memref<16x1024xf32, #tpu.memory_space<hbm>>
    %dma_wait3A_1728 = tpu.memref_slice %arg16[%dma_wait3A_1723] : memref<6x!tpu.dma_semaphore, #tpu.memory_space<semaphore_mem>> -> memref<1x!tpu.dma_semaphore, #tpu.memory_space<semaphore_mem>>
    %dma_wait3A_1729 = tpu.memref_squeeze %dma_wait3A_1728 : memref<1x!tpu.dma_semaphore, #tpu.memory_space<semaphore_mem>> -> memref<!tpu.dma_semaphore, #tpu.memory_space<semaphore_mem>>
    %dma_wait3A_1730 = arith.constant 16 : i32
    %dma_wait3A_1731 = arith.constant 0 : i32
    %dma_wait3A_1732 = tpu.memref_slice %arg5[%add3A_1722, %dma_wait3A_1730, %dma_wait3A_1731] : memref<128x128x1024xf32, #tpu.memory_space<hbm>> -> memref<1x16x1024xf32, #tpu.memory_space<hbm>>
    %dma_wait3A_1733 = tpu.memref_squeeze %dma_wait3A_1732 : memref<1x16x1024xf32, #tpu.memory_space<hbm>> -> memref<16x1024xf32, #tpu.memory_space<hbm>>
    tpu.wait_dma2 semaphore(%dma_wait3A_1729 : memref<!tpu.dma_semaphore, #tpu.memory_space<semaphore_mem>>) src(%arg14 : memref<16x1024xf32, #tpu.memory_space<vmem>>) dst(%dma_wait3A_1733 : memref<16x1024xf32, #tpu.memory_space<hbm>>)
    %mul3A_1734 = arith.constant 4 : i32
    %mul3A_1735 = arith.muli %add3A, %mul3A_1734 : i32
    %add3A_1736 = arith.constant 2 : i32
    %add3A_1737 = arith.addi %mul3A_1735, %add3A_1736 : i32
    %dma_start3A_1738 = arith.constant 4 : i32
    %dma_start3A_1739 = arith.constant 96 : i32
    %dma_start3A_1740 = arith.constant 0 : i32
    %dma_start3A_1741 = tpu.memref_slice %arg4[%add3A_1737, %dma_start3A_1739, %dma_start3A_1740] : memref<128x128x1024xf32, #tpu.memory_space<hbm>> -> memref<1x16x1024xf32, #tpu.memory_space<hbm>>
    %dma_start3A_1742 = tpu.memref_squeeze %dma_start3A_1741 : memref<1x16x1024xf32, #tpu.memory_space<hbm>> -> memref<16x1024xf32, #tpu.memory_space<hbm>>
    %dma_start3A_1743 = tpu.memref_slice %arg15[%dma_start3A_1738] : memref<6x!tpu.dma_semaphore, #tpu.memory_space<semaphore_mem>> -> memref<1x!tpu.dma_semaphore, #tpu.memory_space<semaphore_mem>>
    %dma_start3A_1744 = tpu.memref_squeeze %dma_start3A_1743 : memref<1x!tpu.dma_semaphore, #tpu.memory_space<semaphore_mem>> -> memref<!tpu.dma_semaphore, #tpu.memory_space<semaphore_mem>>
    %dma_start3A_1745 = arith.constant 96 : i32
    %dma_start3A_1746 = arith.constant 0 : i32
    %dma_start3A_1747 = tpu.memref_slice %arg4[%add3A_1737, %dma_start3A_1745, %dma_start3A_1746] : memref<128x128x1024xf32, #tpu.memory_space<hbm>> -> memref<1x16x1024xf32, #tpu.memory_space<hbm>>
    %dma_start3A_1748 = tpu.memref_squeeze %dma_start3A_1747 : memref<1x16x1024xf32, #tpu.memory_space<hbm>> -> memref<16x1024xf32, #tpu.memory_space<hbm>>
    tpu.enqueue_dma source(%dma_start3A_1748 : memref<16x1024xf32, #tpu.memory_space<hbm>>) target(%arg13 : memref<16x1024xf32, #tpu.memory_space<vmem>>) target_semaphore(%dma_start3A_1744 : memref<!tpu.dma_semaphore, #tpu.memory_space<semaphore_mem>>)
    %mul3A_1749 = arith.constant 4 : i32
    %mul3A_1750 = arith.muli %add3A, %mul3A_1749 : i32
    %add3A_1751 = arith.constant 2 : i32
    %add3A_1752 = arith.addi %mul3A_1750, %add3A_1751 : i32
    %dma_wait3A_1753 = arith.constant 2 : i32
    %dma_wait3A_1754 = arith.constant 64 : i32
    %dma_wait3A_1755 = arith.constant 0 : i32
    %dma_wait3A_1756 = tpu.memref_slice %arg4[%add3A_1752, %dma_wait3A_1754, %dma_wait3A_1755] : memref<128x128x1024xf32, #tpu.memory_space<hbm>> -> memref<1x16x1024xf32, #tpu.memory_space<hbm>>
    %dma_wait3A_1757 = tpu.memref_squeeze %dma_wait3A_1756 : memref<1x16x1024xf32, #tpu.memory_space<hbm>> -> memref<16x1024xf32, #tpu.memory_space<hbm>>
    %dma_wait3A_1758 = tpu.memref_slice %arg15[%dma_wait3A_1753] : memref<6x!tpu.dma_semaphore, #tpu.memory_space<semaphore_mem>> -> memref<1x!tpu.dma_semaphore, #tpu.memory_space<semaphore_mem>>
    %dma_wait3A_1759 = tpu.memref_squeeze %dma_wait3A_1758 : memref<1x!tpu.dma_semaphore, #tpu.memory_space<semaphore_mem>> -> memref<!tpu.dma_semaphore, #tpu.memory_space<semaphore_mem>>
    %dma_wait3A_1760 = arith.constant 64 : i32
    %dma_wait3A_1761 = arith.constant 0 : i32
    %dma_wait3A_1762 = tpu.memref_slice %arg4[%add3A_1752, %dma_wait3A_1760, %dma_wait3A_1761] : memref<128x128x1024xf32, #tpu.memory_space<hbm>> -> memref<1x16x1024xf32, #tpu.memory_space<hbm>>
    %dma_wait3A_1763 = tpu.memref_squeeze %dma_wait3A_1762 : memref<1x16x1024xf32, #tpu.memory_space<hbm>> -> memref<16x1024xf32, #tpu.memory_space<hbm>>
    tpu.wait_dma2 semaphore(%dma_wait3A_1759 : memref<!tpu.dma_semaphore, #tpu.memory_space<semaphore_mem>>) src(%dma_wait3A_1763 : memref<16x1024xf32, #tpu.memory_space<hbm>>) dst(%arg11 : memref<16x1024xf32, #tpu.memory_space<vmem>>)
    %mul3A_1764 = arith.constant 4 : i32
    %mul3A_1765 = arith.muli %add3A, %mul3A_1764 : i32
    %add3A_1766 = arith.constant 2 : i32
    %add3A_1767 = arith.addi %mul3A_1765, %add3A_1766 : i32
    %dma_start3A_1768 = arith.constant 2 : i32
    %dma_start3A_1769 = arith.constant 64 : i32
    %dma_start3A_1770 = arith.constant 0 : i32
    %dma_start3A_1771 = tpu.memref_slice %arg5[%add3A_1767, %dma_start3A_1769, %dma_start3A_1770] : memref<128x128x1024xf32, #tpu.memory_space<hbm>> -> memref<1x16x1024xf32, #tpu.memory_space<hbm>>
    %dma_start3A_1772 = tpu.memref_squeeze %dma_start3A_1771 : memref<1x16x1024xf32, #tpu.memory_space<hbm>> -> memref<16x1024xf32, #tpu.memory_space<hbm>>
    %dma_start3A_1773 = tpu.memref_slice %arg16[%dma_start3A_1768] : memref<6x!tpu.dma_semaphore, #tpu.memory_space<semaphore_mem>> -> memref<1x!tpu.dma_semaphore, #tpu.memory_space<semaphore_mem>>
    %dma_start3A_1774 = tpu.memref_squeeze %dma_start3A_1773 : memref<1x!tpu.dma_semaphore, #tpu.memory_space<semaphore_mem>> -> memref<!tpu.dma_semaphore, #tpu.memory_space<semaphore_mem>>
    %dma_start3A_1775 = arith.constant 64 : i32
    %dma_start3A_1776 = arith.constant 0 : i32
    %dma_start3A_1777 = tpu.memref_slice %arg5[%add3A_1767, %dma_start3A_1775, %dma_start3A_1776] : memref<128x128x1024xf32, #tpu.memory_space<hbm>> -> memref<1x16x1024xf32, #tpu.memory_space<hbm>>
    %dma_start3A_1778 = tpu.memref_squeeze %dma_start3A_1777 : memref<1x16x1024xf32, #tpu.memory_space<hbm>> -> memref<16x1024xf32, #tpu.memory_space<hbm>>
    tpu.enqueue_dma source(%arg11 : memref<16x1024xf32, #tpu.memory_space<vmem>>) target(%dma_start3A_1778 : memref<16x1024xf32, #tpu.memory_space<hbm>>) target_semaphore(%dma_start3A_1774 : memref<!tpu.dma_semaphore, #tpu.memory_space<semaphore_mem>>)
    %mul3A_1779 = arith.constant 4 : i32
    %mul3A_1780 = arith.muli %add3A, %mul3A_1779 : i32
    %add3A_1781 = arith.constant 2 : i32
    %add3A_1782 = arith.addi %mul3A_1780, %add3A_1781 : i32
    %dma_wait3A_1783 = arith.constant 0 : i32
    %dma_wait3A_1784 = arith.constant 32 : i32
    %dma_wait3A_1785 = arith.constant 0 : i32
    %dma_wait3A_1786 = tpu.memref_slice %arg5[%add3A_1782, %dma_wait3A_1784, %dma_wait3A_1785] : memref<128x128x1024xf32, #tpu.memory_space<hbm>> -> memref<1x16x1024xf32, #tpu.memory_space<hbm>>
    %dma_wait3A_1787 = tpu.memref_squeeze %dma_wait3A_1786 : memref<1x16x1024xf32, #tpu.memory_space<hbm>> -> memref<16x1024xf32, #tpu.memory_space<hbm>>
    %dma_wait3A_1788 = tpu.memref_slice %arg16[%dma_wait3A_1783] : memref<6x!tpu.dma_semaphore, #tpu.memory_space<semaphore_mem>> -> memref<1x!tpu.dma_semaphore, #tpu.memory_space<semaphore_mem>>
    %dma_wait3A_1789 = tpu.memref_squeeze %dma_wait3A_1788 : memref<1x!tpu.dma_semaphore, #tpu.memory_space<semaphore_mem>> -> memref<!tpu.dma_semaphore, #tpu.memory_space<semaphore_mem>>
    %dma_wait3A_1790 = arith.constant 32 : i32
    %dma_wait3A_1791 = arith.constant 0 : i32
    %dma_wait3A_1792 = tpu.memref_slice %arg5[%add3A_1782, %dma_wait3A_1790, %dma_wait3A_1791] : memref<128x128x1024xf32, #tpu.memory_space<hbm>> -> memref<1x16x1024xf32, #tpu.memory_space<hbm>>
    %dma_wait3A_1793 = tpu.memref_squeeze %dma_wait3A_1792 : memref<1x16x1024xf32, #tpu.memory_space<hbm>> -> memref<16x1024xf32, #tpu.memory_space<hbm>>
    tpu.wait_dma2 semaphore(%dma_wait3A_1789 : memref<!tpu.dma_semaphore, #tpu.memory_space<semaphore_mem>>) src(%arg9 : memref<16x1024xf32, #tpu.memory_space<vmem>>) dst(%dma_wait3A_1793 : memref<16x1024xf32, #tpu.memory_space<hbm>>)
    %mul3A_1794 = arith.constant 4 : i32
    %mul3A_1795 = arith.muli %add3A, %mul3A_1794 : i32
    %add3A_1796 = arith.constant 2 : i32
    %add3A_1797 = arith.addi %mul3A_1795, %add3A_1796 : i32
    %dma_start3A_1798 = arith.constant 5 : i32
    %dma_start3A_1799 = arith.constant 112 : i32
    %dma_start3A_1800 = arith.constant 0 : i32
    %dma_start3A_1801 = tpu.memref_slice %arg4[%add3A_1797, %dma_start3A_1799, %dma_start3A_1800] : memref<128x128x1024xf32, #tpu.memory_space<hbm>> -> memref<1x16x1024xf32, #tpu.memory_space<hbm>>
    %dma_start3A_1802 = tpu.memref_squeeze %dma_start3A_1801 : memref<1x16x1024xf32, #tpu.memory_space<hbm>> -> memref<16x1024xf32, #tpu.memory_space<hbm>>
    %dma_start3A_1803 = tpu.memref_slice %arg15[%dma_start3A_1798] : memref<6x!tpu.dma_semaphore, #tpu.memory_space<semaphore_mem>> -> memref<1x!tpu.dma_semaphore, #tpu.memory_space<semaphore_mem>>
    %dma_start3A_1804 = tpu.memref_squeeze %dma_start3A_1803 : memref<1x!tpu.dma_semaphore, #tpu.memory_space<semaphore_mem>> -> memref<!tpu.dma_semaphore, #tpu.memory_space<semaphore_mem>>
    %dma_start3A_1805 = arith.constant 112 : i32
    %dma_start3A_1806 = arith.constant 0 : i32
    %dma_start3A_1807 = tpu.memref_slice %arg4[%add3A_1797, %dma_start3A_1805, %dma_start3A_1806] : memref<128x128x1024xf32, #tpu.memory_space<hbm>> -> memref<1x16x1024xf32, #tpu.memory_space<hbm>>
    %dma_start3A_1808 = tpu.memref_squeeze %dma_start3A_1807 : memref<1x16x1024xf32, #tpu.memory_space<hbm>> -> memref<16x1024xf32, #tpu.memory_space<hbm>>
    tpu.enqueue_dma source(%dma_start3A_1808 : memref<16x1024xf32, #tpu.memory_space<hbm>>) target(%arg14 : memref<16x1024xf32, #tpu.memory_space<vmem>>) target_semaphore(%dma_start3A_1804 : memref<!tpu.dma_semaphore, #tpu.memory_space<semaphore_mem>>)
    %mul3A_1809 = arith.constant 4 : i32
    %mul3A_1810 = arith.muli %add3A, %mul3A_1809 : i32
    %add3A_1811 = arith.constant 2 : i32
    %add3A_1812 = arith.addi %mul3A_1810, %add3A_1811 : i32
    %dma_wait3A_1813 = arith.constant 3 : i32
    %dma_wait3A_1814 = arith.constant 80 : i32
    %dma_wait3A_1815 = arith.constant 0 : i32
    %dma_wait3A_1816 = tpu.memref_slice %arg4[%add3A_1812, %dma_wait3A_1814, %dma_wait3A_1815] : memref<128x128x1024xf32, #tpu.memory_space<hbm>> -> memref<1x16x1024xf32, #tpu.memory_space<hbm>>
    %dma_wait3A_1817 = tpu.memref_squeeze %dma_wait3A_1816 : memref<1x16x1024xf32, #tpu.memory_space<hbm>> -> memref<16x1024xf32, #tpu.memory_space<hbm>>
    %dma_wait3A_1818 = tpu.memref_slice %arg15[%dma_wait3A_1813] : memref<6x!tpu.dma_semaphore, #tpu.memory_space<semaphore_mem>> -> memref<1x!tpu.dma_semaphore, #tpu.memory_space<semaphore_mem>>
    %dma_wait3A_1819 = tpu.memref_squeeze %dma_wait3A_1818 : memref<1x!tpu.dma_semaphore, #tpu.memory_space<semaphore_mem>> -> memref<!tpu.dma_semaphore, #tpu.memory_space<semaphore_mem>>
    %dma_wait3A_1820 = arith.constant 80 : i32
    %dma_wait3A_1821 = arith.constant 0 : i32
    %dma_wait3A_1822 = tpu.memref_slice %arg4[%add3A_1812, %dma_wait3A_1820, %dma_wait3A_1821] : memref<128x128x1024xf32, #tpu.memory_space<hbm>> -> memref<1x16x1024xf32, #tpu.memory_space<hbm>>
    %dma_wait3A_1823 = tpu.memref_squeeze %dma_wait3A_1822 : memref<1x16x1024xf32, #tpu.memory_space<hbm>> -> memref<16x1024xf32, #tpu.memory_space<hbm>>
    tpu.wait_dma2 semaphore(%dma_wait3A_1819 : memref<!tpu.dma_semaphore, #tpu.memory_space<semaphore_mem>>) src(%dma_wait3A_1823 : memref<16x1024xf32, #tpu.memory_space<hbm>>) dst(%arg12 : memref<16x1024xf32, #tpu.memory_space<vmem>>)
    %mul3A_1824 = arith.constant 4 : i32
    %mul3A_1825 = arith.muli %add3A, %mul3A_1824 : i32
    %add3A_1826 = arith.constant 2 : i32
    %add3A_1827 = arith.addi %mul3A_1825, %add3A_1826 : i32
    %dma_start3A_1828 = arith.constant 3 : i32
    %dma_start3A_1829 = arith.constant 80 : i32
    %dma_start3A_1830 = arith.constant 0 : i32
    %dma_start3A_1831 = tpu.memref_slice %arg5[%add3A_1827, %dma_start3A_1829, %dma_start3A_1830] : memref<128x128x1024xf32, #tpu.memory_space<hbm>> -> memref<1x16x1024xf32, #tpu.memory_space<hbm>>
    %dma_start3A_1832 = tpu.memref_squeeze %dma_start3A_1831 : memref<1x16x1024xf32, #tpu.memory_space<hbm>> -> memref<16x1024xf32, #tpu.memory_space<hbm>>
    %dma_start3A_1833 = tpu.memref_slice %arg16[%dma_start3A_1828] : memref<6x!tpu.dma_semaphore, #tpu.memory_space<semaphore_mem>> -> memref<1x!tpu.dma_semaphore, #tpu.memory_space<semaphore_mem>>
    %dma_start3A_1834 = tpu.memref_squeeze %dma_start3A_1833 : memref<1x!tpu.dma_semaphore, #tpu.memory_space<semaphore_mem>> -> memref<!tpu.dma_semaphore, #tpu.memory_space<semaphore_mem>>
    %dma_start3A_1835 = arith.constant 80 : i32
    %dma_start3A_1836 = arith.constant 0 : i32
    %dma_start3A_1837 = tpu.memref_slice %arg5[%add3A_1827, %dma_start3A_1835, %dma_start3A_1836] : memref<128x128x1024xf32, #tpu.memory_space<hbm>> -> memref<1x16x1024xf32, #tpu.memory_space<hbm>>
    %dma_start3A_1838 = tpu.memref_squeeze %dma_start3A_1837 : memref<1x16x1024xf32, #tpu.memory_space<hbm>> -> memref<16x1024xf32, #tpu.memory_space<hbm>>
    tpu.enqueue_dma source(%arg12 : memref<16x1024xf32, #tpu.memory_space<vmem>>) target(%dma_start3A_1838 : memref<16x1024xf32, #tpu.memory_space<hbm>>) target_semaphore(%dma_start3A_1834 : memref<!tpu.dma_semaphore, #tpu.memory_space<semaphore_mem>>)
    %mul3A_1839 = arith.constant 4 : i32
    %mul3A_1840 = arith.muli %add3A, %mul3A_1839 : i32
    %add3A_1841 = arith.constant 2 : i32
    %add3A_1842 = arith.addi %mul3A_1840, %add3A_1841 : i32
    %dma_wait3A_1843 = arith.constant 1 : i32
    %dma_wait3A_1844 = arith.constant 48 : i32
    %dma_wait3A_1845 = arith.constant 0 : i32
    %dma_wait3A_1846 = tpu.memref_slice %arg5[%add3A_1842, %dma_wait3A_1844, %dma_wait3A_1845] : memref<128x128x1024xf32, #tpu.memory_space<hbm>> -> memref<1x16x1024xf32, #tpu.memory_space<hbm>>
    %dma_wait3A_1847 = tpu.memref_squeeze %dma_wait3A_1846 : memref<1x16x1024xf32, #tpu.memory_space<hbm>> -> memref<16x1024xf32, #tpu.memory_space<hbm>>
    %dma_wait3A_1848 = tpu.memref_slice %arg16[%dma_wait3A_1843] : memref<6x!tpu.dma_semaphore, #tpu.memory_space<semaphore_mem>> -> memref<1x!tpu.dma_semaphore, #tpu.memory_space<semaphore_mem>>
    %dma_wait3A_1849 = tpu.memref_squeeze %dma_wait3A_1848 : memref<1x!tpu.dma_semaphore, #tpu.memory_space<semaphore_mem>> -> memref<!tpu.dma_semaphore, #tpu.memory_space<semaphore_mem>>
    %dma_wait3A_1850 = arith.constant 48 : i32
    %dma_wait3A_1851 = arith.constant 0 : i32
    %dma_wait3A_1852 = tpu.memref_slice %arg5[%add3A_1842, %dma_wait3A_1850, %dma_wait3A_1851] : memref<128x128x1024xf32, #tpu.memory_space<hbm>> -> memref<1x16x1024xf32, #tpu.memory_space<hbm>>
    %dma_wait3A_1853 = tpu.memref_squeeze %dma_wait3A_1852 : memref<1x16x1024xf32, #tpu.memory_space<hbm>> -> memref<16x1024xf32, #tpu.memory_space<hbm>>
    tpu.wait_dma2 semaphore(%dma_wait3A_1849 : memref<!tpu.dma_semaphore, #tpu.memory_space<semaphore_mem>>) src(%arg10 : memref<16x1024xf32, #tpu.memory_space<vmem>>) dst(%dma_wait3A_1853 : memref<16x1024xf32, #tpu.memory_space<hbm>>)
    %mul3A_1854 = arith.constant 4 : i32
    %mul3A_1855 = arith.muli %add3A, %mul3A_1854 : i32
    %add3A_1856 = arith.constant 3 : i32
    %add3A_1857 = arith.addi %mul3A_1855, %add3A_1856 : i32
    %dma_start3A_1858 = arith.constant 0 : i32
    %dma_start3A_1859 = arith.constant 0 : i32
    %dma_start3A_1860 = arith.constant 0 : i32
    %dma_start3A_1861 = tpu.memref_slice %arg4[%add3A_1857, %dma_start3A_1859, %dma_start3A_1860] : memref<128x128x1024xf32, #tpu.memory_space<hbm>> -> memref<1x16x1024xf32, #tpu.memory_space<hbm>>
    %dma_start3A_1862 = tpu.memref_squeeze %dma_start3A_1861 : memref<1x16x1024xf32, #tpu.memory_space<hbm>> -> memref<16x1024xf32, #tpu.memory_space<hbm>>
    %dma_start3A_1863 = tpu.memref_slice %arg15[%dma_start3A_1858] : memref<6x!tpu.dma_semaphore, #tpu.memory_space<semaphore_mem>> -> memref<1x!tpu.dma_semaphore, #tpu.memory_space<semaphore_mem>>
    %dma_start3A_1864 = tpu.memref_squeeze %dma_start3A_1863 : memref<1x!tpu.dma_semaphore, #tpu.memory_space<semaphore_mem>> -> memref<!tpu.dma_semaphore, #tpu.memory_space<semaphore_mem>>
    %dma_start3A_1865 = arith.constant 0 : i32
    %dma_start3A_1866 = arith.constant 0 : i32
    %dma_start3A_1867 = tpu.memref_slice %arg4[%add3A_1857, %dma_start3A_1865, %dma_start3A_1866] : memref<128x128x1024xf32, #tpu.memory_space<hbm>> -> memref<1x16x1024xf32, #tpu.memory_space<hbm>>
    %dma_start3A_1868 = tpu.memref_squeeze %dma_start3A_1867 : memref<1x16x1024xf32, #tpu.memory_space<hbm>> -> memref<16x1024xf32, #tpu.memory_space<hbm>>
    tpu.enqueue_dma source(%dma_start3A_1868 : memref<16x1024xf32, #tpu.memory_space<hbm>>) target(%arg9 : memref<16x1024xf32, #tpu.memory_space<vmem>>) target_semaphore(%dma_start3A_1864 : memref<!tpu.dma_semaphore, #tpu.memory_space<semaphore_mem>>)
    %mul3A_1869 = arith.constant 4 : i32
    %mul3A_1870 = arith.muli %add3A, %mul3A_1869 : i32
    %add3A_1871 = arith.constant 2 : i32
    %add3A_1872 = arith.addi %mul3A_1870, %add3A_1871 : i32
    %dma_wait3A_1873 = arith.constant 4 : i32
    %dma_wait3A_1874 = arith.constant 96 : i32
    %dma_wait3A_1875 = arith.constant 0 : i32
    %dma_wait3A_1876 = tpu.memref_slice %arg4[%add3A_1872, %dma_wait3A_1874, %dma_wait3A_1875] : memref<128x128x1024xf32, #tpu.memory_space<hbm>> -> memref<1x16x1024xf32, #tpu.memory_space<hbm>>
    %dma_wait3A_1877 = tpu.memref_squeeze %dma_wait3A_1876 : memref<1x16x1024xf32, #tpu.memory_space<hbm>> -> memref<16x1024xf32, #tpu.memory_space<hbm>>
    %dma_wait3A_1878 = tpu.memref_slice %arg15[%dma_wait3A_1873] : memref<6x!tpu.dma_semaphore, #tpu.memory_space<semaphore_mem>> -> memref<1x!tpu.dma_semaphore, #tpu.memory_space<semaphore_mem>>
    %dma_wait3A_1879 = tpu.memref_squeeze %dma_wait3A_1878 : memref<1x!tpu.dma_semaphore, #tpu.memory_space<semaphore_mem>> -> memref<!tpu.dma_semaphore, #tpu.memory_space<semaphore_mem>>
    %dma_wait3A_1880 = arith.constant 96 : i32
    %dma_wait3A_1881 = arith.constant 0 : i32
    %dma_wait3A_1882 = tpu.memref_slice %arg4[%add3A_1872, %dma_wait3A_1880, %dma_wait3A_1881] : memref<128x128x1024xf32, #tpu.memory_space<hbm>> -> memref<1x16x1024xf32, #tpu.memory_space<hbm>>
    %dma_wait3A_1883 = tpu.memref_squeeze %dma_wait3A_1882 : memref<1x16x1024xf32, #tpu.memory_space<hbm>> -> memref<16x1024xf32, #tpu.memory_space<hbm>>
    tpu.wait_dma2 semaphore(%dma_wait3A_1879 : memref<!tpu.dma_semaphore, #tpu.memory_space<semaphore_mem>>) src(%dma_wait3A_1883 : memref<16x1024xf32, #tpu.memory_space<hbm>>) dst(%arg13 : memref<16x1024xf32, #tpu.memory_space<vmem>>)
    %mul3A_1884 = arith.constant 4 : i32
    %mul3A_1885 = arith.muli %add3A, %mul3A_1884 : i32
    %add3A_1886 = arith.constant 2 : i32
    %add3A_1887 = arith.addi %mul3A_1885, %add3A_1886 : i32
    %dma_start3A_1888 = arith.constant 4 : i32
    %dma_start3A_1889 = arith.constant 96 : i32
    %dma_start3A_1890 = arith.constant 0 : i32
    %dma_start3A_1891 = tpu.memref_slice %arg5[%add3A_1887, %dma_start3A_1889, %dma_start3A_1890] : memref<128x128x1024xf32, #tpu.memory_space<hbm>> -> memref<1x16x1024xf32, #tpu.memory_space<hbm>>
    %dma_start3A_1892 = tpu.memref_squeeze %dma_start3A_1891 : memref<1x16x1024xf32, #tpu.memory_space<hbm>> -> memref<16x1024xf32, #tpu.memory_space<hbm>>
    %dma_start3A_1893 = tpu.memref_slice %arg16[%dma_start3A_1888] : memref<6x!tpu.dma_semaphore, #tpu.memory_space<semaphore_mem>> -> memref<1x!tpu.dma_semaphore, #tpu.memory_space<semaphore_mem>>
    %dma_start3A_1894 = tpu.memref_squeeze %dma_start3A_1893 : memref<1x!tpu.dma_semaphore, #tpu.memory_space<semaphore_mem>> -> memref<!tpu.dma_semaphore, #tpu.memory_space<semaphore_mem>>
    %dma_start3A_1895 = arith.constant 96 : i32
    %dma_start3A_1896 = arith.constant 0 : i32
    %dma_start3A_1897 = tpu.memref_slice %arg5[%add3A_1887, %dma_start3A_1895, %dma_start3A_1896] : memref<128x128x1024xf32, #tpu.memory_space<hbm>> -> memref<1x16x1024xf32, #tpu.memory_space<hbm>>
    %dma_start3A_1898 = tpu.memref_squeeze %dma_start3A_1897 : memref<1x16x1024xf32, #tpu.memory_space<hbm>> -> memref<16x1024xf32, #tpu.memory_space<hbm>>
    tpu.enqueue_dma source(%arg13 : memref<16x1024xf32, #tpu.memory_space<vmem>>) target(%dma_start3A_1898 : memref<16x1024xf32, #tpu.memory_space<hbm>>) target_semaphore(%dma_start3A_1894 : memref<!tpu.dma_semaphore, #tpu.memory_space<semaphore_mem>>)
    %mul3A_1899 = arith.constant 4 : i32
    %mul3A_1900 = arith.muli %add3A, %mul3A_1899 : i32
    %add3A_1901 = arith.constant 2 : i32
    %add3A_1902 = arith.addi %mul3A_1900, %add3A_1901 : i32
    %dma_wait3A_1903 = arith.constant 2 : i32
    %dma_wait3A_1904 = arith.constant 64 : i32
    %dma_wait3A_1905 = arith.constant 0 : i32
    %dma_wait3A_1906 = tpu.memref_slice %arg5[%add3A_1902, %dma_wait3A_1904, %dma_wait3A_1905] : memref<128x128x1024xf32, #tpu.memory_space<hbm>> -> memref<1x16x1024xf32, #tpu.memory_space<hbm>>
    %dma_wait3A_1907 = tpu.memref_squeeze %dma_wait3A_1906 : memref<1x16x1024xf32, #tpu.memory_space<hbm>> -> memref<16x1024xf32, #tpu.memory_space<hbm>>
    %dma_wait3A_1908 = tpu.memref_slice %arg16[%dma_wait3A_1903] : memref<6x!tpu.dma_semaphore, #tpu.memory_space<semaphore_mem>> -> memref<1x!tpu.dma_semaphore, #tpu.memory_space<semaphore_mem>>
    %dma_wait3A_1909 = tpu.memref_squeeze %dma_wait3A_1908 : memref<1x!tpu.dma_semaphore, #tpu.memory_space<semaphore_mem>> -> memref<!tpu.dma_semaphore, #tpu.memory_space<semaphore_mem>>
    %dma_wait3A_1910 = arith.constant 64 : i32
    %dma_wait3A_1911 = arith.constant 0 : i32
    %dma_wait3A_1912 = tpu.memref_slice %arg5[%add3A_1902, %dma_wait3A_1910, %dma_wait3A_1911] : memref<128x128x1024xf32, #tpu.memory_space<hbm>> -> memref<1x16x1024xf32, #tpu.memory_space<hbm>>
    %dma_wait3A_1913 = tpu.memref_squeeze %dma_wait3A_1912 : memref<1x16x1024xf32, #tpu.memory_space<hbm>> -> memref<16x1024xf32, #tpu.memory_space<hbm>>
    tpu.wait_dma2 semaphore(%dma_wait3A_1909 : memref<!tpu.dma_semaphore, #tpu.memory_space<semaphore_mem>>) src(%arg11 : memref<16x1024xf32, #tpu.memory_space<vmem>>) dst(%dma_wait3A_1913 : memref<16x1024xf32, #tpu.memory_space<hbm>>)
    %mul3A_1914 = arith.constant 4 : i32
    %mul3A_1915 = arith.muli %add3A, %mul3A_1914 : i32
    %add3A_1916 = arith.constant 3 : i32
    %add3A_1917 = arith.addi %mul3A_1915, %add3A_1916 : i32
    %dma_start3A_1918 = arith.constant 1 : i32
    %dma_start3A_1919 = arith.constant 16 : i32
    %dma_start3A_1920 = arith.constant 0 : i32
    %dma_start3A_1921 = tpu.memref_slice %arg4[%add3A_1917, %dma_start3A_1919, %dma_start3A_1920] : memref<128x128x1024xf32, #tpu.memory_space<hbm>> -> memref<1x16x1024xf32, #tpu.memory_space<hbm>>
    %dma_start3A_1922 = tpu.memref_squeeze %dma_start3A_1921 : memref<1x16x1024xf32, #tpu.memory_space<hbm>> -> memref<16x1024xf32, #tpu.memory_space<hbm>>
    %dma_start3A_1923 = tpu.memref_slice %arg15[%dma_start3A_1918] : memref<6x!tpu.dma_semaphore, #tpu.memory_space<semaphore_mem>> -> memref<1x!tpu.dma_semaphore, #tpu.memory_space<semaphore_mem>>
    %dma_start3A_1924 = tpu.memref_squeeze %dma_start3A_1923 : memref<1x!tpu.dma_semaphore, #tpu.memory_space<semaphore_mem>> -> memref<!tpu.dma_semaphore, #tpu.memory_space<semaphore_mem>>
    %dma_start3A_1925 = arith.constant 16 : i32
    %dma_start3A_1926 = arith.constant 0 : i32
    %dma_start3A_1927 = tpu.memref_slice %arg4[%add3A_1917, %dma_start3A_1925, %dma_start3A_1926] : memref<128x128x1024xf32, #tpu.memory_space<hbm>> -> memref<1x16x1024xf32, #tpu.memory_space<hbm>>
    %dma_start3A_1928 = tpu.memref_squeeze %dma_start3A_1927 : memref<1x16x1024xf32, #tpu.memory_space<hbm>> -> memref<16x1024xf32, #tpu.memory_space<hbm>>
    tpu.enqueue_dma source(%dma_start3A_1928 : memref<16x1024xf32, #tpu.memory_space<hbm>>) target(%arg10 : memref<16x1024xf32, #tpu.memory_space<vmem>>) target_semaphore(%dma_start3A_1924 : memref<!tpu.dma_semaphore, #tpu.memory_space<semaphore_mem>>)
    %mul3A_1929 = arith.constant 4 : i32
    %mul3A_1930 = arith.muli %add3A, %mul3A_1929 : i32
    %add3A_1931 = arith.constant 2 : i32
    %add3A_1932 = arith.addi %mul3A_1930, %add3A_1931 : i32
    %dma_wait3A_1933 = arith.constant 5 : i32
    %dma_wait3A_1934 = arith.constant 112 : i32
    %dma_wait3A_1935 = arith.constant 0 : i32
    %dma_wait3A_1936 = tpu.memref_slice %arg4[%add3A_1932, %dma_wait3A_1934, %dma_wait3A_1935] : memref<128x128x1024xf32, #tpu.memory_space<hbm>> -> memref<1x16x1024xf32, #tpu.memory_space<hbm>>
    %dma_wait3A_1937 = tpu.memref_squeeze %dma_wait3A_1936 : memref<1x16x1024xf32, #tpu.memory_space<hbm>> -> memref<16x1024xf32, #tpu.memory_space<hbm>>
    %dma_wait3A_1938 = tpu.memref_slice %arg15[%dma_wait3A_1933] : memref<6x!tpu.dma_semaphore, #tpu.memory_space<semaphore_mem>> -> memref<1x!tpu.dma_semaphore, #tpu.memory_space<semaphore_mem>>
    %dma_wait3A_1939 = tpu.memref_squeeze %dma_wait3A_1938 : memref<1x!tpu.dma_semaphore, #tpu.memory_space<semaphore_mem>> -> memref<!tpu.dma_semaphore, #tpu.memory_space<semaphore_mem>>
    %dma_wait3A_1940 = arith.constant 112 : i32
    %dma_wait3A_1941 = arith.constant 0 : i32
    %dma_wait3A_1942 = tpu.memref_slice %arg4[%add3A_1932, %dma_wait3A_1940, %dma_wait3A_1941] : memref<128x128x1024xf32, #tpu.memory_space<hbm>> -> memref<1x16x1024xf32, #tpu.memory_space<hbm>>
    %dma_wait3A_1943 = tpu.memref_squeeze %dma_wait3A_1942 : memref<1x16x1024xf32, #tpu.memory_space<hbm>> -> memref<16x1024xf32, #tpu.memory_space<hbm>>
    tpu.wait_dma2 semaphore(%dma_wait3A_1939 : memref<!tpu.dma_semaphore, #tpu.memory_space<semaphore_mem>>) src(%dma_wait3A_1943 : memref<16x1024xf32, #tpu.memory_space<hbm>>) dst(%arg14 : memref<16x1024xf32, #tpu.memory_space<vmem>>)
    %mul3A_1944 = arith.constant 4 : i32
    %mul3A_1945 = arith.muli %add3A, %mul3A_1944 : i32
    %add3A_1946 = arith.constant 2 : i32
    %add3A_1947 = arith.addi %mul3A_1945, %add3A_1946 : i32
    %dma_start3A_1948 = arith.constant 5 : i32
    %dma_start3A_1949 = arith.constant 112 : i32
    %dma_start3A_1950 = arith.constant 0 : i32
    %dma_start3A_1951 = tpu.memref_slice %arg5[%add3A_1947, %dma_start3A_1949, %dma_start3A_1950] : memref<128x128x1024xf32, #tpu.memory_space<hbm>> -> memref<1x16x1024xf32, #tpu.memory_space<hbm>>
    %dma_start3A_1952 = tpu.memref_squeeze %dma_start3A_1951 : memref<1x16x1024xf32, #tpu.memory_space<hbm>> -> memref<16x1024xf32, #tpu.memory_space<hbm>>
    %dma_start3A_1953 = tpu.memref_slice %arg16[%dma_start3A_1948] : memref<6x!tpu.dma_semaphore, #tpu.memory_space<semaphore_mem>> -> memref<1x!tpu.dma_semaphore, #tpu.memory_space<semaphore_mem>>
    %dma_start3A_1954 = tpu.memref_squeeze %dma_start3A_1953 : memref<1x!tpu.dma_semaphore, #tpu.memory_space<semaphore_mem>> -> memref<!tpu.dma_semaphore, #tpu.memory_space<semaphore_mem>>
    %dma_start3A_1955 = arith.constant 112 : i32
    %dma_start3A_1956 = arith.constant 0 : i32
    %dma_start3A_1957 = tpu.memref_slice %arg5[%add3A_1947, %dma_start3A_1955, %dma_start3A_1956] : memref<128x128x1024xf32, #tpu.memory_space<hbm>> -> memref<1x16x1024xf32, #tpu.memory_space<hbm>>
    %dma_start3A_1958 = tpu.memref_squeeze %dma_start3A_1957 : memref<1x16x1024xf32, #tpu.memory_space<hbm>> -> memref<16x1024xf32, #tpu.memory_space<hbm>>
    tpu.enqueue_dma source(%arg14 : memref<16x1024xf32, #tpu.memory_space<vmem>>) target(%dma_start3A_1958 : memref<16x1024xf32, #tpu.memory_space<hbm>>) target_semaphore(%dma_start3A_1954 : memref<!tpu.dma_semaphore, #tpu.memory_space<semaphore_mem>>)
    %mul3A_1959 = arith.constant 4 : i32
    %mul3A_1960 = arith.muli %add3A, %mul3A_1959 : i32
    %add3A_1961 = arith.constant 2 : i32
    %add3A_1962 = arith.addi %mul3A_1960, %add3A_1961 : i32
    %dma_wait3A_1963 = arith.constant 3 : i32
    %dma_wait3A_1964 = arith.constant 80 : i32
    %dma_wait3A_1965 = arith.constant 0 : i32
    %dma_wait3A_1966 = tpu.memref_slice %arg5[%add3A_1962, %dma_wait3A_1964, %dma_wait3A_1965] : memref<128x128x1024xf32, #tpu.memory_space<hbm>> -> memref<1x16x1024xf32, #tpu.memory_space<hbm>>
    %dma_wait3A_1967 = tpu.memref_squeeze %dma_wait3A_1966 : memref<1x16x1024xf32, #tpu.memory_space<hbm>> -> memref<16x1024xf32, #tpu.memory_space<hbm>>
    %dma_wait3A_1968 = tpu.memref_slice %arg16[%dma_wait3A_1963] : memref<6x!tpu.dma_semaphore, #tpu.memory_space<semaphore_mem>> -> memref<1x!tpu.dma_semaphore, #tpu.memory_space<semaphore_mem>>
    %dma_wait3A_1969 = tpu.memref_squeeze %dma_wait3A_1968 : memref<1x!tpu.dma_semaphore, #tpu.memory_space<semaphore_mem>> -> memref<!tpu.dma_semaphore, #tpu.memory_space<semaphore_mem>>
    %dma_wait3A_1970 = arith.constant 80 : i32
    %dma_wait3A_1971 = arith.constant 0 : i32
    %dma_wait3A_1972 = tpu.memref_slice %arg5[%add3A_1962, %dma_wait3A_1970, %dma_wait3A_1971] : memref<128x128x1024xf32, #tpu.memory_space<hbm>> -> memref<1x16x1024xf32, #tpu.memory_space<hbm>>
    %dma_wait3A_1973 = tpu.memref_squeeze %dma_wait3A_1972 : memref<1x16x1024xf32, #tpu.memory_space<hbm>> -> memref<16x1024xf32, #tpu.memory_space<hbm>>
    tpu.wait_dma2 semaphore(%dma_wait3A_1969 : memref<!tpu.dma_semaphore, #tpu.memory_space<semaphore_mem>>) src(%arg12 : memref<16x1024xf32, #tpu.memory_space<vmem>>) dst(%dma_wait3A_1973 : memref<16x1024xf32, #tpu.memory_space<hbm>>)
    %mul3A_1974 = arith.constant 4 : i32
    %mul3A_1975 = arith.muli %add3A, %mul3A_1974 : i32
    %add3A_1976 = arith.constant 3 : i32
    %add3A_1977 = arith.addi %mul3A_1975, %add3A_1976 : i32
    %dma_start3A_1978 = arith.constant 2 : i32
    %dma_start3A_1979 = arith.constant 32 : i32
    %dma_start3A_1980 = arith.constant 0 : i32
    %dma_start3A_1981 = tpu.memref_slice %arg4[%add3A_1977, %dma_start3A_1979, %dma_start3A_1980] : memref<128x128x1024xf32, #tpu.memory_space<hbm>> -> memref<1x16x1024xf32, #tpu.memory_space<hbm>>
    %dma_start3A_1982 = tpu.memref_squeeze %dma_start3A_1981 : memref<1x16x1024xf32, #tpu.memory_space<hbm>> -> memref<16x1024xf32, #tpu.memory_space<hbm>>
    %dma_start3A_1983 = tpu.memref_slice %arg15[%dma_start3A_1978] : memref<6x!tpu.dma_semaphore, #tpu.memory_space<semaphore_mem>> -> memref<1x!tpu.dma_semaphore, #tpu.memory_space<semaphore_mem>>
    %dma_start3A_1984 = tpu.memref_squeeze %dma_start3A_1983 : memref<1x!tpu.dma_semaphore, #tpu.memory_space<semaphore_mem>> -> memref<!tpu.dma_semaphore, #tpu.memory_space<semaphore_mem>>
    %dma_start3A_1985 = arith.constant 32 : i32
    %dma_start3A_1986 = arith.constant 0 : i32
    %dma_start3A_1987 = tpu.memref_slice %arg4[%add3A_1977, %dma_start3A_1985, %dma_start3A_1986] : memref<128x128x1024xf32, #tpu.memory_space<hbm>> -> memref<1x16x1024xf32, #tpu.memory_space<hbm>>
    %dma_start3A_1988 = tpu.memref_squeeze %dma_start3A_1987 : memref<1x16x1024xf32, #tpu.memory_space<hbm>> -> memref<16x1024xf32, #tpu.memory_space<hbm>>
    tpu.enqueue_dma source(%dma_start3A_1988 : memref<16x1024xf32, #tpu.memory_space<hbm>>) target(%arg11 : memref<16x1024xf32, #tpu.memory_space<vmem>>) target_semaphore(%dma_start3A_1984 : memref<!tpu.dma_semaphore, #tpu.memory_space<semaphore_mem>>)
    %mul3A_1989 = arith.constant 4 : i32
    %mul3A_1990 = arith.muli %add3A, %mul3A_1989 : i32
    %add3A_1991 = arith.constant 3 : i32
    %add3A_1992 = arith.addi %mul3A_1990, %add3A_1991 : i32
    %dma_wait3A_1993 = arith.constant 0 : i32
    %dma_wait3A_1994 = arith.constant 0 : i32
    %dma_wait3A_1995 = arith.constant 0 : i32
    %dma_wait3A_1996 = tpu.memref_slice %arg4[%add3A_1992, %dma_wait3A_1994, %dma_wait3A_1995] : memref<128x128x1024xf32, #tpu.memory_space<hbm>> -> memref<1x16x1024xf32, #tpu.memory_space<hbm>>
    %dma_wait3A_1997 = tpu.memref_squeeze %dma_wait3A_1996 : memref<1x16x1024xf32, #tpu.memory_space<hbm>> -> memref<16x1024xf32, #tpu.memory_space<hbm>>
    %dma_wait3A_1998 = tpu.memref_slice %arg15[%dma_wait3A_1993] : memref<6x!tpu.dma_semaphore, #tpu.memory_space<semaphore_mem>> -> memref<1x!tpu.dma_semaphore, #tpu.memory_space<semaphore_mem>>
    %dma_wait3A_1999 = tpu.memref_squeeze %dma_wait3A_1998 : memref<1x!tpu.dma_semaphore, #tpu.memory_space<semaphore_mem>> -> memref<!tpu.dma_semaphore, #tpu.memory_space<semaphore_mem>>
    %dma_wait3A_2000 = arith.constant 0 : i32
    %dma_wait3A_2001 = arith.constant 0 : i32
    %dma_wait3A_2002 = tpu.memref_slice %arg4[%add3A_1992, %dma_wait3A_2000, %dma_wait3A_2001] : memref<128x128x1024xf32, #tpu.memory_space<hbm>> -> memref<1x16x1024xf32, #tpu.memory_space<hbm>>
    %dma_wait3A_2003 = tpu.memref_squeeze %dma_wait3A_2002 : memref<1x16x1024xf32, #tpu.memory_space<hbm>> -> memref<16x1024xf32, #tpu.memory_space<hbm>>
    tpu.wait_dma2 semaphore(%dma_wait3A_1999 : memref<!tpu.dma_semaphore, #tpu.memory_space<semaphore_mem>>) src(%dma_wait3A_2003 : memref<16x1024xf32, #tpu.memory_space<hbm>>) dst(%arg9 : memref<16x1024xf32, #tpu.memory_space<vmem>>)
    %mul3A_2004 = arith.constant 4 : i32
    %mul3A_2005 = arith.muli %add3A, %mul3A_2004 : i32
    %add3A_2006 = arith.constant 3 : i32
    %add3A_2007 = arith.addi %mul3A_2005, %add3A_2006 : i32
    %dma_start3A_2008 = arith.constant 0 : i32
    %dma_start3A_2009 = arith.constant 0 : i32
    %dma_start3A_2010 = arith.constant 0 : i32
    %dma_start3A_2011 = tpu.memref_slice %arg5[%add3A_2007, %dma_start3A_2009, %dma_start3A_2010] : memref<128x128x1024xf32, #tpu.memory_space<hbm>> -> memref<1x16x1024xf32, #tpu.memory_space<hbm>>
    %dma_start3A_2012 = tpu.memref_squeeze %dma_start3A_2011 : memref<1x16x1024xf32, #tpu.memory_space<hbm>> -> memref<16x1024xf32, #tpu.memory_space<hbm>>
    %dma_start3A_2013 = tpu.memref_slice %arg16[%dma_start3A_2008] : memref<6x!tpu.dma_semaphore, #tpu.memory_space<semaphore_mem>> -> memref<1x!tpu.dma_semaphore, #tpu.memory_space<semaphore_mem>>
    %dma_start3A_2014 = tpu.memref_squeeze %dma_start3A_2013 : memref<1x!tpu.dma_semaphore, #tpu.memory_space<semaphore_mem>> -> memref<!tpu.dma_semaphore, #tpu.memory_space<semaphore_mem>>
    %dma_start3A_2015 = arith.constant 0 : i32
    %dma_start3A_2016 = arith.constant 0 : i32
    %dma_start3A_2017 = tpu.memref_slice %arg5[%add3A_2007, %dma_start3A_2015, %dma_start3A_2016] : memref<128x128x1024xf32, #tpu.memory_space<hbm>> -> memref<1x16x1024xf32, #tpu.memory_space<hbm>>
    %dma_start3A_2018 = tpu.memref_squeeze %dma_start3A_2017 : memref<1x16x1024xf32, #tpu.memory_space<hbm>> -> memref<16x1024xf32, #tpu.memory_space<hbm>>
    tpu.enqueue_dma source(%arg9 : memref<16x1024xf32, #tpu.memory_space<vmem>>) target(%dma_start3A_2018 : memref<16x1024xf32, #tpu.memory_space<hbm>>) target_semaphore(%dma_start3A_2014 : memref<!tpu.dma_semaphore, #tpu.memory_space<semaphore_mem>>)
    %mul3A_2019 = arith.constant 4 : i32
    %mul3A_2020 = arith.muli %add3A, %mul3A_2019 : i32
    %add3A_2021 = arith.constant 2 : i32
    %add3A_2022 = arith.addi %mul3A_2020, %add3A_2021 : i32
    %dma_wait3A_2023 = arith.constant 4 : i32
    %dma_wait3A_2024 = arith.constant 96 : i32
    %dma_wait3A_2025 = arith.constant 0 : i32
    %dma_wait3A_2026 = tpu.memref_slice %arg5[%add3A_2022, %dma_wait3A_2024, %dma_wait3A_2025] : memref<128x128x1024xf32, #tpu.memory_space<hbm>> -> memref<1x16x1024xf32, #tpu.memory_space<hbm>>
    %dma_wait3A_2027 = tpu.memref_squeeze %dma_wait3A_2026 : memref<1x16x1024xf32, #tpu.memory_space<hbm>> -> memref<16x1024xf32, #tpu.memory_space<hbm>>
    %dma_wait3A_2028 = tpu.memref_slice %arg16[%dma_wait3A_2023] : memref<6x!tpu.dma_semaphore, #tpu.memory_space<semaphore_mem>> -> memref<1x!tpu.dma_semaphore, #tpu.memory_space<semaphore_mem>>
    %dma_wait3A_2029 = tpu.memref_squeeze %dma_wait3A_2028 : memref<1x!tpu.dma_semaphore, #tpu.memory_space<semaphore_mem>> -> memref<!tpu.dma_semaphore, #tpu.memory_space<semaphore_mem>>
    %dma_wait3A_2030 = arith.constant 96 : i32
    %dma_wait3A_2031 = arith.constant 0 : i32
    %dma_wait3A_2032 = tpu.memref_slice %arg5[%add3A_2022, %dma_wait3A_2030, %dma_wait3A_2031] : memref<128x128x1024xf32, #tpu.memory_space<hbm>> -> memref<1x16x1024xf32, #tpu.memory_space<hbm>>
    %dma_wait3A_2033 = tpu.memref_squeeze %dma_wait3A_2032 : memref<1x16x1024xf32, #tpu.memory_space<hbm>> -> memref<16x1024xf32, #tpu.memory_space<hbm>>
    tpu.wait_dma2 semaphore(%dma_wait3A_2029 : memref<!tpu.dma_semaphore, #tpu.memory_space<semaphore_mem>>) src(%arg13 : memref<16x1024xf32, #tpu.memory_space<vmem>>) dst(%dma_wait3A_2033 : memref<16x1024xf32, #tpu.memory_space<hbm>>)
    %mul3A_2034 = arith.constant 4 : i32
    %mul3A_2035 = arith.muli %add3A, %mul3A_2034 : i32
    %add3A_2036 = arith.constant 3 : i32
    %add3A_2037 = arith.addi %mul3A_2035, %add3A_2036 : i32
    %dma_start3A_2038 = arith.constant 3 : i32
    %dma_start3A_2039 = arith.constant 48 : i32
    %dma_start3A_2040 = arith.constant 0 : i32
    %dma_start3A_2041 = tpu.memref_slice %arg4[%add3A_2037, %dma_start3A_2039, %dma_start3A_2040] : memref<128x128x1024xf32, #tpu.memory_space<hbm>> -> memref<1x16x1024xf32, #tpu.memory_space<hbm>>
    %dma_start3A_2042 = tpu.memref_squeeze %dma_start3A_2041 : memref<1x16x1024xf32, #tpu.memory_space<hbm>> -> memref<16x1024xf32, #tpu.memory_space<hbm>>
    %dma_start3A_2043 = tpu.memref_slice %arg15[%dma_start3A_2038] : memref<6x!tpu.dma_semaphore, #tpu.memory_space<semaphore_mem>> -> memref<1x!tpu.dma_semaphore, #tpu.memory_space<semaphore_mem>>
    %dma_start3A_2044 = tpu.memref_squeeze %dma_start3A_2043 : memref<1x!tpu.dma_semaphore, #tpu.memory_space<semaphore_mem>> -> memref<!tpu.dma_semaphore, #tpu.memory_space<semaphore_mem>>
    %dma_start3A_2045 = arith.constant 48 : i32
    %dma_start3A_2046 = arith.constant 0 : i32
    %dma_start3A_2047 = tpu.memref_slice %arg4[%add3A_2037, %dma_start3A_2045, %dma_start3A_2046] : memref<128x128x1024xf32, #tpu.memory_space<hbm>> -> memref<1x16x1024xf32, #tpu.memory_space<hbm>>
    %dma_start3A_2048 = tpu.memref_squeeze %dma_start3A_2047 : memref<1x16x1024xf32, #tpu.memory_space<hbm>> -> memref<16x1024xf32, #tpu.memory_space<hbm>>
    tpu.enqueue_dma source(%dma_start3A_2048 : memref<16x1024xf32, #tpu.memory_space<hbm>>) target(%arg12 : memref<16x1024xf32, #tpu.memory_space<vmem>>) target_semaphore(%dma_start3A_2044 : memref<!tpu.dma_semaphore, #tpu.memory_space<semaphore_mem>>)
    %mul3A_2049 = arith.constant 4 : i32
    %mul3A_2050 = arith.muli %add3A, %mul3A_2049 : i32
    %add3A_2051 = arith.constant 3 : i32
    %add3A_2052 = arith.addi %mul3A_2050, %add3A_2051 : i32
    %dma_wait3A_2053 = arith.constant 1 : i32
    %dma_wait3A_2054 = arith.constant 16 : i32
    %dma_wait3A_2055 = arith.constant 0 : i32
    %dma_wait3A_2056 = tpu.memref_slice %arg4[%add3A_2052, %dma_wait3A_2054, %dma_wait3A_2055] : memref<128x128x1024xf32, #tpu.memory_space<hbm>> -> memref<1x16x1024xf32, #tpu.memory_space<hbm>>
    %dma_wait3A_2057 = tpu.memref_squeeze %dma_wait3A_2056 : memref<1x16x1024xf32, #tpu.memory_space<hbm>> -> memref<16x1024xf32, #tpu.memory_space<hbm>>
    %dma_wait3A_2058 = tpu.memref_slice %arg15[%dma_wait3A_2053] : memref<6x!tpu.dma_semaphore, #tpu.memory_space<semaphore_mem>> -> memref<1x!tpu.dma_semaphore, #tpu.memory_space<semaphore_mem>>
    %dma_wait3A_2059 = tpu.memref_squeeze %dma_wait3A_2058 : memref<1x!tpu.dma_semaphore, #tpu.memory_space<semaphore_mem>> -> memref<!tpu.dma_semaphore, #tpu.memory_space<semaphore_mem>>
    %dma_wait3A_2060 = arith.constant 16 : i32
    %dma_wait3A_2061 = arith.constant 0 : i32
    %dma_wait3A_2062 = tpu.memref_slice %arg4[%add3A_2052, %dma_wait3A_2060, %dma_wait3A_2061] : memref<128x128x1024xf32, #tpu.memory_space<hbm>> -> memref<1x16x1024xf32, #tpu.memory_space<hbm>>
    %dma_wait3A_2063 = tpu.memref_squeeze %dma_wait3A_2062 : memref<1x16x1024xf32, #tpu.memory_space<hbm>> -> memref<16x1024xf32, #tpu.memory_space<hbm>>
    tpu.wait_dma2 semaphore(%dma_wait3A_2059 : memref<!tpu.dma_semaphore, #tpu.memory_space<semaphore_mem>>) src(%dma_wait3A_2063 : memref<16x1024xf32, #tpu.memory_space<hbm>>) dst(%arg10 : memref<16x1024xf32, #tpu.memory_space<vmem>>)
    %mul3A_2064 = arith.constant 4 : i32
    %mul3A_2065 = arith.muli %add3A, %mul3A_2064 : i32
    %add3A_2066 = arith.constant 3 : i32
    %add3A_2067 = arith.addi %mul3A_2065, %add3A_2066 : i32
    %dma_start3A_2068 = arith.constant 1 : i32
    %dma_start3A_2069 = arith.constant 16 : i32
    %dma_start3A_2070 = arith.constant 0 : i32
    %dma_start3A_2071 = tpu.memref_slice %arg5[%add3A_2067, %dma_start3A_2069, %dma_start3A_2070] : memref<128x128x1024xf32, #tpu.memory_space<hbm>> -> memref<1x16x1024xf32, #tpu.memory_space<hbm>>
    %dma_start3A_2072 = tpu.memref_squeeze %dma_start3A_2071 : memref<1x16x1024xf32, #tpu.memory_space<hbm>> -> memref<16x1024xf32, #tpu.memory_space<hbm>>
    %dma_start3A_2073 = tpu.memref_slice %arg16[%dma_start3A_2068] : memref<6x!tpu.dma_semaphore, #tpu.memory_space<semaphore_mem>> -> memref<1x!tpu.dma_semaphore, #tpu.memory_space<semaphore_mem>>
    %dma_start3A_2074 = tpu.memref_squeeze %dma_start3A_2073 : memref<1x!tpu.dma_semaphore, #tpu.memory_space<semaphore_mem>> -> memref<!tpu.dma_semaphore, #tpu.memory_space<semaphore_mem>>
    %dma_start3A_2075 = arith.constant 16 : i32
    %dma_start3A_2076 = arith.constant 0 : i32
    %dma_start3A_2077 = tpu.memref_slice %arg5[%add3A_2067, %dma_start3A_2075, %dma_start3A_2076] : memref<128x128x1024xf32, #tpu.memory_space<hbm>> -> memref<1x16x1024xf32, #tpu.memory_space<hbm>>
    %dma_start3A_2078 = tpu.memref_squeeze %dma_start3A_2077 : memref<1x16x1024xf32, #tpu.memory_space<hbm>> -> memref<16x1024xf32, #tpu.memory_space<hbm>>
    tpu.enqueue_dma source(%arg10 : memref<16x1024xf32, #tpu.memory_space<vmem>>) target(%dma_start3A_2078 : memref<16x1024xf32, #tpu.memory_space<hbm>>) target_semaphore(%dma_start3A_2074 : memref<!tpu.dma_semaphore, #tpu.memory_space<semaphore_mem>>)
    %mul3A_2079 = arith.constant 4 : i32
    %mul3A_2080 = arith.muli %add3A, %mul3A_2079 : i32
    %add3A_2081 = arith.constant 2 : i32
    %add3A_2082 = arith.addi %mul3A_2080, %add3A_2081 : i32
    %dma_wait3A_2083 = arith.constant 5 : i32
    %dma_wait3A_2084 = arith.constant 112 : i32
    %dma_wait3A_2085 = arith.constant 0 : i32
    %dma_wait3A_2086 = tpu.memref_slice %arg5[%add3A_2082, %dma_wait3A_2084, %dma_wait3A_2085] : memref<128x128x1024xf32, #tpu.memory_space<hbm>> -> memref<1x16x1024xf32, #tpu.memory_space<hbm>>
    %dma_wait3A_2087 = tpu.memref_squeeze %dma_wait3A_2086 : memref<1x16x1024xf32, #tpu.memory_space<hbm>> -> memref<16x1024xf32, #tpu.memory_space<hbm>>
    %dma_wait3A_2088 = tpu.memref_slice %arg16[%dma_wait3A_2083] : memref<6x!tpu.dma_semaphore, #tpu.memory_space<semaphore_mem>> -> memref<1x!tpu.dma_semaphore, #tpu.memory_space<semaphore_mem>>
    %dma_wait3A_2089 = tpu.memref_squeeze %dma_wait3A_2088 : memref<1x!tpu.dma_semaphore, #tpu.memory_space<semaphore_mem>> -> memref<!tpu.dma_semaphore, #tpu.memory_space<semaphore_mem>>
    %dma_wait3A_2090 = arith.constant 112 : i32
    %dma_wait3A_2091 = arith.constant 0 : i32
    %dma_wait3A_2092 = tpu.memref_slice %arg5[%add3A_2082, %dma_wait3A_2090, %dma_wait3A_2091] : memref<128x128x1024xf32, #tpu.memory_space<hbm>> -> memref<1x16x1024xf32, #tpu.memory_space<hbm>>
    %dma_wait3A_2093 = tpu.memref_squeeze %dma_wait3A_2092 : memref<1x16x1024xf32, #tpu.memory_space<hbm>> -> memref<16x1024xf32, #tpu.memory_space<hbm>>
    tpu.wait_dma2 semaphore(%dma_wait3A_2089 : memref<!tpu.dma_semaphore, #tpu.memory_space<semaphore_mem>>) src(%arg14 : memref<16x1024xf32, #tpu.memory_space<vmem>>) dst(%dma_wait3A_2093 : memref<16x1024xf32, #tpu.memory_space<hbm>>)
    %mul3A_2094 = arith.constant 4 : i32
    %mul3A_2095 = arith.muli %add3A, %mul3A_2094 : i32
    %add3A_2096 = arith.constant 2 : i32
    %add3A_2097 = arith.addi %mul3A_2095, %add3A_2096 : i32
    %slice3A_2098 = vector.extract_strided_slice %get3A_4 {offsets = [2], sizes = [1], strides = [1]} : vector<16xi32> to vector<1xi32>
    %squeeze3A_2099 = vector.extract %slice3A_2098[0] : i32 from vector<1xi32>
    %slice3A_2100 = vector.extract_strided_slice %get3A_9 {offsets = [2], sizes = [1], strides = [1]} : vector<16xi32> to vector<1xi32>
    %squeeze3A_2101 = vector.extract %slice3A_2100[0] : i32 from vector<1xi32>
    %sub3A_2102 = arith.constant 1 : i32
    %sub3A_2103 = arith.subi %squeeze3A_2101, %sub3A_2102 : i32
    %add3A_2104 = arith.constant 0 : i32
    %add3A_2105 = arith.addi %squeeze3A_2099, %add3A_2104 : i32
    %min3A_2106 = arith.minsi %add3A_2105, %sub3A_2103 : i32
    %dma_start3A_2107 = arith.constant 0 : i32
    %dma_start3A_2108 = tpu.memref_slice %arg5[%add3A_2097, %min3A_2106, %dma_start3A_2107] : memref<128x128x1024xf32, #tpu.memory_space<hbm>> -> memref<1x1x1024xf32, #tpu.memory_space<hbm>>
    %dma_start3A_2109 = tpu.memref_squeeze %dma_start3A_2108 : memref<1x1x1024xf32, #tpu.memory_space<hbm>> -> memref<1x1024xf32, #tpu.memory_space<hbm>>
    %dma_start3A_2110 = arith.constant 0 : i32
    %dma_start3A_2111 = tpu.memref_slice %arg5[%add3A_2097, %min3A_2106, %dma_start3A_2110] : memref<128x128x1024xf32, #tpu.memory_space<hbm>> -> memref<1x1x1024xf32, #tpu.memory_space<hbm>>
    %dma_start3A_2112 = tpu.memref_squeeze %dma_start3A_2111 : memref<1x1x1024xf32, #tpu.memory_space<hbm>> -> memref<1x1024xf32, #tpu.memory_space<hbm>>
    tpu.enqueue_dma source(%arg8 : memref<1x1024xf32, #tpu.memory_space<vmem>>) target(%dma_start3A_2112 : memref<1x1024xf32, #tpu.memory_space<hbm>>) target_semaphore(%arg17 : memref<!tpu.dma_semaphore, #tpu.memory_space<semaphore_mem>>)
    %add3A_2113 = arith.constant 1 : i32
    %add3A_2114 = arith.addi %squeeze3A_2099, %add3A_2113 : i32
    %min3A_2115 = arith.minsi %add3A_2114, %sub3A_2103 : i32
    %dma_start3A_2116 = arith.constant 0 : i32
    %dma_start3A_2117 = tpu.memref_slice %arg5[%add3A_2097, %min3A_2115, %dma_start3A_2116] : memref<128x128x1024xf32, #tpu.memory_space<hbm>> -> memref<1x1x1024xf32, #tpu.memory_space<hbm>>
    %dma_start3A_2118 = tpu.memref_squeeze %dma_start3A_2117 : memref<1x1x1024xf32, #tpu.memory_space<hbm>> -> memref<1x1024xf32, #tpu.memory_space<hbm>>
    %dma_start3A_2119 = arith.constant 0 : i32
    %dma_start3A_2120 = tpu.memref_slice %arg5[%add3A_2097, %min3A_2115, %dma_start3A_2119] : memref<128x128x1024xf32, #tpu.memory_space<hbm>> -> memref<1x1x1024xf32, #tpu.memory_space<hbm>>
    %dma_start3A_2121 = tpu.memref_squeeze %dma_start3A_2120 : memref<1x1x1024xf32, #tpu.memory_space<hbm>> -> memref<1x1024xf32, #tpu.memory_space<hbm>>
    tpu.enqueue_dma source(%arg8 : memref<1x1024xf32, #tpu.memory_space<vmem>>) target(%dma_start3A_2121 : memref<1x1024xf32, #tpu.memory_space<hbm>>) target_semaphore(%arg17 : memref<!tpu.dma_semaphore, #tpu.memory_space<semaphore_mem>>)
    %add3A_2122 = arith.constant 2 : i32
    %add3A_2123 = arith.addi %squeeze3A_2099, %add3A_2122 : i32
    %min3A_2124 = arith.minsi %add3A_2123, %sub3A_2103 : i32
    %dma_start3A_2125 = arith.constant 0 : i32
    %dma_start3A_2126 = tpu.memref_slice %arg5[%add3A_2097, %min3A_2124, %dma_start3A_2125] : memref<128x128x1024xf32, #tpu.memory_space<hbm>> -> memref<1x1x1024xf32, #tpu.memory_space<hbm>>
    %dma_start3A_2127 = tpu.memref_squeeze %dma_start3A_2126 : memref<1x1x1024xf32, #tpu.memory_space<hbm>> -> memref<1x1024xf32, #tpu.memory_space<hbm>>
    %dma_start3A_2128 = arith.constant 0 : i32
    %dma_start3A_2129 = tpu.memref_slice %arg5[%add3A_2097, %min3A_2124, %dma_start3A_2128] : memref<128x128x1024xf32, #tpu.memory_space<hbm>> -> memref<1x1x1024xf32, #tpu.memory_space<hbm>>
    %dma_start3A_2130 = tpu.memref_squeeze %dma_start3A_2129 : memref<1x1x1024xf32, #tpu.memory_space<hbm>> -> memref<1x1024xf32, #tpu.memory_space<hbm>>
    tpu.enqueue_dma source(%arg8 : memref<1x1024xf32, #tpu.memory_space<vmem>>) target(%dma_start3A_2130 : memref<1x1024xf32, #tpu.memory_space<hbm>>) target_semaphore(%arg17 : memref<!tpu.dma_semaphore, #tpu.memory_space<semaphore_mem>>)
    %add3A_2131 = arith.constant 3 : i32
    %add3A_2132 = arith.addi %squeeze3A_2099, %add3A_2131 : i32
    %min3A_2133 = arith.minsi %add3A_2132, %sub3A_2103 : i32
    %dma_start3A_2134 = arith.constant 0 : i32
    %dma_start3A_2135 = tpu.memref_slice %arg5[%add3A_2097, %min3A_2133, %dma_start3A_2134] : memref<128x128x1024xf32, #tpu.memory_space<hbm>> -> memref<1x1x1024xf32, #tpu.memory_space<hbm>>
    %dma_start3A_2136 = tpu.memref_squeeze %dma_start3A_2135 : memref<1x1x1024xf32, #tpu.memory_space<hbm>> -> memref<1x1024xf32, #tpu.memory_space<hbm>>
    %dma_start3A_2137 = arith.constant 0 : i32
    %dma_start3A_2138 = tpu.memref_slice %arg5[%add3A_2097, %min3A_2133, %dma_start3A_2137] : memref<128x128x1024xf32, #tpu.memory_space<hbm>> -> memref<1x1x1024xf32, #tpu.memory_space<hbm>>
    %dma_start3A_2139 = tpu.memref_squeeze %dma_start3A_2138 : memref<1x1x1024xf32, #tpu.memory_space<hbm>> -> memref<1x1024xf32, #tpu.memory_space<hbm>>
    tpu.enqueue_dma source(%arg8 : memref<1x1024xf32, #tpu.memory_space<vmem>>) target(%dma_start3A_2139 : memref<1x1024xf32, #tpu.memory_space<hbm>>) target_semaphore(%arg17 : memref<!tpu.dma_semaphore, #tpu.memory_space<semaphore_mem>>)
    %add3A_2140 = arith.constant 4 : i32
    %add3A_2141 = arith.addi %squeeze3A_2099, %add3A_2140 : i32
    %min3A_2142 = arith.minsi %add3A_2141, %sub3A_2103 : i32
    %dma_start3A_2143 = arith.constant 0 : i32
    %dma_start3A_2144 = tpu.memref_slice %arg5[%add3A_2097, %min3A_2142, %dma_start3A_2143] : memref<128x128x1024xf32, #tpu.memory_space<hbm>> -> memref<1x1x1024xf32, #tpu.memory_space<hbm>>
    %dma_start3A_2145 = tpu.memref_squeeze %dma_start3A_2144 : memref<1x1x1024xf32, #tpu.memory_space<hbm>> -> memref<1x1024xf32, #tpu.memory_space<hbm>>
    %dma_start3A_2146 = arith.constant 0 : i32
    %dma_start3A_2147 = tpu.memref_slice %arg5[%add3A_2097, %min3A_2142, %dma_start3A_2146] : memref<128x128x1024xf32, #tpu.memory_space<hbm>> -> memref<1x1x1024xf32, #tpu.memory_space<hbm>>
    %dma_start3A_2148 = tpu.memref_squeeze %dma_start3A_2147 : memref<1x1x1024xf32, #tpu.memory_space<hbm>> -> memref<1x1024xf32, #tpu.memory_space<hbm>>
    tpu.enqueue_dma source(%arg8 : memref<1x1024xf32, #tpu.memory_space<vmem>>) target(%dma_start3A_2148 : memref<1x1024xf32, #tpu.memory_space<hbm>>) target_semaphore(%arg17 : memref<!tpu.dma_semaphore, #tpu.memory_space<semaphore_mem>>)
    %add3A_2149 = arith.constant 5 : i32
    %add3A_2150 = arith.addi %squeeze3A_2099, %add3A_2149 : i32
    %min3A_2151 = arith.minsi %add3A_2150, %sub3A_2103 : i32
    %dma_start3A_2152 = arith.constant 0 : i32
    %dma_start3A_2153 = tpu.memref_slice %arg5[%add3A_2097, %min3A_2151, %dma_start3A_2152] : memref<128x128x1024xf32, #tpu.memory_space<hbm>> -> memref<1x1x1024xf32, #tpu.memory_space<hbm>>
    %dma_start3A_2154 = tpu.memref_squeeze %dma_start3A_2153 : memref<1x1x1024xf32, #tpu.memory_space<hbm>> -> memref<1x1024xf32, #tpu.memory_space<hbm>>
    %dma_start3A_2155 = arith.constant 0 : i32
    %dma_start3A_2156 = tpu.memref_slice %arg5[%add3A_2097, %min3A_2151, %dma_start3A_2155] : memref<128x128x1024xf32, #tpu.memory_space<hbm>> -> memref<1x1x1024xf32, #tpu.memory_space<hbm>>
    %dma_start3A_2157 = tpu.memref_squeeze %dma_start3A_2156 : memref<1x1x1024xf32, #tpu.memory_space<hbm>> -> memref<1x1024xf32, #tpu.memory_space<hbm>>
    tpu.enqueue_dma source(%arg8 : memref<1x1024xf32, #tpu.memory_space<vmem>>) target(%dma_start3A_2157 : memref<1x1024xf32, #tpu.memory_space<hbm>>) target_semaphore(%arg17 : memref<!tpu.dma_semaphore, #tpu.memory_space<semaphore_mem>>)
    %add3A_2158 = arith.constant 6 : i32
    %add3A_2159 = arith.addi %squeeze3A_2099, %add3A_2158 : i32
    %min3A_2160 = arith.minsi %add3A_2159, %sub3A_2103 : i32
    %dma_start3A_2161 = arith.constant 0 : i32
    %dma_start3A_2162 = tpu.memref_slice %arg5[%add3A_2097, %min3A_2160, %dma_start3A_2161] : memref<128x128x1024xf32, #tpu.memory_space<hbm>> -> memref<1x1x1024xf32, #tpu.memory_space<hbm>>
    %dma_start3A_2163 = tpu.memref_squeeze %dma_start3A_2162 : memref<1x1x1024xf32, #tpu.memory_space<hbm>> -> memref<1x1024xf32, #tpu.memory_space<hbm>>
    %dma_start3A_2164 = arith.constant 0 : i32
    %dma_start3A_2165 = tpu.memref_slice %arg5[%add3A_2097, %min3A_2160, %dma_start3A_2164] : memref<128x128x1024xf32, #tpu.memory_space<hbm>> -> memref<1x1x1024xf32, #tpu.memory_space<hbm>>
    %dma_start3A_2166 = tpu.memref_squeeze %dma_start3A_2165 : memref<1x1x1024xf32, #tpu.memory_space<hbm>> -> memref<1x1024xf32, #tpu.memory_space<hbm>>
    tpu.enqueue_dma source(%arg8 : memref<1x1024xf32, #tpu.memory_space<vmem>>) target(%dma_start3A_2166 : memref<1x1024xf32, #tpu.memory_space<hbm>>) target_semaphore(%arg17 : memref<!tpu.dma_semaphore, #tpu.memory_space<semaphore_mem>>)
    %mul3A_2167 = arith.constant 4 : i32
    %mul3A_2168 = arith.muli %add3A, %mul3A_2167 : i32
    %add3A_2169 = arith.constant 3 : i32
    %add3A_2170 = arith.addi %mul3A_2168, %add3A_2169 : i32
    %dma_start3A_2171 = arith.constant 4 : i32
    %dma_start3A_2172 = arith.constant 64 : i32
    %dma_start3A_2173 = arith.constant 0 : i32
    %dma_start3A_2174 = tpu.memref_slice %arg4[%add3A_2170, %dma_start3A_2172, %dma_start3A_2173] : memref<128x128x1024xf32, #tpu.memory_space<hbm>> -> memref<1x16x1024xf32, #tpu.memory_space<hbm>>
    %dma_start3A_2175 = tpu.memref_squeeze %dma_start3A_2174 : memref<1x16x1024xf32, #tpu.memory_space<hbm>> -> memref<16x1024xf32, #tpu.memory_space<hbm>>
    %dma_start3A_2176 = tpu.memref_slice %arg15[%dma_start3A_2171] : memref<6x!tpu.dma_semaphore, #tpu.memory_space<semaphore_mem>> -> memref<1x!tpu.dma_semaphore, #tpu.memory_space<semaphore_mem>>
    %dma_start3A_2177 = tpu.memref_squeeze %dma_start3A_2176 : memref<1x!tpu.dma_semaphore, #tpu.memory_space<semaphore_mem>> -> memref<!tpu.dma_semaphore, #tpu.memory_space<semaphore_mem>>
    %dma_start3A_2178 = arith.constant 64 : i32
    %dma_start3A_2179 = arith.constant 0 : i32
    %dma_start3A_2180 = tpu.memref_slice %arg4[%add3A_2170, %dma_start3A_2178, %dma_start3A_2179] : memref<128x128x1024xf32, #tpu.memory_space<hbm>> -> memref<1x16x1024xf32, #tpu.memory_space<hbm>>
    %dma_start3A_2181 = tpu.memref_squeeze %dma_start3A_2180 : memref<1x16x1024xf32, #tpu.memory_space<hbm>> -> memref<16x1024xf32, #tpu.memory_space<hbm>>
    tpu.enqueue_dma source(%dma_start3A_2181 : memref<16x1024xf32, #tpu.memory_space<hbm>>) target(%arg13 : memref<16x1024xf32, #tpu.memory_space<vmem>>) target_semaphore(%dma_start3A_2177 : memref<!tpu.dma_semaphore, #tpu.memory_space<semaphore_mem>>)
    %mul3A_2182 = arith.constant 4 : i32
    %mul3A_2183 = arith.muli %add3A, %mul3A_2182 : i32
    %add3A_2184 = arith.constant 3 : i32
    %add3A_2185 = arith.addi %mul3A_2183, %add3A_2184 : i32
    %dma_wait3A_2186 = arith.constant 2 : i32
    %dma_wait3A_2187 = arith.constant 32 : i32
    %dma_wait3A_2188 = arith.constant 0 : i32
    %dma_wait3A_2189 = tpu.memref_slice %arg4[%add3A_2185, %dma_wait3A_2187, %dma_wait3A_2188] : memref<128x128x1024xf32, #tpu.memory_space<hbm>> -> memref<1x16x1024xf32, #tpu.memory_space<hbm>>
    %dma_wait3A_2190 = tpu.memref_squeeze %dma_wait3A_2189 : memref<1x16x1024xf32, #tpu.memory_space<hbm>> -> memref<16x1024xf32, #tpu.memory_space<hbm>>
    %dma_wait3A_2191 = tpu.memref_slice %arg15[%dma_wait3A_2186] : memref<6x!tpu.dma_semaphore, #tpu.memory_space<semaphore_mem>> -> memref<1x!tpu.dma_semaphore, #tpu.memory_space<semaphore_mem>>
    %dma_wait3A_2192 = tpu.memref_squeeze %dma_wait3A_2191 : memref<1x!tpu.dma_semaphore, #tpu.memory_space<semaphore_mem>> -> memref<!tpu.dma_semaphore, #tpu.memory_space<semaphore_mem>>
    %dma_wait3A_2193 = arith.constant 32 : i32
    %dma_wait3A_2194 = arith.constant 0 : i32
    %dma_wait3A_2195 = tpu.memref_slice %arg4[%add3A_2185, %dma_wait3A_2193, %dma_wait3A_2194] : memref<128x128x1024xf32, #tpu.memory_space<hbm>> -> memref<1x16x1024xf32, #tpu.memory_space<hbm>>
    %dma_wait3A_2196 = tpu.memref_squeeze %dma_wait3A_2195 : memref<1x16x1024xf32, #tpu.memory_space<hbm>> -> memref<16x1024xf32, #tpu.memory_space<hbm>>
    tpu.wait_dma2 semaphore(%dma_wait3A_2192 : memref<!tpu.dma_semaphore, #tpu.memory_space<semaphore_mem>>) src(%dma_wait3A_2196 : memref<16x1024xf32, #tpu.memory_space<hbm>>) dst(%arg11 : memref<16x1024xf32, #tpu.memory_space<vmem>>)
    %mul3A_2197 = arith.constant 4 : i32
    %mul3A_2198 = arith.muli %add3A, %mul3A_2197 : i32
    %add3A_2199 = arith.constant 3 : i32
    %add3A_2200 = arith.addi %mul3A_2198, %add3A_2199 : i32
    %dma_start3A_2201 = arith.constant 2 : i32
    %dma_start3A_2202 = arith.constant 32 : i32
    %dma_start3A_2203 = arith.constant 0 : i32
    %dma_start3A_2204 = tpu.memref_slice %arg5[%add3A_2200, %dma_start3A_2202, %dma_start3A_2203] : memref<128x128x1024xf32, #tpu.memory_space<hbm>> -> memref<1x16x1024xf32, #tpu.memory_space<hbm>>
    %dma_start3A_2205 = tpu.memref_squeeze %dma_start3A_2204 : memref<1x16x1024xf32, #tpu.memory_space<hbm>> -> memref<16x1024xf32, #tpu.memory_space<hbm>>
    %dma_start3A_2206 = tpu.memref_slice %arg16[%dma_start3A_2201] : memref<6x!tpu.dma_semaphore, #tpu.memory_space<semaphore_mem>> -> memref<1x!tpu.dma_semaphore, #tpu.memory_space<semaphore_mem>>
    %dma_start3A_2207 = tpu.memref_squeeze %dma_start3A_2206 : memref<1x!tpu.dma_semaphore, #tpu.memory_space<semaphore_mem>> -> memref<!tpu.dma_semaphore, #tpu.memory_space<semaphore_mem>>
    %dma_start3A_2208 = arith.constant 32 : i32
    %dma_start3A_2209 = arith.constant 0 : i32
    %dma_start3A_2210 = tpu.memref_slice %arg5[%add3A_2200, %dma_start3A_2208, %dma_start3A_2209] : memref<128x128x1024xf32, #tpu.memory_space<hbm>> -> memref<1x16x1024xf32, #tpu.memory_space<hbm>>
    %dma_start3A_2211 = tpu.memref_squeeze %dma_start3A_2210 : memref<1x16x1024xf32, #tpu.memory_space<hbm>> -> memref<16x1024xf32, #tpu.memory_space<hbm>>
    tpu.enqueue_dma source(%arg11 : memref<16x1024xf32, #tpu.memory_space<vmem>>) target(%dma_start3A_2211 : memref<16x1024xf32, #tpu.memory_space<hbm>>) target_semaphore(%dma_start3A_2207 : memref<!tpu.dma_semaphore, #tpu.memory_space<semaphore_mem>>)
    %mul3A_2212 = arith.constant 4 : i32
    %mul3A_2213 = arith.muli %add3A, %mul3A_2212 : i32
    %add3A_2214 = arith.constant 3 : i32
    %add3A_2215 = arith.addi %mul3A_2213, %add3A_2214 : i32
    %dma_wait3A_2216 = arith.constant 0 : i32
    %dma_wait3A_2217 = arith.constant 0 : i32
    %dma_wait3A_2218 = arith.constant 0 : i32
    %dma_wait3A_2219 = tpu.memref_slice %arg5[%add3A_2215, %dma_wait3A_2217, %dma_wait3A_2218] : memref<128x128x1024xf32, #tpu.memory_space<hbm>> -> memref<1x16x1024xf32, #tpu.memory_space<hbm>>
    %dma_wait3A_2220 = tpu.memref_squeeze %dma_wait3A_2219 : memref<1x16x1024xf32, #tpu.memory_space<hbm>> -> memref<16x1024xf32, #tpu.memory_space<hbm>>
    %dma_wait3A_2221 = tpu.memref_slice %arg16[%dma_wait3A_2216] : memref<6x!tpu.dma_semaphore, #tpu.memory_space<semaphore_mem>> -> memref<1x!tpu.dma_semaphore, #tpu.memory_space<semaphore_mem>>
    %dma_wait3A_2222 = tpu.memref_squeeze %dma_wait3A_2221 : memref<1x!tpu.dma_semaphore, #tpu.memory_space<semaphore_mem>> -> memref<!tpu.dma_semaphore, #tpu.memory_space<semaphore_mem>>
    %dma_wait3A_2223 = arith.constant 0 : i32
    %dma_wait3A_2224 = arith.constant 0 : i32
    %dma_wait3A_2225 = tpu.memref_slice %arg5[%add3A_2215, %dma_wait3A_2223, %dma_wait3A_2224] : memref<128x128x1024xf32, #tpu.memory_space<hbm>> -> memref<1x16x1024xf32, #tpu.memory_space<hbm>>
    %dma_wait3A_2226 = tpu.memref_squeeze %dma_wait3A_2225 : memref<1x16x1024xf32, #tpu.memory_space<hbm>> -> memref<16x1024xf32, #tpu.memory_space<hbm>>
    tpu.wait_dma2 semaphore(%dma_wait3A_2222 : memref<!tpu.dma_semaphore, #tpu.memory_space<semaphore_mem>>) src(%arg9 : memref<16x1024xf32, #tpu.memory_space<vmem>>) dst(%dma_wait3A_2226 : memref<16x1024xf32, #tpu.memory_space<hbm>>)
    %mul3A_2227 = arith.constant 4 : i32
    %mul3A_2228 = arith.muli %add3A, %mul3A_2227 : i32
    %add3A_2229 = arith.constant 3 : i32
    %add3A_2230 = arith.addi %mul3A_2228, %add3A_2229 : i32
    %dma_start3A_2231 = arith.constant 5 : i32
    %dma_start3A_2232 = arith.constant 80 : i32
    %dma_start3A_2233 = arith.constant 0 : i32
    %dma_start3A_2234 = tpu.memref_slice %arg4[%add3A_2230, %dma_start3A_2232, %dma_start3A_2233] : memref<128x128x1024xf32, #tpu.memory_space<hbm>> -> memref<1x16x1024xf32, #tpu.memory_space<hbm>>
    %dma_start3A_2235 = tpu.memref_squeeze %dma_start3A_2234 : memref<1x16x1024xf32, #tpu.memory_space<hbm>> -> memref<16x1024xf32, #tpu.memory_space<hbm>>
    %dma_start3A_2236 = tpu.memref_slice %arg15[%dma_start3A_2231] : memref<6x!tpu.dma_semaphore, #tpu.memory_space<semaphore_mem>> -> memref<1x!tpu.dma_semaphore, #tpu.memory_space<semaphore_mem>>
    %dma_start3A_2237 = tpu.memref_squeeze %dma_start3A_2236 : memref<1x!tpu.dma_semaphore, #tpu.memory_space<semaphore_mem>> -> memref<!tpu.dma_semaphore, #tpu.memory_space<semaphore_mem>>
    %dma_start3A_2238 = arith.constant 80 : i32
    %dma_start3A_2239 = arith.constant 0 : i32
    %dma_start3A_2240 = tpu.memref_slice %arg4[%add3A_2230, %dma_start3A_2238, %dma_start3A_2239] : memref<128x128x1024xf32, #tpu.memory_space<hbm>> -> memref<1x16x1024xf32, #tpu.memory_space<hbm>>
    %dma_start3A_2241 = tpu.memref_squeeze %dma_start3A_2240 : memref<1x16x1024xf32, #tpu.memory_space<hbm>> -> memref<16x1024xf32, #tpu.memory_space<hbm>>
    tpu.enqueue_dma source(%dma_start3A_2241 : memref<16x1024xf32, #tpu.memory_space<hbm>>) target(%arg14 : memref<16x1024xf32, #tpu.memory_space<vmem>>) target_semaphore(%dma_start3A_2237 : memref<!tpu.dma_semaphore, #tpu.memory_space<semaphore_mem>>)
    %mul3A_2242 = arith.constant 4 : i32
    %mul3A_2243 = arith.muli %add3A, %mul3A_2242 : i32
    %add3A_2244 = arith.constant 3 : i32
    %add3A_2245 = arith.addi %mul3A_2243, %add3A_2244 : i32
    %dma_wait3A_2246 = arith.constant 3 : i32
    %dma_wait3A_2247 = arith.constant 48 : i32
    %dma_wait3A_2248 = arith.constant 0 : i32
    %dma_wait3A_2249 = tpu.memref_slice %arg4[%add3A_2245, %dma_wait3A_2247, %dma_wait3A_2248] : memref<128x128x1024xf32, #tpu.memory_space<hbm>> -> memref<1x16x1024xf32, #tpu.memory_space<hbm>>
    %dma_wait3A_2250 = tpu.memref_squeeze %dma_wait3A_2249 : memref<1x16x1024xf32, #tpu.memory_space<hbm>> -> memref<16x1024xf32, #tpu.memory_space<hbm>>
    %dma_wait3A_2251 = tpu.memref_slice %arg15[%dma_wait3A_2246] : memref<6x!tpu.dma_semaphore, #tpu.memory_space<semaphore_mem>> -> memref<1x!tpu.dma_semaphore, #tpu.memory_space<semaphore_mem>>
    %dma_wait3A_2252 = tpu.memref_squeeze %dma_wait3A_2251 : memref<1x!tpu.dma_semaphore, #tpu.memory_space<semaphore_mem>> -> memref<!tpu.dma_semaphore, #tpu.memory_space<semaphore_mem>>
    %dma_wait3A_2253 = arith.constant 48 : i32
    %dma_wait3A_2254 = arith.constant 0 : i32
    %dma_wait3A_2255 = tpu.memref_slice %arg4[%add3A_2245, %dma_wait3A_2253, %dma_wait3A_2254] : memref<128x128x1024xf32, #tpu.memory_space<hbm>> -> memref<1x16x1024xf32, #tpu.memory_space<hbm>>
    %dma_wait3A_2256 = tpu.memref_squeeze %dma_wait3A_2255 : memref<1x16x1024xf32, #tpu.memory_space<hbm>> -> memref<16x1024xf32, #tpu.memory_space<hbm>>
    tpu.wait_dma2 semaphore(%dma_wait3A_2252 : memref<!tpu.dma_semaphore, #tpu.memory_space<semaphore_mem>>) src(%dma_wait3A_2256 : memref<16x1024xf32, #tpu.memory_space<hbm>>) dst(%arg12 : memref<16x1024xf32, #tpu.memory_space<vmem>>)
    %mul3A_2257 = arith.constant 4 : i32
    %mul3A_2258 = arith.muli %add3A, %mul3A_2257 : i32
    %add3A_2259 = arith.constant 3 : i32
    %add3A_2260 = arith.addi %mul3A_2258, %add3A_2259 : i32
    %dma_start3A_2261 = arith.constant 3 : i32
    %dma_start3A_2262 = arith.constant 48 : i32
    %dma_start3A_2263 = arith.constant 0 : i32
    %dma_start3A_2264 = tpu.memref_slice %arg5[%add3A_2260, %dma_start3A_2262, %dma_start3A_2263] : memref<128x128x1024xf32, #tpu.memory_space<hbm>> -> memref<1x16x1024xf32, #tpu.memory_space<hbm>>
    %dma_start3A_2265 = tpu.memref_squeeze %dma_start3A_2264 : memref<1x16x1024xf32, #tpu.memory_space<hbm>> -> memref<16x1024xf32, #tpu.memory_space<hbm>>
    %dma_start3A_2266 = tpu.memref_slice %arg16[%dma_start3A_2261] : memref<6x!tpu.dma_semaphore, #tpu.memory_space<semaphore_mem>> -> memref<1x!tpu.dma_semaphore, #tpu.memory_space<semaphore_mem>>
    %dma_start3A_2267 = tpu.memref_squeeze %dma_start3A_2266 : memref<1x!tpu.dma_semaphore, #tpu.memory_space<semaphore_mem>> -> memref<!tpu.dma_semaphore, #tpu.memory_space<semaphore_mem>>
    %dma_start3A_2268 = arith.constant 48 : i32
    %dma_start3A_2269 = arith.constant 0 : i32
    %dma_start3A_2270 = tpu.memref_slice %arg5[%add3A_2260, %dma_start3A_2268, %dma_start3A_2269] : memref<128x128x1024xf32, #tpu.memory_space<hbm>> -> memref<1x16x1024xf32, #tpu.memory_space<hbm>>
    %dma_start3A_2271 = tpu.memref_squeeze %dma_start3A_2270 : memref<1x16x1024xf32, #tpu.memory_space<hbm>> -> memref<16x1024xf32, #tpu.memory_space<hbm>>
    tpu.enqueue_dma source(%arg12 : memref<16x1024xf32, #tpu.memory_space<vmem>>) target(%dma_start3A_2271 : memref<16x1024xf32, #tpu.memory_space<hbm>>) target_semaphore(%dma_start3A_2267 : memref<!tpu.dma_semaphore, #tpu.memory_space<semaphore_mem>>)
    %mul3A_2272 = arith.constant 4 : i32
    %mul3A_2273 = arith.muli %add3A, %mul3A_2272 : i32
    %add3A_2274 = arith.constant 3 : i32
    %add3A_2275 = arith.addi %mul3A_2273, %add3A_2274 : i32
    %dma_wait3A_2276 = arith.constant 1 : i32
    %dma_wait3A_2277 = arith.constant 16 : i32
    %dma_wait3A_2278 = arith.constant 0 : i32
    %dma_wait3A_2279 = tpu.memref_slice %arg5[%add3A_2275, %dma_wait3A_2277, %dma_wait3A_2278] : memref<128x128x1024xf32, #tpu.memory_space<hbm>> -> memref<1x16x1024xf32, #tpu.memory_space<hbm>>
    %dma_wait3A_2280 = tpu.memref_squeeze %dma_wait3A_2279 : memref<1x16x1024xf32, #tpu.memory_space<hbm>> -> memref<16x1024xf32, #tpu.memory_space<hbm>>
    %dma_wait3A_2281 = tpu.memref_slice %arg16[%dma_wait3A_2276] : memref<6x!tpu.dma_semaphore, #tpu.memory_space<semaphore_mem>> -> memref<1x!tpu.dma_semaphore, #tpu.memory_space<semaphore_mem>>
    %dma_wait3A_2282 = tpu.memref_squeeze %dma_wait3A_2281 : memref<1x!tpu.dma_semaphore, #tpu.memory_space<semaphore_mem>> -> memref<!tpu.dma_semaphore, #tpu.memory_space<semaphore_mem>>
    %dma_wait3A_2283 = arith.constant 16 : i32
    %dma_wait3A_2284 = arith.constant 0 : i32
    %dma_wait3A_2285 = tpu.memref_slice %arg5[%add3A_2275, %dma_wait3A_2283, %dma_wait3A_2284] : memref<128x128x1024xf32, #tpu.memory_space<hbm>> -> memref<1x16x1024xf32, #tpu.memory_space<hbm>>
    %dma_wait3A_2286 = tpu.memref_squeeze %dma_wait3A_2285 : memref<1x16x1024xf32, #tpu.memory_space<hbm>> -> memref<16x1024xf32, #tpu.memory_space<hbm>>
    tpu.wait_dma2 semaphore(%dma_wait3A_2282 : memref<!tpu.dma_semaphore, #tpu.memory_space<semaphore_mem>>) src(%arg10 : memref<16x1024xf32, #tpu.memory_space<vmem>>) dst(%dma_wait3A_2286 : memref<16x1024xf32, #tpu.memory_space<hbm>>)
    %mul3A_2287 = arith.constant 4 : i32
    %mul3A_2288 = arith.muli %add3A, %mul3A_2287 : i32
    %add3A_2289 = arith.constant 3 : i32
    %add3A_2290 = arith.addi %mul3A_2288, %add3A_2289 : i32
    %dma_start3A_2291 = arith.constant 0 : i32
    %dma_start3A_2292 = arith.constant 96 : i32
    %dma_start3A_2293 = arith.constant 0 : i32
    %dma_start3A_2294 = tpu.memref_slice %arg4[%add3A_2290, %dma_start3A_2292, %dma_start3A_2293] : memref<128x128x1024xf32, #tpu.memory_space<hbm>> -> memref<1x16x1024xf32, #tpu.memory_space<hbm>>
    %dma_start3A_2295 = tpu.memref_squeeze %dma_start3A_2294 : memref<1x16x1024xf32, #tpu.memory_space<hbm>> -> memref<16x1024xf32, #tpu.memory_space<hbm>>
    %dma_start3A_2296 = tpu.memref_slice %arg15[%dma_start3A_2291] : memref<6x!tpu.dma_semaphore, #tpu.memory_space<semaphore_mem>> -> memref<1x!tpu.dma_semaphore, #tpu.memory_space<semaphore_mem>>
    %dma_start3A_2297 = tpu.memref_squeeze %dma_start3A_2296 : memref<1x!tpu.dma_semaphore, #tpu.memory_space<semaphore_mem>> -> memref<!tpu.dma_semaphore, #tpu.memory_space<semaphore_mem>>
    %dma_start3A_2298 = arith.constant 96 : i32
    %dma_start3A_2299 = arith.constant 0 : i32
    %dma_start3A_2300 = tpu.memref_slice %arg4[%add3A_2290, %dma_start3A_2298, %dma_start3A_2299] : memref<128x128x1024xf32, #tpu.memory_space<hbm>> -> memref<1x16x1024xf32, #tpu.memory_space<hbm>>
    %dma_start3A_2301 = tpu.memref_squeeze %dma_start3A_2300 : memref<1x16x1024xf32, #tpu.memory_space<hbm>> -> memref<16x1024xf32, #tpu.memory_space<hbm>>
    tpu.enqueue_dma source(%dma_start3A_2301 : memref<16x1024xf32, #tpu.memory_space<hbm>>) target(%arg9 : memref<16x1024xf32, #tpu.memory_space<vmem>>) target_semaphore(%dma_start3A_2297 : memref<!tpu.dma_semaphore, #tpu.memory_space<semaphore_mem>>)
    %mul3A_2302 = arith.constant 4 : i32
    %mul3A_2303 = arith.muli %add3A, %mul3A_2302 : i32
    %add3A_2304 = arith.constant 3 : i32
    %add3A_2305 = arith.addi %mul3A_2303, %add3A_2304 : i32
    %dma_wait3A_2306 = arith.constant 4 : i32
    %dma_wait3A_2307 = arith.constant 64 : i32
    %dma_wait3A_2308 = arith.constant 0 : i32
    %dma_wait3A_2309 = tpu.memref_slice %arg4[%add3A_2305, %dma_wait3A_2307, %dma_wait3A_2308] : memref<128x128x1024xf32, #tpu.memory_space<hbm>> -> memref<1x16x1024xf32, #tpu.memory_space<hbm>>
    %dma_wait3A_2310 = tpu.memref_squeeze %dma_wait3A_2309 : memref<1x16x1024xf32, #tpu.memory_space<hbm>> -> memref<16x1024xf32, #tpu.memory_space<hbm>>
    %dma_wait3A_2311 = tpu.memref_slice %arg15[%dma_wait3A_2306] : memref<6x!tpu.dma_semaphore, #tpu.memory_space<semaphore_mem>> -> memref<1x!tpu.dma_semaphore, #tpu.memory_space<semaphore_mem>>
    %dma_wait3A_2312 = tpu.memref_squeeze %dma_wait3A_2311 : memref<1x!tpu.dma_semaphore, #tpu.memory_space<semaphore_mem>> -> memref<!tpu.dma_semaphore, #tpu.memory_space<semaphore_mem>>
    %dma_wait3A_2313 = arith.constant 64 : i32
    %dma_wait3A_2314 = arith.constant 0 : i32
    %dma_wait3A_2315 = tpu.memref_slice %arg4[%add3A_2305, %dma_wait3A_2313, %dma_wait3A_2314] : memref<128x128x1024xf32, #tpu.memory_space<hbm>> -> memref<1x16x1024xf32, #tpu.memory_space<hbm>>
    %dma_wait3A_2316 = tpu.memref_squeeze %dma_wait3A_2315 : memref<1x16x1024xf32, #tpu.memory_space<hbm>> -> memref<16x1024xf32, #tpu.memory_space<hbm>>
    tpu.wait_dma2 semaphore(%dma_wait3A_2312 : memref<!tpu.dma_semaphore, #tpu.memory_space<semaphore_mem>>) src(%dma_wait3A_2316 : memref<16x1024xf32, #tpu.memory_space<hbm>>) dst(%arg13 : memref<16x1024xf32, #tpu.memory_space<vmem>>)
    %mul3A_2317 = arith.constant 4 : i32
    %mul3A_2318 = arith.muli %add3A, %mul3A_2317 : i32
    %add3A_2319 = arith.constant 3 : i32
    %add3A_2320 = arith.addi %mul3A_2318, %add3A_2319 : i32
    %dma_start3A_2321 = arith.constant 4 : i32
    %dma_start3A_2322 = arith.constant 64 : i32
    %dma_start3A_2323 = arith.constant 0 : i32
    %dma_start3A_2324 = tpu.memref_slice %arg5[%add3A_2320, %dma_start3A_2322, %dma_start3A_2323] : memref<128x128x1024xf32, #tpu.memory_space<hbm>> -> memref<1x16x1024xf32, #tpu.memory_space<hbm>>
    %dma_start3A_2325 = tpu.memref_squeeze %dma_start3A_2324 : memref<1x16x1024xf32, #tpu.memory_space<hbm>> -> memref<16x1024xf32, #tpu.memory_space<hbm>>
    %dma_start3A_2326 = tpu.memref_slice %arg16[%dma_start3A_2321] : memref<6x!tpu.dma_semaphore, #tpu.memory_space<semaphore_mem>> -> memref<1x!tpu.dma_semaphore, #tpu.memory_space<semaphore_mem>>
    %dma_start3A_2327 = tpu.memref_squeeze %dma_start3A_2326 : memref<1x!tpu.dma_semaphore, #tpu.memory_space<semaphore_mem>> -> memref<!tpu.dma_semaphore, #tpu.memory_space<semaphore_mem>>
    %dma_start3A_2328 = arith.constant 64 : i32
    %dma_start3A_2329 = arith.constant 0 : i32
    %dma_start3A_2330 = tpu.memref_slice %arg5[%add3A_2320, %dma_start3A_2328, %dma_start3A_2329] : memref<128x128x1024xf32, #tpu.memory_space<hbm>> -> memref<1x16x1024xf32, #tpu.memory_space<hbm>>
    %dma_start3A_2331 = tpu.memref_squeeze %dma_start3A_2330 : memref<1x16x1024xf32, #tpu.memory_space<hbm>> -> memref<16x1024xf32, #tpu.memory_space<hbm>>
    tpu.enqueue_dma source(%arg13 : memref<16x1024xf32, #tpu.memory_space<vmem>>) target(%dma_start3A_2331 : memref<16x1024xf32, #tpu.memory_space<hbm>>) target_semaphore(%dma_start3A_2327 : memref<!tpu.dma_semaphore, #tpu.memory_space<semaphore_mem>>)
    %mul3A_2332 = arith.constant 4 : i32
    %mul3A_2333 = arith.muli %add3A, %mul3A_2332 : i32
    %add3A_2334 = arith.constant 3 : i32
    %add3A_2335 = arith.addi %mul3A_2333, %add3A_2334 : i32
    %dma_wait3A_2336 = arith.constant 2 : i32
    %dma_wait3A_2337 = arith.constant 32 : i32
    %dma_wait3A_2338 = arith.constant 0 : i32
    %dma_wait3A_2339 = tpu.memref_slice %arg5[%add3A_2335, %dma_wait3A_2337, %dma_wait3A_2338] : memref<128x128x1024xf32, #tpu.memory_space<hbm>> -> memref<1x16x1024xf32, #tpu.memory_space<hbm>>
    %dma_wait3A_2340 = tpu.memref_squeeze %dma_wait3A_2339 : memref<1x16x1024xf32, #tpu.memory_space<hbm>> -> memref<16x1024xf32, #tpu.memory_space<hbm>>
    %dma_wait3A_2341 = tpu.memref_slice %arg16[%dma_wait3A_2336] : memref<6x!tpu.dma_semaphore, #tpu.memory_space<semaphore_mem>> -> memref<1x!tpu.dma_semaphore, #tpu.memory_space<semaphore_mem>>
    %dma_wait3A_2342 = tpu.memref_squeeze %dma_wait3A_2341 : memref<1x!tpu.dma_semaphore, #tpu.memory_space<semaphore_mem>> -> memref<!tpu.dma_semaphore, #tpu.memory_space<semaphore_mem>>
    %dma_wait3A_2343 = arith.constant 32 : i32
    %dma_wait3A_2344 = arith.constant 0 : i32
    %dma_wait3A_2345 = tpu.memref_slice %arg5[%add3A_2335, %dma_wait3A_2343, %dma_wait3A_2344] : memref<128x128x1024xf32, #tpu.memory_space<hbm>> -> memref<1x16x1024xf32, #tpu.memory_space<hbm>>
    %dma_wait3A_2346 = tpu.memref_squeeze %dma_wait3A_2345 : memref<1x16x1024xf32, #tpu.memory_space<hbm>> -> memref<16x1024xf32, #tpu.memory_space<hbm>>
    tpu.wait_dma2 semaphore(%dma_wait3A_2342 : memref<!tpu.dma_semaphore, #tpu.memory_space<semaphore_mem>>) src(%arg11 : memref<16x1024xf32, #tpu.memory_space<vmem>>) dst(%dma_wait3A_2346 : memref<16x1024xf32, #tpu.memory_space<hbm>>)
    %mul3A_2347 = arith.constant 4 : i32
    %mul3A_2348 = arith.muli %add3A, %mul3A_2347 : i32
    %add3A_2349 = arith.constant 3 : i32
    %add3A_2350 = arith.addi %mul3A_2348, %add3A_2349 : i32
    %dma_start3A_2351 = arith.constant 1 : i32
    %dma_start3A_2352 = arith.constant 112 : i32
    %dma_start3A_2353 = arith.constant 0 : i32
    %dma_start3A_2354 = tpu.memref_slice %arg4[%add3A_2350, %dma_start3A_2352, %dma_start3A_2353] : memref<128x128x1024xf32, #tpu.memory_space<hbm>> -> memref<1x16x1024xf32, #tpu.memory_space<hbm>>
    %dma_start3A_2355 = tpu.memref_squeeze %dma_start3A_2354 : memref<1x16x1024xf32, #tpu.memory_space<hbm>> -> memref<16x1024xf32, #tpu.memory_space<hbm>>
    %dma_start3A_2356 = tpu.memref_slice %arg15[%dma_start3A_2351] : memref<6x!tpu.dma_semaphore, #tpu.memory_space<semaphore_mem>> -> memref<1x!tpu.dma_semaphore, #tpu.memory_space<semaphore_mem>>
    %dma_start3A_2357 = tpu.memref_squeeze %dma_start3A_2356 : memref<1x!tpu.dma_semaphore, #tpu.memory_space<semaphore_mem>> -> memref<!tpu.dma_semaphore, #tpu.memory_space<semaphore_mem>>
    %dma_start3A_2358 = arith.constant 112 : i32
    %dma_start3A_2359 = arith.constant 0 : i32
    %dma_start3A_2360 = tpu.memref_slice %arg4[%add3A_2350, %dma_start3A_2358, %dma_start3A_2359] : memref<128x128x1024xf32, #tpu.memory_space<hbm>> -> memref<1x16x1024xf32, #tpu.memory_space<hbm>>
    %dma_start3A_2361 = tpu.memref_squeeze %dma_start3A_2360 : memref<1x16x1024xf32, #tpu.memory_space<hbm>> -> memref<16x1024xf32, #tpu.memory_space<hbm>>
    tpu.enqueue_dma source(%dma_start3A_2361 : memref<16x1024xf32, #tpu.memory_space<hbm>>) target(%arg10 : memref<16x1024xf32, #tpu.memory_space<vmem>>) target_semaphore(%dma_start3A_2357 : memref<!tpu.dma_semaphore, #tpu.memory_space<semaphore_mem>>)
    %mul3A_2362 = arith.constant 4 : i32
    %mul3A_2363 = arith.muli %add3A, %mul3A_2362 : i32
    %add3A_2364 = arith.constant 3 : i32
    %add3A_2365 = arith.addi %mul3A_2363, %add3A_2364 : i32
    %dma_wait3A_2366 = arith.constant 5 : i32
    %dma_wait3A_2367 = arith.constant 80 : i32
    %dma_wait3A_2368 = arith.constant 0 : i32
    %dma_wait3A_2369 = tpu.memref_slice %arg4[%add3A_2365, %dma_wait3A_2367, %dma_wait3A_2368] : memref<128x128x1024xf32, #tpu.memory_space<hbm>> -> memref<1x16x1024xf32, #tpu.memory_space<hbm>>
    %dma_wait3A_2370 = tpu.memref_squeeze %dma_wait3A_2369 : memref<1x16x1024xf32, #tpu.memory_space<hbm>> -> memref<16x1024xf32, #tpu.memory_space<hbm>>
    %dma_wait3A_2371 = tpu.memref_slice %arg15[%dma_wait3A_2366] : memref<6x!tpu.dma_semaphore, #tpu.memory_space<semaphore_mem>> -> memref<1x!tpu.dma_semaphore, #tpu.memory_space<semaphore_mem>>
    %dma_wait3A_2372 = tpu.memref_squeeze %dma_wait3A_2371 : memref<1x!tpu.dma_semaphore, #tpu.memory_space<semaphore_mem>> -> memref<!tpu.dma_semaphore, #tpu.memory_space<semaphore_mem>>
    %dma_wait3A_2373 = arith.constant 80 : i32
    %dma_wait3A_2374 = arith.constant 0 : i32
    %dma_wait3A_2375 = tpu.memref_slice %arg4[%add3A_2365, %dma_wait3A_2373, %dma_wait3A_2374] : memref<128x128x1024xf32, #tpu.memory_space<hbm>> -> memref<1x16x1024xf32, #tpu.memory_space<hbm>>
    %dma_wait3A_2376 = tpu.memref_squeeze %dma_wait3A_2375 : memref<1x16x1024xf32, #tpu.memory_space<hbm>> -> memref<16x1024xf32, #tpu.memory_space<hbm>>
    tpu.wait_dma2 semaphore(%dma_wait3A_2372 : memref<!tpu.dma_semaphore, #tpu.memory_space<semaphore_mem>>) src(%dma_wait3A_2376 : memref<16x1024xf32, #tpu.memory_space<hbm>>) dst(%arg14 : memref<16x1024xf32, #tpu.memory_space<vmem>>)
    %mul3A_2377 = arith.constant 4 : i32
    %mul3A_2378 = arith.muli %add3A, %mul3A_2377 : i32
    %add3A_2379 = arith.constant 3 : i32
    %add3A_2380 = arith.addi %mul3A_2378, %add3A_2379 : i32
    %dma_start3A_2381 = arith.constant 5 : i32
    %dma_start3A_2382 = arith.constant 80 : i32
    %dma_start3A_2383 = arith.constant 0 : i32
    %dma_start3A_2384 = tpu.memref_slice %arg5[%add3A_2380, %dma_start3A_2382, %dma_start3A_2383] : memref<128x128x1024xf32, #tpu.memory_space<hbm>> -> memref<1x16x1024xf32, #tpu.memory_space<hbm>>
    %dma_start3A_2385 = tpu.memref_squeeze %dma_start3A_2384 : memref<1x16x1024xf32, #tpu.memory_space<hbm>> -> memref<16x1024xf32, #tpu.memory_space<hbm>>
    %dma_start3A_2386 = tpu.memref_slice %arg16[%dma_start3A_2381] : memref<6x!tpu.dma_semaphore, #tpu.memory_space<semaphore_mem>> -> memref<1x!tpu.dma_semaphore, #tpu.memory_space<semaphore_mem>>
    %dma_start3A_2387 = tpu.memref_squeeze %dma_start3A_2386 : memref<1x!tpu.dma_semaphore, #tpu.memory_space<semaphore_mem>> -> memref<!tpu.dma_semaphore, #tpu.memory_space<semaphore_mem>>
    %dma_start3A_2388 = arith.constant 80 : i32
    %dma_start3A_2389 = arith.constant 0 : i32
    %dma_start3A_2390 = tpu.memref_slice %arg5[%add3A_2380, %dma_start3A_2388, %dma_start3A_2389] : memref<128x128x1024xf32, #tpu.memory_space<hbm>> -> memref<1x16x1024xf32, #tpu.memory_space<hbm>>
    %dma_start3A_2391 = tpu.memref_squeeze %dma_start3A_2390 : memref<1x16x1024xf32, #tpu.memory_space<hbm>> -> memref<16x1024xf32, #tpu.memory_space<hbm>>
    tpu.enqueue_dma source(%arg14 : memref<16x1024xf32, #tpu.memory_space<vmem>>) target(%dma_start3A_2391 : memref<16x1024xf32, #tpu.memory_space<hbm>>) target_semaphore(%dma_start3A_2387 : memref<!tpu.dma_semaphore, #tpu.memory_space<semaphore_mem>>)
    %mul3A_2392 = arith.constant 4 : i32
    %mul3A_2393 = arith.muli %add3A, %mul3A_2392 : i32
    %add3A_2394 = arith.constant 3 : i32
    %add3A_2395 = arith.addi %mul3A_2393, %add3A_2394 : i32
    %dma_wait3A_2396 = arith.constant 3 : i32
    %dma_wait3A_2397 = arith.constant 48 : i32
    %dma_wait3A_2398 = arith.constant 0 : i32
    %dma_wait3A_2399 = tpu.memref_slice %arg5[%add3A_2395, %dma_wait3A_2397, %dma_wait3A_2398] : memref<128x128x1024xf32, #tpu.memory_space<hbm>> -> memref<1x16x1024xf32, #tpu.memory_space<hbm>>
    %dma_wait3A_2400 = tpu.memref_squeeze %dma_wait3A_2399 : memref<1x16x1024xf32, #tpu.memory_space<hbm>> -> memref<16x1024xf32, #tpu.memory_space<hbm>>
    %dma_wait3A_2401 = tpu.memref_slice %arg16[%dma_wait3A_2396] : memref<6x!tpu.dma_semaphore, #tpu.memory_space<semaphore_mem>> -> memref<1x!tpu.dma_semaphore, #tpu.memory_space<semaphore_mem>>
    %dma_wait3A_2402 = tpu.memref_squeeze %dma_wait3A_2401 : memref<1x!tpu.dma_semaphore, #tpu.memory_space<semaphore_mem>> -> memref<!tpu.dma_semaphore, #tpu.memory_space<semaphore_mem>>
    %dma_wait3A_2403 = arith.constant 48 : i32
    %dma_wait3A_2404 = arith.constant 0 : i32
    %dma_wait3A_2405 = tpu.memref_slice %arg5[%add3A_2395, %dma_wait3A_2403, %dma_wait3A_2404] : memref<128x128x1024xf32, #tpu.memory_space<hbm>> -> memref<1x16x1024xf32, #tpu.memory_space<hbm>>
    %dma_wait3A_2406 = tpu.memref_squeeze %dma_wait3A_2405 : memref<1x16x1024xf32, #tpu.memory_space<hbm>> -> memref<16x1024xf32, #tpu.memory_space<hbm>>
    tpu.wait_dma2 semaphore(%dma_wait3A_2402 : memref<!tpu.dma_semaphore, #tpu.memory_space<semaphore_mem>>) src(%arg12 : memref<16x1024xf32, #tpu.memory_space<vmem>>) dst(%dma_wait3A_2406 : memref<16x1024xf32, #tpu.memory_space<hbm>>)
    %mul3A_2407 = arith.constant 4 : i32
    %mul3A_2408 = arith.muli %add3A, %mul3A_2407 : i32
    %add3A_2409 = arith.constant 3 : i32
    %add3A_2410 = arith.addi %mul3A_2408, %add3A_2409 : i32
    %dma_wait3A_2411 = arith.constant 0 : i32
    %dma_wait3A_2412 = arith.constant 96 : i32
    %dma_wait3A_2413 = arith.constant 0 : i32
    %dma_wait3A_2414 = tpu.memref_slice %arg4[%add3A_2410, %dma_wait3A_2412, %dma_wait3A_2413] : memref<128x128x1024xf32, #tpu.memory_space<hbm>> -> memref<1x16x1024xf32, #tpu.memory_space<hbm>>
    %dma_wait3A_2415 = tpu.memref_squeeze %dma_wait3A_2414 : memref<1x16x1024xf32, #tpu.memory_space<hbm>> -> memref<16x1024xf32, #tpu.memory_space<hbm>>
    %dma_wait3A_2416 = tpu.memref_slice %arg15[%dma_wait3A_2411] : memref<6x!tpu.dma_semaphore, #tpu.memory_space<semaphore_mem>> -> memref<1x!tpu.dma_semaphore, #tpu.memory_space<semaphore_mem>>
    %dma_wait3A_2417 = tpu.memref_squeeze %dma_wait3A_2416 : memref<1x!tpu.dma_semaphore, #tpu.memory_space<semaphore_mem>> -> memref<!tpu.dma_semaphore, #tpu.memory_space<semaphore_mem>>
    %dma_wait3A_2418 = arith.constant 96 : i32
    %dma_wait3A_2419 = arith.constant 0 : i32
    %dma_wait3A_2420 = tpu.memref_slice %arg4[%add3A_2410, %dma_wait3A_2418, %dma_wait3A_2419] : memref<128x128x1024xf32, #tpu.memory_space<hbm>> -> memref<1x16x1024xf32, #tpu.memory_space<hbm>>
    %dma_wait3A_2421 = tpu.memref_squeeze %dma_wait3A_2420 : memref<1x16x1024xf32, #tpu.memory_space<hbm>> -> memref<16x1024xf32, #tpu.memory_space<hbm>>
    tpu.wait_dma2 semaphore(%dma_wait3A_2417 : memref<!tpu.dma_semaphore, #tpu.memory_space<semaphore_mem>>) src(%dma_wait3A_2421 : memref<16x1024xf32, #tpu.memory_space<hbm>>) dst(%arg9 : memref<16x1024xf32, #tpu.memory_space<vmem>>)
    %mul3A_2422 = arith.constant 4 : i32
    %mul3A_2423 = arith.muli %add3A, %mul3A_2422 : i32
    %add3A_2424 = arith.constant 3 : i32
    %add3A_2425 = arith.addi %mul3A_2423, %add3A_2424 : i32
    %dma_start3A_2426 = arith.constant 0 : i32
    %dma_start3A_2427 = arith.constant 96 : i32
    %dma_start3A_2428 = arith.constant 0 : i32
    %dma_start3A_2429 = tpu.memref_slice %arg5[%add3A_2425, %dma_start3A_2427, %dma_start3A_2428] : memref<128x128x1024xf32, #tpu.memory_space<hbm>> -> memref<1x16x1024xf32, #tpu.memory_space<hbm>>
    %dma_start3A_2430 = tpu.memref_squeeze %dma_start3A_2429 : memref<1x16x1024xf32, #tpu.memory_space<hbm>> -> memref<16x1024xf32, #tpu.memory_space<hbm>>
    %dma_start3A_2431 = tpu.memref_slice %arg16[%dma_start3A_2426] : memref<6x!tpu.dma_semaphore, #tpu.memory_space<semaphore_mem>> -> memref<1x!tpu.dma_semaphore, #tpu.memory_space<semaphore_mem>>
    %dma_start3A_2432 = tpu.memref_squeeze %dma_start3A_2431 : memref<1x!tpu.dma_semaphore, #tpu.memory_space<semaphore_mem>> -> memref<!tpu.dma_semaphore, #tpu.memory_space<semaphore_mem>>
    %dma_start3A_2433 = arith.constant 96 : i32
    %dma_start3A_2434 = arith.constant 0 : i32
    %dma_start3A_2435 = tpu.memref_slice %arg5[%add3A_2425, %dma_start3A_2433, %dma_start3A_2434] : memref<128x128x1024xf32, #tpu.memory_space<hbm>> -> memref<1x16x1024xf32, #tpu.memory_space<hbm>>
    %dma_start3A_2436 = tpu.memref_squeeze %dma_start3A_2435 : memref<1x16x1024xf32, #tpu.memory_space<hbm>> -> memref<16x1024xf32, #tpu.memory_space<hbm>>
    tpu.enqueue_dma source(%arg9 : memref<16x1024xf32, #tpu.memory_space<vmem>>) target(%dma_start3A_2436 : memref<16x1024xf32, #tpu.memory_space<hbm>>) target_semaphore(%dma_start3A_2432 : memref<!tpu.dma_semaphore, #tpu.memory_space<semaphore_mem>>)
    %mul3A_2437 = arith.constant 4 : i32
    %mul3A_2438 = arith.muli %add3A, %mul3A_2437 : i32
    %add3A_2439 = arith.constant 3 : i32
    %add3A_2440 = arith.addi %mul3A_2438, %add3A_2439 : i32
    %dma_wait3A_2441 = arith.constant 4 : i32
    %dma_wait3A_2442 = arith.constant 64 : i32
    %dma_wait3A_2443 = arith.constant 0 : i32
    %dma_wait3A_2444 = tpu.memref_slice %arg5[%add3A_2440, %dma_wait3A_2442, %dma_wait3A_2443] : memref<128x128x1024xf32, #tpu.memory_space<hbm>> -> memref<1x16x1024xf32, #tpu.memory_space<hbm>>
    %dma_wait3A_2445 = tpu.memref_squeeze %dma_wait3A_2444 : memref<1x16x1024xf32, #tpu.memory_space<hbm>> -> memref<16x1024xf32, #tpu.memory_space<hbm>>
    %dma_wait3A_2446 = tpu.memref_slice %arg16[%dma_wait3A_2441] : memref<6x!tpu.dma_semaphore, #tpu.memory_space<semaphore_mem>> -> memref<1x!tpu.dma_semaphore, #tpu.memory_space<semaphore_mem>>
    %dma_wait3A_2447 = tpu.memref_squeeze %dma_wait3A_2446 : memref<1x!tpu.dma_semaphore, #tpu.memory_space<semaphore_mem>> -> memref<!tpu.dma_semaphore, #tpu.memory_space<semaphore_mem>>
    %dma_wait3A_2448 = arith.constant 64 : i32
    %dma_wait3A_2449 = arith.constant 0 : i32
    %dma_wait3A_2450 = tpu.memref_slice %arg5[%add3A_2440, %dma_wait3A_2448, %dma_wait3A_2449] : memref<128x128x1024xf32, #tpu.memory_space<hbm>> -> memref<1x16x1024xf32, #tpu.memory_space<hbm>>
    %dma_wait3A_2451 = tpu.memref_squeeze %dma_wait3A_2450 : memref<1x16x1024xf32, #tpu.memory_space<hbm>> -> memref<16x1024xf32, #tpu.memory_space<hbm>>
    tpu.wait_dma2 semaphore(%dma_wait3A_2447 : memref<!tpu.dma_semaphore, #tpu.memory_space<semaphore_mem>>) src(%arg13 : memref<16x1024xf32, #tpu.memory_space<vmem>>) dst(%dma_wait3A_2451 : memref<16x1024xf32, #tpu.memory_space<hbm>>)
    %mul3A_2452 = arith.constant 4 : i32
    %mul3A_2453 = arith.muli %add3A, %mul3A_2452 : i32
    %add3A_2454 = arith.constant 3 : i32
    %add3A_2455 = arith.addi %mul3A_2453, %add3A_2454 : i32
    %dma_wait3A_2456 = arith.constant 1 : i32
    %dma_wait3A_2457 = arith.constant 112 : i32
    %dma_wait3A_2458 = arith.constant 0 : i32
    %dma_wait3A_2459 = tpu.memref_slice %arg4[%add3A_2455, %dma_wait3A_2457, %dma_wait3A_2458] : memref<128x128x1024xf32, #tpu.memory_space<hbm>> -> memref<1x16x1024xf32, #tpu.memory_space<hbm>>
    %dma_wait3A_2460 = tpu.memref_squeeze %dma_wait3A_2459 : memref<1x16x1024xf32, #tpu.memory_space<hbm>> -> memref<16x1024xf32, #tpu.memory_space<hbm>>
    %dma_wait3A_2461 = tpu.memref_slice %arg15[%dma_wait3A_2456] : memref<6x!tpu.dma_semaphore, #tpu.memory_space<semaphore_mem>> -> memref<1x!tpu.dma_semaphore, #tpu.memory_space<semaphore_mem>>
    %dma_wait3A_2462 = tpu.memref_squeeze %dma_wait3A_2461 : memref<1x!tpu.dma_semaphore, #tpu.memory_space<semaphore_mem>> -> memref<!tpu.dma_semaphore, #tpu.memory_space<semaphore_mem>>
    %dma_wait3A_2463 = arith.constant 112 : i32
    %dma_wait3A_2464 = arith.constant 0 : i32
    %dma_wait3A_2465 = tpu.memref_slice %arg4[%add3A_2455, %dma_wait3A_2463, %dma_wait3A_2464] : memref<128x128x1024xf32, #tpu.memory_space<hbm>> -> memref<1x16x1024xf32, #tpu.memory_space<hbm>>
    %dma_wait3A_2466 = tpu.memref_squeeze %dma_wait3A_2465 : memref<1x16x1024xf32, #tpu.memory_space<hbm>> -> memref<16x1024xf32, #tpu.memory_space<hbm>>
    tpu.wait_dma2 semaphore(%dma_wait3A_2462 : memref<!tpu.dma_semaphore, #tpu.memory_space<semaphore_mem>>) src(%dma_wait3A_2466 : memref<16x1024xf32, #tpu.memory_space<hbm>>) dst(%arg10 : memref<16x1024xf32, #tpu.memory_space<vmem>>)
    %mul3A_2467 = arith.constant 4 : i32
    %mul3A_2468 = arith.muli %add3A, %mul3A_2467 : i32
    %add3A_2469 = arith.constant 3 : i32
    %add3A_2470 = arith.addi %mul3A_2468, %add3A_2469 : i32
    %dma_start3A_2471 = arith.constant 1 : i32
    %dma_start3A_2472 = arith.constant 112 : i32
    %dma_start3A_2473 = arith.constant 0 : i32
    %dma_start3A_2474 = tpu.memref_slice %arg5[%add3A_2470, %dma_start3A_2472, %dma_start3A_2473] : memref<128x128x1024xf32, #tpu.memory_space<hbm>> -> memref<1x16x1024xf32, #tpu.memory_space<hbm>>
    %dma_start3A_2475 = tpu.memref_squeeze %dma_start3A_2474 : memref<1x16x1024xf32, #tpu.memory_space<hbm>> -> memref<16x1024xf32, #tpu.memory_space<hbm>>
    %dma_start3A_2476 = tpu.memref_slice %arg16[%dma_start3A_2471] : memref<6x!tpu.dma_semaphore, #tpu.memory_space<semaphore_mem>> -> memref<1x!tpu.dma_semaphore, #tpu.memory_space<semaphore_mem>>
    %dma_start3A_2477 = tpu.memref_squeeze %dma_start3A_2476 : memref<1x!tpu.dma_semaphore, #tpu.memory_space<semaphore_mem>> -> memref<!tpu.dma_semaphore, #tpu.memory_space<semaphore_mem>>
    %dma_start3A_2478 = arith.constant 112 : i32
    %dma_start3A_2479 = arith.constant 0 : i32
    %dma_start3A_2480 = tpu.memref_slice %arg5[%add3A_2470, %dma_start3A_2478, %dma_start3A_2479] : memref<128x128x1024xf32, #tpu.memory_space<hbm>> -> memref<1x16x1024xf32, #tpu.memory_space<hbm>>
    %dma_start3A_2481 = tpu.memref_squeeze %dma_start3A_2480 : memref<1x16x1024xf32, #tpu.memory_space<hbm>> -> memref<16x1024xf32, #tpu.memory_space<hbm>>
    tpu.enqueue_dma source(%arg10 : memref<16x1024xf32, #tpu.memory_space<vmem>>) target(%dma_start3A_2481 : memref<16x1024xf32, #tpu.memory_space<hbm>>) target_semaphore(%dma_start3A_2477 : memref<!tpu.dma_semaphore, #tpu.memory_space<semaphore_mem>>)
    %mul3A_2482 = arith.constant 4 : i32
    %mul3A_2483 = arith.muli %add3A, %mul3A_2482 : i32
    %add3A_2484 = arith.constant 3 : i32
    %add3A_2485 = arith.addi %mul3A_2483, %add3A_2484 : i32
    %dma_wait3A_2486 = arith.constant 5 : i32
    %dma_wait3A_2487 = arith.constant 80 : i32
    %dma_wait3A_2488 = arith.constant 0 : i32
    %dma_wait3A_2489 = tpu.memref_slice %arg5[%add3A_2485, %dma_wait3A_2487, %dma_wait3A_2488] : memref<128x128x1024xf32, #tpu.memory_space<hbm>> -> memref<1x16x1024xf32, #tpu.memory_space<hbm>>
    %dma_wait3A_2490 = tpu.memref_squeeze %dma_wait3A_2489 : memref<1x16x1024xf32, #tpu.memory_space<hbm>> -> memref<16x1024xf32, #tpu.memory_space<hbm>>
    %dma_wait3A_2491 = tpu.memref_slice %arg16[%dma_wait3A_2486] : memref<6x!tpu.dma_semaphore, #tpu.memory_space<semaphore_mem>> -> memref<1x!tpu.dma_semaphore, #tpu.memory_space<semaphore_mem>>
    %dma_wait3A_2492 = tpu.memref_squeeze %dma_wait3A_2491 : memref<1x!tpu.dma_semaphore, #tpu.memory_space<semaphore_mem>> -> memref<!tpu.dma_semaphore, #tpu.memory_space<semaphore_mem>>
    %dma_wait3A_2493 = arith.constant 80 : i32
    %dma_wait3A_2494 = arith.constant 0 : i32
    %dma_wait3A_2495 = tpu.memref_slice %arg5[%add3A_2485, %dma_wait3A_2493, %dma_wait3A_2494] : memref<128x128x1024xf32, #tpu.memory_space<hbm>> -> memref<1x16x1024xf32, #tpu.memory_space<hbm>>
    %dma_wait3A_2496 = tpu.memref_squeeze %dma_wait3A_2495 : memref<1x16x1024xf32, #tpu.memory_space<hbm>> -> memref<16x1024xf32, #tpu.memory_space<hbm>>
    tpu.wait_dma2 semaphore(%dma_wait3A_2492 : memref<!tpu.dma_semaphore, #tpu.memory_space<semaphore_mem>>) src(%arg14 : memref<16x1024xf32, #tpu.memory_space<vmem>>) dst(%dma_wait3A_2496 : memref<16x1024xf32, #tpu.memory_space<hbm>>)
    %mul3A_2497 = arith.constant 4 : i32
    %mul3A_2498 = arith.muli %add3A, %mul3A_2497 : i32
    %add3A_2499 = arith.constant 3 : i32
    %add3A_2500 = arith.addi %mul3A_2498, %add3A_2499 : i32
    %dma_wait3A_2501 = arith.constant 0 : i32
    %dma_wait3A_2502 = arith.constant 96 : i32
    %dma_wait3A_2503 = arith.constant 0 : i32
    %dma_wait3A_2504 = tpu.memref_slice %arg5[%add3A_2500, %dma_wait3A_2502, %dma_wait3A_2503] : memref<128x128x1024xf32, #tpu.memory_space<hbm>> -> memref<1x16x1024xf32, #tpu.memory_space<hbm>>
    %dma_wait3A_2505 = tpu.memref_squeeze %dma_wait3A_2504 : memref<1x16x1024xf32, #tpu.memory_space<hbm>> -> memref<16x1024xf32, #tpu.memory_space<hbm>>
    %dma_wait3A_2506 = tpu.memref_slice %arg16[%dma_wait3A_2501] : memref<6x!tpu.dma_semaphore, #tpu.memory_space<semaphore_mem>> -> memref<1x!tpu.dma_semaphore, #tpu.memory_space<semaphore_mem>>
    %dma_wait3A_2507 = tpu.memref_squeeze %dma_wait3A_2506 : memref<1x!tpu.dma_semaphore, #tpu.memory_space<semaphore_mem>> -> memref<!tpu.dma_semaphore, #tpu.memory_space<semaphore_mem>>
    %dma_wait3A_2508 = arith.constant 96 : i32
    %dma_wait3A_2509 = arith.constant 0 : i32
    %dma_wait3A_2510 = tpu.memref_slice %arg5[%add3A_2500, %dma_wait3A_2508, %dma_wait3A_2509] : memref<128x128x1024xf32, #tpu.memory_space<hbm>> -> memref<1x16x1024xf32, #tpu.memory_space<hbm>>
    %dma_wait3A_2511 = tpu.memref_squeeze %dma_wait3A_2510 : memref<1x16x1024xf32, #tpu.memory_space<hbm>> -> memref<16x1024xf32, #tpu.memory_space<hbm>>
    tpu.wait_dma2 semaphore(%dma_wait3A_2507 : memref<!tpu.dma_semaphore, #tpu.memory_space<semaphore_mem>>) src(%arg9 : memref<16x1024xf32, #tpu.memory_space<vmem>>) dst(%dma_wait3A_2511 : memref<16x1024xf32, #tpu.memory_space<hbm>>)
    %mul3A_2512 = arith.constant 4 : i32
    %mul3A_2513 = arith.muli %add3A, %mul3A_2512 : i32
    %add3A_2514 = arith.constant 3 : i32
    %add3A_2515 = arith.addi %mul3A_2513, %add3A_2514 : i32
    %dma_wait3A_2516 = arith.constant 1 : i32
    %dma_wait3A_2517 = arith.constant 112 : i32
    %dma_wait3A_2518 = arith.constant 0 : i32
    %dma_wait3A_2519 = tpu.memref_slice %arg5[%add3A_2515, %dma_wait3A_2517, %dma_wait3A_2518] : memref<128x128x1024xf32, #tpu.memory_space<hbm>> -> memref<1x16x1024xf32, #tpu.memory_space<hbm>>
    %dma_wait3A_2520 = tpu.memref_squeeze %dma_wait3A_2519 : memref<1x16x1024xf32, #tpu.memory_space<hbm>> -> memref<16x1024xf32, #tpu.memory_space<hbm>>
    %dma_wait3A_2521 = tpu.memref_slice %arg16[%dma_wait3A_2516] : memref<6x!tpu.dma_semaphore, #tpu.memory_space<semaphore_mem>> -> memref<1x!tpu.dma_semaphore, #tpu.memory_space<semaphore_mem>>
    %dma_wait3A_2522 = tpu.memref_squeeze %dma_wait3A_2521 : memref<1x!tpu.dma_semaphore, #tpu.memory_space<semaphore_mem>> -> memref<!tpu.dma_semaphore, #tpu.memory_space<semaphore_mem>>
    %dma_wait3A_2523 = arith.constant 112 : i32
    %dma_wait3A_2524 = arith.constant 0 : i32
    %dma_wait3A_2525 = tpu.memref_slice %arg5[%add3A_2515, %dma_wait3A_2523, %dma_wait3A_2524] : memref<128x128x1024xf32, #tpu.memory_space<hbm>> -> memref<1x16x1024xf32, #tpu.memory_space<hbm>>
    %dma_wait3A_2526 = tpu.memref_squeeze %dma_wait3A_2525 : memref<1x16x1024xf32, #tpu.memory_space<hbm>> -> memref<16x1024xf32, #tpu.memory_space<hbm>>
    tpu.wait_dma2 semaphore(%dma_wait3A_2522 : memref<!tpu.dma_semaphore, #tpu.memory_space<semaphore_mem>>) src(%arg10 : memref<16x1024xf32, #tpu.memory_space<vmem>>) dst(%dma_wait3A_2526 : memref<16x1024xf32, #tpu.memory_space<hbm>>)
    %mul3A_2527 = arith.constant 4 : i32
    %mul3A_2528 = arith.muli %add3A, %mul3A_2527 : i32
    %add3A_2529 = arith.constant 3 : i32
    %add3A_2530 = arith.addi %mul3A_2528, %add3A_2529 : i32
    %slice3A_2531 = vector.extract_strided_slice %get3A_4 {offsets = [3], sizes = [1], strides = [1]} : vector<16xi32> to vector<1xi32>
    %squeeze3A_2532 = vector.extract %slice3A_2531[0] : i32 from vector<1xi32>
    %slice3A_2533 = vector.extract_strided_slice %get3A_9 {offsets = [3], sizes = [1], strides = [1]} : vector<16xi32> to vector<1xi32>
    %squeeze3A_2534 = vector.extract %slice3A_2533[0] : i32 from vector<1xi32>
    %sub3A_2535 = arith.constant 1 : i32
    %sub3A_2536 = arith.subi %squeeze3A_2534, %sub3A_2535 : i32
    %add3A_2537 = arith.constant 0 : i32
    %add3A_2538 = arith.addi %squeeze3A_2532, %add3A_2537 : i32
    %min3A_2539 = arith.minsi %add3A_2538, %sub3A_2536 : i32
    %dma_start3A_2540 = arith.constant 0 : i32
    %dma_start3A_2541 = tpu.memref_slice %arg5[%add3A_2530, %min3A_2539, %dma_start3A_2540] : memref<128x128x1024xf32, #tpu.memory_space<hbm>> -> memref<1x1x1024xf32, #tpu.memory_space<hbm>>
    %dma_start3A_2542 = tpu.memref_squeeze %dma_start3A_2541 : memref<1x1x1024xf32, #tpu.memory_space<hbm>> -> memref<1x1024xf32, #tpu.memory_space<hbm>>
    %dma_start3A_2543 = arith.constant 0 : i32
    %dma_start3A_2544 = tpu.memref_slice %arg5[%add3A_2530, %min3A_2539, %dma_start3A_2543] : memref<128x128x1024xf32, #tpu.memory_space<hbm>> -> memref<1x1x1024xf32, #tpu.memory_space<hbm>>
    %dma_start3A_2545 = tpu.memref_squeeze %dma_start3A_2544 : memref<1x1x1024xf32, #tpu.memory_space<hbm>> -> memref<1x1024xf32, #tpu.memory_space<hbm>>
    tpu.enqueue_dma source(%arg8 : memref<1x1024xf32, #tpu.memory_space<vmem>>) target(%dma_start3A_2545 : memref<1x1024xf32, #tpu.memory_space<hbm>>) target_semaphore(%arg17 : memref<!tpu.dma_semaphore, #tpu.memory_space<semaphore_mem>>)
    %add3A_2546 = arith.constant 1 : i32
    %add3A_2547 = arith.addi %squeeze3A_2532, %add3A_2546 : i32
    %min3A_2548 = arith.minsi %add3A_2547, %sub3A_2536 : i32
    %dma_start3A_2549 = arith.constant 0 : i32
    %dma_start3A_2550 = tpu.memref_slice %arg5[%add3A_2530, %min3A_2548, %dma_start3A_2549] : memref<128x128x1024xf32, #tpu.memory_space<hbm>> -> memref<1x1x1024xf32, #tpu.memory_space<hbm>>
    %dma_start3A_2551 = tpu.memref_squeeze %dma_start3A_2550 : memref<1x1x1024xf32, #tpu.memory_space<hbm>> -> memref<1x1024xf32, #tpu.memory_space<hbm>>
    %dma_start3A_2552 = arith.constant 0 : i32
    %dma_start3A_2553 = tpu.memref_slice %arg5[%add3A_2530, %min3A_2548, %dma_start3A_2552] : memref<128x128x1024xf32, #tpu.memory_space<hbm>> -> memref<1x1x1024xf32, #tpu.memory_space<hbm>>
    %dma_start3A_2554 = tpu.memref_squeeze %dma_start3A_2553 : memref<1x1x1024xf32, #tpu.memory_space<hbm>> -> memref<1x1024xf32, #tpu.memory_space<hbm>>
    tpu.enqueue_dma source(%arg8 : memref<1x1024xf32, #tpu.memory_space<vmem>>) target(%dma_start3A_2554 : memref<1x1024xf32, #tpu.memory_space<hbm>>) target_semaphore(%arg17 : memref<!tpu.dma_semaphore, #tpu.memory_space<semaphore_mem>>)
    %add3A_2555 = arith.constant 2 : i32
    %add3A_2556 = arith.addi %squeeze3A_2532, %add3A_2555 : i32
    %min3A_2557 = arith.minsi %add3A_2556, %sub3A_2536 : i32
    %dma_start3A_2558 = arith.constant 0 : i32
    %dma_start3A_2559 = tpu.memref_slice %arg5[%add3A_2530, %min3A_2557, %dma_start3A_2558] : memref<128x128x1024xf32, #tpu.memory_space<hbm>> -> memref<1x1x1024xf32, #tpu.memory_space<hbm>>
    %dma_start3A_2560 = tpu.memref_squeeze %dma_start3A_2559 : memref<1x1x1024xf32, #tpu.memory_space<hbm>> -> memref<1x1024xf32, #tpu.memory_space<hbm>>
    %dma_start3A_2561 = arith.constant 0 : i32
    %dma_start3A_2562 = tpu.memref_slice %arg5[%add3A_2530, %min3A_2557, %dma_start3A_2561] : memref<128x128x1024xf32, #tpu.memory_space<hbm>> -> memref<1x1x1024xf32, #tpu.memory_space<hbm>>
    %dma_start3A_2563 = tpu.memref_squeeze %dma_start3A_2562 : memref<1x1x1024xf32, #tpu.memory_space<hbm>> -> memref<1x1024xf32, #tpu.memory_space<hbm>>
    tpu.enqueue_dma source(%arg8 : memref<1x1024xf32, #tpu.memory_space<vmem>>) target(%dma_start3A_2563 : memref<1x1024xf32, #tpu.memory_space<hbm>>) target_semaphore(%arg17 : memref<!tpu.dma_semaphore, #tpu.memory_space<semaphore_mem>>)
    %add3A_2564 = arith.constant 3 : i32
    %add3A_2565 = arith.addi %squeeze3A_2532, %add3A_2564 : i32
    %min3A_2566 = arith.minsi %add3A_2565, %sub3A_2536 : i32
    %dma_start3A_2567 = arith.constant 0 : i32
    %dma_start3A_2568 = tpu.memref_slice %arg5[%add3A_2530, %min3A_2566, %dma_start3A_2567] : memref<128x128x1024xf32, #tpu.memory_space<hbm>> -> memref<1x1x1024xf32, #tpu.memory_space<hbm>>
    %dma_start3A_2569 = tpu.memref_squeeze %dma_start3A_2568 : memref<1x1x1024xf32, #tpu.memory_space<hbm>> -> memref<1x1024xf32, #tpu.memory_space<hbm>>
    %dma_start3A_2570 = arith.constant 0 : i32
    %dma_start3A_2571 = tpu.memref_slice %arg5[%add3A_2530, %min3A_2566, %dma_start3A_2570] : memref<128x128x1024xf32, #tpu.memory_space<hbm>> -> memref<1x1x1024xf32, #tpu.memory_space<hbm>>
    %dma_start3A_2572 = tpu.memref_squeeze %dma_start3A_2571 : memref<1x1x1024xf32, #tpu.memory_space<hbm>> -> memref<1x1024xf32, #tpu.memory_space<hbm>>
    tpu.enqueue_dma source(%arg8 : memref<1x1024xf32, #tpu.memory_space<vmem>>) target(%dma_start3A_2572 : memref<1x1024xf32, #tpu.memory_space<hbm>>) target_semaphore(%arg17 : memref<!tpu.dma_semaphore, #tpu.memory_space<semaphore_mem>>)
    %add3A_2573 = arith.constant 4 : i32
    %add3A_2574 = arith.addi %squeeze3A_2532, %add3A_2573 : i32
    %min3A_2575 = arith.minsi %add3A_2574, %sub3A_2536 : i32
    %dma_start3A_2576 = arith.constant 0 : i32
    %dma_start3A_2577 = tpu.memref_slice %arg5[%add3A_2530, %min3A_2575, %dma_start3A_2576] : memref<128x128x1024xf32, #tpu.memory_space<hbm>> -> memref<1x1x1024xf32, #tpu.memory_space<hbm>>
    %dma_start3A_2578 = tpu.memref_squeeze %dma_start3A_2577 : memref<1x1x1024xf32, #tpu.memory_space<hbm>> -> memref<1x1024xf32, #tpu.memory_space<hbm>>
    %dma_start3A_2579 = arith.constant 0 : i32
    %dma_start3A_2580 = tpu.memref_slice %arg5[%add3A_2530, %min3A_2575, %dma_start3A_2579] : memref<128x128x1024xf32, #tpu.memory_space<hbm>> -> memref<1x1x1024xf32, #tpu.memory_space<hbm>>
    %dma_start3A_2581 = tpu.memref_squeeze %dma_start3A_2580 : memref<1x1x1024xf32, #tpu.memory_space<hbm>> -> memref<1x1024xf32, #tpu.memory_space<hbm>>
    tpu.enqueue_dma source(%arg8 : memref<1x1024xf32, #tpu.memory_space<vmem>>) target(%dma_start3A_2581 : memref<1x1024xf32, #tpu.memory_space<hbm>>) target_semaphore(%arg17 : memref<!tpu.dma_semaphore, #tpu.memory_space<semaphore_mem>>)
    %add3A_2582 = arith.constant 5 : i32
    %add3A_2583 = arith.addi %squeeze3A_2532, %add3A_2582 : i32
    %min3A_2584 = arith.minsi %add3A_2583, %sub3A_2536 : i32
    %dma_start3A_2585 = arith.constant 0 : i32
    %dma_start3A_2586 = tpu.memref_slice %arg5[%add3A_2530, %min3A_2584, %dma_start3A_2585] : memref<128x128x1024xf32, #tpu.memory_space<hbm>> -> memref<1x1x1024xf32, #tpu.memory_space<hbm>>
    %dma_start3A_2587 = tpu.memref_squeeze %dma_start3A_2586 : memref<1x1x1024xf32, #tpu.memory_space<hbm>> -> memref<1x1024xf32, #tpu.memory_space<hbm>>
    %dma_start3A_2588 = arith.constant 0 : i32
    %dma_start3A_2589 = tpu.memref_slice %arg5[%add3A_2530, %min3A_2584, %dma_start3A_2588] : memref<128x128x1024xf32, #tpu.memory_space<hbm>> -> memref<1x1x1024xf32, #tpu.memory_space<hbm>>
    %dma_start3A_2590 = tpu.memref_squeeze %dma_start3A_2589 : memref<1x1x1024xf32, #tpu.memory_space<hbm>> -> memref<1x1024xf32, #tpu.memory_space<hbm>>
    tpu.enqueue_dma source(%arg8 : memref<1x1024xf32, #tpu.memory_space<vmem>>) target(%dma_start3A_2590 : memref<1x1024xf32, #tpu.memory_space<hbm>>) target_semaphore(%arg17 : memref<!tpu.dma_semaphore, #tpu.memory_space<semaphore_mem>>)
    %add3A_2591 = arith.constant 6 : i32
    %add3A_2592 = arith.addi %squeeze3A_2532, %add3A_2591 : i32
    %min3A_2593 = arith.minsi %add3A_2592, %sub3A_2536 : i32
    %dma_start3A_2594 = arith.constant 0 : i32
    %dma_start3A_2595 = tpu.memref_slice %arg5[%add3A_2530, %min3A_2593, %dma_start3A_2594] : memref<128x128x1024xf32, #tpu.memory_space<hbm>> -> memref<1x1x1024xf32, #tpu.memory_space<hbm>>
    %dma_start3A_2596 = tpu.memref_squeeze %dma_start3A_2595 : memref<1x1x1024xf32, #tpu.memory_space<hbm>> -> memref<1x1024xf32, #tpu.memory_space<hbm>>
    %dma_start3A_2597 = arith.constant 0 : i32
    %dma_start3A_2598 = tpu.memref_slice %arg5[%add3A_2530, %min3A_2593, %dma_start3A_2597] : memref<128x128x1024xf32, #tpu.memory_space<hbm>> -> memref<1x1x1024xf32, #tpu.memory_space<hbm>>
    %dma_start3A_2599 = tpu.memref_squeeze %dma_start3A_2598 : memref<1x1x1024xf32, #tpu.memory_space<hbm>> -> memref<1x1024xf32, #tpu.memory_space<hbm>>
    tpu.enqueue_dma source(%arg8 : memref<1x1024xf32, #tpu.memory_space<vmem>>) target(%dma_start3A_2599 : memref<1x1024xf32, #tpu.memory_space<hbm>>) target_semaphore(%arg17 : memref<!tpu.dma_semaphore, #tpu.memory_space<semaphore_mem>>)
    %dma_wait3A_2600 = arith.constant 0 : i32
    %dma_wait3A_2601 = arith.constant 0 : i32
    %dma_wait3A_2602 = arith.constant 0 : i32
    %dma_wait3A_2603 = tpu.memref_slice %arg4[%dma_wait3A_2600, %dma_wait3A_2601, %dma_wait3A_2602] : memref<128x128x1024xf32, #tpu.memory_space<hbm>> -> memref<1x1x1024xf32, #tpu.memory_space<hbm>>
    %dma_wait3A_2604 = tpu.memref_squeeze %dma_wait3A_2603 : memref<1x1x1024xf32, #tpu.memory_space<hbm>> -> memref<1x1024xf32, #tpu.memory_space<hbm>>
    %dma_wait3A_2605 = arith.constant 0 : i32
    %dma_wait3A_2606 = arith.constant 0 : i32
    %dma_wait3A_2607 = tpu.memref_slice %arg4[%dma_wait3A_2600, %dma_wait3A_2605, %dma_wait3A_2606] : memref<128x128x1024xf32, #tpu.memory_space<hbm>> -> memref<1x1x1024xf32, #tpu.memory_space<hbm>>
    %dma_wait3A_2608 = tpu.memref_squeeze %dma_wait3A_2607 : memref<1x1x1024xf32, #tpu.memory_space<hbm>> -> memref<1x1024xf32, #tpu.memory_space<hbm>>
    tpu.wait_dma2 semaphore(%arg17 : memref<!tpu.dma_semaphore, #tpu.memory_space<semaphore_mem>>) src(%dma_wait3A_2608 : memref<1x1024xf32, #tpu.memory_space<hbm>>) dst(%arg8 : memref<1x1024xf32, #tpu.memory_space<vmem>>)
    %dma_wait3A_2609 = arith.constant 0 : i32
    %dma_wait3A_2610 = arith.constant 0 : i32
    %dma_wait3A_2611 = arith.constant 0 : i32
    %dma_wait3A_2612 = tpu.memref_slice %arg4[%dma_wait3A_2609, %dma_wait3A_2610, %dma_wait3A_2611] : memref<128x128x1024xf32, #tpu.memory_space<hbm>> -> memref<1x1x1024xf32, #tpu.memory_space<hbm>>
    %dma_wait3A_2613 = tpu.memref_squeeze %dma_wait3A_2612 : memref<1x1x1024xf32, #tpu.memory_space<hbm>> -> memref<1x1024xf32, #tpu.memory_space<hbm>>
    %dma_wait3A_2614 = arith.constant 0 : i32
    %dma_wait3A_2615 = arith.constant 0 : i32
    %dma_wait3A_2616 = tpu.memref_slice %arg4[%dma_wait3A_2609, %dma_wait3A_2614, %dma_wait3A_2615] : memref<128x128x1024xf32, #tpu.memory_space<hbm>> -> memref<1x1x1024xf32, #tpu.memory_space<hbm>>
    %dma_wait3A_2617 = tpu.memref_squeeze %dma_wait3A_2616 : memref<1x1x1024xf32, #tpu.memory_space<hbm>> -> memref<1x1024xf32, #tpu.memory_space<hbm>>
    tpu.wait_dma2 semaphore(%arg17 : memref<!tpu.dma_semaphore, #tpu.memory_space<semaphore_mem>>) src(%dma_wait3A_2617 : memref<1x1024xf32, #tpu.memory_space<hbm>>) dst(%arg8 : memref<1x1024xf32, #tpu.memory_space<vmem>>)
    %dma_wait3A_2618 = arith.constant 0 : i32
    %dma_wait3A_2619 = arith.constant 0 : i32
    %dma_wait3A_2620 = arith.constant 0 : i32
    %dma_wait3A_2621 = tpu.memref_slice %arg4[%dma_wait3A_2618, %dma_wait3A_2619, %dma_wait3A_2620] : memref<128x128x1024xf32, #tpu.memory_space<hbm>> -> memref<1x1x1024xf32, #tpu.memory_space<hbm>>
    %dma_wait3A_2622 = tpu.memref_squeeze %dma_wait3A_2621 : memref<1x1x1024xf32, #tpu.memory_space<hbm>> -> memref<1x1024xf32, #tpu.memory_space<hbm>>
    %dma_wait3A_2623 = arith.constant 0 : i32
    %dma_wait3A_2624 = arith.constant 0 : i32
    %dma_wait3A_2625 = tpu.memref_slice %arg4[%dma_wait3A_2618, %dma_wait3A_2623, %dma_wait3A_2624] : memref<128x128x1024xf32, #tpu.memory_space<hbm>> -> memref<1x1x1024xf32, #tpu.memory_space<hbm>>
    %dma_wait3A_2626 = tpu.memref_squeeze %dma_wait3A_2625 : memref<1x1x1024xf32, #tpu.memory_space<hbm>> -> memref<1x1024xf32, #tpu.memory_space<hbm>>
    tpu.wait_dma2 semaphore(%arg17 : memref<!tpu.dma_semaphore, #tpu.memory_space<semaphore_mem>>) src(%dma_wait3A_2626 : memref<1x1024xf32, #tpu.memory_space<hbm>>) dst(%arg8 : memref<1x1024xf32, #tpu.memory_space<vmem>>)
    %dma_wait3A_2627 = arith.constant 0 : i32
    %dma_wait3A_2628 = arith.constant 0 : i32
    %dma_wait3A_2629 = arith.constant 0 : i32
    %dma_wait3A_2630 = tpu.memref_slice %arg4[%dma_wait3A_2627, %dma_wait3A_2628, %dma_wait3A_2629] : memref<128x128x1024xf32, #tpu.memory_space<hbm>> -> memref<1x1x1024xf32, #tpu.memory_space<hbm>>
    %dma_wait3A_2631 = tpu.memref_squeeze %dma_wait3A_2630 : memref<1x1x1024xf32, #tpu.memory_space<hbm>> -> memref<1x1024xf32, #tpu.memory_space<hbm>>
    %dma_wait3A_2632 = arith.constant 0 : i32
    %dma_wait3A_2633 = arith.constant 0 : i32
    %dma_wait3A_2634 = tpu.memref_slice %arg4[%dma_wait3A_2627, %dma_wait3A_2632, %dma_wait3A_2633] : memref<128x128x1024xf32, #tpu.memory_space<hbm>> -> memref<1x1x1024xf32, #tpu.memory_space<hbm>>
    %dma_wait3A_2635 = tpu.memref_squeeze %dma_wait3A_2634 : memref<1x1x1024xf32, #tpu.memory_space<hbm>> -> memref<1x1024xf32, #tpu.memory_space<hbm>>
    tpu.wait_dma2 semaphore(%arg17 : memref<!tpu.dma_semaphore, #tpu.memory_space<semaphore_mem>>) src(%dma_wait3A_2635 : memref<1x1024xf32, #tpu.memory_space<hbm>>) dst(%arg8 : memref<1x1024xf32, #tpu.memory_space<vmem>>)
    %dma_wait3A_2636 = arith.constant 0 : i32
    %dma_wait3A_2637 = arith.constant 0 : i32
    %dma_wait3A_2638 = arith.constant 0 : i32
    %dma_wait3A_2639 = tpu.memref_slice %arg4[%dma_wait3A_2636, %dma_wait3A_2637, %dma_wait3A_2638] : memref<128x128x1024xf32, #tpu.memory_space<hbm>> -> memref<1x1x1024xf32, #tpu.memory_space<hbm>>
    %dma_wait3A_2640 = tpu.memref_squeeze %dma_wait3A_2639 : memref<1x1x1024xf32, #tpu.memory_space<hbm>> -> memref<1x1024xf32, #tpu.memory_space<hbm>>
    %dma_wait3A_2641 = arith.constant 0 : i32
    %dma_wait3A_2642 = arith.constant 0 : i32
    %dma_wait3A_2643 = tpu.memref_slice %arg4[%dma_wait3A_2636, %dma_wait3A_2641, %dma_wait3A_2642] : memref<128x128x1024xf32, #tpu.memory_space<hbm>> -> memref<1x1x1024xf32, #tpu.memory_space<hbm>>
    %dma_wait3A_2644 = tpu.memref_squeeze %dma_wait3A_2643 : memref<1x1x1024xf32, #tpu.memory_space<hbm>> -> memref<1x1024xf32, #tpu.memory_space<hbm>>
    tpu.wait_dma2 semaphore(%arg17 : memref<!tpu.dma_semaphore, #tpu.memory_space<semaphore_mem>>) src(%dma_wait3A_2644 : memref<1x1024xf32, #tpu.memory_space<hbm>>) dst(%arg8 : memref<1x1024xf32, #tpu.memory_space<vmem>>)
    %dma_wait3A_2645 = arith.constant 0 : i32
    %dma_wait3A_2646 = arith.constant 0 : i32
    %dma_wait3A_2647 = arith.constant 0 : i32
    %dma_wait3A_2648 = tpu.memref_slice %arg4[%dma_wait3A_2645, %dma_wait3A_2646, %dma_wait3A_2647] : memref<128x128x1024xf32, #tpu.memory_space<hbm>> -> memref<1x1x1024xf32, #tpu.memory_space<hbm>>
    %dma_wait3A_2649 = tpu.memref_squeeze %dma_wait3A_2648 : memref<1x1x1024xf32, #tpu.memory_space<hbm>> -> memref<1x1024xf32, #tpu.memory_space<hbm>>
    %dma_wait3A_2650 = arith.constant 0 : i32
    %dma_wait3A_2651 = arith.constant 0 : i32
    %dma_wait3A_2652 = tpu.memref_slice %arg4[%dma_wait3A_2645, %dma_wait3A_2650, %dma_wait3A_2651] : memref<128x128x1024xf32, #tpu.memory_space<hbm>> -> memref<1x1x1024xf32, #tpu.memory_space<hbm>>
    %dma_wait3A_2653 = tpu.memref_squeeze %dma_wait3A_2652 : memref<1x1x1024xf32, #tpu.memory_space<hbm>> -> memref<1x1024xf32, #tpu.memory_space<hbm>>
    tpu.wait_dma2 semaphore(%arg17 : memref<!tpu.dma_semaphore, #tpu.memory_space<semaphore_mem>>) src(%dma_wait3A_2653 : memref<1x1024xf32, #tpu.memory_space<hbm>>) dst(%arg8 : memref<1x1024xf32, #tpu.memory_space<vmem>>)
    %dma_wait3A_2654 = arith.constant 0 : i32
    %dma_wait3A_2655 = arith.constant 0 : i32
    %dma_wait3A_2656 = arith.constant 0 : i32
    %dma_wait3A_2657 = tpu.memref_slice %arg4[%dma_wait3A_2654, %dma_wait3A_2655, %dma_wait3A_2656] : memref<128x128x1024xf32, #tpu.memory_space<hbm>> -> memref<1x1x1024xf32, #tpu.memory_space<hbm>>
    %dma_wait3A_2658 = tpu.memref_squeeze %dma_wait3A_2657 : memref<1x1x1024xf32, #tpu.memory_space<hbm>> -> memref<1x1024xf32, #tpu.memory_space<hbm>>
    %dma_wait3A_2659 = arith.constant 0 : i32
    %dma_wait3A_2660 = arith.constant 0 : i32
    %dma_wait3A_2661 = tpu.memref_slice %arg4[%dma_wait3A_2654, %dma_wait3A_2659, %dma_wait3A_2660] : memref<128x128x1024xf32, #tpu.memory_space<hbm>> -> memref<1x1x1024xf32, #tpu.memory_space<hbm>>
    %dma_wait3A_2662 = tpu.memref_squeeze %dma_wait3A_2661 : memref<1x1x1024xf32, #tpu.memory_space<hbm>> -> memref<1x1024xf32, #tpu.memory_space<hbm>>
    tpu.wait_dma2 semaphore(%arg17 : memref<!tpu.dma_semaphore, #tpu.memory_space<semaphore_mem>>) src(%dma_wait3A_2662 : memref<1x1024xf32, #tpu.memory_space<hbm>>) dst(%arg8 : memref<1x1024xf32, #tpu.memory_space<vmem>>)
    %dma_wait3A_2663 = arith.constant 0 : i32
    %dma_wait3A_2664 = arith.constant 0 : i32
    %dma_wait3A_2665 = arith.constant 0 : i32
    %dma_wait3A_2666 = tpu.memref_slice %arg4[%dma_wait3A_2663, %dma_wait3A_2664, %dma_wait3A_2665] : memref<128x128x1024xf32, #tpu.memory_space<hbm>> -> memref<1x1x1024xf32, #tpu.memory_space<hbm>>
    %dma_wait3A_2667 = tpu.memref_squeeze %dma_wait3A_2666 : memref<1x1x1024xf32, #tpu.memory_space<hbm>> -> memref<1x1024xf32, #tpu.memory_space<hbm>>
    %dma_wait3A_2668 = arith.constant 0 : i32
    %dma_wait3A_2669 = arith.constant 0 : i32
    %dma_wait3A_2670 = tpu.memref_slice %arg4[%dma_wait3A_2663, %dma_wait3A_2668, %dma_wait3A_2669] : memref<128x128x1024xf32, #tpu.memory_space<hbm>> -> memref<1x1x1024xf32, #tpu.memory_space<hbm>>
    %dma_wait3A_2671 = tpu.memref_squeeze %dma_wait3A_2670 : memref<1x1x1024xf32, #tpu.memory_space<hbm>> -> memref<1x1024xf32, #tpu.memory_space<hbm>>
    tpu.wait_dma2 semaphore(%arg17 : memref<!tpu.dma_semaphore, #tpu.memory_space<semaphore_mem>>) src(%dma_wait3A_2671 : memref<1x1024xf32, #tpu.memory_space<hbm>>) dst(%arg8 : memref<1x1024xf32, #tpu.memory_space<vmem>>)
    %dma_wait3A_2672 = arith.constant 0 : i32
    %dma_wait3A_2673 = arith.constant 0 : i32
    %dma_wait3A_2674 = arith.constant 0 : i32
    %dma_wait3A_2675 = tpu.memref_slice %arg4[%dma_wait3A_2672, %dma_wait3A_2673, %dma_wait3A_2674] : memref<128x128x1024xf32, #tpu.memory_space<hbm>> -> memref<1x1x1024xf32, #tpu.memory_space<hbm>>
    %dma_wait3A_2676 = tpu.memref_squeeze %dma_wait3A_2675 : memref<1x1x1024xf32, #tpu.memory_space<hbm>> -> memref<1x1024xf32, #tpu.memory_space<hbm>>
    %dma_wait3A_2677 = arith.constant 0 : i32
    %dma_wait3A_2678 = arith.constant 0 : i32
    %dma_wait3A_2679 = tpu.memref_slice %arg4[%dma_wait3A_2672, %dma_wait3A_2677, %dma_wait3A_2678] : memref<128x128x1024xf32, #tpu.memory_space<hbm>> -> memref<1x1x1024xf32, #tpu.memory_space<hbm>>
    %dma_wait3A_2680 = tpu.memref_squeeze %dma_wait3A_2679 : memref<1x1x1024xf32, #tpu.memory_space<hbm>> -> memref<1x1024xf32, #tpu.memory_space<hbm>>
    tpu.wait_dma2 semaphore(%arg17 : memref<!tpu.dma_semaphore, #tpu.memory_space<semaphore_mem>>) src(%dma_wait3A_2680 : memref<1x1024xf32, #tpu.memory_space<hbm>>) dst(%arg8 : memref<1x1024xf32, #tpu.memory_space<vmem>>)
    %dma_wait3A_2681 = arith.constant 0 : i32
    %dma_wait3A_2682 = arith.constant 0 : i32
    %dma_wait3A_2683 = arith.constant 0 : i32
    %dma_wait3A_2684 = tpu.memref_slice %arg4[%dma_wait3A_2681, %dma_wait3A_2682, %dma_wait3A_2683] : memref<128x128x1024xf32, #tpu.memory_space<hbm>> -> memref<1x1x1024xf32, #tpu.memory_space<hbm>>
    %dma_wait3A_2685 = tpu.memref_squeeze %dma_wait3A_2684 : memref<1x1x1024xf32, #tpu.memory_space<hbm>> -> memref<1x1024xf32, #tpu.memory_space<hbm>>
    %dma_wait3A_2686 = arith.constant 0 : i32
    %dma_wait3A_2687 = arith.constant 0 : i32
    %dma_wait3A_2688 = tpu.memref_slice %arg4[%dma_wait3A_2681, %dma_wait3A_2686, %dma_wait3A_2687] : memref<128x128x1024xf32, #tpu.memory_space<hbm>> -> memref<1x1x1024xf32, #tpu.memory_space<hbm>>
    %dma_wait3A_2689 = tpu.memref_squeeze %dma_wait3A_2688 : memref<1x1x1024xf32, #tpu.memory_space<hbm>> -> memref<1x1024xf32, #tpu.memory_space<hbm>>
    tpu.wait_dma2 semaphore(%arg17 : memref<!tpu.dma_semaphore, #tpu.memory_space<semaphore_mem>>) src(%dma_wait3A_2689 : memref<1x1024xf32, #tpu.memory_space<hbm>>) dst(%arg8 : memref<1x1024xf32, #tpu.memory_space<vmem>>)
    %dma_wait3A_2690 = arith.constant 0 : i32
    %dma_wait3A_2691 = arith.constant 0 : i32
    %dma_wait3A_2692 = arith.constant 0 : i32
    %dma_wait3A_2693 = tpu.memref_slice %arg4[%dma_wait3A_2690, %dma_wait3A_2691, %dma_wait3A_2692] : memref<128x128x1024xf32, #tpu.memory_space<hbm>> -> memref<1x1x1024xf32, #tpu.memory_space<hbm>>
    %dma_wait3A_2694 = tpu.memref_squeeze %dma_wait3A_2693 : memref<1x1x1024xf32, #tpu.memory_space<hbm>> -> memref<1x1024xf32, #tpu.memory_space<hbm>>
    %dma_wait3A_2695 = arith.constant 0 : i32
    %dma_wait3A_2696 = arith.constant 0 : i32
    %dma_wait3A_2697 = tpu.memref_slice %arg4[%dma_wait3A_2690, %dma_wait3A_2695, %dma_wait3A_2696] : memref<128x128x1024xf32, #tpu.memory_space<hbm>> -> memref<1x1x1024xf32, #tpu.memory_space<hbm>>
    %dma_wait3A_2698 = tpu.memref_squeeze %dma_wait3A_2697 : memref<1x1x1024xf32, #tpu.memory_space<hbm>> -> memref<1x1024xf32, #tpu.memory_space<hbm>>
    tpu.wait_dma2 semaphore(%arg17 : memref<!tpu.dma_semaphore, #tpu.memory_space<semaphore_mem>>) src(%dma_wait3A_2698 : memref<1x1024xf32, #tpu.memory_space<hbm>>) dst(%arg8 : memref<1x1024xf32, #tpu.memory_space<vmem>>)
    %dma_wait3A_2699 = arith.constant 0 : i32
    %dma_wait3A_2700 = arith.constant 0 : i32
    %dma_wait3A_2701 = arith.constant 0 : i32
    %dma_wait3A_2702 = tpu.memref_slice %arg4[%dma_wait3A_2699, %dma_wait3A_2700, %dma_wait3A_2701] : memref<128x128x1024xf32, #tpu.memory_space<hbm>> -> memref<1x1x1024xf32, #tpu.memory_space<hbm>>
    %dma_wait3A_2703 = tpu.memref_squeeze %dma_wait3A_2702 : memref<1x1x1024xf32, #tpu.memory_space<hbm>> -> memref<1x1024xf32, #tpu.memory_space<hbm>>
    %dma_wait3A_2704 = arith.constant 0 : i32
    %dma_wait3A_2705 = arith.constant 0 : i32
    %dma_wait3A_2706 = tpu.memref_slice %arg4[%dma_wait3A_2699, %dma_wait3A_2704, %dma_wait3A_2705] : memref<128x128x1024xf32, #tpu.memory_space<hbm>> -> memref<1x1x1024xf32, #tpu.memory_space<hbm>>
    %dma_wait3A_2707 = tpu.memref_squeeze %dma_wait3A_2706 : memref<1x1x1024xf32, #tpu.memory_space<hbm>> -> memref<1x1024xf32, #tpu.memory_space<hbm>>
    tpu.wait_dma2 semaphore(%arg17 : memref<!tpu.dma_semaphore, #tpu.memory_space<semaphore_mem>>) src(%dma_wait3A_2707 : memref<1x1024xf32, #tpu.memory_space<hbm>>) dst(%arg8 : memref<1x1024xf32, #tpu.memory_space<vmem>>)
    %dma_wait3A_2708 = arith.constant 0 : i32
    %dma_wait3A_2709 = arith.constant 0 : i32
    %dma_wait3A_2710 = arith.constant 0 : i32
    %dma_wait3A_2711 = tpu.memref_slice %arg4[%dma_wait3A_2708, %dma_wait3A_2709, %dma_wait3A_2710] : memref<128x128x1024xf32, #tpu.memory_space<hbm>> -> memref<1x1x1024xf32, #tpu.memory_space<hbm>>
    %dma_wait3A_2712 = tpu.memref_squeeze %dma_wait3A_2711 : memref<1x1x1024xf32, #tpu.memory_space<hbm>> -> memref<1x1024xf32, #tpu.memory_space<hbm>>
    %dma_wait3A_2713 = arith.constant 0 : i32
    %dma_wait3A_2714 = arith.constant 0 : i32
    %dma_wait3A_2715 = tpu.memref_slice %arg4[%dma_wait3A_2708, %dma_wait3A_2713, %dma_wait3A_2714] : memref<128x128x1024xf32, #tpu.memory_space<hbm>> -> memref<1x1x1024xf32, #tpu.memory_space<hbm>>
    %dma_wait3A_2716 = tpu.memref_squeeze %dma_wait3A_2715 : memref<1x1x1024xf32, #tpu.memory_space<hbm>> -> memref<1x1024xf32, #tpu.memory_space<hbm>>
    tpu.wait_dma2 semaphore(%arg17 : memref<!tpu.dma_semaphore, #tpu.memory_space<semaphore_mem>>) src(%dma_wait3A_2716 : memref<1x1024xf32, #tpu.memory_space<hbm>>) dst(%arg8 : memref<1x1024xf32, #tpu.memory_space<vmem>>)
    %dma_wait3A_2717 = arith.constant 0 : i32
    %dma_wait3A_2718 = arith.constant 0 : i32
    %dma_wait3A_2719 = arith.constant 0 : i32
    %dma_wait3A_2720 = tpu.memref_slice %arg4[%dma_wait3A_2717, %dma_wait3A_2718, %dma_wait3A_2719] : memref<128x128x1024xf32, #tpu.memory_space<hbm>> -> memref<1x1x1024xf32, #tpu.memory_space<hbm>>
    %dma_wait3A_2721 = tpu.memref_squeeze %dma_wait3A_2720 : memref<1x1x1024xf32, #tpu.memory_space<hbm>> -> memref<1x1024xf32, #tpu.memory_space<hbm>>
    %dma_wait3A_2722 = arith.constant 0 : i32
    %dma_wait3A_2723 = arith.constant 0 : i32
    %dma_wait3A_2724 = tpu.memref_slice %arg4[%dma_wait3A_2717, %dma_wait3A_2722, %dma_wait3A_2723] : memref<128x128x1024xf32, #tpu.memory_space<hbm>> -> memref<1x1x1024xf32, #tpu.memory_space<hbm>>
    %dma_wait3A_2725 = tpu.memref_squeeze %dma_wait3A_2724 : memref<1x1x1024xf32, #tpu.memory_space<hbm>> -> memref<1x1024xf32, #tpu.memory_space<hbm>>
    tpu.wait_dma2 semaphore(%arg17 : memref<!tpu.dma_semaphore, #tpu.memory_space<semaphore_mem>>) src(%dma_wait3A_2725 : memref<1x1024xf32, #tpu.memory_space<hbm>>) dst(%arg8 : memref<1x1024xf32, #tpu.memory_space<vmem>>)
    %dma_wait3A_2726 = arith.constant 0 : i32
    %dma_wait3A_2727 = arith.constant 0 : i32
    %dma_wait3A_2728 = arith.constant 0 : i32
    %dma_wait3A_2729 = tpu.memref_slice %arg4[%dma_wait3A_2726, %dma_wait3A_2727, %dma_wait3A_2728] : memref<128x128x1024xf32, #tpu.memory_space<hbm>> -> memref<1x1x1024xf32, #tpu.memory_space<hbm>>
    %dma_wait3A_2730 = tpu.memref_squeeze %dma_wait3A_2729 : memref<1x1x1024xf32, #tpu.memory_space<hbm>> -> memref<1x1024xf32, #tpu.memory_space<hbm>>
    %dma_wait3A_2731 = arith.constant 0 : i32
    %dma_wait3A_2732 = arith.constant 0 : i32
    %dma_wait3A_2733 = tpu.memref_slice %arg4[%dma_wait3A_2726, %dma_wait3A_2731, %dma_wait3A_2732] : memref<128x128x1024xf32, #tpu.memory_space<hbm>> -> memref<1x1x1024xf32, #tpu.memory_space<hbm>>
    %dma_wait3A_2734 = tpu.memref_squeeze %dma_wait3A_2733 : memref<1x1x1024xf32, #tpu.memory_space<hbm>> -> memref<1x1024xf32, #tpu.memory_space<hbm>>
    tpu.wait_dma2 semaphore(%arg17 : memref<!tpu.dma_semaphore, #tpu.memory_space<semaphore_mem>>) src(%dma_wait3A_2734 : memref<1x1024xf32, #tpu.memory_space<hbm>>) dst(%arg8 : memref<1x1024xf32, #tpu.memory_space<vmem>>)
    %dma_wait3A_2735 = arith.constant 0 : i32
    %dma_wait3A_2736 = arith.constant 0 : i32
    %dma_wait3A_2737 = arith.constant 0 : i32
    %dma_wait3A_2738 = tpu.memref_slice %arg4[%dma_wait3A_2735, %dma_wait3A_2736, %dma_wait3A_2737] : memref<128x128x1024xf32, #tpu.memory_space<hbm>> -> memref<1x1x1024xf32, #tpu.memory_space<hbm>>
    %dma_wait3A_2739 = tpu.memref_squeeze %dma_wait3A_2738 : memref<1x1x1024xf32, #tpu.memory_space<hbm>> -> memref<1x1024xf32, #tpu.memory_space<hbm>>
    %dma_wait3A_2740 = arith.constant 0 : i32
    %dma_wait3A_2741 = arith.constant 0 : i32
    %dma_wait3A_2742 = tpu.memref_slice %arg4[%dma_wait3A_2735, %dma_wait3A_2740, %dma_wait3A_2741] : memref<128x128x1024xf32, #tpu.memory_space<hbm>> -> memref<1x1x1024xf32, #tpu.memory_space<hbm>>
    %dma_wait3A_2743 = tpu.memref_squeeze %dma_wait3A_2742 : memref<1x1x1024xf32, #tpu.memory_space<hbm>> -> memref<1x1024xf32, #tpu.memory_space<hbm>>
    tpu.wait_dma2 semaphore(%arg17 : memref<!tpu.dma_semaphore, #tpu.memory_space<semaphore_mem>>) src(%dma_wait3A_2743 : memref<1x1024xf32, #tpu.memory_space<hbm>>) dst(%arg8 : memref<1x1024xf32, #tpu.memory_space<vmem>>)
    %dma_wait3A_2744 = arith.constant 0 : i32
    %dma_wait3A_2745 = arith.constant 0 : i32
    %dma_wait3A_2746 = arith.constant 0 : i32
    %dma_wait3A_2747 = tpu.memref_slice %arg4[%dma_wait3A_2744, %dma_wait3A_2745, %dma_wait3A_2746] : memref<128x128x1024xf32, #tpu.memory_space<hbm>> -> memref<1x1x1024xf32, #tpu.memory_space<hbm>>
    %dma_wait3A_2748 = tpu.memref_squeeze %dma_wait3A_2747 : memref<1x1x1024xf32, #tpu.memory_space<hbm>> -> memref<1x1024xf32, #tpu.memory_space<hbm>>
    %dma_wait3A_2749 = arith.constant 0 : i32
    %dma_wait3A_2750 = arith.constant 0 : i32
    %dma_wait3A_2751 = tpu.memref_slice %arg4[%dma_wait3A_2744, %dma_wait3A_2749, %dma_wait3A_2750] : memref<128x128x1024xf32, #tpu.memory_space<hbm>> -> memref<1x1x1024xf32, #tpu.memory_space<hbm>>
    %dma_wait3A_2752 = tpu.memref_squeeze %dma_wait3A_2751 : memref<1x1x1024xf32, #tpu.memory_space<hbm>> -> memref<1x1024xf32, #tpu.memory_space<hbm>>
    tpu.wait_dma2 semaphore(%arg17 : memref<!tpu.dma_semaphore, #tpu.memory_space<semaphore_mem>>) src(%dma_wait3A_2752 : memref<1x1024xf32, #tpu.memory_space<hbm>>) dst(%arg8 : memref<1x1024xf32, #tpu.memory_space<vmem>>)
    %dma_wait3A_2753 = arith.constant 0 : i32
    %dma_wait3A_2754 = arith.constant 0 : i32
    %dma_wait3A_2755 = arith.constant 0 : i32
    %dma_wait3A_2756 = tpu.memref_slice %arg4[%dma_wait3A_2753, %dma_wait3A_2754, %dma_wait3A_2755] : memref<128x128x1024xf32, #tpu.memory_space<hbm>> -> memref<1x1x1024xf32, #tpu.memory_space<hbm>>
    %dma_wait3A_2757 = tpu.memref_squeeze %dma_wait3A_2756 : memref<1x1x1024xf32, #tpu.memory_space<hbm>> -> memref<1x1024xf32, #tpu.memory_space<hbm>>
    %dma_wait3A_2758 = arith.constant 0 : i32
    %dma_wait3A_2759 = arith.constant 0 : i32
    %dma_wait3A_2760 = tpu.memref_slice %arg4[%dma_wait3A_2753, %dma_wait3A_2758, %dma_wait3A_2759] : memref<128x128x1024xf32, #tpu.memory_space<hbm>> -> memref<1x1x1024xf32, #tpu.memory_space<hbm>>
    %dma_wait3A_2761 = tpu.memref_squeeze %dma_wait3A_2760 : memref<1x1x1024xf32, #tpu.memory_space<hbm>> -> memref<1x1024xf32, #tpu.memory_space<hbm>>
    tpu.wait_dma2 semaphore(%arg17 : memref<!tpu.dma_semaphore, #tpu.memory_space<semaphore_mem>>) src(%dma_wait3A_2761 : memref<1x1024xf32, #tpu.memory_space<hbm>>) dst(%arg8 : memref<1x1024xf32, #tpu.memory_space<vmem>>)
    %dma_wait3A_2762 = arith.constant 0 : i32
    %dma_wait3A_2763 = arith.constant 0 : i32
    %dma_wait3A_2764 = arith.constant 0 : i32
    %dma_wait3A_2765 = tpu.memref_slice %arg4[%dma_wait3A_2762, %dma_wait3A_2763, %dma_wait3A_2764] : memref<128x128x1024xf32, #tpu.memory_space<hbm>> -> memref<1x1x1024xf32, #tpu.memory_space<hbm>>
    %dma_wait3A_2766 = tpu.memref_squeeze %dma_wait3A_2765 : memref<1x1x1024xf32, #tpu.memory_space<hbm>> -> memref<1x1024xf32, #tpu.memory_space<hbm>>
    %dma_wait3A_2767 = arith.constant 0 : i32
    %dma_wait3A_2768 = arith.constant 0 : i32
    %dma_wait3A_2769 = tpu.memref_slice %arg4[%dma_wait3A_2762, %dma_wait3A_2767, %dma_wait3A_2768] : memref<128x128x1024xf32, #tpu.memory_space<hbm>> -> memref<1x1x1024xf32, #tpu.memory_space<hbm>>
    %dma_wait3A_2770 = tpu.memref_squeeze %dma_wait3A_2769 : memref<1x1x1024xf32, #tpu.memory_space<hbm>> -> memref<1x1024xf32, #tpu.memory_space<hbm>>
    tpu.wait_dma2 semaphore(%arg17 : memref<!tpu.dma_semaphore, #tpu.memory_space<semaphore_mem>>) src(%dma_wait3A_2770 : memref<1x1024xf32, #tpu.memory_space<hbm>>) dst(%arg8 : memref<1x1024xf32, #tpu.memory_space<vmem>>)
    %dma_wait3A_2771 = arith.constant 0 : i32
    %dma_wait3A_2772 = arith.constant 0 : i32
    %dma_wait3A_2773 = arith.constant 0 : i32
    %dma_wait3A_2774 = tpu.memref_slice %arg4[%dma_wait3A_2771, %dma_wait3A_2772, %dma_wait3A_2773] : memref<128x128x1024xf32, #tpu.memory_space<hbm>> -> memref<1x1x1024xf32, #tpu.memory_space<hbm>>
    %dma_wait3A_2775 = tpu.memref_squeeze %dma_wait3A_2774 : memref<1x1x1024xf32, #tpu.memory_space<hbm>> -> memref<1x1024xf32, #tpu.memory_space<hbm>>
    %dma_wait3A_2776 = arith.constant 0 : i32
    %dma_wait3A_2777 = arith.constant 0 : i32
    %dma_wait3A_2778 = tpu.memref_slice %arg4[%dma_wait3A_2771, %dma_wait3A_2776, %dma_wait3A_2777] : memref<128x128x1024xf32, #tpu.memory_space<hbm>> -> memref<1x1x1024xf32, #tpu.memory_space<hbm>>
    %dma_wait3A_2779 = tpu.memref_squeeze %dma_wait3A_2778 : memref<1x1x1024xf32, #tpu.memory_space<hbm>> -> memref<1x1024xf32, #tpu.memory_space<hbm>>
    tpu.wait_dma2 semaphore(%arg17 : memref<!tpu.dma_semaphore, #tpu.memory_space<semaphore_mem>>) src(%dma_wait3A_2779 : memref<1x1024xf32, #tpu.memory_space<hbm>>) dst(%arg8 : memref<1x1024xf32, #tpu.memory_space<vmem>>)
    %dma_wait3A_2780 = arith.constant 0 : i32
    %dma_wait3A_2781 = arith.constant 0 : i32
    %dma_wait3A_2782 = arith.constant 0 : i32
    %dma_wait3A_2783 = tpu.memref_slice %arg4[%dma_wait3A_2780, %dma_wait3A_2781, %dma_wait3A_2782] : memref<128x128x1024xf32, #tpu.memory_space<hbm>> -> memref<1x1x1024xf32, #tpu.memory_space<hbm>>
    %dma_wait3A_2784 = tpu.memref_squeeze %dma_wait3A_2783 : memref<1x1x1024xf32, #tpu.memory_space<hbm>> -> memref<1x1024xf32, #tpu.memory_space<hbm>>
    %dma_wait3A_2785 = arith.constant 0 : i32
    %dma_wait3A_2786 = arith.constant 0 : i32
    %dma_wait3A_2787 = tpu.memref_slice %arg4[%dma_wait3A_2780, %dma_wait3A_2785, %dma_wait3A_2786] : memref<128x128x1024xf32, #tpu.memory_space<hbm>> -> memref<1x1x1024xf32, #tpu.memory_space<hbm>>
    %dma_wait3A_2788 = tpu.memref_squeeze %dma_wait3A_2787 : memref<1x1x1024xf32, #tpu.memory_space<hbm>> -> memref<1x1024xf32, #tpu.memory_space<hbm>>
    tpu.wait_dma2 semaphore(%arg17 : memref<!tpu.dma_semaphore, #tpu.memory_space<semaphore_mem>>) src(%dma_wait3A_2788 : memref<1x1024xf32, #tpu.memory_space<hbm>>) dst(%arg8 : memref<1x1024xf32, #tpu.memory_space<vmem>>)
    %dma_wait3A_2789 = arith.constant 0 : i32
    %dma_wait3A_2790 = arith.constant 0 : i32
    %dma_wait3A_2791 = arith.constant 0 : i32
    %dma_wait3A_2792 = tpu.memref_slice %arg4[%dma_wait3A_2789, %dma_wait3A_2790, %dma_wait3A_2791] : memref<128x128x1024xf32, #tpu.memory_space<hbm>> -> memref<1x1x1024xf32, #tpu.memory_space<hbm>>
    %dma_wait3A_2793 = tpu.memref_squeeze %dma_wait3A_2792 : memref<1x1x1024xf32, #tpu.memory_space<hbm>> -> memref<1x1024xf32, #tpu.memory_space<hbm>>
    %dma_wait3A_2794 = arith.constant 0 : i32
    %dma_wait3A_2795 = arith.constant 0 : i32
    %dma_wait3A_2796 = tpu.memref_slice %arg4[%dma_wait3A_2789, %dma_wait3A_2794, %dma_wait3A_2795] : memref<128x128x1024xf32, #tpu.memory_space<hbm>> -> memref<1x1x1024xf32, #tpu.memory_space<hbm>>
    %dma_wait3A_2797 = tpu.memref_squeeze %dma_wait3A_2796 : memref<1x1x1024xf32, #tpu.memory_space<hbm>> -> memref<1x1024xf32, #tpu.memory_space<hbm>>
    tpu.wait_dma2 semaphore(%arg17 : memref<!tpu.dma_semaphore, #tpu.memory_space<semaphore_mem>>) src(%dma_wait3A_2797 : memref<1x1024xf32, #tpu.memory_space<hbm>>) dst(%arg8 : memref<1x1024xf32, #tpu.memory_space<vmem>>)
    %dma_wait3A_2798 = arith.constant 0 : i32
    %dma_wait3A_2799 = arith.constant 0 : i32
    %dma_wait3A_2800 = arith.constant 0 : i32
    %dma_wait3A_2801 = tpu.memref_slice %arg4[%dma_wait3A_2798, %dma_wait3A_2799, %dma_wait3A_2800] : memref<128x128x1024xf32, #tpu.memory_space<hbm>> -> memref<1x1x1024xf32, #tpu.memory_space<hbm>>
    %dma_wait3A_2802 = tpu.memref_squeeze %dma_wait3A_2801 : memref<1x1x1024xf32, #tpu.memory_space<hbm>> -> memref<1x1024xf32, #tpu.memory_space<hbm>>
    %dma_wait3A_2803 = arith.constant 0 : i32
    %dma_wait3A_2804 = arith.constant 0 : i32
    %dma_wait3A_2805 = tpu.memref_slice %arg4[%dma_wait3A_2798, %dma_wait3A_2803, %dma_wait3A_2804] : memref<128x128x1024xf32, #tpu.memory_space<hbm>> -> memref<1x1x1024xf32, #tpu.memory_space<hbm>>
    %dma_wait3A_2806 = tpu.memref_squeeze %dma_wait3A_2805 : memref<1x1x1024xf32, #tpu.memory_space<hbm>> -> memref<1x1024xf32, #tpu.memory_space<hbm>>
    tpu.wait_dma2 semaphore(%arg17 : memref<!tpu.dma_semaphore, #tpu.memory_space<semaphore_mem>>) src(%dma_wait3A_2806 : memref<1x1024xf32, #tpu.memory_space<hbm>>) dst(%arg8 : memref<1x1024xf32, #tpu.memory_space<vmem>>)
    %dma_wait3A_2807 = arith.constant 0 : i32
    %dma_wait3A_2808 = arith.constant 0 : i32
    %dma_wait3A_2809 = arith.constant 0 : i32
    %dma_wait3A_2810 = tpu.memref_slice %arg4[%dma_wait3A_2807, %dma_wait3A_2808, %dma_wait3A_2809] : memref<128x128x1024xf32, #tpu.memory_space<hbm>> -> memref<1x1x1024xf32, #tpu.memory_space<hbm>>
    %dma_wait3A_2811 = tpu.memref_squeeze %dma_wait3A_2810 : memref<1x1x1024xf32, #tpu.memory_space<hbm>> -> memref<1x1024xf32, #tpu.memory_space<hbm>>
    %dma_wait3A_2812 = arith.constant 0 : i32
    %dma_wait3A_2813 = arith.constant 0 : i32
    %dma_wait3A_2814 = tpu.memref_slice %arg4[%dma_wait3A_2807, %dma_wait3A_2812, %dma_wait3A_2813] : memref<128x128x1024xf32, #tpu.memory_space<hbm>> -> memref<1x1x1024xf32, #tpu.memory_space<hbm>>
    %dma_wait3A_2815 = tpu.memref_squeeze %dma_wait3A_2814 : memref<1x1x1024xf32, #tpu.memory_space<hbm>> -> memref<1x1024xf32, #tpu.memory_space<hbm>>
    tpu.wait_dma2 semaphore(%arg17 : memref<!tpu.dma_semaphore, #tpu.memory_space<semaphore_mem>>) src(%dma_wait3A_2815 : memref<1x1024xf32, #tpu.memory_space<hbm>>) dst(%arg8 : memref<1x1024xf32, #tpu.memory_space<vmem>>)
    %dma_wait3A_2816 = arith.constant 0 : i32
    %dma_wait3A_2817 = arith.constant 0 : i32
    %dma_wait3A_2818 = arith.constant 0 : i32
    %dma_wait3A_2819 = tpu.memref_slice %arg4[%dma_wait3A_2816, %dma_wait3A_2817, %dma_wait3A_2818] : memref<128x128x1024xf32, #tpu.memory_space<hbm>> -> memref<1x1x1024xf32, #tpu.memory_space<hbm>>
    %dma_wait3A_2820 = tpu.memref_squeeze %dma_wait3A_2819 : memref<1x1x1024xf32, #tpu.memory_space<hbm>> -> memref<1x1024xf32, #tpu.memory_space<hbm>>
    %dma_wait3A_2821 = arith.constant 0 : i32
    %dma_wait3A_2822 = arith.constant 0 : i32
    %dma_wait3A_2823 = tpu.memref_slice %arg4[%dma_wait3A_2816, %dma_wait3A_2821, %dma_wait3A_2822] : memref<128x128x1024xf32, #tpu.memory_space<hbm>> -> memref<1x1x1024xf32, #tpu.memory_space<hbm>>
    %dma_wait3A_2824 = tpu.memref_squeeze %dma_wait3A_2823 : memref<1x1x1024xf32, #tpu.memory_space<hbm>> -> memref<1x1024xf32, #tpu.memory_space<hbm>>
    tpu.wait_dma2 semaphore(%arg17 : memref<!tpu.dma_semaphore, #tpu.memory_space<semaphore_mem>>) src(%dma_wait3A_2824 : memref<1x1024xf32, #tpu.memory_space<hbm>>) dst(%arg8 : memref<1x1024xf32, #tpu.memory_space<vmem>>)
    %dma_wait3A_2825 = arith.constant 0 : i32
    %dma_wait3A_2826 = arith.constant 0 : i32
    %dma_wait3A_2827 = arith.constant 0 : i32
    %dma_wait3A_2828 = tpu.memref_slice %arg4[%dma_wait3A_2825, %dma_wait3A_2826, %dma_wait3A_2827] : memref<128x128x1024xf32, #tpu.memory_space<hbm>> -> memref<1x1x1024xf32, #tpu.memory_space<hbm>>
    %dma_wait3A_2829 = tpu.memref_squeeze %dma_wait3A_2828 : memref<1x1x1024xf32, #tpu.memory_space<hbm>> -> memref<1x1024xf32, #tpu.memory_space<hbm>>
    %dma_wait3A_2830 = arith.constant 0 : i32
    %dma_wait3A_2831 = arith.constant 0 : i32
    %dma_wait3A_2832 = tpu.memref_slice %arg4[%dma_wait3A_2825, %dma_wait3A_2830, %dma_wait3A_2831] : memref<128x128x1024xf32, #tpu.memory_space<hbm>> -> memref<1x1x1024xf32, #tpu.memory_space<hbm>>
    %dma_wait3A_2833 = tpu.memref_squeeze %dma_wait3A_2832 : memref<1x1x1024xf32, #tpu.memory_space<hbm>> -> memref<1x1024xf32, #tpu.memory_space<hbm>>
    tpu.wait_dma2 semaphore(%arg17 : memref<!tpu.dma_semaphore, #tpu.memory_space<semaphore_mem>>) src(%dma_wait3A_2833 : memref<1x1024xf32, #tpu.memory_space<hbm>>) dst(%arg8 : memref<1x1024xf32, #tpu.memory_space<vmem>>)
    %dma_wait3A_2834 = arith.constant 0 : i32
    %dma_wait3A_2835 = arith.constant 0 : i32
    %dma_wait3A_2836 = arith.constant 0 : i32
    %dma_wait3A_2837 = tpu.memref_slice %arg4[%dma_wait3A_2834, %dma_wait3A_2835, %dma_wait3A_2836] : memref<128x128x1024xf32, #tpu.memory_space<hbm>> -> memref<1x1x1024xf32, #tpu.memory_space<hbm>>
    %dma_wait3A_2838 = tpu.memref_squeeze %dma_wait3A_2837 : memref<1x1x1024xf32, #tpu.memory_space<hbm>> -> memref<1x1024xf32, #tpu.memory_space<hbm>>
    %dma_wait3A_2839 = arith.constant 0 : i32
    %dma_wait3A_2840 = arith.constant 0 : i32
    %dma_wait3A_2841 = tpu.memref_slice %arg4[%dma_wait3A_2834, %dma_wait3A_2839, %dma_wait3A_2840] : memref<128x128x1024xf32, #tpu.memory_space<hbm>> -> memref<1x1x1024xf32, #tpu.memory_space<hbm>>
    %dma_wait3A_2842 = tpu.memref_squeeze %dma_wait3A_2841 : memref<1x1x1024xf32, #tpu.memory_space<hbm>> -> memref<1x1024xf32, #tpu.memory_space<hbm>>
    tpu.wait_dma2 semaphore(%arg17 : memref<!tpu.dma_semaphore, #tpu.memory_space<semaphore_mem>>) src(%dma_wait3A_2842 : memref<1x1024xf32, #tpu.memory_space<hbm>>) dst(%arg8 : memref<1x1024xf32, #tpu.memory_space<vmem>>)
    %dma_wait3A_2843 = arith.constant 0 : i32
    %dma_wait3A_2844 = arith.constant 0 : i32
    %dma_wait3A_2845 = arith.constant 0 : i32
    %dma_wait3A_2846 = tpu.memref_slice %arg4[%dma_wait3A_2843, %dma_wait3A_2844, %dma_wait3A_2845] : memref<128x128x1024xf32, #tpu.memory_space<hbm>> -> memref<1x1x1024xf32, #tpu.memory_space<hbm>>
    %dma_wait3A_2847 = tpu.memref_squeeze %dma_wait3A_2846 : memref<1x1x1024xf32, #tpu.memory_space<hbm>> -> memref<1x1024xf32, #tpu.memory_space<hbm>>
    %dma_wait3A_2848 = arith.constant 0 : i32
    %dma_wait3A_2849 = arith.constant 0 : i32
    %dma_wait3A_2850 = tpu.memref_slice %arg4[%dma_wait3A_2843, %dma_wait3A_2848, %dma_wait3A_2849] : memref<128x128x1024xf32, #tpu.memory_space<hbm>> -> memref<1x1x1024xf32, #tpu.memory_space<hbm>>
    %dma_wait3A_2851 = tpu.memref_squeeze %dma_wait3A_2850 : memref<1x1x1024xf32, #tpu.memory_space<hbm>> -> memref<1x1024xf32, #tpu.memory_space<hbm>>
    tpu.wait_dma2 semaphore(%arg17 : memref<!tpu.dma_semaphore, #tpu.memory_space<semaphore_mem>>) src(%dma_wait3A_2851 : memref<1x1024xf32, #tpu.memory_space<hbm>>) dst(%arg8 : memref<1x1024xf32, #tpu.memory_space<vmem>>)
    return
  }
}

</mosaic_0001>

<sc_bundles>
// kernel: kernel.3.cloned.1.call-start
scs
__scs_entry_jumppad:
0x0: {  	(pc) =	sbr.rel $0x88, $3  }
0x1: {  	(tag) =	ssettag $0x0;
	lr =	simm.s32 $0x1  }
0x2: {  	[smem:$0x3FA0] =	sst lr;
	_ =	strace $0xD0000000  }
0x3: {  	_ = 	snop  }
0x4: {  	_ = 	snop  }
0x5: {  	_ = 	snop  }
0x6: {  	_ = 	snop  }
0x7: {  	_ = 	snop  }
__scs_overlays_trampoline_lowered:
0x8: {  	[smem:$0x3FAF] =	sst s0  }
0x9: {  	[smem:$0x3FB0] =	sst s1  }
0xa: {  	[smem:$0x3FB1] =	sst s2  }
0xb: {  	[smem:$0x3FB2] =	sst s3  }
0xc: {  	[smem:$0x3FB3] =	sst s4  }
0xd: {  	[smem:$0x3FB4] =	sst s5  }
0xe: {  	[smem:$0x3FB5] =	sst s6  }
0xf: {  	[smem:$0x3FB6] =	sst s7  }
0x10: {  	[smem:$0x3FB7] =	sst s8  }
0x11: {  	[smem:$0x3FB8] =	sst s9;
	s0 =	simm.s32 @!p0 $0x0  }
0x12: {  	s1 =	sld [smem:$0x3F9E];
	s0 =	simm.s32 @p0 $0x1  }
0x13: {  	[smem:$0x3FB9] =	sst s0;
	s0 =	simm.s32 @!p1 $0x0  }
0x14: {  	s2 =	sld [smem:$0x3F9D];
	s0 =	simm.s32 @p1 $0x1  }
0x15: {  	[smem:$0x3FBA] =	sst s0;
	s0 =	simm.s32 @!p2 $0x0  }
0x16: {  	s3 =	sld [smem:$0x3FDB];
	s0 =	simm.s32 @p2 $0x1  }
0x17: {  	s4 =	simm.s32 $0x1BF5;
	[smem:$0x3FBC] =	sst s0  }
0x18: {  	s0 =	sld [smem:$0x3F9F];
	_ =	swait.ge [sflag:s4], $0x0  }
0x19: {  	s7 =	sld [smem:$0x3FA0]  }
0x1a: {  	s8 =	sadd.s32 $0xFFFFE003, lr  }
0x1b: {  	s9 =	sadd.s32 $0xFFFFFEF7, lr;
	s5 =	simm.s32 $0xFFFFFFFF;
	p2 =	slt.u32 s8, $0xFFFFF086  }
0x1c: {  	p1 =	slt.u32 s9, $0xF7A;
	s5 =	simm.s32 @!p2 $0x0  }
0x1d: {  	s5 =	simm.s32 @p1 $0x1;
	p0 =	seq.s32 s7, s2  }
0x1e: {  	s7 =	smul.u32 @!p0 $0xF7A, s2;
	p2 =	seq.s32 @!p0 s5, $0x0  }
0x1f: {  	s9 =	smul.u32 $0xF7A, s1;
	s8 =	simm.s32 @!p0 $0x1BF5;
	p2 =	por !p2, p0  }
0x20: {  	[sflag:s8] =	ssyncset.s32 @!p0 $0xFFFFF086;
	s6 =	sadd.s32 @!p0 s3, s7;
	s7 =	simm.s32 @!p0 $0x108  }
0x21: {  	s3 =	sadd.s32 s3, s9;
	s6 =	sadd.s32 @!p0 $0x88, s6;
	s7 =	simm.s32 @p2 $0x1082  }
0x22: {  	[simem:s7], [sflag:s8] =	dma.local @!p0 [hbm:s6], $0xF7A  }
0x23: {  	s9 =	sor.u32 $0xD0000000, s2;
	s6 =	simm.s32 $0x108;
	_ =	swait.ge @!p0 [sflag:s8], $0x0  }
0x24: {  	s3 =	sadd.s32 $0x88, s3;
	s6 =	simm.s32 @!p1 $0x1082;
	[sflag:s4] =	ssyncset.s32 $0xFFFFF086  }
0x25: {  	[simem:s6], [sflag:s4] =	dma.local [hbm:s3], $0xF7A  }
0x26: {  	[smem:$0x3FA0] =	sst s1;
	(tag) =	ssettag s2;
	_ =	strace s9  }
0x27: {  	s1 =	sld [smem:$0x3FB0]  }
0x28: {  	s2 =	sld [smem:$0x3FB1]  }
0x29: {  	s4 =	sld [smem:$0x3FB3]  }
0x2a: {  	p0 =	seq.s32 s5, $0x0;
	s5 =	sld [smem:$0x3FB4]  }
0x2b: {  	s6 =	sld [smem:$0x3FB5]  }
0x2c: {  	s7 =	sld [smem:$0x3FB6]  }
0x2d: {  	s3 =	simm.s32 $0x108;
	s8 =	sld [smem:$0x3FB7]  }
0x2e: {  	s3 =	simm.s32 @!p0 $0x1082;
	s9 =	sld [smem:$0x3FB8]  }
0x2f: {  	lr =	sadd.s32 s0, s3;
	s0 =	sld [smem:$0x3FAF]  }
0x30: {  	s3 =	sld [smem:$0x3FB2]  }
0x31: {  	[smem:$0x3FBB] =	sst s10  }
0x32: {  	s10 =	sld [smem:$0x3FB9];
	_ =	sdelay $0x3  }
0x33: {  	p0 =	seq.s32 s10, $0x1;
	s10 =	sld [smem:$0x3FBB];
	_ =	sdelay $0x3  }
0x34: {  	[smem:$0x3FBB] =	sst s10  }
0x35: {  	s10 =	sld [smem:$0x3FBA];
	_ =	sdelay $0x3  }
0x36: {  	p1 =	seq.s32 s10, $0x1;
	s10 =	sld [smem:$0x3FBB];
	_ =	sdelay $0x3  }
0x37: {  	[smem:$0x3FBB] =	sst s10  }
0x38: {  	s10 =	sld [smem:$0x3FBC]  }
0x39: {  	_ = 	snop;
	(pc) =	sbr.ind lr, $3  }
0x3a: {  	_ = 	snop  }
0x3b: {  	_ = 	snop  }
0x3c: {  	p2 =	seq.s32 s10, $0x1;
	s10 =	sld [smem:$0x3FBB]  }
0x3d: {  	_ =	shalt  }
0x3e: {  	_ =	shalt  }
0x3f: {  	_ =	shalt  }
0x40: {  	_ =	shalt  }
0x41: {  	_ =	shalt  }
0x42: {  	_ =	shalt  }
0x43: {  	_ =	shalt  }
0x44: {  	_ =	shalt  }
0x45: {  	_ =	shalt  }
0x46: {  	_ =	shalt  }
0x47: {  	_ =	shalt  }
0x48: {  	_ =	shalt  }
0x49: {  	_ =	shalt  }
0x4a: {  	_ =	shalt  }
0x4b: {  	_ =	shalt  }
0x4c: {  	_ =	shalt  }
0x4d: {  	_ =	shalt  }
0x4e: {  	_ =	shalt  }
0x4f: {  	_ =	shalt  }
0x50: {  	_ =	shalt  }
0x51: {  	_ =	shalt  }
0x52: {  	_ =	shalt  }
0x53: {  	_ =	shalt  }
0x54: {  	_ =	shalt  }
0x55: {  	_ =	shalt  }
0x56: {  	_ =	shalt  }
0x57: {  	_ =	shalt  }
0x58: {  	_ =	shalt  }
0x59: {  	_ =	shalt  }
0x5a: {  	_ =	shalt  }
0x5b: {  	_ =	shalt  }
0x5c: {  	_ =	shalt  }
0x5d: {  	_ =	shalt  }
0x5e: {  	_ =	shalt  }
0x5f: {  	_ =	shalt  }
0x60: {  	_ =	shalt  }
0x61: {  	_ =	shalt  }
0x62: {  	_ =	shalt  }
0x63: {  	_ =	shalt  }
0x64: {  	_ =	shalt  }
0x65: {  	_ =	shalt  }
0x66: {  	_ =	shalt  }
0x67: {  	_ =	shalt  }
0x68: {  	_ =	shalt  }
0x69: {  	_ =	shalt  }
0x6a: {  	_ =	shalt  }
0x6b: {  	_ =	shalt  }
0x6c: {  	_ =	shalt  }
0x6d: {  	_ =	shalt  }
0x6e: {  	_ =	shalt  }
0x6f: {  	_ =	shalt  }
0x70: {  	_ =	shalt  }
0x71: {  	_ =	shalt  }
0x72: {  	_ =	shalt  }
0x73: {  	_ =	shalt  }
0x74: {  	_ =	shalt  }
0x75: {  	_ =	shalt  }
0x76: {  	_ =	shalt  }
0x77: {  	_ =	shalt  }
0x78: {  	_ =	shalt  }
0x79: {  	_ =	shalt  }
0x7a: {  	_ =	shalt  }
0x7b: {  	_ =	shalt  }
0x7c: {  	_ =	shalt  }
0x7d: {  	_ =	shalt  }
0x7e: {  	_ =	shalt  }
0x7f: {  	_ =	shalt  }
0x80: {  	_ =	shalt  }
0x81: {  	_ =	shalt  }
0x82: {  	_ =	shalt  }
0x83: {  	_ =	shalt  }
0x84: {  	_ =	shalt  }
0x85: {  	_ =	shalt  }
0x86: {  	_ =	shalt  }
0x87: {  	_ =	shalt  }
.Lfunc_end0:
.L_simem_size_0:
called_computation_lowered:
.L_overlay_start_0:
0x88: {  	s2 =	sld [smem:$0x3FD9]  }
0x89: {  	s3 =	sld [smem:$0x3FFE];
	_ =	sdelay $0x1  }
0x8a: {  	s1 =	srdreg.scid  }
0x8b: {  	s0 =	sand.u32 $0x1, s1  }
0x8c: {  	s17 =	sshll.u32 s0, $0xA;
	s2 =	sadd.s32 s3, s2  }
0x8d: {  	s2 =	sadd.s32 s2, s17  }
0x8e: {  	[smem:$0x3FC7] =	sst s2  }
0x8f: {  	_ = 	snop  }
0x90: {  	s2 =	sld [smem:$0x3FC9]  }
0x91: {  	s18 =	sld [smem:$0x3FD0];
	(tm) =	ssettm $0x1  }
0x92: {  	s4 =	sld [smem:$0x3FFB];
	_ =	sdelay $0x3  }
0x93: {  	_ =	strace s4  }
0x94: {  	s4 =	sld [smem:$0x3FFC];
	_ =	sdelay $0x3  }
0x95: {  	_ =	strace s4  }
0x96: {  	s4 =	sld [smem:$0x3FFD];
	_ =	sdelay $0x3  }
0x97: {  	_ =	strace s4  }
0x98: {  	_ =	strace $0x8FFFFFFF  }
0x99: {  	s19 =	sld [smem:$0x3FDB];
	_ =	sdelay $0x1  }
0x9a: {  	s5 =	simm.s32 $_scs_section_size  }
0x9b: {  	s6 =	simm.s32 $_size__tile_overlayer_lowered;
	s7 =	simm.s32 $_tile_overlayer_lowered  }
0x9c: {  	s22 =	simm.s32 $0x1BFF;
	s21 =	sshll.u32 s7, $0x1;
	s4 =	sadd.s32 s5, s19  }
0x9d: {  	s8 =	simm.s32 $0x0;
	s20 =	sshll.u32 s6, $0x1;
	s6 =	sadd.s32 s21, s4  }
0x9e: {  	[timem:s8], [sflag:s22] =	dma.local [hbm:s6], s20  }
0x9f: {  	_ =	swait.ge [sflag:s22], s20  }
0xa0: {  	s5 =	ssub.s32 $0x0, s20;
	[sflag:s22] =	ssyncset.done $0x0  }
0xa1: {  	[sflag:s22] =	ssyncadd.s32 s5;
	_ =	sdelay $0x1  }
0xa2: {  	s23 =	simm.s32 $0x1B8B  }
0xa3: {  	_ =	swait.ge [sflag:s23], $0x1  }
0xa4: {  	[sflag:s23] =	ssyncset.done $0x0  }
0xa5: {  	s25 =	simm.s32 $0x1B8E;
	s24 =	sld [smem:$0x3FFE];
	[sflag:s23] =	ssyncadd.s32 $0xFFFFFFFF  }
0xa6: {  	s26 =	simm.s32 $execute0_lowered;
	[smem:$0x3FD2] =	sst s25  }
0xa7: {  	s6 =	sshll.u32 s26, $0x1;
	_ =	strace $0x80000046;
	[dreg:$0x1] =	wrdreg $0xFFFFFFFF  }
0xa8: {  	s28 =	simm.s32 $_size_execute0_lowered;
	s4 =	sadd.s32 s4, s6;
	[dreg:$0x0] =	wrdreg $0x0  }
0xa9: {  	s6 =	sshll.u32 s28, $0x1;
	[dreg:$0x2] =	wrdreg s4  }
0xaa: {  	[dreg:$0x3] =	wrdreg s6  }
0xab: {  	[dreg:$0x4] =	wrdreg $0xC0  }
0xac: {  	_ =	task [dreg:s8], $0x5FFFF  }
0xad: {  	[dreg:$0x1] =	wrdreg $0xFFFFFFFF  }
0xae: {  	[dreg:$0x0] =	wrdreg $0x60  }
0xaf: {  	[dreg:$0x2] =	wrdreg s24  }
0xb0: {  	[dreg:$0x3] =	wrdreg s2  }
0xb1: {  	[dreg:$0x4] =	wrdreg s18  }
0xb2: {  	[dreg:$0x5] =	wrdreg $0x9  }
0xb3: {  	_ =	task.clear_ibuf [dreg:s8], $0x6FFFF;
	_ =	strace $0x90000046  }
0xb4: {  	s29 =	simm.s32 $0x9;
	_ =	strace $0x80000048  }
0xb5: {  	_ =	swait.ge [sflag:s29], $0x1  }
0xb6: {  	[sflag:s29] =	ssyncadd.s32 $0xFFFFFFFF  }
0xb7: {  	_ =	strace $0x90000048  }
0xb8: {  	_ =	sfence  }
0xb9: {  	s30 =	sld [smem:$0x0];
	_ =	sdelay $0x2  }
0xba: {  	s31 =	sshll.u32 s1, $0xD;
	s1 =	sshrl.u32 s1, $0x2  }
0xbb: {  	s3 =	sand.u32 $0x4000, s31;
	s1 =	sadd.s32 s1, s30  }
0xbc: {  	s0 =	sor.u32 s3, s0;
	s1 =	sshll.u32 s1, $0x11  }
0xbd: {  	s0 =	sor.u32 s1, s0  }
0xbe: {  	s0 =	sadd.s32 $0x8F2B, s0  }
0xbf: {  	[sflag:s0] =	ssyncadd.remote.s32 $0x1  }
0xc0: {  	_ =	sfence.sel $0xFFFF  }
0xc1: {  	[dreg:$0x0] =	wrdreg $0xFFFFFFFF;
	(pc) =	sbr.abs _section_cstart, $3  }
0xc2: {  	[dreg:$0x1] =	wrdreg $0xFFFFFFFF  }
0xc3: {  	_ =	task.clear_ibuf [dreg:s8], $0x2FFFF;
	_ =	strace $0x9FFFFFFF  }
0xc4: {  	(tm) =	ssettm $0x7FFFFFFF  }
0xc5: {  	_ =	shalt  }
tec
execute0_lowered:
.L_overlay_start_1:
0x0: {  	(tag) =	ssettag $0x1  }
0x1: {  	s4 =	rddreg [dreg:$0x0]  }
0x2: {  	s0 =	rddreg [dreg:$0x1];
	s2 =	srdreg.scid  }
0x3: {  	s1 =	rddreg [dreg:$0x2];
	s3 =	simm.s32 $0x0;
	s8 =	sand.u32 $0x1, s2  }
0x4: {  	s6 =	stileid.u32;
	[smem:$0x7FF] =	sst s3;
	s2 =	sshll.u32 s8, $0x4  }
0x5: {  	s5 =	sadd.s32 $0x1E00, s4;
	s4 =	sadd.s32 $0x1C00, s4;
	s2 =	sor.u32 s6, s2  }
0x6: {  	_ =	strace $0x80000047;
	[dreg:$0x4] =	wrdreg s5;
	s9 =	sshll.u32 s2, $0x10  }
0x7: {  	[dreg:$0x5] =	wrdreg s4;
	s21 =	sadd.s32 s0, s9  }
0x8: {  	s22 =	sor.u32 $0x800, s9;
	s26 =	sadd.s32 s1, s9;
	[dreg:$0x6] =	wrdreg s21  }
0x9: {  	s24 =	sor.u32 $0x1000, s9;
	s23 =	sadd.s32 s0, s22;
	[dreg:$0x9] =	wrdreg s26  }
0xa: {  	s7 =	sor.u32 $0x1800, s9;
	s25 =	sadd.s32 s0, s24;
	[dreg:$0x7] =	wrdreg s23  }
0xb: {  	s10 =	sadd.s32 s0, s7;
	[dreg:$0x8] =	wrdreg s25  }
0xc: {  	s12 =	sor.u32 $0x2000, s9;
	s11 =	sadd.s32 s1, s22;
	[dreg:$0xa] =	wrdreg s10  }
0xd: {  	s13 =	sadd.s32 s0, s12;
	[dreg:$0xb] =	wrdreg s11  }
0xe: {  	s15 =	sor.u32 $0x2800, s9;
	s14 =	sadd.s32 s1, s24;
	[dreg:$0xc] =	wrdreg s13  }
0xf: {  	s16 =	sadd.s32 s0, s15;
	[dreg:$0xd] =	wrdreg s14  }
0x10: {  	s18 =	sor.u32 $0x3000, s9;
	s17 =	sadd.s32 s1, s7;
	[dreg:$0xe] =	wrdreg s16  }
0x11: {  	s19 =	sadd.s32 s0, s18;
	[dreg:$0xf] =	wrdreg s17  }
0x12: {  	s5 =	sadd.s32 s1, s12;
	[dreg:$0x10] =	wrdreg s19  }
0x13: {  	s6 =	sadd.s32 s1, s15;
	[dreg:$0x11] =	wrdreg s5  }
0x14: {  	s24 =	sor.u32 $0x4800, s9;
	[dreg:$0x13] =	wrdreg s6;
	s23 =	sadd.s32 s1, s18  }
0x15: {  	s4 =	sor.u32 $0x5000, s9;
	s25 =	sadd.s32 s0, s24;
	[dreg:$0x15] =	wrdreg s23  }
0x16: {  	s12 =	sor.u32 $0x5800, s9;
	s5 =	sadd.s32 s0, s4;
	[dreg:$0x16] =	wrdreg s25  }
0x17: {  	s13 =	sadd.s32 s0, s12;
	[dreg:$0x18] =	wrdreg s5  }
0x18: {  	s15 =	sadd.s32 s1, s24;
	[dreg:$0x1a] =	wrdreg s13  }
0x19: {  	s18 =	sadd.s32 s1, s4;
	[dreg:$0x1b] =	wrdreg s15  }
0x1a: {  	s14 =	sshll.u32 s2, $0x13;
	[dreg:$0x1d] =	wrdreg s18  }
0x1b: {  	s10 =	sor.u32 $0x3800, s9;
	s2 =	sshll.u32 s2, $0x2;
	[smem:$0x7E7] =	sst s14  }
0x1c: {  	s11 =	sadd.s32 s0, s10;
	[smem:$0x7FA] =	sst s2  }
0x1d: {  	s20 =	sor.u32 $0x20000, s14;
	[dreg:$0x12] =	wrdreg s11  }
0x1e: {  	s16 =	sor.u32 $0x6000, s9;
	s26 =	sadd.s32 s1, s10;
	[smem:$0x7D3] =	sst s20  }
0x1f: {  	s17 =	sadd.s32 s0, s16;
	[dreg:$0x17] =	wrdreg s26  }
0x20: {  	s19 =	sor.u32 $0x6800, s9;
	s24 =	sadd.s32 s1, s16;
	[dreg:$0x1c] =	wrdreg s17  }
0x21: {  	s10 =	sadd.s32 s1, s19;
	[smem:$0x7D5] =	sst s24  }
0x22: {  	s21 =	sshrl.u32 s20, $0x3;
	s20 =	sadd.s32 s0, s19;
	[smem:$0x7D8] =	sst s10  }
0x23: {  	s15 =	sor.u32 $0x8800, s9;
	s26 =	sor.u32 $0x40000, s14;
	[dreg:$0x1e] =	wrdreg s20  }
0x24: {  	s25 =	sor.u32 $0x7800, s9;
	s16 =	sadd.s32 s0, s15;
	[smem:$0x7D7] =	sst s26  }
0x25: {  	s7 =	sadd.s32 s1, s25;
	[smem:$0x7DB] =	sst s16  }
0x26: {  	s22 =	sadd.s32 s0, s21;
	[smem:$0x7DC] =	sst s7  }
0x27: {  	s11 =	sadd.s32 s1, s21;
	[dreg:$0x14] =	wrdreg s22  }
0x28: {  	s21 =	sadd.s32 s1, s12;
	[dreg:$0x19] =	wrdreg s11  }
0x29: {  	s17 =	sor.u32 $0x9000, s9;
	s12 =	sadd.s32 s0, s25;
	[dreg:$0x1f] =	wrdreg s21  }
0x2a: {  	s28 =	simm.s32 $0xB;
	s18 =	sadd.s32 s0, s17;
	[smem:$0x7D6] =	sst s12  }
0x2b: {  	s5 =	sshrl.u32 s26, $0x3;
	s25 =	sadd.s32 s1, s17;
	[smem:$0x7DD] =	sst s18  }
0x2c: {  	s29 =	simm.s32 $0xC;
	s6 =	sadd.s32 s0, s5;
	[smem:$0x7E2] =	sst s25  }
0x2d: {  	s20 =	sor.u32 $0x9800, s9;
	s19 =	sadd.s32 s1, s5;
	[smem:$0x7D9] =	sst s6  }
0x2e: {  	s26 =	sor.u32 $0xA800, s9;
	s21 =	sadd.s32 s0, s20;
	[smem:$0x7DE] =	sst s19  }
0x2f: {  	s30 =	simm.s32 $0x80;
	s4 =	sadd.s32 s0, s26;
	[smem:$0x7DF] =	sst s21  }
0x30: {  	s31 =	simm.s32 $0x400;
	s5 =	sadd.s32 s1, s20;
	[smem:$0x7E3] =	sst s4  }
0x31: {  	s22 =	sor.u32 $0x7000, s9;
	s10 =	sadd.s32 s1, s26;
	[smem:$0x7E4] =	sst s5  }
0x32: {  	s8 =	ssub.s32 $0x2, s8;
	s23 =	sadd.s32 s0, s22;
	[smem:$0x7E9] =	sst s10  }
0x33: {  	s7 =	sor.u32 $0x60000, s14;
	s13 =	sadd.s32 s1, s22;
	[smem:$0x7D4] =	sst s23  }
0x34: {  	s17 =	sshrl.u32 s7, $0x3;
	s22 =	sadd.s32 s1, s15;
	[smem:$0x7DA] =	sst s13  }
0x35: {  	s20 =	sor.u32 $0xC800, s9;
	s18 =	sadd.s32 s0, s17;
	[smem:$0x7E0] =	sst s22  }
0x36: {  	s2 =	simm.s32 $0xD;
	s21 =	sadd.s32 s0, s20;
	[smem:$0x7EA] =	sst s18  }
0x37: {  	s26 =	sor.u32 $0xD800, s9;
	s25 =	sadd.s32 s1, s17;
	[smem:$0x7EC] =	sst s21  }
0x38: {  	s16 =	sor.u32 $0xB800, s9;
	s4 =	sadd.s32 s0, s26;
	[smem:$0x7EF] =	sst s25  }
0x39: {  	s6 =	sor.u32 $0xB000, s9;
	s5 =	sadd.s32 s1, s20;
	[smem:$0x7F0] =	sst s4  }
0x3a: {  	s12 =	simm.s32 $0x600;
	s13 =	sadd.s32 s0, s6;
	[smem:$0x7F1] =	sst s5  }
0x3b: {  	s11 =	simm.s32 $0x10600;
	s19 =	sadd.s32 s1, s6;
	[smem:$0x7E5] =	sst s13  }
0x3c: {  	s23 =	sor.u32 $0xA000, s9;
	s22 =	sadd.s32 s1, s16;
	[smem:$0x7EB] =	sst s19  }
0x3d: {  	s6 =	sor.u32 $0xE000, s9;
	s18 =	sadd.s32 s1, s26;
	[smem:$0x7ED] =	sst s22  }
0x3e: {  	s26 =	simm.s32 $0x100;
	s5 =	simm.s32 $0x4600;
	[smem:$0x7F5] =	sst s18  }
0x3f: {  	s24 =	sadd.s32 s0, s23;
	s15 =	sadd.s32 s1, s23;
	[smem:$0x7FD] =	sst s26  }
0x40: {  	s13 =	sadd.s32 s0, s16;
	s23 =	sor.u32 $0xD000, s9;
	[smem:$0x7E1] =	sst s24  }
0x41: {  	s14 =	sadd.s32 s0, s6;
	s16 =	sor.u32 $0xE800, s9;
	[smem:$0x7E6] =	sst s15  }
0x42: {  	s19 =	sor.u32 $0xF000, s9;
	s21 =	sadd.s32 s1, s6;
	[smem:$0x7E8] =	sst s13  }
0x43: {  	s9 =	sor.u32 $0xF800, s9;
	s22 =	sshrl.u32 s8, $0x1;
	[smem:$0x7F2] =	sst s14  }
0x44: {  	s18 =	simm.s32 $0x3;
	s24 =	sadd.s32 s0, s23;
	[smem:$0x7F7] =	sst s21  }
0x45: {  	s26 =	simm.s32 $0xA;
	s15 =	sadd.s32 s1, s23;
	[smem:$0x7EE] =	sst s24  }
0x46: {  	s6 =	simm.s32 $0x14600;
	s17 =	sadd.s32 s0, s16;
	[smem:$0x7F3] =	sst s15  }
0x47: {  	s20 =	sadd.s32 s0, s19;
	s0 =	sadd.s32 s0, s9;
	[smem:$0x7F4] =	sst s17  }
0x48: {  	s23 =	sadd.s32 s1, s16;
	s8 =	ssub.s32 s8, s22;
	[smem:$0x7F6] =	sst s20  }
0x49: {  	s25 =	sadd.s32 s1, s9;
	s14 =	simm.s32 $0x1;
	[smem:$0x7F8] =	sst s0  }
0x4a: {  	s16 =	simm.s32 $0x2;
	s21 =	simm.s32 $0x4;
	[smem:$0x7F9] =	sst s23  }
0x4b: {  	s22 =	simm.s32 $0x8;
	s24 =	sadd.s32 s1, s19;
	[smem:$0x7FC] =	sst s25  }
0x4c: {  	s9 =	smax.u32 s8, $0x1;
	s19 =	simm.s32 $0x7;
	s23 =	simm.s32 $0x5  }
0x4d: {  	s25 =	simm.s32 $0x6;
	s0 =	simm.s32 $0x200;
	s17 =	simm.s32 $0x8600  }
0x4e: {  	v0 =	vimm.f32 $0.0e+00;
	s20 =	simm.s32 $0xC600;
	[smem:$0x7FB] =	sst s24;
	s24 =	simm.s32 $0x9  }
.LBB2_1:
0x4f: {  	s8 =	rddreg [dreg:$0x4];
	s13 =	simm.s32 $0xE  }
0x50: {  	[tilespmem:s3], [sflag:$0xE] =	stream.linear.gather [hbm4b:s8+s3], $0x80, $0x38;
	[tilespmem:$0x18600] =	vst v63  }
0x51: {  	_ =	swait.ge [sflag:s13], $0x80  }
0x52: {  	s10 =	sld [smem:$0x7FD]  }
0x53: {  	[sflag:s13] =	ssyncset.done $0x0  }
0x54: {  	s4 =	rddreg [dreg:$0x5];
	[sflag:s13] =	ssyncadd.s32 $0xFFFFFF80  }
0x55: {  	[tilespmem:s10], [sflag:$0xE] =	stream.linear.gather [hbm4b:s4+s3], $0x80, $0x38;
	[tilespmem:$0x18600] =	vst v63  }
0x56: {  	_ =	swait.ge [sflag:s13], $0x80  }
0x57: {  	[sflag:s13] =	ssyncset.done $0x0  }
0x58: {  	[sflag:s13] =	ssyncadd.s32 $0xFFFFFF80;
	s13 =	sld [smem:$0x7FA];
	_ =	sdelay $0x2  }
0x59: {  	v1 =	vld [tilespmem:s13+$0x0]  }
0x5a: {  	v2 =	vld [tilespmem:s13+$0x100];
	[tilespmem:$0x200] =	vst v0  }
0x5b: {  	[tilespmem:$0x210] =	vst v0  }
0x5c: {  	[tilespmem:$0x220] =	vst v0  }
0x5d: {  	[tilespmem:$0x230] =	vst v0  }
0x5e: {  	[tilespmem:$0x240] =	vst v0  }
0x5f: {  	[tilespmem:$0x250] =	vst v0  }
0x60: {  	[tilespmem:$0x260] =	vst v0  }
0x61: {  	[tilespmem:$0x270] =	vst v0  }
0x62: {  	[tilespmem:$0x280] =	vst v0  }
0x63: {  	[tilespmem:$0x290] =	vst v0  }
0x64: {  	[tilespmem:$0x2A0] =	vst v0  }
0x65: {  	[tilespmem:$0x2B0] =	vst v0  }
0x66: {  	[tilespmem:$0x2C0] =	vst v0  }
0x67: {  	[tilespmem:$0x2D0] =	vst v0  }
0x68: {  	[tilespmem:$0x2E0] =	vst v0  }
0x69: {  	[tilespmem:$0x2F0] =	vst v0  }
0x6a: {  	[tilespmem:$0x300] =	vst v0  }
0x6b: {  	[tilespmem:$0x310] =	vst v0  }
0x6c: {  	[tilespmem:$0x320] =	vst v0  }
0x6d: {  	[tilespmem:$0x330] =	vst v0  }
0x6e: {  	[tilespmem:$0x340] =	vst v0  }
0x6f: {  	[tilespmem:$0x350] =	vst v0  }
0x70: {  	[tilespmem:$0x360] =	vst v0  }
0x71: {  	[tilespmem:$0x370] =	vst v0  }
0x72: {  	[tilespmem:$0x380] =	vst v0  }
0x73: {  	[tilespmem:$0x390] =	vst v0  }
0x74: {  	[tilespmem:$0x3A0] =	vst v0  }
0x75: {  	[tilespmem:$0x3B0] =	vst v0  }
0x76: {  	[tilespmem:$0x3C0] =	vst v0  }
0x77: {  	[tilespmem:$0x3D0] =	vst v0  }
0x78: {  	[tilespmem:$0x3E0] =	vst v0  }
0x79: {  	[tilespmem:$0x3F0] =	vst v0  }
0x7a: {  	[tilespmem:$0x400] =	vst v0  }
0x7b: {  	[tilespmem:$0x410] =	vst v0  }
0x7c: {  	[tilespmem:$0x420] =	vst v0  }
0x7d: {  	[tilespmem:$0x430] =	vst v0  }
0x7e: {  	[tilespmem:$0x440] =	vst v0  }
0x7f: {  	[tilespmem:$0x450] =	vst v0  }
0x80: {  	[tilespmem:$0x460] =	vst v0  }
0x81: {  	[tilespmem:$0x470] =	vst v0  }
0x82: {  	[tilespmem:$0x480] =	vst v0  }
0x83: {  	[tilespmem:$0x490] =	vst v0  }
0x84: {  	[tilespmem:$0x4A0] =	vst v0  }
0x85: {  	[tilespmem:$0x4B0] =	vst v0  }
0x86: {  	[tilespmem:$0x4C0] =	vst v0  }
0x87: {  	[tilespmem:$0x4D0] =	vst v0  }
0x88: {  	[tilespmem:$0x4E0] =	vst v0  }
0x89: {  	[tilespmem:$0x4F0] =	vst v0  }
0x8a: {  	[tilespmem:$0x500] =	vst v0  }
0x8b: {  	[tilespmem:$0x510] =	vst v0  }
0x8c: {  	[tilespmem:$0x520] =	vst v0  }
0x8d: {  	[tilespmem:$0x530] =	vst v0  }
0x8e: {  	[tilespmem:$0x540] =	vst v0  }
0x8f: {  	[tilespmem:$0x550] =	vst v0  }
0x90: {  	[tilespmem:$0x560] =	vst v0  }
0x91: {  	[tilespmem:$0x570] =	vst v0  }
0x92: {  	[tilespmem:$0x580] =	vst v0  }
0x93: {  	[tilespmem:$0x590] =	vst v0  }
0x94: {  	[tilespmem:$0x5A0] =	vst v0  }
0x95: {  	[tilespmem:$0x5B0] =	vst v0  }
0x96: {  	[tilespmem:$0x5C0] =	vst v0  }
0x97: {  	[tilespmem:$0x5D0] =	vst v0  }
0x98: {  	[tilespmem:$0x5E0] =	vst v0  }
0x99: {  	s15 =	rddreg [dreg:$0x6];
	[tilespmem:$0x5F0] =	vst v0  }
0x9a: {  	[tilespmem:s12], [sflag:$0x1] =	stream.linear.gather [hbm4b:s15+s3], $0x4000, $0x38;
	[tilespmem:$0x18600] =	vst v63  }
0x9b: {  	s4 =	rddreg [dreg:$0x7]  }
0x9c: {  	[tilespmem:s5], [sflag:$0x2] =	stream.linear.gather [hbm4b:s4+s3], $0x4000, $0x38;
	[tilespmem:$0x18600] =	vst v63  }
0x9d: {  	s13 =	rddreg [dreg:$0x8]  }
0x9e: {  	[tilespmem:s17], [sflag:$0x3] =	stream.linear.gather [hbm4b:s13+s3], $0x4000, $0x38;
	[tilespmem:$0x18600] =	vst v63  }
0x9f: {  	_ =	swait.ge [sflag:s14], $0x4000  }
0xa0: {  	[sflag:s14] =	ssyncset.done $0x0  }
0xa1: {  	s15 =	rddreg [dreg:$0x9];
	[sflag:s14] =	ssyncadd.s32 $0xFFFFC000  }
0xa2: {  	[hbm4b:s15+s3] =	stream.linear.scatter [tilespmem:s12], [sflag:$0x7], $0x4000, $0x38;
	[tilespmem:$0x18600] =	vst v63  }
0xa3: {  	s4 =	rddreg [dreg:$0xa]  }
0xa4: {  	[tilespmem:s20], [sflag:$0x4] =	stream.linear.gather [hbm4b:s4+s3], $0x4000, $0x38;
	[tilespmem:$0x18600] =	vst v63  }
0xa5: {  	_ =	swait.ge [sflag:s16], $0x4000  }
0xa6: {  	[sflag:s16] =	ssyncset.done $0x0  }
0xa7: {  	s13 =	rddreg [dreg:$0xb];
	[sflag:s16] =	ssyncadd.s32 $0xFFFFC000  }
0xa8: {  	[hbm4b:s13+s3] =	stream.linear.scatter [tilespmem:s5], [sflag:$0x8], $0x4000, $0x38;
	[tilespmem:$0x18600] =	vst v63  }
0xa9: {  	s15 =	rddreg [dreg:$0xc]  }
0xaa: {  	[tilespmem:s11], [sflag:$0x5] =	stream.linear.gather [hbm4b:s15+s3], $0x4000, $0x38;
	[tilespmem:$0x18600] =	vst v63  }
0xab: {  	_ =	swait.ge [sflag:s18], $0x4000  }
0xac: {  	[sflag:s18] =	ssyncset.done $0x0  }
0xad: {  	s4 =	rddreg [dreg:$0xd];
	[sflag:s18] =	ssyncadd.s32 $0xFFFFC000  }
0xae: {  	[hbm4b:s4+s3] =	stream.linear.scatter [tilespmem:s17], [sflag:$0x9], $0x4000, $0x38;
	[tilespmem:$0x18600] =	vst v63  }
0xaf: {  	_ =	swait.ge [sflag:s19], $0x4000  }
0xb0: {  	[sflag:s19] =	ssyncset.done $0x0  }
0xb1: {  	s10 =	rddreg [dreg:$0xe];
	[sflag:s19] =	ssyncadd.s32 $0xFFFFC000  }
0xb2: {  	[tilespmem:s6], [sflag:$0x6] =	stream.linear.gather [hbm4b:s10+s3], $0x4000, $0x38;
	[tilespmem:$0x18600] =	vst v63  }
0xb3: {  	_ =	swait.ge [sflag:s21], $0x4000  }
0xb4: {  	[sflag:s21] =	ssyncset.done $0x0  }
0xb5: {  	s13 =	rddreg [dreg:$0xf];
	[sflag:s21] =	ssyncadd.s32 $0xFFFFC000  }
0xb6: {  	[hbm4b:s13+s3] =	stream.linear.scatter [tilespmem:s20], [sflag:$0xA], $0x4000, $0x38;
	[tilespmem:$0x18600] =	vst v63  }
0xb7: {  	_ =	swait.ge [sflag:s22], $0x4000  }
0xb8: {  	[sflag:s22] =	ssyncset.done $0x0  }
0xb9: {  	s15 =	rddreg [dreg:$0x10];
	[sflag:s22] =	ssyncadd.s32 $0xFFFFC000  }
0xba: {  	[tilespmem:s12], [sflag:$0x1] =	stream.linear.gather [hbm4b:s15+s3], $0x4000, $0x38;
	[tilespmem:$0x18600] =	vst v63  }
0xbb: {  	_ =	swait.ge [sflag:s23], $0x4000  }
0xbc: {  	[sflag:s23] =	ssyncset.done $0x0  }
0xbd: {  	s4 =	rddreg [dreg:$0x11];
	[sflag:s23] =	ssyncadd.s32 $0xFFFFC000  }
0xbe: {  	[hbm4b:s4+s3] =	stream.linear.scatter [tilespmem:s11], [sflag:$0xB], $0x4000, $0x38;
	[tilespmem:$0x18600] =	vst v63  }
0xbf: {  	_ =	swait.ge [sflag:s24], $0x4000  }
0xc0: {  	[sflag:s24] =	ssyncset.done $0x0  }
0xc1: {  	s10 =	rddreg [dreg:$0x12];
	[sflag:s24] =	ssyncadd.s32 $0xFFFFC000  }
0xc2: {  	[tilespmem:s5], [sflag:$0x2] =	stream.linear.gather [hbm4b:s10+s3], $0x4000, $0x38;
	[tilespmem:$0x18600] =	vst v63  }
0xc3: {  	_ =	swait.ge [sflag:s25], $0x4000  }
0xc4: {  	[sflag:s25] =	ssyncset.done $0x0  }
0xc5: {  	s13 =	rddreg [dreg:$0x13];
	[sflag:s25] =	ssyncadd.s32 $0xFFFFC000  }
0xc6: {  	[hbm4b:s13+s3] =	stream.linear.scatter [tilespmem:s6], [sflag:$0xC], $0x4000, $0x38;
	[tilespmem:$0x18600] =	vst v63  }
0xc7: {  	_ =	swait.ge [sflag:s26], $0x4000  }
0xc8: {  	[sflag:s26] =	ssyncset.done $0x0  }
0xc9: {  	s15 =	rddreg [dreg:$0x14];
	[sflag:s26] =	ssyncadd.s32 $0xFFFFC000  }
0xca: {  	[tilespmem:s17], [sflag:$0x3] =	stream.linear.gather [hbm4b:s15+s3], $0x4000, $0x38;
	[tilespmem:$0x18600] =	vst v63  }
0xcb: {  	_ =	swait.ge [sflag:s14], $0x4000  }
0xcc: {  	[sflag:s14] =	ssyncset.done $0x0  }
0xcd: {  	s4 =	rddreg [dreg:$0x15];
	[sflag:s14] =	ssyncadd.s32 $0xFFFFC000  }
0xce: {  	[hbm4b:s4+s3] =	stream.linear.scatter [tilespmem:s12], [sflag:$0x7], $0x4000, $0x38;
	[tilespmem:$0x18600] =	vst v63  }
0xcf: {  	_ =	swait.ge [sflag:s28], $0x4000  }
0xd0: {  	[sflag:s28] =	ssyncset.done $0x0  }
0xd1: {  	s10 =	rddreg [dreg:$0x16];
	[sflag:s28] =	ssyncadd.s32 $0xFFFFC000  }
0xd2: {  	[tilespmem:s20], [sflag:$0x4] =	stream.linear.gather [hbm4b:s10+s3], $0x4000, $0x38;
	[tilespmem:$0x18600] =	vst v63  }
0xd3: {  	_ =	swait.ge [sflag:s16], $0x4000  }
0xd4: {  	[sflag:s16] =	ssyncset.done $0x0  }
0xd5: {  	s13 =	rddreg [dreg:$0x17];
	[sflag:s16] =	ssyncadd.s32 $0xFFFFC000  }
0xd6: {  	[hbm4b:s13+s3] =	stream.linear.scatter [tilespmem:s5], [sflag:$0x8], $0x4000, $0x38;
	[tilespmem:$0x18600] =	vst v63  }
0xd7: {  	_ =	swait.ge [sflag:s29], $0x4000  }
0xd8: {  	[sflag:s29] =	ssyncset.done $0x0  }
0xd9: {  	s15 =	rddreg [dreg:$0x18];
	[sflag:s29] =	ssyncadd.s32 $0xFFFFC000  }
0xda: {  	[tilespmem:s11], [sflag:$0x5] =	stream.linear.gather [hbm4b:s15+s3], $0x4000, $0x38;
	[tilespmem:$0x18600] =	vst v63  }
0xdb: {  	_ =	swait.ge [sflag:s18], $0x4000  }
0xdc: {  	[sflag:s18] =	ssyncset.done $0x0  }
0xdd: {  	s4 =	rddreg [dreg:$0x19];
	[sflag:s18] =	ssyncadd.s32 $0xFFFFC000  }
0xde: {  	[hbm4b:s4+s3] =	stream.linear.scatter [tilespmem:s17], [sflag:$0x9], $0x4000, $0x38;
	[tilespmem:$0x18600] =	vst v63  }
0xdf: {  	_ =	swait.ge [sflag:s19], $0x4000  }
0xe0: {  	[sflag:s19] =	ssyncset.done $0x0  }
0xe1: {  	s10 =	rddreg [dreg:$0x1a];
	[sflag:s19] =	ssyncadd.s32 $0xFFFFC000  }
0xe2: {  	[tilespmem:s6], [sflag:$0x6] =	stream.linear.gather [hbm4b:s10+s3], $0x4000, $0x38;
	[tilespmem:$0x18600] =	vst v63  }
0xe3: {  	_ =	swait.ge [sflag:s21], $0x4000  }
0xe4: {  	[sflag:s21] =	ssyncset.done $0x0  }
0xe5: {  	s13 =	rddreg [dreg:$0x1b];
	[sflag:s21] =	ssyncadd.s32 $0xFFFFC000  }
0xe6: {  	[hbm4b:s13+s3] =	stream.linear.scatter [tilespmem:s20], [sflag:$0xA], $0x4000, $0x38;
	[tilespmem:$0x18600] =	vst v63  }
0xe7: {  	_ =	swait.ge [sflag:s22], $0x4000  }
0xe8: {  	v2 =	vadd.s32 $0xFFFFFFFF, v2;
	(v2sf) =	vpush v1, $0x0  }
0xe9: {  	(v2sf) =	vpush v2, $0x0;
	_ =	sdelay $0xd  }
0xea: {  	s10 =	spop (v2sf)  }
0xeb: {  	s13 =	spop (v2sf)  }
0xec: {  	p0 =	slt.s32 s10, s13;
	s8 =	smov.u32 s13  }
0xed: {  	s4 =	sld [smem:$0x7E7];
	s8 =	smov.u32 @p0 s10  }
0xee: {  	s15 =	sshll.u32 s8, $0xA  }
0xef: {  	s8 =	sshll.u32 s8, $0x7;
	s15 =	sand.u32 $0xFFFFE000, s15  }
0xf0: {  	s8 =	sand.u32 $0x380, s8;
	s15 =	sadd.s32 s4, s15  }
0xf1: {  	s8 =	sor.u32 s8, s15  }
0xf2: {  	[sflag:s22] =	ssyncset.done $0x0;
	s8 =	sshrl.u32 s8, $0x3  }
0xf3: {  	[sflag:s22] =	ssyncadd.s32 $0xFFFFC000;
	s8 =	sadd.s32 s1, s8  }
0xf4: {  	[hbm4b:s8+s30] =	stream.strided.scatter [tilespmem:s0], [sflag:$0xD], $0x400, s31, s30, $0x38;
	[tilespmem:$0x18600] =	vst v63  }
0xf5: {  	s8 =	sadd.s32 $0x1, s10  }
0xf6: {  	s15 =	smov.u32 s13;
	p0 =	slt.s32 s8, s13  }
0xf7: {  	s15 =	smov.u32 @p0 s8  }
0xf8: {  	s8 =	sshll.u32 s15, $0xA  }
0xf9: {  	s15 =	sshll.u32 s15, $0x7;
	s8 =	sand.u32 $0xFFFFE000, s8  }
0xfa: {  	s15 =	sand.u32 $0x380, s15;
	s8 =	sadd.s32 s4, s8  }
0xfb: {  	s8 =	sor.u32 s15, s8  }
0xfc: {  	s8 =	sshrl.u32 s8, $0x3  }
0xfd: {  	s8 =	sadd.s32 s1, s8  }
0xfe: {  	[hbm4b:s8+s30] =	stream.strided.scatter [tilespmem:s0], [sflag:$0xD], $0x400, s31, s30, $0x38;
	[tilespmem:$0x18600] =	vst v63  }
0xff: {  	s8 =	sadd.s32 $0x2, s10  }
0x100: {  	s15 =	smov.u32 s13;
	p0 =	slt.s32 s8, s13  }
0x101: {  	s15 =	smov.u32 @p0 s8  }
0x102: {  	s8 =	sshll.u32 s15, $0xA  }
0x103: {  	s15 =	sshll.u32 s15, $0x7;
	s8 =	sand.u32 $0xFFFFE000, s8  }
0x104: {  	s15 =	sand.u32 $0x380, s15;
	s8 =	sadd.s32 s4, s8  }
0x105: {  	s8 =	sor.u32 s15, s8  }
0x106: {  	s8 =	sshrl.u32 s8, $0x3  }
0x107: {  	s8 =	sadd.s32 s1, s8  }
0x108: {  	[hbm4b:s8+s30] =	stream.strided.scatter [tilespmem:s0], [sflag:$0xD], $0x400, s31, s30, $0x38;
	[tilespmem:$0x18600] =	vst v63  }
0x109: {  	s8 =	sadd.s32 $0x3, s10  }
0x10a: {  	s15 =	smov.u32 s13;
	p0 =	slt.s32 s8, s13  }
0x10b: {  	s15 =	smov.u32 @p0 s8  }
0x10c: {  	s8 =	sshll.u32 s15, $0xA  }
0x10d: {  	s15 =	sshll.u32 s15, $0x7;
	s8 =	sand.u32 $0xFFFFE000, s8  }
0x10e: {  	s15 =	sand.u32 $0x380, s15;
	s8 =	sadd.s32 s4, s8  }
0x10f: {  	s8 =	sor.u32 s15, s8  }
0x110: {  	s8 =	sshrl.u32 s8, $0x3  }
0x111: {  	s8 =	sadd.s32 s1, s8  }
0x112: {  	[hbm4b:s8+s30] =	stream.strided.scatter [tilespmem:s0], [sflag:$0xD], $0x400, s31, s30, $0x38;
	[tilespmem:$0x18600] =	vst v63  }
0x113: {  	s8 =	sadd.s32 $0x4, s10  }
0x114: {  	s15 =	smov.u32 s13;
	p0 =	slt.s32 s8, s13  }
0x115: {  	s15 =	smov.u32 @p0 s8  }
0x116: {  	s8 =	sshll.u32 s15, $0xA  }
0x117: {  	s15 =	sshll.u32 s15, $0x7;
	s8 =	sand.u32 $0xFFFFE000, s8  }
0x118: {  	s15 =	sand.u32 $0x380, s15;
	s8 =	sadd.s32 s4, s8  }
0x119: {  	s8 =	sor.u32 s15, s8  }
0x11a: {  	s8 =	sshrl.u32 s8, $0x3  }
0x11b: {  	s8 =	sadd.s32 s1, s8  }
0x11c: {  	[hbm4b:s8+s30] =	stream.strided.scatter [tilespmem:s0], [sflag:$0xD], $0x400, s31, s30, $0x38;
	[tilespmem:$0x18600] =	vst v63  }
0x11d: {  	s8 =	sadd.s32 $0x5, s10  }
0x11e: {  	s15 =	smov.u32 s13;
	p0 =	slt.s32 s8, s13  }
0x11f: {  	s15 =	smov.u32 @p0 s8  }
0x120: {  	s8 =	sshll.u32 s15, $0xA  }
0x121: {  	s15 =	sshll.u32 s15, $0x7;
	s8 =	sand.u32 $0xFFFFE000, s8  }
0x122: {  	s15 =	sand.u32 $0x380, s15;
	s8 =	sadd.s32 s4, s8  }
0x123: {  	s8 =	sor.u32 s15, s8  }
0x124: {  	s8 =	sshrl.u32 s8, $0x3  }
0x125: {  	s8 =	sadd.s32 s1, s8  }
0x126: {  	[hbm4b:s8+s30] =	stream.strided.scatter [tilespmem:s0], [sflag:$0xD], $0x400, s31, s30, $0x38;
	[tilespmem:$0x18600] =	vst v63  }
0x127: {  	s8 =	sadd.s32 $0x6, s10  }
0x128: {  	p0 =	slt.s32 s8, s13  }
0x129: {  	s13 =	smov.u32 @p0 s8  }
0x12a: {  	s8 =	sshll.u32 s13, $0xA  }
0x12b: {  	s15 =	sshll.u32 s13, $0x7;
	s8 =	sand.u32 $0xFFFFE000, s8  }
0x12c: {  	s10 =	sand.u32 $0x380, s15;
	s8 =	sadd.s32 s4, s8  }
0x12d: {  	s8 =	sor.u32 s10, s8  }
0x12e: {  	s8 =	sshrl.u32 s8, $0x3  }
0x12f: {  	s8 =	sadd.s32 s1, s8  }
0x130: {  	[hbm4b:s8+s30] =	stream.strided.scatter [tilespmem:s0], [sflag:$0xD], $0x400, s31, s30, $0x38;
	[tilespmem:$0x18600] =	vst v63  }
0x131: {  	s4 =	rddreg [dreg:$0x1c]  }
0x132: {  	[tilespmem:s12], [sflag:$0x1] =	stream.linear.gather [hbm4b:s4+s3], $0x4000, $0x38;
	[tilespmem:$0x18600] =	vst v63  }
0x133: {  	_ =	swait.ge [sflag:s23], $0x4000  }
0x134: {  	[sflag:s23] =	ssyncset.done $0x0  }
0x135: {  	s10 =	rddreg [dreg:$0x1d];
	[sflag:s23] =	ssyncadd.s32 $0xFFFFC000  }
0x136: {  	[hbm4b:s10+s3] =	stream.linear.scatter [tilespmem:s11], [sflag:$0xB], $0x4000, $0x38;
	[tilespmem:$0x18600] =	vst v63  }
0x137: {  	_ =	swait.ge [sflag:s24], $0x4000  }
0x138: {  	[sflag:s24] =	ssyncset.done $0x0  }
0x139: {  	s13 =	rddreg [dreg:$0x1e];
	[sflag:s24] =	ssyncadd.s32 $0xFFFFC000  }
0x13a: {  	[tilespmem:s5], [sflag:$0x2] =	stream.linear.gather [hbm4b:s13+s3], $0x4000, $0x38;
	[tilespmem:$0x18600] =	vst v63  }
0x13b: {  	_ =	swait.ge [sflag:s25], $0x4000  }
0x13c: {  	[sflag:s25] =	ssyncset.done $0x0  }
0x13d: {  	s15 =	rddreg [dreg:$0x1f];
	[sflag:s25] =	ssyncadd.s32 $0xFFFFC000  }
0x13e: {  	[hbm4b:s15+s3] =	stream.linear.scatter [tilespmem:s6], [sflag:$0xC], $0x4000, $0x38;
	[tilespmem:$0x18600] =	vst v63  }
0x13f: {  	_ =	swait.ge [sflag:s26], $0x4000  }
0x140: {  	s4 =	sld [smem:$0x7D4]  }
0x141: {  	[sflag:s26] =	ssyncset.done $0x0  }
0x142: {  	[sflag:s26] =	ssyncadd.s32 $0xFFFFC000  }
0x143: {  	[tilespmem:s17], [sflag:$0x3] =	stream.linear.gather [hbm4b:s4+s3], $0x4000, $0x38;
	[tilespmem:$0x18600] =	vst v63  }
0x144: {  	_ =	swait.ge [sflag:s14], $0x4000  }
0x145: {  	s10 =	sld [smem:$0x7D5]  }
0x146: {  	[sflag:s14] =	ssyncset.done $0x0  }
0x147: {  	[sflag:s14] =	ssyncadd.s32 $0xFFFFC000  }
0x148: {  	[hbm4b:s10+s3] =	stream.linear.scatter [tilespmem:s12], [sflag:$0x7], $0x4000, $0x38;
	[tilespmem:$0x18600] =	vst v63  }
0x149: {  	_ =	swait.ge [sflag:s28], $0x4000  }
0x14a: {  	s13 =	sld [smem:$0x7D6]  }
0x14b: {  	[sflag:s28] =	ssyncset.done $0x0  }
0x14c: {  	[sflag:s28] =	ssyncadd.s32 $0xFFFFC000  }
0x14d: {  	[tilespmem:s20], [sflag:$0x4] =	stream.linear.gather [hbm4b:s13+s3], $0x4000, $0x38;
	[tilespmem:$0x18600] =	vst v63  }
0x14e: {  	_ =	swait.ge [sflag:s16], $0x4000  }
0x14f: {  	s15 =	sld [smem:$0x7D8]  }
0x150: {  	[sflag:s16] =	ssyncset.done $0x0  }
0x151: {  	[sflag:s16] =	ssyncadd.s32 $0xFFFFC000  }
0x152: {  	[hbm4b:s15+s3] =	stream.linear.scatter [tilespmem:s5], [sflag:$0x8], $0x4000, $0x38;
	[tilespmem:$0x18600] =	vst v63  }
0x153: {  	_ =	swait.ge [sflag:s29], $0x4000  }
0x154: {  	s4 =	sld [smem:$0x7D9]  }
0x155: {  	[sflag:s29] =	ssyncset.done $0x0  }
0x156: {  	[sflag:s29] =	ssyncadd.s32 $0xFFFFC000  }
0x157: {  	[tilespmem:s11], [sflag:$0x5] =	stream.linear.gather [hbm4b:s4+s3], $0x4000, $0x38;
	[tilespmem:$0x18600] =	vst v63  }
0x158: {  	_ =	swait.ge [sflag:s18], $0x4000  }
0x159: {  	s10 =	sld [smem:$0x7DA]  }
0x15a: {  	[sflag:s18] =	ssyncset.done $0x0  }
0x15b: {  	[sflag:s18] =	ssyncadd.s32 $0xFFFFC000  }
0x15c: {  	[hbm4b:s10+s3] =	stream.linear.scatter [tilespmem:s17], [sflag:$0x9], $0x4000, $0x38;
	[tilespmem:$0x18600] =	vst v63  }
0x15d: {  	_ =	swait.ge [sflag:s19], $0x4000  }
0x15e: {  	s13 =	sld [smem:$0x7DB]  }
0x15f: {  	[sflag:s19] =	ssyncset.done $0x0  }
0x160: {  	[sflag:s19] =	ssyncadd.s32 $0xFFFFC000  }
0x161: {  	[tilespmem:s6], [sflag:$0x6] =	stream.linear.gather [hbm4b:s13+s3], $0x4000, $0x38;
	[tilespmem:$0x18600] =	vst v63  }
0x162: {  	_ =	swait.ge [sflag:s21], $0x4000  }
0x163: {  	s15 =	sld [smem:$0x7DC]  }
0x164: {  	[sflag:s21] =	ssyncset.done $0x0  }
0x165: {  	[sflag:s21] =	ssyncadd.s32 $0xFFFFC000  }
0x166: {  	[hbm4b:s15+s3] =	stream.linear.scatter [tilespmem:s20], [sflag:$0xA], $0x4000, $0x38;
	[tilespmem:$0x18600] =	vst v63  }
0x167: {  	_ =	swait.ge [sflag:s22], $0x4000  }
0x168: {  	s4 =	sld [smem:$0x7DD]  }
0x169: {  	[sflag:s22] =	ssyncset.done $0x0  }
0x16a: {  	[sflag:s22] =	ssyncadd.s32 $0xFFFFC000  }
0x16b: {  	[tilespmem:s12], [sflag:$0x1] =	stream.linear.gather [hbm4b:s4+s3], $0x4000, $0x38;
	[tilespmem:$0x18600] =	vst v63  }
0x16c: {  	_ =	swait.ge [sflag:s23], $0x4000  }
0x16d: {  	s10 =	sld [smem:$0x7DE]  }
0x16e: {  	[sflag:s23] =	ssyncset.done $0x0  }
0x16f: {  	[sflag:s23] =	ssyncadd.s32 $0xFFFFC000  }
0x170: {  	[hbm4b:s10+s3] =	stream.linear.scatter [tilespmem:s11], [sflag:$0xB], $0x4000, $0x38;
	[tilespmem:$0x18600] =	vst v63  }
0x171: {  	_ =	swait.ge [sflag:s24], $0x4000  }
0x172: {  	s13 =	sld [smem:$0x7DF]  }
0x173: {  	[sflag:s24] =	ssyncset.done $0x0  }
0x174: {  	[sflag:s24] =	ssyncadd.s32 $0xFFFFC000  }
0x175: {  	[tilespmem:s5], [sflag:$0x2] =	stream.linear.gather [hbm4b:s13+s3], $0x4000, $0x38;
	[tilespmem:$0x18600] =	vst v63  }
0x176: {  	_ =	swait.ge [sflag:s25], $0x4000  }
0x177: {  	s15 =	sld [smem:$0x7E0]  }
0x178: {  	[sflag:s25] =	ssyncset.done $0x0  }
0x179: {  	[sflag:s25] =	ssyncadd.s32 $0xFFFFC000  }
0x17a: {  	[hbm4b:s15+s3] =	stream.linear.scatter [tilespmem:s6], [sflag:$0xC], $0x4000, $0x38;
	[tilespmem:$0x18600] =	vst v63  }
0x17b: {  	_ =	swait.ge [sflag:s26], $0x4000  }
0x17c: {  	(v2sf) =	vpush v1, $0x1  }
0x17d: {  	(v2sf) =	vpush v2, $0x1;
	_ =	sdelay $0xd  }
0x17e: {  	s10 =	spop (v2sf)  }
0x17f: {  	s8 =	spop (v2sf)  }
0x180: {  	p0 =	slt.s32 s10, s8;
	s13 =	smov.u32 s8  }
0x181: {  	s13 =	smov.u32 @p0 s10  }
0x182: {  	s4 =	sshll.u32 s13, $0xA  }
0x183: {  	s15 =	sand.u32 $0xFFFFE000, s4;
	s4 =	sld [smem:$0x7D3];
	_ =	sdelay $0x1  }
0x184: {  	s13 =	sshll.u32 s13, $0x7  }
0x185: {  	s13 =	sand.u32 $0x380, s13;
	s15 =	sadd.s32 s4, s15  }
0x186: {  	s13 =	sor.u32 s13, s15  }
0x187: {  	[sflag:s26] =	ssyncset.done $0x0;
	s13 =	sshrl.u32 s13, $0x3  }
0x188: {  	[sflag:s26] =	ssyncadd.s32 $0xFFFFC000;
	s13 =	sadd.s32 s1, s13  }
0x189: {  	[hbm4b:s13+s30] =	stream.strided.scatter [tilespmem:s0], [sflag:$0xD], $0x400, s31, s30, $0x38;
	[tilespmem:$0x18600] =	vst v63  }
0x18a: {  	s13 =	sadd.s32 $0x1, s10  }
0x18b: {  	s15 =	smov.u32 s8;
	p0 =	slt.s32 s13, s8  }
0x18c: {  	s15 =	smov.u32 @p0 s13  }
0x18d: {  	s13 =	sshll.u32 s15, $0xA  }
0x18e: {  	s15 =	sshll.u32 s15, $0x7;
	s13 =	sand.u32 $0xFFFFE000, s13  }
0x18f: {  	s15 =	sand.u32 $0x380, s15;
	s13 =	sadd.s32 s4, s13  }
0x190: {  	s13 =	sor.u32 s15, s13  }
0x191: {  	s13 =	sshrl.u32 s13, $0x3  }
0x192: {  	s13 =	sadd.s32 s1, s13  }
0x193: {  	[hbm4b:s13+s30] =	stream.strided.scatter [tilespmem:s0], [sflag:$0xD], $0x400, s31, s30, $0x38;
	[tilespmem:$0x18600] =	vst v63  }
0x194: {  	s13 =	sadd.s32 $0x2, s10  }
0x195: {  	s15 =	smov.u32 s8;
	p0 =	slt.s32 s13, s8  }
0x196: {  	s15 =	smov.u32 @p0 s13  }
0x197: {  	s13 =	sshll.u32 s15, $0xA  }
0x198: {  	s15 =	sshll.u32 s15, $0x7;
	s13 =	sand.u32 $0xFFFFE000, s13  }
0x199: {  	s15 =	sand.u32 $0x380, s15;
	s13 =	sadd.s32 s4, s13  }
0x19a: {  	s13 =	sor.u32 s15, s13  }
0x19b: {  	s13 =	sshrl.u32 s13, $0x3  }
0x19c: {  	s13 =	sadd.s32 s1, s13  }
0x19d: {  	[hbm4b:s13+s30] =	stream.strided.scatter [tilespmem:s0], [sflag:$0xD], $0x400, s31, s30, $0x38;
	[tilespmem:$0x18600] =	vst v63  }
0x19e: {  	s13 =	sadd.s32 $0x3, s10  }
0x19f: {  	s15 =	smov.u32 s8;
	p0 =	slt.s32 s13, s8  }
0x1a0: {  	s15 =	smov.u32 @p0 s13  }
0x1a1: {  	s13 =	sshll.u32 s15, $0xA  }
0x1a2: {  	s15 =	sshll.u32 s15, $0x7;
	s13 =	sand.u32 $0xFFFFE000, s13  }
0x1a3: {  	s15 =	sand.u32 $0x380, s15;
	s13 =	sadd.s32 s4, s13  }
0x1a4: {  	s13 =	sor.u32 s15, s13  }
0x1a5: {  	s13 =	sshrl.u32 s13, $0x3  }
0x1a6: {  	s13 =	sadd.s32 s1, s13  }
0x1a7: {  	[hbm4b:s13+s30] =	stream.strided.scatter [tilespmem:s0], [sflag:$0xD], $0x400, s31, s30, $0x38;
	[tilespmem:$0x18600] =	vst v63  }
0x1a8: {  	s13 =	sadd.s32 $0x4, s10  }
0x1a9: {  	s15 =	smov.u32 s8;
	p0 =	slt.s32 s13, s8  }
0x1aa: {  	s15 =	smov.u32 @p0 s13  }
0x1ab: {  	s13 =	sshll.u32 s15, $0xA  }
0x1ac: {  	s15 =	sshll.u32 s15, $0x7;
	s13 =	sand.u32 $0xFFFFE000, s13  }
0x1ad: {  	s15 =	sand.u32 $0x380, s15;
	s13 =	sadd.s32 s4, s13  }
0x1ae: {  	s13 =	sor.u32 s15, s13  }
0x1af: {  	s13 =	sshrl.u32 s13, $0x3  }
0x1b0: {  	s13 =	sadd.s32 s1, s13  }
0x1b1: {  	[hbm4b:s13+s30] =	stream.strided.scatter [tilespmem:s0], [sflag:$0xD], $0x400, s31, s30, $0x38;
	[tilespmem:$0x18600] =	vst v63  }
0x1b2: {  	s13 =	sadd.s32 $0x5, s10  }
0x1b3: {  	s15 =	smov.u32 s8;
	s10 =	sadd.s32 $0x6, s10;
	p0 =	slt.s32 s13, s8  }
0x1b4: {  	s15 =	smov.u32 @p0 s13;
	p0 =	slt.s32 s10, s8  }
0x1b5: {  	s13 =	sshll.u32 s15, $0xA;
	s15 =	sshll.u32 s15, $0x7;
	s8 =	smov.u32 @p0 s10  }
0x1b6: {  	s13 =	sand.u32 $0xFFFFE000, s13;
	s15 =	sand.u32 $0x380, s15;
	s10 =	sshll.u32 s8, $0xA  }
0x1b7: {  	s8 =	sshll.u32 s8, $0x7;
	s13 =	sadd.s32 s4, s13;
	s10 =	sand.u32 $0xFFFFE000, s10  }
0x1b8: {  	s8 =	sand.u32 $0x380, s8;
	s13 =	sor.u32 s15, s13;
	s10 =	sadd.s32 s4, s10  }
0x1b9: {  	s13 =	sshrl.u32 s13, $0x3;
	s8 =	sor.u32 s8, s10  }
0x1ba: {  	s13 =	sadd.s32 s1, s13;
	s8 =	sshrl.u32 s8, $0x3  }
0x1bb: {  	[hbm4b:s13+s30] =	stream.strided.scatter [tilespmem:s0], [sflag:$0xD], $0x400, s31, s30, $0x38;
	[tilespmem:$0x18600] =	vst v63  }
0x1bc: {  	s4 =	sld [smem:$0x7E1];
	s8 =	sadd.s32 s1, s8  }
0x1bd: {  	[hbm4b:s8+s30] =	stream.strided.scatter [tilespmem:s0], [sflag:$0xD], $0x400, s31, s30, $0x38;
	[tilespmem:$0x18600] =	vst v63  }
0x1be: {  	_ = 	snop  }
0x1bf: {  	[tilespmem:s17], [sflag:$0x3] =	stream.linear.gather [hbm4b:s4+s3], $0x4000, $0x38;
	[tilespmem:$0x18600] =	vst v63  }
0x1c0: {  	_ =	swait.ge [sflag:s14], $0x4000  }
0x1c1: {  	s10 =	sld [smem:$0x7E2]  }
0x1c2: {  	[sflag:s14] =	ssyncset.done $0x0  }
0x1c3: {  	[sflag:s14] =	ssyncadd.s32 $0xFFFFC000  }
0x1c4: {  	[hbm4b:s10+s3] =	stream.linear.scatter [tilespmem:s12], [sflag:$0x7], $0x4000, $0x38;
	[tilespmem:$0x18600] =	vst v63  }
0x1c5: {  	_ =	swait.ge [sflag:s28], $0x4000  }
0x1c6: {  	s13 =	sld [smem:$0x7E3]  }
0x1c7: {  	[sflag:s28] =	ssyncset.done $0x0  }
0x1c8: {  	[sflag:s28] =	ssyncadd.s32 $0xFFFFC000  }
0x1c9: {  	[tilespmem:s20], [sflag:$0x4] =	stream.linear.gather [hbm4b:s13+s3], $0x4000, $0x38;
	[tilespmem:$0x18600] =	vst v63  }
0x1ca: {  	_ =	swait.ge [sflag:s16], $0x4000  }
0x1cb: {  	s15 =	sld [smem:$0x7E4]  }
0x1cc: {  	[sflag:s16] =	ssyncset.done $0x0  }
0x1cd: {  	[sflag:s16] =	ssyncadd.s32 $0xFFFFC000  }
0x1ce: {  	[hbm4b:s15+s3] =	stream.linear.scatter [tilespmem:s5], [sflag:$0x8], $0x4000, $0x38;
	[tilespmem:$0x18600] =	vst v63  }
0x1cf: {  	_ =	swait.ge [sflag:s29], $0x4000  }
0x1d0: {  	s4 =	sld [smem:$0x7E5]  }
0x1d1: {  	[sflag:s29] =	ssyncset.done $0x0  }
0x1d2: {  	[sflag:s29] =	ssyncadd.s32 $0xFFFFC000  }
0x1d3: {  	[tilespmem:s11], [sflag:$0x5] =	stream.linear.gather [hbm4b:s4+s3], $0x4000, $0x38;
	[tilespmem:$0x18600] =	vst v63  }
0x1d4: {  	_ =	swait.ge [sflag:s18], $0x4000  }
0x1d5: {  	s10 =	sld [smem:$0x7E6]  }
0x1d6: {  	[sflag:s18] =	ssyncset.done $0x0  }
0x1d7: {  	[sflag:s18] =	ssyncadd.s32 $0xFFFFC000  }
0x1d8: {  	[hbm4b:s10+s3] =	stream.linear.scatter [tilespmem:s17], [sflag:$0x9], $0x4000, $0x38;
	[tilespmem:$0x18600] =	vst v63  }
0x1d9: {  	_ =	swait.ge [sflag:s19], $0x4000  }
0x1da: {  	s13 =	sld [smem:$0x7E8]  }
0x1db: {  	[sflag:s19] =	ssyncset.done $0x0  }
0x1dc: {  	[sflag:s19] =	ssyncadd.s32 $0xFFFFC000  }
0x1dd: {  	[tilespmem:s6], [sflag:$0x6] =	stream.linear.gather [hbm4b:s13+s3], $0x4000, $0x38;
	[tilespmem:$0x18600] =	vst v63  }
0x1de: {  	_ =	swait.ge [sflag:s21], $0x4000  }
0x1df: {  	s15 =	sld [smem:$0x7E9]  }
0x1e0: {  	[sflag:s21] =	ssyncset.done $0x0  }
0x1e1: {  	[sflag:s21] =	ssyncadd.s32 $0xFFFFC000  }
0x1e2: {  	[hbm4b:s15+s3] =	stream.linear.scatter [tilespmem:s20], [sflag:$0xA], $0x4000, $0x38;
	[tilespmem:$0x18600] =	vst v63  }
0x1e3: {  	_ =	swait.ge [sflag:s22], $0x4000  }
0x1e4: {  	s4 =	sld [smem:$0x7EA]  }
0x1e5: {  	[sflag:s22] =	ssyncset.done $0x0  }
0x1e6: {  	[sflag:s22] =	ssyncadd.s32 $0xFFFFC000  }
0x1e7: {  	[tilespmem:s12], [sflag:$0x1] =	stream.linear.gather [hbm4b:s4+s3], $0x4000, $0x38;
	[tilespmem:$0x18600] =	vst v63  }
0x1e8: {  	_ =	swait.ge [sflag:s23], $0x4000  }
0x1e9: {  	s10 =	sld [smem:$0x7EB]  }
0x1ea: {  	[sflag:s23] =	ssyncset.done $0x0  }
0x1eb: {  	[sflag:s23] =	ssyncadd.s32 $0xFFFFC000  }
0x1ec: {  	[hbm4b:s10+s3] =	stream.linear.scatter [tilespmem:s11], [sflag:$0xB], $0x4000, $0x38;
	[tilespmem:$0x18600] =	vst v63  }
0x1ed: {  	_ =	swait.ge [sflag:s24], $0x4000  }
0x1ee: {  	s13 =	sld [smem:$0x7EC]  }
0x1ef: {  	[sflag:s24] =	ssyncset.done $0x0  }
0x1f0: {  	[sflag:s24] =	ssyncadd.s32 $0xFFFFC000  }
0x1f1: {  	[tilespmem:s5], [sflag:$0x2] =	stream.linear.gather [hbm4b:s13+s3], $0x4000, $0x38;
	[tilespmem:$0x18600] =	vst v63  }
0x1f2: {  	_ =	swait.ge [sflag:s25], $0x4000  }
0x1f3: {  	s15 =	sld [smem:$0x7ED]  }
0x1f4: {  	[sflag:s25] =	ssyncset.done $0x0  }
0x1f5: {  	[sflag:s25] =	ssyncadd.s32 $0xFFFFC000  }
0x1f6: {  	[hbm4b:s15+s3] =	stream.linear.scatter [tilespmem:s6], [sflag:$0xC], $0x4000, $0x38;
	[tilespmem:$0x18600] =	vst v63  }
0x1f7: {  	_ =	swait.ge [sflag:s26], $0x4000  }
0x1f8: {  	s4 =	sld [smem:$0x7EE]  }
0x1f9: {  	[sflag:s26] =	ssyncset.done $0x0  }
0x1fa: {  	[sflag:s26] =	ssyncadd.s32 $0xFFFFC000  }
0x1fb: {  	[tilespmem:s17], [sflag:$0x3] =	stream.linear.gather [hbm4b:s4+s3], $0x4000, $0x38;
	[tilespmem:$0x18600] =	vst v63  }
0x1fc: {  	_ =	swait.ge [sflag:s14], $0x4000  }
0x1fd: {  	s10 =	sld [smem:$0x7EF]  }
0x1fe: {  	[sflag:s14] =	ssyncset.done $0x0  }
0x1ff: {  	[sflag:s14] =	ssyncadd.s32 $0xFFFFC000  }
0x200: {  	[hbm4b:s10+s3] =	stream.linear.scatter [tilespmem:s12], [sflag:$0x7], $0x4000, $0x38;
	[tilespmem:$0x18600] =	vst v63  }
0x201: {  	_ =	swait.ge [sflag:s28], $0x4000  }
0x202: {  	s13 =	sld [smem:$0x7F0]  }
0x203: {  	[sflag:s28] =	ssyncset.done $0x0  }
0x204: {  	[sflag:s28] =	ssyncadd.s32 $0xFFFFC000  }
0x205: {  	[tilespmem:s20], [sflag:$0x4] =	stream.linear.gather [hbm4b:s13+s3], $0x4000, $0x38;
	[tilespmem:$0x18600] =	vst v63  }
0x206: {  	_ =	swait.ge [sflag:s16], $0x4000  }
0x207: {  	s15 =	sld [smem:$0x7F1]  }
0x208: {  	[sflag:s16] =	ssyncset.done $0x0  }
0x209: {  	[sflag:s16] =	ssyncadd.s32 $0xFFFFC000  }
0x20a: {  	[hbm4b:s15+s3] =	stream.linear.scatter [tilespmem:s5], [sflag:$0x8], $0x4000, $0x38;
	[tilespmem:$0x18600] =	vst v63  }
0x20b: {  	_ =	swait.ge [sflag:s29], $0x4000  }
0x20c: {  	(v2sf) =	vpush v1, $0x2  }
0x20d: {  	(v2sf) =	vpush v2, $0x2;
	_ =	sdelay $0xd  }
0x20e: {  	s10 =	spop (v2sf)  }
0x20f: {  	s8 =	spop (v2sf)  }
0x210: {  	p0 =	slt.s32 s10, s8;
	s13 =	smov.u32 s8  }
0x211: {  	s13 =	smov.u32 @p0 s10  }
0x212: {  	s4 =	sshll.u32 s13, $0xA  }
0x213: {  	s15 =	sand.u32 $0xFFFFE000, s4;
	s4 =	sld [smem:$0x7D7];
	_ =	sdelay $0x1  }
0x214: {  	s13 =	sshll.u32 s13, $0x7  }
0x215: {  	s13 =	sand.u32 $0x380, s13;
	s15 =	sadd.s32 s4, s15  }
0x216: {  	s13 =	sor.u32 s13, s15  }
0x217: {  	[sflag:s29] =	ssyncset.done $0x0;
	s13 =	sshrl.u32 s13, $0x3  }
0x218: {  	[sflag:s29] =	ssyncadd.s32 $0xFFFFC000;
	s13 =	sadd.s32 s1, s13  }
0x219: {  	[hbm4b:s13+s30] =	stream.strided.scatter [tilespmem:s0], [sflag:$0xD], $0x400, s31, s30, $0x38;
	[tilespmem:$0x18600] =	vst v63  }
0x21a: {  	s13 =	sadd.s32 $0x1, s10  }
0x21b: {  	s15 =	smov.u32 s8;
	p0 =	slt.s32 s13, s8  }
0x21c: {  	s15 =	smov.u32 @p0 s13  }
0x21d: {  	s13 =	sshll.u32 s15, $0xA  }
0x21e: {  	s15 =	sshll.u32 s15, $0x7;
	s13 =	sand.u32 $0xFFFFE000, s13  }
0x21f: {  	s15 =	sand.u32 $0x380, s15;
	s13 =	sadd.s32 s4, s13  }
0x220: {  	s13 =	sor.u32 s15, s13  }
0x221: {  	s13 =	sshrl.u32 s13, $0x3  }
0x222: {  	s13 =	sadd.s32 s1, s13  }
0x223: {  	[hbm4b:s13+s30] =	stream.strided.scatter [tilespmem:s0], [sflag:$0xD], $0x400, s31, s30, $0x38;
	[tilespmem:$0x18600] =	vst v63  }
0x224: {  	s13 =	sadd.s32 $0x2, s10  }
0x225: {  	s15 =	smov.u32 s8;
	p0 =	slt.s32 s13, s8  }
0x226: {  	s15 =	smov.u32 @p0 s13  }
0x227: {  	s13 =	sshll.u32 s15, $0xA  }
0x228: {  	s15 =	sshll.u32 s15, $0x7;
	s13 =	sand.u32 $0xFFFFE000, s13  }
0x229: {  	s15 =	sand.u32 $0x380, s15;
	s13 =	sadd.s32 s4, s13  }
0x22a: {  	s13 =	sor.u32 s15, s13  }
0x22b: {  	s13 =	sshrl.u32 s13, $0x3  }
0x22c: {  	s13 =	sadd.s32 s1, s13  }
0x22d: {  	[hbm4b:s13+s30] =	stream.strided.scatter [tilespmem:s0], [sflag:$0xD], $0x400, s31, s30, $0x38;
	[tilespmem:$0x18600] =	vst v63  }
0x22e: {  	s13 =	sadd.s32 $0x3, s10  }
0x22f: {  	s15 =	smov.u32 s8;
	p0 =	slt.s32 s13, s8  }
0x230: {  	s15 =	smov.u32 @p0 s13  }
0x231: {  	s13 =	sshll.u32 s15, $0xA  }
0x232: {  	s15 =	sshll.u32 s15, $0x7;
	s13 =	sand.u32 $0xFFFFE000, s13  }
0x233: {  	s15 =	sand.u32 $0x380, s15;
	s13 =	sadd.s32 s4, s13  }
0x234: {  	s13 =	sor.u32 s15, s13  }
0x235: {  	s13 =	sshrl.u32 s13, $0x3  }
0x236: {  	s13 =	sadd.s32 s1, s13  }
0x237: {  	[hbm4b:s13+s30] =	stream.strided.scatter [tilespmem:s0], [sflag:$0xD], $0x400, s31, s30, $0x38;
	[tilespmem:$0x18600] =	vst v63  }
0x238: {  	s13 =	sadd.s32 $0x4, s10  }
0x239: {  	s15 =	smov.u32 s8;
	p0 =	slt.s32 s13, s8  }
0x23a: {  	s15 =	smov.u32 @p0 s13  }
0x23b: {  	s13 =	sshll.u32 s15, $0xA  }
0x23c: {  	s15 =	sshll.u32 s15, $0x7;
	s13 =	sand.u32 $0xFFFFE000, s13  }
0x23d: {  	s15 =	sand.u32 $0x380, s15;
	s13 =	sadd.s32 s4, s13  }
0x23e: {  	s13 =	sor.u32 s15, s13  }
0x23f: {  	s13 =	sshrl.u32 s13, $0x3  }
0x240: {  	s13 =	sadd.s32 s1, s13  }
0x241: {  	[hbm4b:s13+s30] =	stream.strided.scatter [tilespmem:s0], [sflag:$0xD], $0x400, s31, s30, $0x38;
	[tilespmem:$0x18600] =	vst v63  }
0x242: {  	s13 =	sadd.s32 $0x5, s10  }
0x243: {  	s15 =	smov.u32 s8;
	s10 =	sadd.s32 $0x6, s10;
	p0 =	slt.s32 s13, s8  }
0x244: {  	s15 =	smov.u32 @p0 s13;
	p0 =	slt.s32 s10, s8  }
0x245: {  	s13 =	sshll.u32 s15, $0xA;
	s15 =	sshll.u32 s15, $0x7;
	s8 =	smov.u32 @p0 s10  }
0x246: {  	s13 =	sand.u32 $0xFFFFE000, s13;
	s15 =	sand.u32 $0x380, s15;
	s10 =	sshll.u32 s8, $0xA  }
0x247: {  	s8 =	sshll.u32 s8, $0x7;
	s13 =	sadd.s32 s4, s13;
	s10 =	sand.u32 $0xFFFFE000, s10  }
0x248: {  	s8 =	sand.u32 $0x380, s8;
	s13 =	sor.u32 s15, s13;
	s10 =	sadd.s32 s4, s10  }
0x249: {  	s13 =	sshrl.u32 s13, $0x3;
	s8 =	sor.u32 s8, s10  }
0x24a: {  	s13 =	sadd.s32 s1, s13;
	s8 =	sshrl.u32 s8, $0x3  }
0x24b: {  	[hbm4b:s13+s30] =	stream.strided.scatter [tilespmem:s0], [sflag:$0xD], $0x400, s31, s30, $0x38;
	[tilespmem:$0x18600] =	vst v63  }
0x24c: {  	s8 =	sadd.s32 s1, s8;
	s13 =	sld [smem:$0x7F2]  }
0x24d: {  	[hbm4b:s8+s30] =	stream.strided.scatter [tilespmem:s0], [sflag:$0xD], $0x400, s31, s30, $0x38;
	[tilespmem:$0x18600] =	vst v63  }
0x24e: {  	_ = 	snop  }
0x24f: {  	[tilespmem:s11], [sflag:$0x5] =	stream.linear.gather [hbm4b:s13+s3], $0x4000, $0x38;
	[tilespmem:$0x18600] =	vst v63  }
0x250: {  	_ =	swait.ge [sflag:s18], $0x4000  }
0x251: {  	s15 =	sld [smem:$0x7F3]  }
0x252: {  	[sflag:s18] =	ssyncset.done $0x0  }
0x253: {  	[sflag:s18] =	ssyncadd.s32 $0xFFFFC000  }
0x254: {  	[hbm4b:s15+s3] =	stream.linear.scatter [tilespmem:s17], [sflag:$0x9], $0x4000, $0x38;
	[tilespmem:$0x18600] =	vst v63  }
0x255: {  	_ =	swait.ge [sflag:s19], $0x4000  }
0x256: {  	s4 =	sld [smem:$0x7F4]  }
0x257: {  	[sflag:s19] =	ssyncset.done $0x0  }
0x258: {  	[sflag:s19] =	ssyncadd.s32 $0xFFFFC000  }
0x259: {  	[tilespmem:s6], [sflag:$0x6] =	stream.linear.gather [hbm4b:s4+s3], $0x4000, $0x38;
	[tilespmem:$0x18600] =	vst v63  }
0x25a: {  	_ =	swait.ge [sflag:s21], $0x4000  }
0x25b: {  	s10 =	sld [smem:$0x7F5]  }
0x25c: {  	[sflag:s21] =	ssyncset.done $0x0  }
0x25d: {  	[sflag:s21] =	ssyncadd.s32 $0xFFFFC000  }
0x25e: {  	[hbm4b:s10+s3] =	stream.linear.scatter [tilespmem:s20], [sflag:$0xA], $0x4000, $0x38;
	[tilespmem:$0x18600] =	vst v63  }
0x25f: {  	_ =	swait.ge [sflag:s22], $0x4000  }
0x260: {  	s13 =	sld [smem:$0x7F6]  }
0x261: {  	[sflag:s22] =	ssyncset.done $0x0  }
0x262: {  	[sflag:s22] =	ssyncadd.s32 $0xFFFFC000  }
0x263: {  	[tilespmem:s12], [sflag:$0x1] =	stream.linear.gather [hbm4b:s13+s3], $0x4000, $0x38;
	[tilespmem:$0x18600] =	vst v63  }
0x264: {  	_ =	swait.ge [sflag:s23], $0x4000  }
0x265: {  	s15 =	sld [smem:$0x7F7]  }
0x266: {  	[sflag:s23] =	ssyncset.done $0x0  }
0x267: {  	[sflag:s23] =	ssyncadd.s32 $0xFFFFC000  }
0x268: {  	[hbm4b:s15+s3] =	stream.linear.scatter [tilespmem:s11], [sflag:$0xB], $0x4000, $0x38;
	[tilespmem:$0x18600] =	vst v63  }
0x269: {  	_ =	swait.ge [sflag:s24], $0x4000  }
0x26a: {  	s4 =	sld [smem:$0x7F8]  }
0x26b: {  	[sflag:s24] =	ssyncset.done $0x0  }
0x26c: {  	[sflag:s24] =	ssyncadd.s32 $0xFFFFC000  }
0x26d: {  	[tilespmem:s5], [sflag:$0x2] =	stream.linear.gather [hbm4b:s4+s3], $0x4000, $0x38;
	[tilespmem:$0x18600] =	vst v63  }
0x26e: {  	_ =	swait.ge [sflag:s25], $0x4000  }
0x26f: {  	s10 =	sld [smem:$0x7F9]  }
0x270: {  	[sflag:s25] =	ssyncset.done $0x0  }
0x271: {  	[sflag:s25] =	ssyncadd.s32 $0xFFFFC000  }
0x272: {  	[hbm4b:s10+s3] =	stream.linear.scatter [tilespmem:s6], [sflag:$0xC], $0x4000, $0x38;
	[tilespmem:$0x18600] =	vst v63  }
0x273: {  	_ =	swait.ge [sflag:s26], $0x4000  }
0x274: {  	[sflag:s26] =	ssyncset.done $0x0  }
0x275: {  	[sflag:s26] =	ssyncadd.s32 $0xFFFFC000  }
0x276: {  	_ =	swait.ge [sflag:s14], $0x4000  }
0x277: {  	s13 =	sld [smem:$0x7FB]  }
0x278: {  	[sflag:s14] =	ssyncset.done $0x0  }
0x279: {  	[sflag:s14] =	ssyncadd.s32 $0xFFFFC000  }
0x27a: {  	[hbm4b:s13+s3] =	stream.linear.scatter [tilespmem:s12], [sflag:$0x7], $0x4000, $0x38;
	[tilespmem:$0x18600] =	vst v63  }
0x27b: {  	_ =	swait.ge [sflag:s28], $0x4000  }
0x27c: {  	[sflag:s28] =	ssyncset.done $0x0  }
0x27d: {  	[sflag:s28] =	ssyncadd.s32 $0xFFFFC000  }
0x27e: {  	_ =	swait.ge [sflag:s16], $0x4000  }
0x27f: {  	s15 =	sld [smem:$0x7FC]  }
0x280: {  	[sflag:s16] =	ssyncset.done $0x0  }
0x281: {  	[sflag:s16] =	ssyncadd.s32 $0xFFFFC000  }
0x282: {  	[hbm4b:s15+s3] =	stream.linear.scatter [tilespmem:s5], [sflag:$0x8], $0x4000, $0x38;
	[tilespmem:$0x18600] =	vst v63  }
0x283: {  	_ =	swait.ge [sflag:s29], $0x4000  }
0x284: {  	[sflag:s29] =	ssyncset.done $0x0  }
0x285: {  	[sflag:s29] =	ssyncadd.s32 $0xFFFFC000  }
0x286: {  	_ =	swait.ge [sflag:s19], $0x4000  }
0x287: {  	[sflag:s19] =	ssyncset.done $0x0  }
0x288: {  	[sflag:s19] =	ssyncadd.s32 $0xFFFFC000  }
0x289: {  	_ =	swait.ge [sflag:s22], $0x4000  }
0x28a: {  	(v2sf) =	vpush v1, $0x3  }
0x28b: {  	(v2sf) =	vpush v2, $0x3;
	_ =	sdelay $0xd  }
0x28c: {  	s10 =	spop (v2sf)  }
0x28d: {  	s8 =	spop (v2sf)  }
0x28e: {  	p0 =	slt.s32 s10, s8;
	s13 =	smov.u32 s8  }
0x28f: {  	s13 =	smov.u32 @p0 s10  }
0x290: {  	s4 =	sshll.u32 s13, $0xA  }
0x291: {  	s13 =	sshll.u32 s13, $0x7;
	s15 =	sand.u32 $0xFFFFE000, s4  }
0x292: {  	s13 =	sand.u32 $0x380, s13;
	s15 =	sadd.s32 s7, s15  }
0x293: {  	s13 =	sor.u32 s13, s15  }
0x294: {  	[sflag:s22] =	ssyncset.done $0x0;
	s13 =	sshrl.u32 s13, $0x3  }
0x295: {  	[sflag:s22] =	ssyncadd.s32 $0xFFFFC000;
	s13 =	sadd.s32 s1, s13  }
0x296: {  	[hbm4b:s13+s30] =	stream.strided.scatter [tilespmem:s0], [sflag:$0xD], $0x400, s31, s30, $0x38;
	[tilespmem:$0x18600] =	vst v63  }
0x297: {  	s13 =	sadd.s32 $0x1, s10  }
0x298: {  	s15 =	smov.u32 s8;
	p0 =	slt.s32 s13, s8  }
0x299: {  	s15 =	smov.u32 @p0 s13  }
0x29a: {  	s13 =	sshll.u32 s15, $0xA  }
0x29b: {  	s15 =	sshll.u32 s15, $0x7;
	s13 =	sand.u32 $0xFFFFE000, s13  }
0x29c: {  	s15 =	sand.u32 $0x380, s15;
	s13 =	sadd.s32 s7, s13  }
0x29d: {  	s13 =	sor.u32 s15, s13  }
0x29e: {  	s13 =	sshrl.u32 s13, $0x3  }
0x29f: {  	s13 =	sadd.s32 s1, s13  }
0x2a0: {  	[hbm4b:s13+s30] =	stream.strided.scatter [tilespmem:s0], [sflag:$0xD], $0x400, s31, s30, $0x38;
	[tilespmem:$0x18600] =	vst v63  }
0x2a1: {  	s13 =	sadd.s32 $0x2, s10  }
0x2a2: {  	s15 =	smov.u32 s8;
	p0 =	slt.s32 s13, s8  }
0x2a3: {  	s15 =	smov.u32 @p0 s13  }
0x2a4: {  	s13 =	sshll.u32 s15, $0xA  }
0x2a5: {  	s15 =	sshll.u32 s15, $0x7;
	s13 =	sand.u32 $0xFFFFE000, s13  }
0x2a6: {  	s15 =	sand.u32 $0x380, s15;
	s13 =	sadd.s32 s7, s13  }
0x2a7: {  	s13 =	sor.u32 s15, s13  }
0x2a8: {  	s13 =	sshrl.u32 s13, $0x3  }
0x2a9: {  	s13 =	sadd.s32 s1, s13  }
0x2aa: {  	[hbm4b:s13+s30] =	stream.strided.scatter [tilespmem:s0], [sflag:$0xD], $0x400, s31, s30, $0x38;
	[tilespmem:$0x18600] =	vst v63  }
0x2ab: {  	s13 =	sadd.s32 $0x3, s10  }
0x2ac: {  	s15 =	smov.u32 s8;
	p0 =	slt.s32 s13, s8  }
0x2ad: {  	s15 =	smov.u32 @p0 s13  }
0x2ae: {  	s13 =	sshll.u32 s15, $0xA  }
0x2af: {  	s15 =	sshll.u32 s15, $0x7;
	s13 =	sand.u32 $0xFFFFE000, s13  }
0x2b0: {  	s15 =	sand.u32 $0x380, s15;
	s13 =	sadd.s32 s7, s13  }
0x2b1: {  	s13 =	sor.u32 s15, s13  }
0x2b2: {  	s13 =	sshrl.u32 s13, $0x3  }
0x2b3: {  	s13 =	sadd.s32 s1, s13  }
0x2b4: {  	[hbm4b:s13+s30] =	stream.strided.scatter [tilespmem:s0], [sflag:$0xD], $0x400, s31, s30, $0x38;
	[tilespmem:$0x18600] =	vst v63  }
0x2b5: {  	s13 =	sadd.s32 $0x4, s10  }
0x2b6: {  	s15 =	smov.u32 s8;
	p0 =	slt.s32 s13, s8  }
0x2b7: {  	s15 =	smov.u32 @p0 s13  }
0x2b8: {  	s13 =	sshll.u32 s15, $0xA  }
0x2b9: {  	s15 =	sshll.u32 s15, $0x7;
	s13 =	sand.u32 $0xFFFFE000, s13  }
0x2ba: {  	s15 =	sand.u32 $0x380, s15;
	s13 =	sadd.s32 s7, s13  }
0x2bb: {  	s13 =	sor.u32 s15, s13  }
0x2bc: {  	s13 =	sshrl.u32 s13, $0x3  }
0x2bd: {  	s13 =	sadd.s32 s1, s13  }
0x2be: {  	[hbm4b:s13+s30] =	stream.strided.scatter [tilespmem:s0], [sflag:$0xD], $0x400, s31, s30, $0x38;
	[tilespmem:$0x18600] =	vst v63  }
0x2bf: {  	s13 =	sadd.s32 $0x5, s10  }
0x2c0: {  	s15 =	smov.u32 s8;
	s10 =	sadd.s32 $0x6, s10;
	p0 =	slt.s32 s13, s8  }
0x2c1: {  	s15 =	smov.u32 @p0 s13;
	p0 =	slt.s32 s10, s8  }
0x2c2: {  	s13 =	sshll.u32 s15, $0xA;
	s15 =	sshll.u32 s15, $0x7;
	s8 =	smov.u32 @p0 s10  }
0x2c3: {  	s13 =	sand.u32 $0xFFFFE000, s13;
	s15 =	sand.u32 $0x380, s15;
	s10 =	sshll.u32 s8, $0xA  }
0x2c4: {  	s8 =	sshll.u32 s8, $0x7;
	s13 =	sadd.s32 s7, s13;
	s10 =	sand.u32 $0xFFFFE000, s10  }
0x2c5: {  	s8 =	sand.u32 $0x380, s8;
	s13 =	sor.u32 s15, s13;
	s10 =	sadd.s32 s7, s10  }
0x2c6: {  	s13 =	sshrl.u32 s13, $0x3;
	s8 =	sor.u32 s8, s10  }
0x2c7: {  	s13 =	sadd.s32 s1, s13;
	s8 =	sshrl.u32 s8, $0x3  }
0x2c8: {  	[hbm4b:s13+s30] =	stream.strided.scatter [tilespmem:s0], [sflag:$0xD], $0x400, s31, s30, $0x38;
	[tilespmem:$0x18600] =	vst v63  }
0x2c9: {  	s8 =	sadd.s32 s1, s8  }
0x2ca: {  	[hbm4b:s8+s30] =	stream.strided.scatter [tilespmem:s0], [sflag:$0xD], $0x400, s31, s30, $0x38;
	[tilespmem:$0x18600] =	vst v63  }
0x2cb: {  	_ =	swait.ge [sflag:s2], $0x400  }
0x2cc: {  	[sflag:s2] =	ssyncset.done $0x0  }
0x2cd: {  	[sflag:s2] =	ssyncadd.s32 $0xFFFFFC00  }
0x2ce: {  	_ =	swait.ge [sflag:s2], $0x400  }
0x2cf: {  	[sflag:s2] =	ssyncset.done $0x0  }
0x2d0: {  	[sflag:s2] =	ssyncadd.s32 $0xFFFFFC00  }
0x2d1: {  	_ =	swait.ge [sflag:s2], $0x400  }
0x2d2: {  	[sflag:s2] =	ssyncset.done $0x0  }
0x2d3: {  	[sflag:s2] =	ssyncadd.s32 $0xFFFFFC00  }
0x2d4: {  	_ =	swait.ge [sflag:s2], $0x400  }
0x2d5: {  	[sflag:s2] =	ssyncset.done $0x0  }
0x2d6: {  	[sflag:s2] =	ssyncadd.s32 $0xFFFFFC00  }
0x2d7: {  	_ =	swait.ge [sflag:s2], $0x400  }
0x2d8: {  	[sflag:s2] =	ssyncset.done $0x0  }
0x2d9: {  	[sflag:s2] =	ssyncadd.s32 $0xFFFFFC00  }
0x2da: {  	_ =	swait.ge [sflag:s2], $0x400  }
0x2db: {  	[sflag:s2] =	ssyncset.done $0x0  }
0x2dc: {  	[sflag:s2] =	ssyncadd.s32 $0xFFFFFC00  }
0x2dd: {  	_ =	swait.ge [sflag:s2], $0x400  }
0x2de: {  	[sflag:s2] =	ssyncset.done $0x0  }
0x2df: {  	[sflag:s2] =	ssyncadd.s32 $0xFFFFFC00  }
0x2e0: {  	_ =	swait.ge [sflag:s2], $0x400  }
0x2e1: {  	[sflag:s2] =	ssyncset.done $0x0  }
0x2e2: {  	[sflag:s2] =	ssyncadd.s32 $0xFFFFFC00  }
0x2e3: {  	_ =	swait.ge [sflag:s2], $0x400  }
0x2e4: {  	[sflag:s2] =	ssyncset.done $0x0  }
0x2e5: {  	[sflag:s2] =	ssyncadd.s32 $0xFFFFFC00  }
0x2e6: {  	_ =	swait.ge [sflag:s2], $0x400  }
0x2e7: {  	[sflag:s2] =	ssyncset.done $0x0  }
0x2e8: {  	[sflag:s2] =	ssyncadd.s32 $0xFFFFFC00  }
0x2e9: {  	_ =	swait.ge [sflag:s2], $0x400  }
0x2ea: {  	[sflag:s2] =	ssyncset.done $0x0  }
0x2eb: {  	[sflag:s2] =	ssyncadd.s32 $0xFFFFFC00  }
0x2ec: {  	_ =	swait.ge [sflag:s2], $0x400  }
0x2ed: {  	[sflag:s2] =	ssyncset.done $0x0  }
0x2ee: {  	[sflag:s2] =	ssyncadd.s32 $0xFFFFFC00  }
0x2ef: {  	_ =	swait.ge [sflag:s2], $0x400  }
0x2f0: {  	[sflag:s2] =	ssyncset.done $0x0  }
0x2f1: {  	[sflag:s2] =	ssyncadd.s32 $0xFFFFFC00  }
0x2f2: {  	_ =	swait.ge [sflag:s2], $0x400  }
0x2f3: {  	[sflag:s2] =	ssyncset.done $0x0  }
0x2f4: {  	[sflag:s2] =	ssyncadd.s32 $0xFFFFFC00  }
0x2f5: {  	_ =	swait.ge [sflag:s2], $0x400  }
0x2f6: {  	[sflag:s2] =	ssyncset.done $0x0  }
0x2f7: {  	[sflag:s2] =	ssyncadd.s32 $0xFFFFFC00  }
0x2f8: {  	_ =	swait.ge [sflag:s2], $0x400  }
0x2f9: {  	[sflag:s2] =	ssyncset.done $0x0  }
0x2fa: {  	[sflag:s2] =	ssyncadd.s32 $0xFFFFFC00  }
0x2fb: {  	_ =	swait.ge [sflag:s2], $0x400  }
0x2fc: {  	[sflag:s2] =	ssyncset.done $0x0  }
0x2fd: {  	[sflag:s2] =	ssyncadd.s32 $0xFFFFFC00  }
0x2fe: {  	_ =	swait.ge [sflag:s2], $0x400  }
0x2ff: {  	[sflag:s2] =	ssyncset.done $0x0  }
0x300: {  	[sflag:s2] =	ssyncadd.s32 $0xFFFFFC00  }
0x301: {  	_ =	swait.ge [sflag:s2], $0x400  }
0x302: {  	[sflag:s2] =	ssyncset.done $0x0  }
0x303: {  	[sflag:s2] =	ssyncadd.s32 $0xFFFFFC00  }
0x304: {  	_ =	swait.ge [sflag:s2], $0x400  }
0x305: {  	[sflag:s2] =	ssyncset.done $0x0  }
0x306: {  	[sflag:s2] =	ssyncadd.s32 $0xFFFFFC00  }
0x307: {  	_ =	swait.ge [sflag:s2], $0x400  }
0x308: {  	[sflag:s2] =	ssyncset.done $0x0  }
0x309: {  	[sflag:s2] =	ssyncadd.s32 $0xFFFFFC00  }
0x30a: {  	_ =	swait.ge [sflag:s2], $0x400  }
0x30b: {  	[sflag:s2] =	ssyncset.done $0x0  }
0x30c: {  	[sflag:s2] =	ssyncadd.s32 $0xFFFFFC00  }
0x30d: {  	_ =	swait.ge [sflag:s2], $0x400  }
0x30e: {  	[sflag:s2] =	ssyncset.done $0x0  }
0x30f: {  	[sflag:s2] =	ssyncadd.s32 $0xFFFFFC00  }
0x310: {  	_ =	swait.ge [sflag:s2], $0x400  }
0x311: {  	[sflag:s2] =	ssyncset.done $0x0  }
0x312: {  	[sflag:s2] =	ssyncadd.s32 $0xFFFFFC00  }
0x313: {  	_ =	swait.ge [sflag:s2], $0x400  }
0x314: {  	[sflag:s2] =	ssyncset.done $0x0  }
0x315: {  	[sflag:s2] =	ssyncadd.s32 $0xFFFFFC00  }
0x316: {  	_ =	swait.ge [sflag:s2], $0x400  }
0x317: {  	[sflag:s2] =	ssyncset.done $0x0  }
0x318: {  	[sflag:s2] =	ssyncadd.s32 $0xFFFFFC00  }
0x319: {  	p0 =	sne.s32 s9, $0x1;
	_ =	swait.ge [sflag:s2], $0x400  }
.Ltmp0:
0x31a: {  	[sflag:s2] =	ssyncset.done $0x0;
	(pc) =	sbr.rel @p0 .LBB2_1-.Ltmp0, $4  }
0x31b: {  	[sflag:s2] =	ssyncadd.s32 $0xFFFFFC00  }
0x31c: {  	_ =	swait.ge [sflag:s2], $0x400  }
0x31d: {  	[sflag:s2] =	ssyncset.done $0x0  }
0x31e: {  	s9 =	sadd.s32 $0xFFFFFFFF, s9;
	[sflag:s2] =	ssyncadd.s32 $0xFFFFFC00  }
0x31f: {  	_ =	sfence.sel $0x180000  }
0x320: {  	[bflag:$0x0] =	sbarrier.arrive $0xFFFF  }
0x321: {  	_ =	strace $0x90000047  }
0x322: {  	s0 =	stileid.u32;
	[bflag:$0x2] =	sbarrier.arrive $0xFFFF  }
0x323: {  	p0 =	sne.s32 s0, $0x0;
	s0 =	rddreg [dreg:$0x3]  }
0x324: {  	s0 =	sadd.s32 @!p0 $0x100000, s0  }
0x325: {  	[sflag:s0] =	ssyncadd.tile.s32 @!p0 $0x1;
	_ =	shalt  }
.Lfunc_end2:
_tile_overlayer_lowered:
.L_overlay_start_2:
0x326: {  	(tag) =	ssettag $0x2  }
0x327: {  	s0 =	rddreg [dreg:$0x0];
	s2 =	stileid.u32  }
0x328: {  	s1 =	rddreg [dreg:$0x1];
	p0 =	sne.s32 s2, $0x0  }
0x329: {  	s3 =	rddreg [dreg:$0x2];
	[bflag:$0x3] =	sbarrier.arrive $0xFFFF;
	s2 =	simm.s32 @!p0 $0x1C0E  }
0x32a: {  	[timem:s3], [sflag:s2] =	dma.local @!p0 [hbm:s0], s1  }
0x32b: {  	s0 =	simm.s32 @!p0 $0xE  }
0x32c: {  	_ =	swait.ge @!p0 [sflag:s0], s1  }
0x32d: {  	s1 =	ssub.s32 @!p0 $0x0, s1;
	[sflag:s0] =	ssyncset.done @!p0 $0x0  }
0x32e: {  	[sflag:s0] =	ssyncadd.s32 @!p0 s1  }
0x32f: {  	[bflag:$0x3] =	sbarrier.arrive $0xFFFF  }
0x330: {  	_ =	shalt  }

</sc_bundles>
